<compile_context>
chip_gen: v7x
topology: tpu7x:2x2x1
jax: 0.10.2.dev20260603
libtpu: 0.0.44.dev20260713+nightly
codegen_flags: <defaults>
</compile_context>

<pallas_src>
import functools

import jax
import jax.numpy as jnp
from jax import lax
from jax.experimental import pallas as pl
from jax.experimental.pallas import tpu as pltpu
from jax.experimental.pallas import tpu_sc as plsc

_NC = 2
_NS = 16
_NW = _NC * _NS


_CH = 80
_NB = 2


def _make_sc_edge(n_acc, wx, nch):
    wt = wx + 16
    ch = _CH
    assert n_acc % (_NS * 8) == 0
    rpt = n_acc // _NS
    zrows = 104
    nq = wx // 16

    mesh = plsc.VectorSubcoreMesh(core_axis_name="c", subcore_axis_name="s")

    @functools.partial(
        pl.kernel,
        out_type=jax.ShapeDtypeStruct((_NC, n_acc, wt), jnp.float32),
        mesh=mesh,
        scratch_types=(
            [pltpu.VMEM((nch, ch), jnp.int32)] * 2 +
            [pltpu.VMEM((ch, wt), jnp.float32)] * _NB +
            [pltpu.VMEM((ch, 16), jnp.float32)] * _NB +
            [pltpu.VMEM((zrows, wt), jnp.float32),
             pltpu.VMEM_SHARED((n_acc, wt), jnp.float32)] +
            [pltpu.SemaphoreType.DMA] * (2 * _NB)
        ),
        compiler_params=pltpu.CompilerParams(use_tc_tiling_on_sc=False,
                                             needs_layout_passes=False),
    )
    def sc_edge(table_hbm, ad_hbm, src_hbm, dst_hbm, out_hbm,
                src_v, dst_v, *rest):
        gbs = rest[:_NB]
        abs_ = rest[_NB:2 * _NB]
        zb_v = rest[2 * _NB]
        acc = rest[2 * _NB + 1]
        sgts = rest[2 * _NB + 2:2 * _NB + 2 + _NB]
        sgas = rest[2 * _NB + 2 + _NB:]
        cid = lax.axis_index("c")
        sid = lax.axis_index("s")
        wid = cid * _NS + sid
        bufs = tuple(zip(gbs, abs_, sgts, sgas))

        pltpu.sync_copy(src_hbm.at[wid], src_v)
        pltpu.sync_copy(dst_hbm.at[wid], dst_v)

        zero16 = jnp.zeros((16,), jnp.float32)
        nqt = wt // 16

        @pl.loop(0, zrows * nqt)
        def _zfill(i):
            zb_v[i // nqt, pl.ds((i % nqt) * 16, 16)] = zero16

        nzc = rpt // zrows
        rem = rpt - nzc * zrows
        for z in range(nzc):
            pltpu.sync_copy(zb_v, acc.at[pl.ds(sid * rpt + z * zrows, zrows)])
        if rem:
            pltpu.sync_copy(zb_v.at[pl.ds(0, rem)],
                            acc.at[pl.ds(sid * rpt + nzc * zrows, rem)])
        plsc.subcore_barrier()

        pats = [lax.shift_right_logical(lax.iota(jnp.int32, 16) + 16 * q, 3)
                for q in range(nq)]

        gdn = lax.GatherDimensionNumbers(
            offset_dims=(), collapsed_slice_dims=(0,), start_index_map=(0,))

        def issue_g(c, b):
            gb, ab, st, sa = bufs[b]
            pltpu.async_copy(table_hbm.at[src_v.at[c]], gb, st)
            pltpu.async_copy(ad_hbm.at[dst_v.at[c]], ab, sa)

        def wait_g(c, b):
            gb, ab, st, sa = bufs[b]
            pltpu.make_async_copy(table_hbm.at[src_v.at[c]], gb, st).wait()
            pltpu.make_async_copy(ad_hbm.at[dst_v.at[c]], ab, sa).wait()

        def compute(c, b):
            gb, ab, _, _ = bufs[b]

            @pl.loop(0, ch, unroll=8)
            def _edge(t):
                al = gb[t, pl.ds(wx, 16)] + ab[t, :]
                al = jnp.where(al > 0.0, al, al * 0.2)
                w = jnp.exp(al)
                gb[t, pl.ds(wx, 16)] = w
                for q in range(nq):
                    wq = w if nq == 1 else lax.gather(
                        w, pats[q][:, None], gdn, (1,),
                        mode=lax.GatherScatterMode.PROMISE_IN_BOUNDS)
                    gb[t, pl.ds(q * 16, 16)] = gb[t, pl.ds(q * 16, 16)] * wq

        for p in range(_NB - 1):
            if p < nch:
                issue_g(p, p % _NB)

        @pl.loop(0, nch, step=_NB)
        def _group(j):
            for b in range(_NB):
                c = j + b

                @pl.when(c + _NB - 1 < nch)
                def _():
                    issue_g(c + _NB - 1, (b + _NB - 1) % _NB)

                def _slot():
                    wait_g(c, b)
                    compute(c, b)
                    gb = bufs[b][0]
                    pltpu.sync_copy(gb, acc.at[dst_v.at[c]], add=True)

                if b:
                    pl.when(c < nch)(_slot)
                else:
                    _slot()

        plsc.subcore_barrier()
        pltpu.sync_copy(acc.at[pl.ds(sid * rpt, rpt)],
                        out_hbm.at[cid, pl.ds(sid * rpt, rpt)])

    return sc_edge


def _leaky(x):
    return jnp.where(x >= 0.0, x, x * 0.2)


def _tc_pre_body(x_ref, w1_ref, ae_ref, be_ref, xp_ref,
                 table_ref, ad_ref, self_ref):
    xw = jnp.dot(x_ref[...], w1_ref[...], preferred_element_type=jnp.float32)
    asrc = jnp.dot(xw, ae_ref[...], preferred_element_type=jnp.float32)
    adst = jnp.dot(xw, be_ref[...], preferred_element_type=jnp.float32)
    table_ref[...] = jnp.concatenate([xw, asrc], axis=1)
    ad_ref[...] = adst
    w16 = jnp.exp(_leaky(asrc + adst))
    w64 = jnp.dot(w16, xp_ref[...], preferred_element_type=jnp.float32)
    self_ref[...] = jnp.concatenate([xw * w64, w16], axis=1)


def _tc_mid_body(acc_ref, self_ref, b1_ref, w2p_ref, sv32_ref, dv16_ref,
                 xp_ref, table_ref, ad_ref, self2_ref):
    a = acc_ref[0] + acc_ref[1] + self_ref[...]
    den = jnp.dot(a[:, 64:], xp_ref[...], preferred_element_type=jnp.float32)
    h = a[:, :64] / (den + 1e-16) + b1_ref[...]
    h = jnp.where(h > 0.0, h, jnp.exp(jnp.minimum(h, 0.0)) - 1.0)
    xw2 = jnp.dot(h, w2p_ref[...], preferred_element_type=jnp.float32)
    t2 = xw2 + jnp.dot(xw2, sv32_ref[...], preferred_element_type=jnp.float32)
    adx = jnp.dot(xw2, dv16_ref[...], preferred_element_type=jnp.float32)
    table_ref[...] = t2
    ad_ref[...] = adx
    w = jnp.exp(_leaky(t2[:, 16:] + adx))
    self2_ref[...] = jnp.concatenate([xw2[:, :16] * w, w], axis=1)


def _tc_post_body(acc_ref, self_ref, b2_ref, o_ref):
    a = acc_ref[0] + acc_ref[1] + self_ref[...]
    o = a[:, 0:2] / (a[:, 16:18] + 1e-16) + b2_ref[...]
    m = jnp.max(o, axis=1, keepdims=True)
    o_ref[...] = o - m - jnp.log(jnp.sum(jnp.exp(o - m), axis=1, keepdims=True))


def _compact_att(a, pad_to=16):
    hh, cc = a.shape
    eye = jnp.eye(hh, dtype=a.dtype)
    t = eye[:, None, :] * a.T[None, :, :]
    m = t.reshape(hh * cc, hh)
    return jnp.pad(m, ((0, 0), (0, pad_to - hh)))


def kernel(x, edge_index, W1, att_src1, att_dst1, bias1,
           W2, att_src2, att_dst2, bias2):
    n, f_in = x.shape
    e = edge_index.shape[1]
    h1, c1 = att_src1.shape[1], att_src1.shape[2]
    c2 = att_src2.shape[2]
    d1 = h1 * c1

    ae1 = _compact_att(att_src1.reshape(h1, c1))
    be1 = _compact_att(att_dst1.reshape(h1, c1))
    xp = (jnp.arange(d1)[None, :] // c1
          == jnp.arange(16)[:, None]).astype(jnp.float32)
    w2p = jnp.zeros((d1, 32), jnp.float32).at[:, :c2].set(W2)
    sv = jnp.zeros((32,), jnp.float32).at[:c2].set(att_src2.reshape(c2))
    dv = jnp.zeros((32,), jnp.float32).at[:c2].set(att_dst2.reshape(c2))
    sv32 = jnp.concatenate(
        [jnp.zeros((32, 16), jnp.float32),
         jnp.broadcast_to(sv[:, None], (32, 16))], axis=1)
    dv16 = jnp.broadcast_to(dv[:, None], (32, 16))
    b1r = bias1.reshape(1, d1)
    b2r = bias2.reshape(1, c2)

    epw = e // _NW
    nch = -(-epw // _CH)
    pad_e = nch * _CH - epw
    n_acc = -(-(n + 1) // (_NS * 8)) * (_NS * 8)
    if pad_e:
        pad_dst = n + (jnp.arange(pad_e)[None, :] * 13
                       + jnp.arange(_NW)[:, None] * 7) % (n_acc - n)
        src3 = jnp.pad(edge_index[0].reshape(_NW, epw), ((0, 0), (0, pad_e)),
                       constant_values=n).reshape(_NW, nch, _CH)
        dst3 = jnp.concatenate(
            [edge_index[1].reshape(_NW, epw), pad_dst.astype(jnp.int32)],
            axis=1).reshape(_NW, nch, _CH)
    else:
        src3 = edge_index[0].reshape(_NW, nch, _CH)
        dst3 = edge_index[1].reshape(_NW, nch, _CH)

    r = 1000
    grid = (n // r,)
    wt1 = d1 + 16
    table1, ad1, self1 = pl.pallas_call(
        _tc_pre_body,
        grid=grid,
        in_specs=[
            pl.BlockSpec((r, f_in), lambda i: (i, 0)),
            pl.BlockSpec((f_in, d1), lambda i: (0, 0)),
            pl.BlockSpec((d1, 16), lambda i: (0, 0)),
            pl.BlockSpec((d1, 16), lambda i: (0, 0)),
            pl.BlockSpec((16, d1), lambda i: (0, 0)),
        ],
        out_specs=[
            pl.BlockSpec((r, wt1), lambda i: (i, 0)),
            pl.BlockSpec((r, 16), lambda i: (i, 0)),
            pl.BlockSpec((r, wt1), lambda i: (i, 0)),
        ],
        out_shape=[
            jax.ShapeDtypeStruct((n, wt1), jnp.float32),
            jax.ShapeDtypeStruct((n, 16), jnp.float32),
            jax.ShapeDtypeStruct((n, wt1), jnp.float32),
        ],
    )(x, W1, ae1, be1, xp)

    def _padrows(a):
        return jnp.pad(a, ((0, n_acc - n), (0, 0))) if pad_e else a

    table1p = _padrows(table1)
    ad1p = _padrows(ad1)
    acc1 = _make_sc_edge(n_acc, d1, nch)(table1p, ad1p, src3, dst3)

    table2, ad2, self2 = pl.pallas_call(
        _tc_mid_body,
        grid=grid,
        in_specs=[
            pl.BlockSpec((_NC, r, wt1), lambda i: (0, i, 0)),
            pl.BlockSpec((r, wt1), lambda i: (i, 0)),
            pl.BlockSpec((1, d1), lambda i: (0, 0)),
            pl.BlockSpec((d1, 32), lambda i: (0, 0)),
            pl.BlockSpec((32, 32), lambda i: (0, 0)),
            pl.BlockSpec((32, 16), lambda i: (0, 0)),
            pl.BlockSpec((16, d1), lambda i: (0, 0)),
        ],
        out_specs=[
            pl.BlockSpec((r, 32), lambda i: (i, 0)),
            pl.BlockSpec((r, 16), lambda i: (i, 0)),
            pl.BlockSpec((r, 32), lambda i: (i, 0)),
        ],
        out_shape=[
            jax.ShapeDtypeStruct((n, 32), jnp.float32),
            jax.ShapeDtypeStruct((n, 16), jnp.float32),
            jax.ShapeDtypeStruct((n, 32), jnp.float32),
        ],
    )(acc1, self1, b1r, w2p, sv32, dv16, xp)

    table2p = _padrows(table2)
    ad2p = _padrows(ad2)
    acc2 = _make_sc_edge(n_acc, 16, nch)(table2p, ad2p, src3, dst3)

    out = pl.pallas_call(
        _tc_post_body,
        grid=grid,
        in_specs=[
            pl.BlockSpec((_NC, r, 32), lambda i: (0, i, 0)),
            pl.BlockSpec((r, 32), lambda i: (i, 0)),
            pl.BlockSpec((1, c2), lambda i: (0, 0)),
        ],
        out_specs=pl.BlockSpec((r, c2), lambda i: (i, 0)),
        out_shape=jax.ShapeDtypeStruct((n, c2), jnp.float32),
    )(acc2, self2, b2r)

    return out

# --- scband reference (transcript-rebuilt; emitter-appended) ---
"""Pipeline reference for scband-gat-50680614092808 (READ-ONLY COPY).

The authoritative reference and input builder live on the scoring server;
editing this copy changes nothing except your own understanding.
"""

import jax, jax.numpy as jnp
import numpy as np

N = 10000
E = 320000
F_IN = 128
H1, C1 = 8, 8
C2 = 2


def setup_inputs(seed: int = 0) -> dict:
    key = jax.random.key(seed)
    ks = jax.random.split(key, 12)
    x = jax.random.normal(ks[0], (N, F_IN), dtype=jnp.float32)
    edge_index = jax.random.randint(ks[1], (2, E), 0, N, dtype=jnp.int32)
    s1 = 1.0 / np.sqrt(F_IN)
    W1 = jax.random.normal(ks[2], (F_IN, H1 * C1), dtype=jnp.float32) * s1
    att_src1 = jax.random.normal(ks[3], (1, H1, C1), dtype=jnp.float32) * 0.1
    att_dst1 = jax.random.normal(ks[4], (1, H1, C1), dtype=jnp.float32) * 0.1
    bias1 = jnp.zeros((H1 * C1,), dtype=jnp.float32)
    s2 = 1.0 / np.sqrt(H1 * C1)
    W2 = jax.random.normal(ks[5], (H1 * C1, 1 * C2), dtype=jnp.float32) * s2
    att_src2 = jax.random.normal(ks[6], (1, 1, C2), dtype=jnp.float32) * 0.1
    att_dst2 = jax.random.normal(ks[7], (1, 1, C2), dtype=jnp.float32) * 0.1
    bias2 = jnp.zeros((C2,), dtype=jnp.float32)
    return {"x": x, "edge_index": edge_index, "W1": W1, "att_src1": att_src1,
            "att_dst1": att_dst1, "bias1": bias1, "W2": W2, "att_src2": att_src2,
            "att_dst2": att_dst2, "bias2": bias2}


def _gat_layer(x, edge_index, W, a_src, a_dst, bias, heads, out_ch, concat):
    n = x.shape[0]
    loops = jnp.arange(n, dtype=edge_index.dtype)
    src = jnp.concatenate([edge_index[0], loops])
    dst = jnp.concatenate([edge_index[1], loops])
    xw = (x @ W).reshape(n, heads, out_ch)
    alpha_src = jnp.sum(xw * a_src, axis=-1)  # [N, H]
    alpha_dst = jnp.sum(xw * a_dst, axis=-1)  # [N, H]
    alpha = alpha_src[src] + alpha_dst[dst]   # [E', H]
    alpha = jax.nn.leaky_relu(alpha, 0.2)
    amax = jax.ops.segment_max(alpha, dst, num_segments=n)
    amax = jnp.where(jnp.isfinite(amax), amax, 0.0)
    amax = jax.lax.stop_gradient(amax)
    e = jnp.exp(alpha - amax[dst])
    denom = jax.ops.segment_sum(e, dst, num_segments=n)
    attn = e / (denom[dst] + 1e-16)
    out = jax.ops.segment_sum(xw[src] * attn[:, :, None], dst, num_segments=n)
    if concat:
        out = out.reshape(n, heads * out_ch)
    else:
        out = out.mean(axis=1)
    return out + bias


def reference(x, edge_index, W1, att_src1, att_dst1, bias1, W2, att_src2, att_dst2, bias2):
    h = _gat_layer(x, edge_index, W1, att_src1, att_dst1, bias1, H1, C1, True)
    h = jax.nn.elu(h)
    o = _gat_layer(h, edge_index, W2, att_src2, att_dst2, bias2, 1, C2, False)
    return jax.nn.log_softmax(o, axis=1)

if __name__ == "__main__":
    import jax
    _d = setup_inputs()
    print(jax.jit(kernel)(*tuple(_d.values())))

</pallas_src>

<mosaic_0001>
#map = affine_map<(d0, d1) -> (0, 0)>
#map1 = affine_map<(d0, d1) -> (0, 0, 0)>
module attributes {stable_mosaic.version = 14 : i64} {
  func.func @sc_edge(%arg0: i32, %arg1: i32, %arg2: memref<10000x80xf32, #tpu.memory_space<hbm>>, %arg3: memref<10000x16xf32, #tpu.memory_space<hbm>>, %arg4: memref<32x125x80xi32, #tpu.memory_space<hbm>>, %arg5: memref<32x125x80xi32, #tpu.memory_space<hbm>>, %arg6: memref<2x10112x80xf32, #tpu.memory_space<hbm>>, %arg7: memref<125x80xi32, #tpu.memory_space<vmem>>, %arg8: memref<125x80xi32, #tpu.memory_space<vmem>>, %arg9: memref<80x80xf32, #tpu.memory_space<vmem>>, %arg10: memref<80x80xf32, #tpu.memory_space<vmem>>, %arg11: memref<80x16xf32, #tpu.memory_space<vmem>>, %arg12: memref<80x16xf32, #tpu.memory_space<vmem>>, %arg13: memref<104x80xf32, #tpu.memory_space<vmem>>, %arg14: memref<10112x80xf32, #tpu.memory_space<vmem_shared>>, %arg15: memref<!tpu.dma_semaphore, #tpu.memory_space<semaphore_mem>>, %arg16: memref<!tpu.dma_semaphore, #tpu.memory_space<semaphore_mem>>, %arg17: memref<!tpu.dma_semaphore, #tpu.memory_space<semaphore_mem>>, %arg18: memref<!tpu.dma_semaphore, #tpu.memory_space<semaphore_mem>>) attributes {dimension_semantics = [#tpu.dimension_semantics<core_parallel>, #tpu.dimension_semantics<subcore_parallel>], iteration_bounds = array<i64: 2, 16>, scalar_prefetch = 0 : i64, scratch_operands = 12 : i64, tpu.core_type = #tpu.core_type<sc_vector_subcore>, window_params = [{transform_indices = #map}, {transform_indices = #map}, {transform_indices = #map1}, {transform_indices = #map1}, {transform_indices = #map1}]} {
    %mul3A = arith.constant 16 : i32
    %mul3A_0 = arith.muli %arg0, %mul3A : i32
    %add3A = arith.addi %mul3A_0, %arg1 : i32
    "tpu.region"() ({
      %run_scoped3A = tpu.sem_alloc : memref<!tpu.dma_semaphore, #tpu.memory_space<semaphore_mem>>
      %dma_start3A_83 = arith.constant 0 : i32
      %dma_start3A_84 = arith.constant 0 : i32
      %dma_start3A_85 = tpu.memref_slice %arg4[%add3A, %dma_start3A_83, %dma_start3A_84] : memref<32x125x80xi32, #tpu.memory_space<hbm>> -> memref<1x125x80xi32, #tpu.memory_space<hbm>>
      %dma_start3A_86 = tpu.memref_squeeze %dma_start3A_85 : memref<1x125x80xi32, #tpu.memory_space<hbm>> -> memref<125x80xi32, #tpu.memory_space<hbm>>
      %dma_start3A_87 = arith.constant 0 : i32
      %dma_start3A_88 = arith.constant 0 : i32
      %dma_start3A_89 = tpu.memref_slice %arg4[%add3A, %dma_start3A_87, %dma_start3A_88] : memref<32x125x80xi32, #tpu.memory_space<hbm>> -> memref<1x125x80xi32, #tpu.memory_space<hbm>>
      %dma_start3A_90 = tpu.memref_squeeze %dma_start3A_89 : memref<1x125x80xi32, #tpu.memory_space<hbm>> -> memref<125x80xi32, #tpu.memory_space<hbm>>
      tpu.enqueue_dma source(%dma_start3A_90 : memref<125x80xi32, #tpu.memory_space<hbm>>) target(%arg7 : memref<125x80xi32, #tpu.memory_space<vmem>>) target_semaphore(%run_scoped3A : memref<!tpu.dma_semaphore, #tpu.memory_space<semaphore_mem>>)
      %dma_wait3A = arith.constant 0 : i32
      %dma_wait3A_91 = arith.constant 0 : i32
      %dma_wait3A_92 = tpu.memref_slice %arg4[%add3A, %dma_wait3A, %dma_wait3A_91] : memref<32x125x80xi32, #tpu.memory_space<hbm>> -> memref<1x125x80xi32, #tpu.memory_space<hbm>>
      %dma_wait3A_93 = tpu.memref_squeeze %dma_wait3A_92 : memref<1x125x80xi32, #tpu.memory_space<hbm>> -> memref<125x80xi32, #tpu.memory_space<hbm>>
      %dma_wait3A_94 = arith.constant 0 : i32
      %dma_wait3A_95 = arith.constant 0 : i32
      %dma_wait3A_96 = tpu.memref_slice %arg4[%add3A, %dma_wait3A_94, %dma_wait3A_95] : memref<32x125x80xi32, #tpu.memory_space<hbm>> -> memref<1x125x80xi32, #tpu.memory_space<hbm>>
      %dma_wait3A_97 = tpu.memref_squeeze %dma_wait3A_96 : memref<1x125x80xi32, #tpu.memory_space<hbm>> -> memref<125x80xi32, #tpu.memory_space<hbm>>
      tpu.wait_dma2 semaphore(%run_scoped3A : memref<!tpu.dma_semaphore, #tpu.memory_space<semaphore_mem>>) src(%dma_wait3A_97 : memref<125x80xi32, #tpu.memory_space<hbm>>) dst(%arg7 : memref<125x80xi32, #tpu.memory_space<vmem>>)
      tpu.yield
    }) : () -> ()
    "tpu.region"() ({
      %run_scoped3A = tpu.sem_alloc : memref<!tpu.dma_semaphore, #tpu.memory_space<semaphore_mem>>
      %dma_start3A_83 = arith.constant 0 : i32
      %dma_start3A_84 = arith.constant 0 : i32
      %dma_start3A_85 = tpu.memref_slice %arg5[%add3A, %dma_start3A_83, %dma_start3A_84] : memref<32x125x80xi32, #tpu.memory_space<hbm>> -> memref<1x125x80xi32, #tpu.memory_space<hbm>>
      %dma_start3A_86 = tpu.memref_squeeze %dma_start3A_85 : memref<1x125x80xi32, #tpu.memory_space<hbm>> -> memref<125x80xi32, #tpu.memory_space<hbm>>
      %dma_start3A_87 = arith.constant 0 : i32
      %dma_start3A_88 = arith.constant 0 : i32
      %dma_start3A_89 = tpu.memref_slice %arg5[%add3A, %dma_start3A_87, %dma_start3A_88] : memref<32x125x80xi32, #tpu.memory_space<hbm>> -> memref<1x125x80xi32, #tpu.memory_space<hbm>>
      %dma_start3A_90 = tpu.memref_squeeze %dma_start3A_89 : memref<1x125x80xi32, #tpu.memory_space<hbm>> -> memref<125x80xi32, #tpu.memory_space<hbm>>
      tpu.enqueue_dma source(%dma_start3A_90 : memref<125x80xi32, #tpu.memory_space<hbm>>) target(%arg8 : memref<125x80xi32, #tpu.memory_space<vmem>>) target_semaphore(%run_scoped3A : memref<!tpu.dma_semaphore, #tpu.memory_space<semaphore_mem>>)
      %dma_wait3A = arith.constant 0 : i32
      %dma_wait3A_91 = arith.constant 0 : i32
      %dma_wait3A_92 = tpu.memref_slice %arg5[%add3A, %dma_wait3A, %dma_wait3A_91] : memref<32x125x80xi32, #tpu.memory_space<hbm>> -> memref<1x125x80xi32, #tpu.memory_space<hbm>>
      %dma_wait3A_93 = tpu.memref_squeeze %dma_wait3A_92 : memref<1x125x80xi32, #tpu.memory_space<hbm>> -> memref<125x80xi32, #tpu.memory_space<hbm>>
      %dma_wait3A_94 = arith.constant 0 : i32
      %dma_wait3A_95 = arith.constant 0 : i32
      %dma_wait3A_96 = tpu.memref_slice %arg5[%add3A, %dma_wait3A_94, %dma_wait3A_95] : memref<32x125x80xi32, #tpu.memory_space<hbm>> -> memref<1x125x80xi32, #tpu.memory_space<hbm>>
      %dma_wait3A_97 = tpu.memref_squeeze %dma_wait3A_96 : memref<1x125x80xi32, #tpu.memory_space<hbm>> -> memref<125x80xi32, #tpu.memory_space<hbm>>
      tpu.wait_dma2 semaphore(%run_scoped3A : memref<!tpu.dma_semaphore, #tpu.memory_space<semaphore_mem>>) src(%dma_wait3A_97 : memref<125x80xi32, #tpu.memory_space<hbm>>) dst(%arg8 : memref<125x80xi32, #tpu.memory_space<vmem>>)
      tpu.yield
    }) : () -> ()
    %broadcast_in_dim3A = arith.constant 0.000000e+00 : f32
    %broadcast_in_dim3A_1 = vector.broadcast %broadcast_in_dim3A : f32 to vector<16xf32>
    %scan3A = arith.constant 0 : i32
    %scan3A_2 = arith.constant 520 : i32
    %scan3A_3 = arith.addi %scan3A, %scan3A_2 : i32
    %scan3A_4 = arith.constant 1 : i32
    scf.for %scan3A_83 = %scan3A to %scan3A_3 step %scan3A_4  : i32 {
      %mul3A_84 = arith.constant 1 : i32
      %mul3A_85 = arith.muli %scan3A_83, %mul3A_84 : i32
      %add3A_86 = arith.constant 0 : i32
      %add3A_87 = arith.addi %add3A_86, %mul3A_85 : i32
      %jit3A = arith.constant 5 : i32
      %div3A = arith.divsi %add3A_87, %jit3A : i32
      %sign3A = arith.constant 0 : i32
      %sign3A_88 = arith.cmpi sgt, %add3A_87, %sign3A : i32
      %sign3A_89 = arith.extui %sign3A_88 : i1 to i32
      %sign3A_90 = arith.constant 0 : i32
      %sign3A_91 = arith.cmpi slt, %add3A_87, %sign3A_90 : i32
      %sign3A_92 = arith.extui %sign3A_91 : i1 to i32
      %sign3A_93 = arith.subi %sign3A_89, %sign3A_92 : i32
      %sign3A_94 = arith.constant 0 : i32
      %sign3A_95 = arith.cmpi sgt, %jit3A, %sign3A_94 : i32
      %sign3A_96 = arith.extui %sign3A_95 : i1 to i32
      %sign3A_97 = arith.constant 0 : i32
      %sign3A_98 = arith.cmpi slt, %jit3A, %sign3A_97 : i32
      %sign3A_99 = arith.extui %sign3A_98 : i1 to i32
      %sign3A_100 = arith.subi %sign3A_96, %sign3A_99 : i32
      %ne3A = arith.cmpi ne, %sign3A_93, %sign3A_100 : i32
      %rem3A = arith.remsi %add3A_87, %jit3A : i32
      %ne3A_101 = arith.constant 0 : i32
      %ne3A_102 = arith.cmpi ne, %rem3A, %ne3A_101 : i32
      %and3A = arith.andi %ne3A, %ne3A_102 : i1
      %sub3A = arith.constant 1 : i32
      %sub3A_103 = arith.subi %div3A, %sub3A : i32
      %select_n3A = arith.select %and3A, %sub3A_103, %div3A : i32
      %jit3A_104 = arith.constant 5 : i32
      %eq3A = arith.constant 0 : i32
      %eq3A_105 = arith.cmpi eq, %jit3A_104, %eq3A : i32
      %jit3A_106 = arith.constant 1 : i32
      %select_n3A_107 = arith.select %eq3A_105, %jit3A_106, %jit3A_104 : i32
      %rem3A_108 = arith.remsi %add3A_87, %select_n3A_107 : i32
      %ne3A_109 = arith.constant 0 : i32
      %ne3A_110 = arith.cmpi ne, %rem3A_108, %ne3A_109 : i32
      %lt3A = arith.constant 0 : i32
      %lt3A_111 = arith.cmpi slt, %rem3A_108, %lt3A : i32
      %lt3A_112 = arith.constant 0 : i32
      %lt3A_113 = arith.cmpi slt, %select_n3A_107, %lt3A_112 : i32
      %ne3A_114 = arith.xori %lt3A_111, %lt3A_113 : i1
      %and3A_115 = arith.andi %ne3A_114, %ne3A_110 : i1
      %add3A_116 = arith.addi %rem3A_108, %select_n3A_107 : i32
      %select_n3A_117 = arith.select %and3A_115, %add3A_116, %rem3A_108 : i32
      %mul3A_118 = arith.constant 16 : i32
      %mul3A_119 = arith.muli %select_n3A_117, %mul3A_118 : i32
      %swap3A = arith.index_cast %select_n3A : i32 to index
      %swap3A_120 = arith.index_cast %mul3A_119 : i32 to index
      %swap3A_121 = tpu.vector_load %arg13[%swap3A, %swap3A_120] {strides = array<i32>} : memref<104x80xf32, #tpu.memory_space<vmem>>, vector<16xf32>,
      tpu.vector_store %arg13[%swap3A, %swap3A_120], %broadcast_in_dim3A_1 {strides = array<i32>} : memref<104x80xf32, #tpu.memory_space<vmem>>, vector<16xf32>,
    }
    %scan3A_5 = arith.constant 520 : i32
    %mul3A_6 = arith.constant 632 : i32
    %mul3A_7 = arith.muli %arg1, %mul3A_6 : i32
    %add3A_8 = arith.constant 0 : i32
    %add3A_9 = arith.addi %mul3A_7, %add3A_8 : i32
    "tpu.region"() ({
      %run_scoped3A = tpu.sem_alloc : memref<!tpu.dma_semaphore, #tpu.memory_space<semaphore_mem>>
      %dma_start3A_83 = arith.constant 0 : i32
      %dma_start3A_84 = tpu.memref_slice %arg14[%add3A_9, %dma_start3A_83] : memref<10112x80xf32, #tpu.memory_space<vmem_shared>> -> memref<104x80xf32, #tpu.memory_space<vmem_shared>>
      %dma_start3A_85 = arith.constant 0 : i32
      %dma_start3A_86 = tpu.memref_slice %arg14[%add3A_9, %dma_start3A_85] : memref<10112x80xf32, #tpu.memory_space<vmem_shared>> -> memref<104x80xf32, #tpu.memory_space<vmem_shared>>
      tpu.enqueue_dma source(%arg13 : memref<104x80xf32, #tpu.memory_space<vmem>>) target(%dma_start3A_86 : memref<104x80xf32, #tpu.memory_space<vmem_shared>>) target_semaphore(%run_scoped3A : memref<!tpu.dma_semaphore, #tpu.memory_space<semaphore_mem>>)
      %dma_wait3A = arith.constant 0 : i32
      %dma_wait3A_87 = tpu.memref_slice %arg14[%add3A_9, %dma_wait3A] : memref<10112x80xf32, #tpu.memory_space<vmem_shared>> -> memref<104x80xf32, #tpu.memory_space<vmem_shared>>
      %dma_wait3A_88 = arith.constant 0 : i32
      %dma_wait3A_89 = tpu.memref_slice %arg14[%add3A_9, %dma_wait3A_88] : memref<10112x80xf32, #tpu.memory_space<vmem_shared>> -> memref<104x80xf32, #tpu.memory_space<vmem_shared>>
      tpu.wait_dma2 semaphore(%run_scoped3A : memref<!tpu.dma_semaphore, #tpu.memory_space<semaphore_mem>>) src(%arg13 : memref<104x80xf32, #tpu.memory_space<vmem>>) dst(%dma_wait3A_89 : memref<104x80xf32, #tpu.memory_space<vmem_shared>>)
      tpu.yield
    }) : () -> ()
    %mul3A_10 = arith.constant 632 : i32
    %mul3A_11 = arith.muli %arg1, %mul3A_10 : i32
    %add3A_12 = arith.constant 104 : i32
    %add3A_13 = arith.addi %mul3A_11, %add3A_12 : i32
    "tpu.region"() ({
      %run_scoped3A = tpu.sem_alloc : memref<!tpu.dma_semaphore, #tpu.memory_space<semaphore_mem>>
      %dma_start3A_83 = arith.constant 0 : i32
      %dma_start3A_84 = tpu.memref_slice %arg14[%add3A_13, %dma_start3A_83] : memref<10112x80xf32, #tpu.memory_space<vmem_shared>> -> memref<104x80xf32, #tpu.memory_space<vmem_shared>>
      %dma_start3A_85 = arith.constant 0 : i32
      %dma_start3A_86 = tpu.memref_slice %arg14[%add3A_13, %dma_start3A_85] : memref<10112x80xf32, #tpu.memory_space<vmem_shared>> -> memref<104x80xf32, #tpu.memory_space<vmem_shared>>
      tpu.enqueue_dma source(%arg13 : memref<104x80xf32, #tpu.memory_space<vmem>>) target(%dma_start3A_86 : memref<104x80xf32, #tpu.memory_space<vmem_shared>>) target_semaphore(%run_scoped3A : memref<!tpu.dma_semaphore, #tpu.memory_space<semaphore_mem>>)
      %dma_wait3A = arith.constant 0 : i32
      %dma_wait3A_87 = tpu.memref_slice %arg14[%add3A_13, %dma_wait3A] : memref<10112x80xf32, #tpu.memory_space<vmem_shared>> -> memref<104x80xf32, #tpu.memory_space<vmem_shared>>
      %dma_wait3A_88 = arith.constant 0 : i32
      %dma_wait3A_89 = tpu.memref_slice %arg14[%add3A_13, %dma_wait3A_88] : memref<10112x80xf32, #tpu.memory_space<vmem_shared>> -> memref<104x80xf32, #tpu.memory_space<vmem_shared>>
      tpu.wait_dma2 semaphore(%run_scoped3A : memref<!tpu.dma_semaphore, #tpu.memory_space<semaphore_mem>>) src(%arg13 : memref<104x80xf32, #tpu.memory_space<vmem>>) dst(%dma_wait3A_89 : memref<104x80xf32, #tpu.memory_space<vmem_shared>>)
      tpu.yield
    }) : () -> ()
    %mul3A_14 = arith.constant 632 : i32
    %mul3A_15 = arith.muli %arg1, %mul3A_14 : i32
    %add3A_16 = arith.constant 208 : i32
    %add3A_17 = arith.addi %mul3A_15, %add3A_16 : i32
    "tpu.region"() ({
      %run_scoped3A = tpu.sem_alloc : memref<!tpu.dma_semaphore, #tpu.memory_space<semaphore_mem>>
      %dma_start3A_83 = arith.constant 0 : i32
      %dma_start3A_84 = tpu.memref_slice %arg14[%add3A_17, %dma_start3A_83] : memref<10112x80xf32, #tpu.memory_space<vmem_shared>> -> memref<104x80xf32, #tpu.memory_space<vmem_shared>>
      %dma_start3A_85 = arith.constant 0 : i32
      %dma_start3A_86 = tpu.memref_slice %arg14[%add3A_17, %dma_start3A_85] : memref<10112x80xf32, #tpu.memory_space<vmem_shared>> -> memref<104x80xf32, #tpu.memory_space<vmem_shared>>
      tpu.enqueue_dma source(%arg13 : memref<104x80xf32, #tpu.memory_space<vmem>>) target(%dma_start3A_86 : memref<104x80xf32, #tpu.memory_space<vmem_shared>>) target_semaphore(%run_scoped3A : memref<!tpu.dma_semaphore, #tpu.memory_space<semaphore_mem>>)
      %dma_wait3A = arith.constant 0 : i32
      %dma_wait3A_87 = tpu.memref_slice %arg14[%add3A_17, %dma_wait3A] : memref<10112x80xf32, #tpu.memory_space<vmem_shared>> -> memref<104x80xf32, #tpu.memory_space<vmem_shared>>
      %dma_wait3A_88 = arith.constant 0 : i32
      %dma_wait3A_89 = tpu.memref_slice %arg14[%add3A_17, %dma_wait3A_88] : memref<10112x80xf32, #tpu.memory_space<vmem_shared>> -> memref<104x80xf32, #tpu.memory_space<vmem_shared>>
      tpu.wait_dma2 semaphore(%run_scoped3A : memref<!tpu.dma_semaphore, #tpu.memory_space<semaphore_mem>>) src(%arg13 : memref<104x80xf32, #tpu.memory_space<vmem>>) dst(%dma_wait3A_89 : memref<104x80xf32, #tpu.memory_space<vmem_shared>>)
      tpu.yield
    }) : () -> ()
    %mul3A_18 = arith.constant 632 : i32
    %mul3A_19 = arith.muli %arg1, %mul3A_18 : i32
    %add3A_20 = arith.constant 312 : i32
    %add3A_21 = arith.addi %mul3A_19, %add3A_20 : i32
    "tpu.region"() ({
      %run_scoped3A = tpu.sem_alloc : memref<!tpu.dma_semaphore, #tpu.memory_space<semaphore_mem>>
      %dma_start3A_83 = arith.constant 0 : i32
      %dma_start3A_84 = tpu.memref_slice %arg14[%add3A_21, %dma_start3A_83] : memref<10112x80xf32, #tpu.memory_space<vmem_shared>> -> memref<104x80xf32, #tpu.memory_space<vmem_shared>>
      %dma_start3A_85 = arith.constant 0 : i32
      %dma_start3A_86 = tpu.memref_slice %arg14[%add3A_21, %dma_start3A_85] : memref<10112x80xf32, #tpu.memory_space<vmem_shared>> -> memref<104x80xf32, #tpu.memory_space<vmem_shared>>
      tpu.enqueue_dma source(%arg13 : memref<104x80xf32, #tpu.memory_space<vmem>>) target(%dma_start3A_86 : memref<104x80xf32, #tpu.memory_space<vmem_shared>>) target_semaphore(%run_scoped3A : memref<!tpu.dma_semaphore, #tpu.memory_space<semaphore_mem>>)
      %dma_wait3A = arith.constant 0 : i32
      %dma_wait3A_87 = tpu.memref_slice %arg14[%add3A_21, %dma_wait3A] : memref<10112x80xf32, #tpu.memory_space<vmem_shared>> -> memref<104x80xf32, #tpu.memory_space<vmem_shared>>
      %dma_wait3A_88 = arith.constant 0 : i32
      %dma_wait3A_89 = tpu.memref_slice %arg14[%add3A_21, %dma_wait3A_88] : memref<10112x80xf32, #tpu.memory_space<vmem_shared>> -> memref<104x80xf32, #tpu.memory_space<vmem_shared>>
      tpu.wait_dma2 semaphore(%run_scoped3A : memref<!tpu.dma_semaphore, #tpu.memory_space<semaphore_mem>>) src(%arg13 : memref<104x80xf32, #tpu.memory_space<vmem>>) dst(%dma_wait3A_89 : memref<104x80xf32, #tpu.memory_space<vmem_shared>>)
      tpu.yield
    }) : () -> ()
    %mul3A_22 = arith.constant 632 : i32
    %mul3A_23 = arith.muli %arg1, %mul3A_22 : i32
    %add3A_24 = arith.constant 416 : i32
    %add3A_25 = arith.addi %mul3A_23, %add3A_24 : i32
    "tpu.region"() ({
      %run_scoped3A = tpu.sem_alloc : memref<!tpu.dma_semaphore, #tpu.memory_space<semaphore_mem>>
      %dma_start3A_83 = arith.constant 0 : i32
      %dma_start3A_84 = tpu.memref_slice %arg14[%add3A_25, %dma_start3A_83] : memref<10112x80xf32, #tpu.memory_space<vmem_shared>> -> memref<104x80xf32, #tpu.memory_space<vmem_shared>>
      %dma_start3A_85 = arith.constant 0 : i32
      %dma_start3A_86 = tpu.memref_slice %arg14[%add3A_25, %dma_start3A_85] : memref<10112x80xf32, #tpu.memory_space<vmem_shared>> -> memref<104x80xf32, #tpu.memory_space<vmem_shared>>
      tpu.enqueue_dma source(%arg13 : memref<104x80xf32, #tpu.memory_space<vmem>>) target(%dma_start3A_86 : memref<104x80xf32, #tpu.memory_space<vmem_shared>>) target_semaphore(%run_scoped3A : memref<!tpu.dma_semaphore, #tpu.memory_space<semaphore_mem>>)
      %dma_wait3A = arith.constant 0 : i32
      %dma_wait3A_87 = tpu.memref_slice %arg14[%add3A_25, %dma_wait3A] : memref<10112x80xf32, #tpu.memory_space<vmem_shared>> -> memref<104x80xf32, #tpu.memory_space<vmem_shared>>
      %dma_wait3A_88 = arith.constant 0 : i32
      %dma_wait3A_89 = tpu.memref_slice %arg14[%add3A_25, %dma_wait3A_88] : memref<10112x80xf32, #tpu.memory_space<vmem_shared>> -> memref<104x80xf32, #tpu.memory_space<vmem_shared>>
      tpu.wait_dma2 semaphore(%run_scoped3A : memref<!tpu.dma_semaphore, #tpu.memory_space<semaphore_mem>>) src(%arg13 : memref<104x80xf32, #tpu.memory_space<vmem>>) dst(%dma_wait3A_89 : memref<104x80xf32, #tpu.memory_space<vmem_shared>>)
      tpu.yield
    }) : () -> ()
    %mul3A_26 = arith.constant 632 : i32
    %mul3A_27 = arith.muli %arg1, %mul3A_26 : i32
    %add3A_28 = arith.constant 520 : i32
    %add3A_29 = arith.addi %mul3A_27, %add3A_28 : i32
    "tpu.region"() ({
      %run_scoped3A = tpu.sem_alloc : memref<!tpu.dma_semaphore, #tpu.memory_space<semaphore_mem>>
      %dma_start3A_83 = arith.constant 0 : i32
      %dma_start3A_84 = tpu.memref_slice %arg14[%add3A_29, %dma_start3A_83] : memref<10112x80xf32, #tpu.memory_space<vmem_shared>> -> memref<104x80xf32, #tpu.memory_space<vmem_shared>>
      %dma_start3A_85 = arith.constant 0 : i32
      %dma_start3A_86 = tpu.memref_slice %arg14[%add3A_29, %dma_start3A_85] : memref<10112x80xf32, #tpu.memory_space<vmem_shared>> -> memref<104x80xf32, #tpu.memory_space<vmem_shared>>
      tpu.enqueue_dma source(%arg13 : memref<104x80xf32, #tpu.memory_space<vmem>>) target(%dma_start3A_86 : memref<104x80xf32, #tpu.memory_space<vmem_shared>>) target_semaphore(%run_scoped3A : memref<!tpu.dma_semaphore, #tpu.memory_space<semaphore_mem>>)
      %dma_wait3A = arith.constant 0 : i32
      %dma_wait3A_87 = tpu.memref_slice %arg14[%add3A_29, %dma_wait3A] : memref<10112x80xf32, #tpu.memory_space<vmem_shared>> -> memref<104x80xf32, #tpu.memory_space<vmem_shared>>
      %dma_wait3A_88 = arith.constant 0 : i32
      %dma_wait3A_89 = tpu.memref_slice %arg14[%add3A_29, %dma_wait3A_88] : memref<10112x80xf32, #tpu.memory_space<vmem_shared>> -> memref<104x80xf32, #tpu.memory_space<vmem_shared>>
      tpu.wait_dma2 semaphore(%run_scoped3A : memref<!tpu.dma_semaphore, #tpu.memory_space<semaphore_mem>>) src(%arg13 : memref<104x80xf32, #tpu.memory_space<vmem>>) dst(%dma_wait3A_89 : memref<104x80xf32, #tpu.memory_space<vmem_shared>>)
      tpu.yield
    }) : () -> ()
    %mul3A_30 = arith.constant 632 : i32
    %mul3A_31 = arith.muli %arg1, %mul3A_30 : i32
    %add3A_32 = arith.constant 624 : i32
    %add3A_33 = arith.addi %mul3A_31, %add3A_32 : i32
    "tpu.region"() ({
      %run_scoped3A = tpu.sem_alloc : memref<!tpu.dma_semaphore, #tpu.memory_space<semaphore_mem>>
      %dma_start3A_83 = arith.constant 0 : i32
      %dma_start3A_84 = arith.constant 0 : i32
      %dma_start3A_85 = tpu.memref_slice %arg13[%dma_start3A_83, %dma_start3A_84] : memref<104x80xf32, #tpu.memory_space<vmem>> -> memref<8x80xf32, #tpu.memory_space<vmem>>
      %dma_start3A_86 = arith.constant 0 : i32
      %dma_start3A_87 = tpu.memref_slice %arg14[%add3A_33, %dma_start3A_86] : memref<10112x80xf32, #tpu.memory_space<vmem_shared>> -> memref<8x80xf32, #tpu.memory_space<vmem_shared>>
      %dma_start3A_88 = arith.constant 0 : i32
      %dma_start3A_89 = tpu.memref_slice %arg14[%add3A_33, %dma_start3A_88] : memref<10112x80xf32, #tpu.memory_space<vmem_shared>> -> memref<8x80xf32, #tpu.memory_space<vmem_shared>>
      %dma_start3A_90 = arith.constant 0 : i32
      %dma_start3A_91 = arith.constant 0 : i32
      %dma_start3A_92 = tpu.memref_slice %arg13[%dma_start3A_90, %dma_start3A_91] : memref<104x80xf32, #tpu.memory_space<vmem>> -> memref<8x80xf32, #tpu.memory_space<vmem>>
      tpu.enqueue_dma source(%dma_start3A_92 : memref<8x80xf32, #tpu.memory_space<vmem>>) target(%dma_start3A_89 : memref<8x80xf32, #tpu.memory_space<vmem_shared>>) target_semaphore(%run_scoped3A : memref<!tpu.dma_semaphore, #tpu.memory_space<semaphore_mem>>)
      %dma_wait3A = arith.constant 0 : i32
      %dma_wait3A_93 = arith.constant 0 : i32
      %dma_wait3A_94 = tpu.memref_slice %arg13[%dma_wait3A, %dma_wait3A_93] : memref<104x80xf32, #tpu.memory_space<vmem>> -> memref<8x80xf32, #tpu.memory_space<vmem>>
      %dma_wait3A_95 = arith.constant 0 : i32
      %dma_wait3A_96 = tpu.memref_slice %arg14[%add3A_33, %dma_wait3A_95] : memref<10112x80xf32, #tpu.memory_space<vmem_shared>> -> memref<8x80xf32, #tpu.memory_space<vmem_shared>>
      %dma_wait3A_97 = arith.constant 0 : i32
      %dma_wait3A_98 = tpu.memref_slice %arg14[%add3A_33, %dma_wait3A_97] : memref<10112x80xf32, #tpu.memory_space<vmem_shared>> -> memref<8x80xf32, #tpu.memory_space<vmem_shared>>
      %dma_wait3A_99 = arith.constant 0 : i32
      %dma_wait3A_100 = arith.constant 0 : i32
      %dma_wait3A_101 = tpu.memref_slice %arg13[%dma_wait3A_99, %dma_wait3A_100] : memref<104x80xf32, #tpu.memory_space<vmem>> -> memref<8x80xf32, #tpu.memory_space<vmem>>
      tpu.wait_dma2 semaphore(%run_scoped3A : memref<!tpu.dma_semaphore, #tpu.memory_space<semaphore_mem>>) src(%dma_wait3A_101 : memref<8x80xf32, #tpu.memory_space<vmem>>) dst(%dma_wait3A_98 : memref<8x80xf32, #tpu.memory_space<vmem_shared>>)
      tpu.yield
    }) : () -> ()
    %barrier3A = arith.constant 0 : index
    tpu.barrier barrier_id(%barrier3A)
    %iota3A = tpu.iota {dimensions = array<i32: 0>} : vector<16xi32>
    %add3A_34 = arith.constant 0 : i32
    %add3A_35 = vector.broadcast %add3A_34 : i32 to vector<16xi32>
    %add3A_36 = arith.addi %iota3A, %add3A_35 : vector<16xi32>
    %shift_right_logical3A = arith.constant 3 : i32
    %shift_right_logical3A_37 = vector.broadcast %shift_right_logical3A : i32 to vector<16xi32>
    %shift_right_logical3A_38 = arith.shrui %add3A_36, %shift_right_logical3A_37 : vector<16xi32>
    %iota3A_39 = tpu.iota {dimensions = array<i32: 0>} : vector<16xi32>
    %add3A_40 = arith.constant 16 : i32
    %add3A_41 = vector.broadcast %add3A_40 : i32 to vector<16xi32>
    %add3A_42 = arith.addi %iota3A_39, %add3A_41 : vector<16xi32>
    %shift_right_logical3A_43 = arith.constant 3 : i32
    %shift_right_logical3A_44 = vector.broadcast %shift_right_logical3A_43 : i32 to vector<16xi32>
    %shift_right_logical3A_45 = arith.shrui %add3A_42, %shift_right_logical3A_44 : vector<16xi32>
    %iota3A_46 = tpu.iota {dimensions = array<i32: 0>} : vector<16xi32>
    %add3A_47 = arith.constant 32 : i32
    %add3A_48 = vector.broadcast %add3A_47 : i32 to vector<16xi32>
    %add3A_49 = arith.addi %iota3A_46, %add3A_48 : vector<16xi32>
    %shift_right_logical3A_50 = arith.constant 3 : i32
    %shift_right_logical3A_51 = vector.broadcast %shift_right_logical3A_50 : i32 to vector<16xi32>
    %shift_right_logical3A_52 = arith.shrui %add3A_49, %shift_right_logical3A_51 : vector<16xi32>
    %iota3A_53 = tpu.iota {dimensions = array<i32: 0>} : vector<16xi32>
    %add3A_54 = arith.constant 48 : i32
    %add3A_55 = vector.broadcast %add3A_54 : i32 to vector<16xi32>
    %add3A_56 = arith.addi %iota3A_53, %add3A_55 : vector<16xi32>
    %shift_right_logical3A_57 = arith.constant 3 : i32
    %shift_right_logical3A_58 = vector.broadcast %shift_right_logical3A_57 : i32 to vector<16xi32>
    %shift_right_logical3A_59 = arith.shrui %add3A_56, %shift_right_logical3A_58 : vector<16xi32>
    %dma_start3A = arith.constant 0 : i32
    %dma_start3A_60 = arith.constant 0 : i32
    %dma_start3A_61 = tpu.memref_slice %arg7[%dma_start3A, %dma_start3A_60] : memref<125x80xi32, #tpu.memory_space<vmem>> -> memref<1x80xi32, #tpu.memory_space<vmem>>
    %dma_start3A_62 = tpu.memref_squeeze %dma_start3A_61 : memref<1x80xi32, #tpu.memory_space<vmem>> -> memref<80xi32, #tpu.memory_space<vmem>>
    %dma_start3A_63 = arith.constant 0 : i32
    %dma_start3A_64 = arith.constant 0 : i32
    %dma_start3A_65 = tpu.memref_slice %arg2[%dma_start3A_63, %dma_start3A_64] : memref<10000x80xf32, #tpu.memory_space<hbm>> -> memref<10000x80xf32, #tpu.memory_space<hbm>>
    tpu.enqueue_indirect_dma source(%dma_start3A_65 : memref<10000x80xf32, #tpu.memory_space<hbm>>) target(%arg9 : memref<80x80xf32, #tpu.memory_space<vmem>>) offsets(%dma_start3A_62 : memref<80xi32, #tpu.memory_space<vmem>>) semaphore(%arg15 : memref<!tpu.dma_semaphore, #tpu.memory_space<semaphore_mem>>)
    %dma_start3A_66 = arith.constant 0 : i32
    %dma_start3A_67 = arith.constant 0 : i32
    %dma_start3A_68 = tpu.memref_slice %arg8[%dma_start3A_66, %dma_start3A_67] : memref<125x80xi32, #tpu.memory_space<vmem>> -> memref<1x80xi32, #tpu.memory_space<vmem>>
    %dma_start3A_69 = tpu.memref_squeeze %dma_start3A_68 : memref<1x80xi32, #tpu.memory_space<vmem>> -> memref<80xi32, #tpu.memory_space<vmem>>
    %dma_start3A_70 = arith.constant 0 : i32
    %dma_start3A_71 = arith.constant 0 : i32
    %dma_start3A_72 = tpu.memref_slice %arg3[%dma_start3A_70, %dma_start3A_71] : memref<10000x16xf32, #tpu.memory_space<hbm>> -> memref<10000x16xf32, #tpu.memory_space<hbm>>
    tpu.enqueue_indirect_dma source(%dma_start3A_72 : memref<10000x16xf32, #tpu.memory_space<hbm>>) target(%arg11 : memref<80x16xf32, #tpu.memory_space<vmem>>) offsets(%dma_start3A_69 : memref<80xi32, #tpu.memory_space<vmem>>) semaphore(%arg17 : memref<!tpu.dma_semaphore, #tpu.memory_space<semaphore_mem>>)
    %scan3A_73 = arith.constant 0 : i32
    %scan3A_74 = arith.constant 63 : i32
    %scan3A_75 = arith.addi %scan3A_73, %scan3A_74 : i32
    %scan3A_76 = arith.constant 1 : i32
    scf.for %scan3A_83 = %scan3A_73 to %scan3A_75 step %scan3A_76  : i32 {
      %mul3A_84 = arith.constant 2 : i32
      %mul3A_85 = arith.muli %scan3A_83, %mul3A_84 : i32
      %add3A_86 = arith.constant 0 : i32
      %add3A_87 = arith.addi %add3A_86, %mul3A_85 : i32
      %add3A_88 = arith.constant 0 : i32
      %add3A_89 = arith.addi %add3A_87, %add3A_88 : i32
      %add3A_90 = arith.constant 2 : i32
      %add3A_91 = arith.addi %add3A_89, %add3A_90 : i32
      %sub3A = arith.constant 1 : i32
      %sub3A_92 = arith.subi %add3A_91, %sub3A : i32
      %lt3A = arith.constant 125 : i32
      %lt3A_93 = arith.cmpi slt, %sub3A_92, %lt3A : i32
      %convert_element_type3A = arith.extui %lt3A_93 : i1 to i32
      %cond3A = arith.constant 0 : i32
      %cond3A_94 = arith.cmpi ne, %convert_element_type3A, %cond3A : i32
      scf.if %cond3A_94 {
        %add3A_127 = arith.constant 2 : i32
        %add3A_128 = arith.addi %add3A_89, %add3A_127 : i32
        %sub3A_129 = arith.constant 1 : i32
        %sub3A_130 = arith.subi %add3A_128, %sub3A_129 : i32
        %dma_start3A_131 = arith.constant 0 : i32
        %dma_start3A_132 = tpu.memref_slice %arg7[%sub3A_130, %dma_start3A_131] : memref<125x80xi32, #tpu.memory_space<vmem>> -> memref<1x80xi32, #tpu.memory_space<vmem>>
        %dma_start3A_133 = tpu.memref_squeeze %dma_start3A_132 : memref<1x80xi32, #tpu.memory_space<vmem>> -> memref<80xi32, #tpu.memory_space<vmem>>
        %dma_start3A_134 = arith.constant 0 : i32
        %dma_start3A_135 = arith.constant 0 : i32
        %dma_start3A_136 = tpu.memref_slice %arg2[%dma_start3A_134, %dma_start3A_135] : memref<10000x80xf32, #tpu.memory_space<hbm>> -> memref<10000x80xf32, #tpu.memory_space<hbm>>
        tpu.enqueue_indirect_dma source(%dma_start3A_136 : memref<10000x80xf32, #tpu.memory_space<hbm>>) target(%arg10 : memref<80x80xf32, #tpu.memory_space<vmem>>) offsets(%dma_start3A_133 : memref<80xi32, #tpu.memory_space<vmem>>) semaphore(%arg16 : memref<!tpu.dma_semaphore, #tpu.memory_space<semaphore_mem>>)
        %dma_start3A_137 = arith.constant 0 : i32
        %dma_start3A_138 = tpu.memref_slice %arg8[%sub3A_130, %dma_start3A_137] : memref<125x80xi32, #tpu.memory_space<vmem>> -> memref<1x80xi32, #tpu.memory_space<vmem>>
        %dma_start3A_139 = tpu.memref_squeeze %dma_start3A_138 : memref<1x80xi32, #tpu.memory_space<vmem>> -> memref<80xi32, #tpu.memory_space<vmem>>
        %dma_start3A_140 = arith.constant 0 : i32
        %dma_start3A_141 = arith.constant 0 : i32
        %dma_start3A_142 = tpu.memref_slice %arg3[%dma_start3A_140, %dma_start3A_141] : memref<10000x16xf32, #tpu.memory_space<hbm>> -> memref<10000x16xf32, #tpu.memory_space<hbm>>
        tpu.enqueue_indirect_dma source(%dma_start3A_142 : memref<10000x16xf32, #tpu.memory_space<hbm>>) target(%arg12 : memref<80x16xf32, #tpu.memory_space<vmem>>) offsets(%dma_start3A_139 : memref<80xi32, #tpu.memory_space<vmem>>) semaphore(%arg18 : memref<!tpu.dma_semaphore, #tpu.memory_space<semaphore_mem>>)
      } else {
      }
      %dma_wait3A = arith.constant 0 : i32
      %dma_wait3A_95 = tpu.memref_slice %arg7[%add3A_89, %dma_wait3A] : memref<125x80xi32, #tpu.memory_space<vmem>> -> memref<1x80xi32, #tpu.memory_space<vmem>>
      %dma_wait3A_96 = tpu.memref_squeeze %dma_wait3A_95 : memref<1x80xi32, #tpu.memory_space<vmem>> -> memref<80xi32, #tpu.memory_space<vmem>>
      %dma_wait3A_97 = arith.constant 0 : i32
      %dma_wait3A_98 = arith.constant 0 : i32
      %dma_wait3A_99 = tpu.memref_slice %arg2[%dma_wait3A_97, %dma_wait3A_98] : memref<10000x80xf32, #tpu.memory_space<hbm>> -> memref<10000x80xf32, #tpu.memory_space<hbm>>
      tpu.wait_indirect_dma semaphore(%arg15 : memref<!tpu.dma_semaphore, #tpu.memory_space<semaphore_mem>>) src(%dma_wait3A_99 : memref<10000x80xf32, #tpu.memory_space<hbm>>) dst(%arg9 : memref<80x80xf32, #tpu.memory_space<vmem>>)
      %dma_wait3A_100 = arith.constant 0 : i32
      %dma_wait3A_101 = tpu.memref_slice %arg8[%add3A_89, %dma_wait3A_100] : memref<125x80xi32, #tpu.memory_space<vmem>> -> memref<1x80xi32, #tpu.memory_space<vmem>>
      %dma_wait3A_102 = tpu.memref_squeeze %dma_wait3A_101 : memref<1x80xi32, #tpu.memory_space<vmem>> -> memref<80xi32, #tpu.memory_space<vmem>>
      %dma_wait3A_103 = arith.constant 0 : i32
      %dma_wait3A_104 = arith.constant 0 : i32
      %dma_wait3A_105 = tpu.memref_slice %arg3[%dma_wait3A_103, %dma_wait3A_104] : memref<10000x16xf32, #tpu.memory_space<hbm>> -> memref<10000x16xf32, #tpu.memory_space<hbm>>
      tpu.wait_indirect_dma semaphore(%arg17 : memref<!tpu.dma_semaphore, #tpu.memory_space<semaphore_mem>>) src(%dma_wait3A_105 : memref<10000x16xf32, #tpu.memory_space<hbm>>) dst(%arg11 : memref<80x16xf32, #tpu.memory_space<vmem>>)
      %scan3A_106 = arith.constant 0 : i32
      %scan3A_107 = arith.constant 80 : i32
      %scan3A_108 = arith.addi %scan3A_106, %scan3A_107 : i32
      %scan3A_109 = arith.constant 8 : i32
      scf.for %scan3A_127 = %scan3A_106 to %scan3A_108 step %scan3A_109  : i32 {
        %mul3A_128 = arith.constant 1 : i32
        %mul3A_129 = arith.muli %scan3A_127, %mul3A_128 : i32
        %add3A_130 = arith.constant 0 : i32
        %add3A_131 = arith.addi %add3A_130, %mul3A_129 : i32
        %get3A = arith.index_cast %add3A_131 : i32 to index
        %get3A_132 = arith.constant 64 : index
        %get3A_133 = tpu.vector_load %arg9[%get3A, %get3A_132] {strides = array<i32>} : memref<80x80xf32, #tpu.memory_space<vmem>>, vector<16xf32>,
        %get3A_134 = arith.index_cast %add3A_131 : i32 to index
        %get3A_135 = arith.constant 0 : index
        %get3A_136 = tpu.vector_load %arg11[%get3A_134, %get3A_135] {strides = array<i32>} : memref<80x16xf32, #tpu.memory_space<vmem>>, vector<16xf32>,
        %add3A_137 = arith.addf %get3A_133, %get3A_136 : vector<16xf32>
        %gt3A = arith.constant 0.000000e+00 : f32
        %gt3A_138 = vector.broadcast %gt3A : f32 to vector<16xf32>
        %gt3A_139 = arith.cmpf ogt, %add3A_137, %gt3A_138 : vector<16xf32>
        %mul3A_140 = arith.constant 2.000000e-01 : f32
        %mul3A_141 = vector.broadcast %mul3A_140 : f32 to vector<16xf32>
        %mul3A_142 = arith.mulf %add3A_137, %mul3A_141 : vector<16xf32>
        %select_n3A = arith.select %gt3A_139, %add3A_137, %mul3A_142 : vector<16xi1>, vector<16xf32>
        %exp3A = math.exp %select_n3A : vector<16xf32>
        %swap3A = arith.index_cast %add3A_131 : i32 to index
        %swap3A_143 = arith.constant 64 : index
        %swap3A_144 = tpu.vector_load %arg9[%swap3A, %swap3A_143] {strides = array<i32>} : memref<80x80xf32, #tpu.memory_space<vmem>>, vector<16xf32>,
        tpu.vector_store %arg9[%swap3A, %swap3A_143], %exp3A {strides = array<i32>} : memref<80x80xf32, #tpu.memory_space<vmem>>, vector<16xf32>,
        %broadcast_in_dim3A_145 = vector.shape_cast %shift_right_logical3A_38 : vector<16xi32> to vector<16x1xi32>
        %gather3A = vector.shape_cast %broadcast_in_dim3A_145 : vector<16x1xi32> to vector<16xi32>
        %gather3A_146 = tpu.dynamic_gather %exp3A[%gather3A] in [0] : vector<16xf32>, vector<16xi32> -> vector<16xf32>
        %get3A_147 = arith.index_cast %add3A_131 : i32 to index
        %get3A_148 = arith.constant 0 : index
        %get3A_149 = tpu.vector_load %arg9[%get3A_147, %get3A_148] {strides = array<i32>} : memref<80x80xf32, #tpu.memory_space<vmem>>, vector<16xf32>,
        %mul3A_150 = arith.mulf %get3A_149, %gather3A_146 : vector<16xf32>
        %swap3A_151 = arith.index_cast %add3A_131 : i32 to index
        %swap3A_152 = arith.constant 0 : index
        %swap3A_153 = tpu.vector_load %arg9[%swap3A_151, %swap3A_152] {strides = array<i32>} : memref<80x80xf32, #tpu.memory_space<vmem>>, vector<16xf32>,
        tpu.vector_store %arg9[%swap3A_151, %swap3A_152], %mul3A_150 {strides = array<i32>} : memref<80x80xf32, #tpu.memory_space<vmem>>, vector<16xf32>,
        %broadcast_in_dim3A_154 = vector.shape_cast %shift_right_logical3A_45 : vector<16xi32> to vector<16x1xi32>
        %gather3A_155 = vector.shape_cast %broadcast_in_dim3A_154 : vector<16x1xi32> to vector<16xi32>
        %gather3A_156 = tpu.dynamic_gather %exp3A[%gather3A_155] in [0] : vector<16xf32>, vector<16xi32> -> vector<16xf32>
        %get3A_157 = arith.index_cast %add3A_131 : i32 to index
        %get3A_158 = arith.constant 16 : index
        %get3A_159 = tpu.vector_load %arg9[%get3A_157, %get3A_158] {strides = array<i32>} : memref<80x80xf32, #tpu.memory_space<vmem>>, vector<16xf32>,
        %mul3A_160 = arith.mulf %get3A_159, %gather3A_156 : vector<16xf32>
        %swap3A_161 = arith.index_cast %add3A_131 : i32 to index
        %swap3A_162 = arith.constant 16 : index
        %swap3A_163 = tpu.vector_load %arg9[%swap3A_161, %swap3A_162] {strides = array<i32>} : memref<80x80xf32, #tpu.memory_space<vmem>>, vector<16xf32>,
        tpu.vector_store %arg9[%swap3A_161, %swap3A_162], %mul3A_160 {strides = array<i32>} : memref<80x80xf32, #tpu.memory_space<vmem>>, vector<16xf32>,
        %broadcast_in_dim3A_164 = vector.shape_cast %shift_right_logical3A_52 : vector<16xi32> to vector<16x1xi32>
        %gather3A_165 = vector.shape_cast %broadcast_in_dim3A_164 : vector<16x1xi32> to vector<16xi32>
        %gather3A_166 = tpu.dynamic_gather %exp3A[%gather3A_165] in [0] : vector<16xf32>, vector<16xi32> -> vector<16xf32>
        %get3A_167 = arith.index_cast %add3A_131 : i32 to index
        %get3A_168 = arith.constant 32 : index
        %get3A_169 = tpu.vector_load %arg9[%get3A_167, %get3A_168] {strides = array<i32>} : memref<80x80xf32, #tpu.memory_space<vmem>>, vector<16xf32>,
        %mul3A_170 = arith.mulf %get3A_169, %gather3A_166 : vector<16xf32>
        %swap3A_171 = arith.index_cast %add3A_131 : i32 to index
        %swap3A_172 = arith.constant 32 : index
        %swap3A_173 = tpu.vector_load %arg9[%swap3A_171, %swap3A_172] {strides = array<i32>} : memref<80x80xf32, #tpu.memory_space<vmem>>, vector<16xf32>,
        tpu.vector_store %arg9[%swap3A_171, %swap3A_172], %mul3A_170 {strides = array<i32>} : memref<80x80xf32, #tpu.memory_space<vmem>>, vector<16xf32>,
        %broadcast_in_dim3A_174 = vector.shape_cast %shift_right_logical3A_59 : vector<16xi32> to vector<16x1xi32>
        %gather3A_175 = vector.shape_cast %broadcast_in_dim3A_174 : vector<16x1xi32> to vector<16xi32>
        %gather3A_176 = tpu.dynamic_gather %exp3A[%gather3A_175] in [0] : vector<16xf32>, vector<16xi32> -> vector<16xf32>
        %get3A_177 = arith.index_cast %add3A_131 : i32 to index
        %get3A_178 = arith.constant 48 : index
        %get3A_179 = tpu.vector_load %arg9[%get3A_177, %get3A_178] {strides = array<i32>} : memref<80x80xf32, #tpu.memory_space<vmem>>, vector<16xf32>,
        %mul3A_180 = arith.mulf %get3A_179, %gather3A_176 : vector<16xf32>
        %swap3A_181 = arith.index_cast %add3A_131 : i32 to index
        %swap3A_182 = arith.constant 48 : index
        %swap3A_183 = tpu.vector_load %arg9[%swap3A_181, %swap3A_182] {strides = array<i32>} : memref<80x80xf32, #tpu.memory_space<vmem>>, vector<16xf32>,
        tpu.vector_store %arg9[%swap3A_181, %swap3A_182], %mul3A_180 {strides = array<i32>} : memref<80x80xf32, #tpu.memory_space<vmem>>, vector<16xf32>,
        %scan3A_184 = arith.constant 1 : i32
        %scan3A_185 = arith.addi %scan3A_127, %scan3A_184 : i32
        %mul3A_186 = arith.constant 1 : i32
        %mul3A_187 = arith.muli %scan3A_185, %mul3A_186 : i32
        %add3A_188 = arith.constant 0 : i32
        %add3A_189 = arith.addi %add3A_188, %mul3A_187 : i32
        %get3A_190 = arith.index_cast %add3A_189 : i32 to index
        %get3A_191 = arith.constant 64 : index
        %get3A_192 = tpu.vector_load %arg9[%get3A_190, %get3A_191] {strides = array<i32>} : memref<80x80xf32, #tpu.memory_space<vmem>>, vector<16xf32>,
        %get3A_193 = arith.index_cast %add3A_189 : i32 to index
        %get3A_194 = arith.constant 0 : index
        %get3A_195 = tpu.vector_load %arg11[%get3A_193, %get3A_194] {strides = array<i32>} : memref<80x16xf32, #tpu.memory_space<vmem>>, vector<16xf32>,
        %add3A_196 = arith.addf %get3A_192, %get3A_195 : vector<16xf32>
        %gt3A_197 = arith.constant 0.000000e+00 : f32
        %gt3A_198 = vector.broadcast %gt3A_197 : f32 to vector<16xf32>
        %gt3A_199 = arith.cmpf ogt, %add3A_196, %gt3A_198 : vector<16xf32>
        %mul3A_200 = arith.constant 2.000000e-01 : f32
        %mul3A_201 = vector.broadcast %mul3A_200 : f32 to vector<16xf32>
        %mul3A_202 = arith.mulf %add3A_196, %mul3A_201 : vector<16xf32>
        %select_n3A_203 = arith.select %gt3A_199, %add3A_196, %mul3A_202 : vector<16xi1>, vector<16xf32>
        %exp3A_204 = math.exp %select_n3A_203 : vector<16xf32>
        %swap3A_205 = arith.index_cast %add3A_189 : i32 to index
        %swap3A_206 = arith.constant 64 : index
        %swap3A_207 = tpu.vector_load %arg9[%swap3A_205, %swap3A_206] {strides = array<i32>} : memref<80x80xf32, #tpu.memory_space<vmem>>, vector<16xf32>,
        tpu.vector_store %arg9[%swap3A_205, %swap3A_206], %exp3A_204 {strides = array<i32>} : memref<80x80xf32, #tpu.memory_space<vmem>>, vector<16xf32>,
        %broadcast_in_dim3A_208 = vector.shape_cast %shift_right_logical3A_38 : vector<16xi32> to vector<16x1xi32>
        %gather3A_209 = vector.shape_cast %broadcast_in_dim3A_208 : vector<16x1xi32> to vector<16xi32>
        %gather3A_210 = tpu.dynamic_gather %exp3A_204[%gather3A_209] in [0] : vector<16xf32>, vector<16xi32> -> vector<16xf32>
        %get3A_211 = arith.index_cast %add3A_189 : i32 to index
        %get3A_212 = arith.constant 0 : index
        %get3A_213 = tpu.vector_load %arg9[%get3A_211, %get3A_212] {strides = array<i32>} : memref<80x80xf32, #tpu.memory_space<vmem>>, vector<16xf32>,
        %mul3A_214 = arith.mulf %get3A_213, %gather3A_210 : vector<16xf32>
        %swap3A_215 = arith.index_cast %add3A_189 : i32 to index
        %swap3A_216 = arith.constant 0 : index
        %swap3A_217 = tpu.vector_load %arg9[%swap3A_215, %swap3A_216] {strides = array<i32>} : memref<80x80xf32, #tpu.memory_space<vmem>>, vector<16xf32>,
        tpu.vector_store %arg9[%swap3A_215, %swap3A_216], %mul3A_214 {strides = array<i32>} : memref<80x80xf32, #tpu.memory_space<vmem>>, vector<16xf32>,
        %broadcast_in_dim3A_218 = vector.shape_cast %shift_right_logical3A_45 : vector<16xi32> to vector<16x1xi32>
        %gather3A_219 = vector.shape_cast %broadcast_in_dim3A_218 : vector<16x1xi32> to vector<16xi32>
        %gather3A_220 = tpu.dynamic_gather %exp3A_204[%gather3A_219] in [0] : vector<16xf32>, vector<16xi32> -> vector<16xf32>
        %get3A_221 = arith.index_cast %add3A_189 : i32 to index
        %get3A_222 = arith.constant 16 : index
        %get3A_223 = tpu.vector_load %arg9[%get3A_221, %get3A_222] {strides = array<i32>} : memref<80x80xf32, #tpu.memory_space<vmem>>, vector<16xf32>,
        %mul3A_224 = arith.mulf %get3A_223, %gather3A_220 : vector<16xf32>
        %swap3A_225 = arith.index_cast %add3A_189 : i32 to index
        %swap3A_226 = arith.constant 16 : index
        %swap3A_227 = tpu.vector_load %arg9[%swap3A_225, %swap3A_226] {strides = array<i32>} : memref<80x80xf32, #tpu.memory_space<vmem>>, vector<16xf32>,
        tpu.vector_store %arg9[%swap3A_225, %swap3A_226], %mul3A_224 {strides = array<i32>} : memref<80x80xf32, #tpu.memory_space<vmem>>, vector<16xf32>,
        %broadcast_in_dim3A_228 = vector.shape_cast %shift_right_logical3A_52 : vector<16xi32> to vector<16x1xi32>
        %gather3A_229 = vector.shape_cast %broadcast_in_dim3A_228 : vector<16x1xi32> to vector<16xi32>
        %gather3A_230 = tpu.dynamic_gather %exp3A_204[%gather3A_229] in [0] : vector<16xf32>, vector<16xi32> -> vector<16xf32>
        %get3A_231 = arith.index_cast %add3A_189 : i32 to index
        %get3A_232 = arith.constant 32 : index
        %get3A_233 = tpu.vector_load %arg9[%get3A_231, %get3A_232] {strides = array<i32>} : memref<80x80xf32, #tpu.memory_space<vmem>>, vector<16xf32>,
        %mul3A_234 = arith.mulf %get3A_233, %gather3A_230 : vector<16xf32>
        %swap3A_235 = arith.index_cast %add3A_189 : i32 to index
        %swap3A_236 = arith.constant 32 : index
        %swap3A_237 = tpu.vector_load %arg9[%swap3A_235, %swap3A_236] {strides = array<i32>} : memref<80x80xf32, #tpu.memory_space<vmem>>, vector<16xf32>,
        tpu.vector_store %arg9[%swap3A_235, %swap3A_236], %mul3A_234 {strides = array<i32>} : memref<80x80xf32, #tpu.memory_space<vmem>>, vector<16xf32>,
        %broadcast_in_dim3A_238 = vector.shape_cast %shift_right_logical3A_59 : vector<16xi32> to vector<16x1xi32>
        %gather3A_239 = vector.shape_cast %broadcast_in_dim3A_238 : vector<16x1xi32> to vector<16xi32>
        %gather3A_240 = tpu.dynamic_gather %exp3A_204[%gather3A_239] in [0] : vector<16xf32>, vector<16xi32> -> vector<16xf32>
        %get3A_241 = arith.index_cast %add3A_189 : i32 to index
        %get3A_242 = arith.constant 48 : index
        %get3A_243 = tpu.vector_load %arg9[%get3A_241, %get3A_242] {strides = array<i32>} : memref<80x80xf32, #tpu.memory_space<vmem>>, vector<16xf32>,
        %mul3A_244 = arith.mulf %get3A_243, %gather3A_240 : vector<16xf32>
        %swap3A_245 = arith.index_cast %add3A_189 : i32 to index
        %swap3A_246 = arith.constant 48 : index
        %swap3A_247 = tpu.vector_load %arg9[%swap3A_245, %swap3A_246] {strides = array<i32>} : memref<80x80xf32, #tpu.memory_space<vmem>>, vector<16xf32>,
        tpu.vector_store %arg9[%swap3A_245, %swap3A_246], %mul3A_244 {strides = array<i32>} : memref<80x80xf32, #tpu.memory_space<vmem>>, vector<16xf32>,
        %scan3A_248 = arith.constant 2 : i32
        %scan3A_249 = arith.addi %scan3A_127, %scan3A_248 : i32
        %mul3A_250 = arith.constant 1 : i32
        %mul3A_251 = arith.muli %scan3A_249, %mul3A_250 : i32
        %add3A_252 = arith.constant 0 : i32
        %add3A_253 = arith.addi %add3A_252, %mul3A_251 : i32
        %get3A_254 = arith.index_cast %add3A_253 : i32 to index
        %get3A_255 = arith.constant 64 : index
        %get3A_256 = tpu.vector_load %arg9[%get3A_254, %get3A_255] {strides = array<i32>} : memref<80x80xf32, #tpu.memory_space<vmem>>, vector<16xf32>,
        %get3A_257 = arith.index_cast %add3A_253 : i32 to index
        %get3A_258 = arith.constant 0 : index
        %get3A_259 = tpu.vector_load %arg11[%get3A_257, %get3A_258] {strides = array<i32>} : memref<80x16xf32, #tpu.memory_space<vmem>>, vector<16xf32>,
        %add3A_260 = arith.addf %get3A_256, %get3A_259 : vector<16xf32>
        %gt3A_261 = arith.constant 0.000000e+00 : f32
        %gt3A_262 = vector.broadcast %gt3A_261 : f32 to vector<16xf32>
        %gt3A_263 = arith.cmpf ogt, %add3A_260, %gt3A_262 : vector<16xf32>
        %mul3A_264 = arith.constant 2.000000e-01 : f32
        %mul3A_265 = vector.broadcast %mul3A_264 : f32 to vector<16xf32>
        %mul3A_266 = arith.mulf %add3A_260, %mul3A_265 : vector<16xf32>
        %select_n3A_267 = arith.select %gt3A_263, %add3A_260, %mul3A_266 : vector<16xi1>, vector<16xf32>
        %exp3A_268 = math.exp %select_n3A_267 : vector<16xf32>
        %swap3A_269 = arith.index_cast %add3A_253 : i32 to index
        %swap3A_270 = arith.constant 64 : index
        %swap3A_271 = tpu.vector_load %arg9[%swap3A_269, %swap3A_270] {strides = array<i32>} : memref<80x80xf32, #tpu.memory_space<vmem>>, vector<16xf32>,
        tpu.vector_store %arg9[%swap3A_269, %swap3A_270], %exp3A_268 {strides = array<i32>} : memref<80x80xf32, #tpu.memory_space<vmem>>, vector<16xf32>,
        %broadcast_in_dim3A_272 = vector.shape_cast %shift_right_logical3A_38 : vector<16xi32> to vector<16x1xi32>
        %gather3A_273 = vector.shape_cast %broadcast_in_dim3A_272 : vector<16x1xi32> to vector<16xi32>
        %gather3A_274 = tpu.dynamic_gather %exp3A_268[%gather3A_273] in [0] : vector<16xf32>, vector<16xi32> -> vector<16xf32>
        %get3A_275 = arith.index_cast %add3A_253 : i32 to index
        %get3A_276 = arith.constant 0 : index
        %get3A_277 = tpu.vector_load %arg9[%get3A_275, %get3A_276] {strides = array<i32>} : memref<80x80xf32, #tpu.memory_space<vmem>>, vector<16xf32>,
        %mul3A_278 = arith.mulf %get3A_277, %gather3A_274 : vector<16xf32>
        %swap3A_279 = arith.index_cast %add3A_253 : i32 to index
        %swap3A_280 = arith.constant 0 : index
        %swap3A_281 = tpu.vector_load %arg9[%swap3A_279, %swap3A_280] {strides = array<i32>} : memref<80x80xf32, #tpu.memory_space<vmem>>, vector<16xf32>,
        tpu.vector_store %arg9[%swap3A_279, %swap3A_280], %mul3A_278 {strides = array<i32>} : memref<80x80xf32, #tpu.memory_space<vmem>>, vector<16xf32>,
        %broadcast_in_dim3A_282 = vector.shape_cast %shift_right_logical3A_45 : vector<16xi32> to vector<16x1xi32>
        %gather3A_283 = vector.shape_cast %broadcast_in_dim3A_282 : vector<16x1xi32> to vector<16xi32>
        %gather3A_284 = tpu.dynamic_gather %exp3A_268[%gather3A_283] in [0] : vector<16xf32>, vector<16xi32> -> vector<16xf32>
        %get3A_285 = arith.index_cast %add3A_253 : i32 to index
        %get3A_286 = arith.constant 16 : index
        %get3A_287 = tpu.vector_load %arg9[%get3A_285, %get3A_286] {strides = array<i32>} : memref<80x80xf32, #tpu.memory_space<vmem>>, vector<16xf32>,
        %mul3A_288 = arith.mulf %get3A_287, %gather3A_284 : vector<16xf32>
        %swap3A_289 = arith.index_cast %add3A_253 : i32 to index
        %swap3A_290 = arith.constant 16 : index
        %swap3A_291 = tpu.vector_load %arg9[%swap3A_289, %swap3A_290] {strides = array<i32>} : memref<80x80xf32, #tpu.memory_space<vmem>>, vector<16xf32>,
        tpu.vector_store %arg9[%swap3A_289, %swap3A_290], %mul3A_288 {strides = array<i32>} : memref<80x80xf32, #tpu.memory_space<vmem>>, vector<16xf32>,
        %broadcast_in_dim3A_292 = vector.shape_cast %shift_right_logical3A_52 : vector<16xi32> to vector<16x1xi32>
        %gather3A_293 = vector.shape_cast %broadcast_in_dim3A_292 : vector<16x1xi32> to vector<16xi32>
        %gather3A_294 = tpu.dynamic_gather %exp3A_268[%gather3A_293] in [0] : vector<16xf32>, vector<16xi32> -> vector<16xf32>
        %get3A_295 = arith.index_cast %add3A_253 : i32 to index
        %get3A_296 = arith.constant 32 : index
        %get3A_297 = tpu.vector_load %arg9[%get3A_295, %get3A_296] {strides = array<i32>} : memref<80x80xf32, #tpu.memory_space<vmem>>, vector<16xf32>,
        %mul3A_298 = arith.mulf %get3A_297, %gather3A_294 : vector<16xf32>
        %swap3A_299 = arith.index_cast %add3A_253 : i32 to index
        %swap3A_300 = arith.constant 32 : index
        %swap3A_301 = tpu.vector_load %arg9[%swap3A_299, %swap3A_300] {strides = array<i32>} : memref<80x80xf32, #tpu.memory_space<vmem>>, vector<16xf32>,
        tpu.vector_store %arg9[%swap3A_299, %swap3A_300], %mul3A_298 {strides = array<i32>} : memref<80x80xf32, #tpu.memory_space<vmem>>, vector<16xf32>,
        %broadcast_in_dim3A_302 = vector.shape_cast %shift_right_logical3A_59 : vector<16xi32> to vector<16x1xi32>
        %gather3A_303 = vector.shape_cast %broadcast_in_dim3A_302 : vector<16x1xi32> to vector<16xi32>
        %gather3A_304 = tpu.dynamic_gather %exp3A_268[%gather3A_303] in [0] : vector<16xf32>, vector<16xi32> -> vector<16xf32>
        %get3A_305 = arith.index_cast %add3A_253 : i32 to index
        %get3A_306 = arith.constant 48 : index
        %get3A_307 = tpu.vector_load %arg9[%get3A_305, %get3A_306] {strides = array<i32>} : memref<80x80xf32, #tpu.memory_space<vmem>>, vector<16xf32>,
        %mul3A_308 = arith.mulf %get3A_307, %gather3A_304 : vector<16xf32>
        %swap3A_309 = arith.index_cast %add3A_253 : i32 to index
        %swap3A_310 = arith.constant 48 : index
        %swap3A_311 = tpu.vector_load %arg9[%swap3A_309, %swap3A_310] {strides = array<i32>} : memref<80x80xf32, #tpu.memory_space<vmem>>, vector<16xf32>,
        tpu.vector_store %arg9[%swap3A_309, %swap3A_310], %mul3A_308 {strides = array<i32>} : memref<80x80xf32, #tpu.memory_space<vmem>>, vector<16xf32>,
        %scan3A_312 = arith.constant 3 : i32
        %scan3A_313 = arith.addi %scan3A_127, %scan3A_312 : i32
        %mul3A_314 = arith.constant 1 : i32
        %mul3A_315 = arith.muli %scan3A_313, %mul3A_314 : i32
        %add3A_316 = arith.constant 0 : i32
        %add3A_317 = arith.addi %add3A_316, %mul3A_315 : i32
        %get3A_318 = arith.index_cast %add3A_317 : i32 to index
        %get3A_319 = arith.constant 64 : index
        %get3A_320 = tpu.vector_load %arg9[%get3A_318, %get3A_319] {strides = array<i32>} : memref<80x80xf32, #tpu.memory_space<vmem>>, vector<16xf32>,
        %get3A_321 = arith.index_cast %add3A_317 : i32 to index
        %get3A_322 = arith.constant 0 : index
        %get3A_323 = tpu.vector_load %arg11[%get3A_321, %get3A_322] {strides = array<i32>} : memref<80x16xf32, #tpu.memory_space<vmem>>, vector<16xf32>,
        %add3A_324 = arith.addf %get3A_320, %get3A_323 : vector<16xf32>
        %gt3A_325 = arith.constant 0.000000e+00 : f32
        %gt3A_326 = vector.broadcast %gt3A_325 : f32 to vector<16xf32>
        %gt3A_327 = arith.cmpf ogt, %add3A_324, %gt3A_326 : vector<16xf32>
        %mul3A_328 = arith.constant 2.000000e-01 : f32
        %mul3A_329 = vector.broadcast %mul3A_328 : f32 to vector<16xf32>
        %mul3A_330 = arith.mulf %add3A_324, %mul3A_329 : vector<16xf32>
        %select_n3A_331 = arith.select %gt3A_327, %add3A_324, %mul3A_330 : vector<16xi1>, vector<16xf32>
        %exp3A_332 = math.exp %select_n3A_331 : vector<16xf32>
        %swap3A_333 = arith.index_cast %add3A_317 : i32 to index
        %swap3A_334 = arith.constant 64 : index
        %swap3A_335 = tpu.vector_load %arg9[%swap3A_333, %swap3A_334] {strides = array<i32>} : memref<80x80xf32, #tpu.memory_space<vmem>>, vector<16xf32>,
        tpu.vector_store %arg9[%swap3A_333, %swap3A_334], %exp3A_332 {strides = array<i32>} : memref<80x80xf32, #tpu.memory_space<vmem>>, vector<16xf32>,
        %broadcast_in_dim3A_336 = vector.shape_cast %shift_right_logical3A_38 : vector<16xi32> to vector<16x1xi32>
        %gather3A_337 = vector.shape_cast %broadcast_in_dim3A_336 : vector<16x1xi32> to vector<16xi32>
        %gather3A_338 = tpu.dynamic_gather %exp3A_332[%gather3A_337] in [0] : vector<16xf32>, vector<16xi32> -> vector<16xf32>
        %get3A_339 = arith.index_cast %add3A_317 : i32 to index
        %get3A_340 = arith.constant 0 : index
        %get3A_341 = tpu.vector_load %arg9[%get3A_339, %get3A_340] {strides = array<i32>} : memref<80x80xf32, #tpu.memory_space<vmem>>, vector<16xf32>,
        %mul3A_342 = arith.mulf %get3A_341, %gather3A_338 : vector<16xf32>
        %swap3A_343 = arith.index_cast %add3A_317 : i32 to index
        %swap3A_344 = arith.constant 0 : index
        %swap3A_345 = tpu.vector_load %arg9[%swap3A_343, %swap3A_344] {strides = array<i32>} : memref<80x80xf32, #tpu.memory_space<vmem>>, vector<16xf32>,
        tpu.vector_store %arg9[%swap3A_343, %swap3A_344], %mul3A_342 {strides = array<i32>} : memref<80x80xf32, #tpu.memory_space<vmem>>, vector<16xf32>,
        %broadcast_in_dim3A_346 = vector.shape_cast %shift_right_logical3A_45 : vector<16xi32> to vector<16x1xi32>
        %gather3A_347 = vector.shape_cast %broadcast_in_dim3A_346 : vector<16x1xi32> to vector<16xi32>
        %gather3A_348 = tpu.dynamic_gather %exp3A_332[%gather3A_347] in [0] : vector<16xf32>, vector<16xi32> -> vector<16xf32>
        %get3A_349 = arith.index_cast %add3A_317 : i32 to index
        %get3A_350 = arith.constant 16 : index
        %get3A_351 = tpu.vector_load %arg9[%get3A_349, %get3A_350] {strides = array<i32>} : memref<80x80xf32, #tpu.memory_space<vmem>>, vector<16xf32>,
        %mul3A_352 = arith.mulf %get3A_351, %gather3A_348 : vector<16xf32>
        %swap3A_353 = arith.index_cast %add3A_317 : i32 to index
        %swap3A_354 = arith.constant 16 : index
        %swap3A_355 = tpu.vector_load %arg9[%swap3A_353, %swap3A_354] {strides = array<i32>} : memref<80x80xf32, #tpu.memory_space<vmem>>, vector<16xf32>,
        tpu.vector_store %arg9[%swap3A_353, %swap3A_354], %mul3A_352 {strides = array<i32>} : memref<80x80xf32, #tpu.memory_space<vmem>>, vector<16xf32>,
        %broadcast_in_dim3A_356 = vector.shape_cast %shift_right_logical3A_52 : vector<16xi32> to vector<16x1xi32>
        %gather3A_357 = vector.shape_cast %broadcast_in_dim3A_356 : vector<16x1xi32> to vector<16xi32>
        %gather3A_358 = tpu.dynamic_gather %exp3A_332[%gather3A_357] in [0] : vector<16xf32>, vector<16xi32> -> vector<16xf32>
        %get3A_359 = arith.index_cast %add3A_317 : i32 to index
        %get3A_360 = arith.constant 32 : index
        %get3A_361 = tpu.vector_load %arg9[%get3A_359, %get3A_360] {strides = array<i32>} : memref<80x80xf32, #tpu.memory_space<vmem>>, vector<16xf32>,
        %mul3A_362 = arith.mulf %get3A_361, %gather3A_358 : vector<16xf32>
        %swap3A_363 = arith.index_cast %add3A_317 : i32 to index
        %swap3A_364 = arith.constant 32 : index
        %swap3A_365 = tpu.vector_load %arg9[%swap3A_363, %swap3A_364] {strides = array<i32>} : memref<80x80xf32, #tpu.memory_space<vmem>>, vector<16xf32>,
        tpu.vector_store %arg9[%swap3A_363, %swap3A_364], %mul3A_362 {strides = array<i32>} : memref<80x80xf32, #tpu.memory_space<vmem>>, vector<16xf32>,
        %broadcast_in_dim3A_366 = vector.shape_cast %shift_right_logical3A_59 : vector<16xi32> to vector<16x1xi32>
        %gather3A_367 = vector.shape_cast %broadcast_in_dim3A_366 : vector<16x1xi32> to vector<16xi32>
        %gather3A_368 = tpu.dynamic_gather %exp3A_332[%gather3A_367] in [0] : vector<16xf32>, vector<16xi32> -> vector<16xf32>
        %get3A_369 = arith.index_cast %add3A_317 : i32 to index
        %get3A_370 = arith.constant 48 : index
        %get3A_371 = tpu.vector_load %arg9[%get3A_369, %get3A_370] {strides = array<i32>} : memref<80x80xf32, #tpu.memory_space<vmem>>, vector<16xf32>,
        %mul3A_372 = arith.mulf %get3A_371, %gather3A_368 : vector<16xf32>
        %swap3A_373 = arith.index_cast %add3A_317 : i32 to index
        %swap3A_374 = arith.constant 48 : index
        %swap3A_375 = tpu.vector_load %arg9[%swap3A_373, %swap3A_374] {strides = array<i32>} : memref<80x80xf32, #tpu.memory_space<vmem>>, vector<16xf32>,
        tpu.vector_store %arg9[%swap3A_373, %swap3A_374], %mul3A_372 {strides = array<i32>} : memref<80x80xf32, #tpu.memory_space<vmem>>, vector<16xf32>,
        %scan3A_376 = arith.constant 4 : i32
        %scan3A_377 = arith.addi %scan3A_127, %scan3A_376 : i32
        %mul3A_378 = arith.constant 1 : i32
        %mul3A_379 = arith.muli %scan3A_377, %mul3A_378 : i32
        %add3A_380 = arith.constant 0 : i32
        %add3A_381 = arith.addi %add3A_380, %mul3A_379 : i32
        %get3A_382 = arith.index_cast %add3A_381 : i32 to index
        %get3A_383 = arith.constant 64 : index
        %get3A_384 = tpu.vector_load %arg9[%get3A_382, %get3A_383] {strides = array<i32>} : memref<80x80xf32, #tpu.memory_space<vmem>>, vector<16xf32>,
        %get3A_385 = arith.index_cast %add3A_381 : i32 to index
        %get3A_386 = arith.constant 0 : index
        %get3A_387 = tpu.vector_load %arg11[%get3A_385, %get3A_386] {strides = array<i32>} : memref<80x16xf32, #tpu.memory_space<vmem>>, vector<16xf32>,
        %add3A_388 = arith.addf %get3A_384, %get3A_387 : vector<16xf32>
        %gt3A_389 = arith.constant 0.000000e+00 : f32
        %gt3A_390 = vector.broadcast %gt3A_389 : f32 to vector<16xf32>
        %gt3A_391 = arith.cmpf ogt, %add3A_388, %gt3A_390 : vector<16xf32>
        %mul3A_392 = arith.constant 2.000000e-01 : f32
        %mul3A_393 = vector.broadcast %mul3A_392 : f32 to vector<16xf32>
        %mul3A_394 = arith.mulf %add3A_388, %mul3A_393 : vector<16xf32>
        %select_n3A_395 = arith.select %gt3A_391, %add3A_388, %mul3A_394 : vector<16xi1>, vector<16xf32>
        %exp3A_396 = math.exp %select_n3A_395 : vector<16xf32>
        %swap3A_397 = arith.index_cast %add3A_381 : i32 to index
        %swap3A_398 = arith.constant 64 : index
        %swap3A_399 = tpu.vector_load %arg9[%swap3A_397, %swap3A_398] {strides = array<i32>} : memref<80x80xf32, #tpu.memory_space<vmem>>, vector<16xf32>,
        tpu.vector_store %arg9[%swap3A_397, %swap3A_398], %exp3A_396 {strides = array<i32>} : memref<80x80xf32, #tpu.memory_space<vmem>>, vector<16xf32>,
        %broadcast_in_dim3A_400 = vector.shape_cast %shift_right_logical3A_38 : vector<16xi32> to vector<16x1xi32>
        %gather3A_401 = vector.shape_cast %broadcast_in_dim3A_400 : vector<16x1xi32> to vector<16xi32>
        %gather3A_402 = tpu.dynamic_gather %exp3A_396[%gather3A_401] in [0] : vector<16xf32>, vector<16xi32> -> vector<16xf32>
        %get3A_403 = arith.index_cast %add3A_381 : i32 to index
        %get3A_404 = arith.constant 0 : index
        %get3A_405 = tpu.vector_load %arg9[%get3A_403, %get3A_404] {strides = array<i32>} : memref<80x80xf32, #tpu.memory_space<vmem>>, vector<16xf32>,
        %mul3A_406 = arith.mulf %get3A_405, %gather3A_402 : vector<16xf32>
        %swap3A_407 = arith.index_cast %add3A_381 : i32 to index
        %swap3A_408 = arith.constant 0 : index
        %swap3A_409 = tpu.vector_load %arg9[%swap3A_407, %swap3A_408] {strides = array<i32>} : memref<80x80xf32, #tpu.memory_space<vmem>>, vector<16xf32>,
        tpu.vector_store %arg9[%swap3A_407, %swap3A_408], %mul3A_406 {strides = array<i32>} : memref<80x80xf32, #tpu.memory_space<vmem>>, vector<16xf32>,
        %broadcast_in_dim3A_410 = vector.shape_cast %shift_right_logical3A_45 : vector<16xi32> to vector<16x1xi32>
        %gather3A_411 = vector.shape_cast %broadcast_in_dim3A_410 : vector<16x1xi32> to vector<16xi32>
        %gather3A_412 = tpu.dynamic_gather %exp3A_396[%gather3A_411] in [0] : vector<16xf32>, vector<16xi32> -> vector<16xf32>
        %get3A_413 = arith.index_cast %add3A_381 : i32 to index
        %get3A_414 = arith.constant 16 : index
        %get3A_415 = tpu.vector_load %arg9[%get3A_413, %get3A_414] {strides = array<i32>} : memref<80x80xf32, #tpu.memory_space<vmem>>, vector<16xf32>,
        %mul3A_416 = arith.mulf %get3A_415, %gather3A_412 : vector<16xf32>
        %swap3A_417 = arith.index_cast %add3A_381 : i32 to index
        %swap3A_418 = arith.constant 16 : index
        %swap3A_419 = tpu.vector_load %arg9[%swap3A_417, %swap3A_418] {strides = array<i32>} : memref<80x80xf32, #tpu.memory_space<vmem>>, vector<16xf32>,
        tpu.vector_store %arg9[%swap3A_417, %swap3A_418], %mul3A_416 {strides = array<i32>} : memref<80x80xf32, #tpu.memory_space<vmem>>, vector<16xf32>,
        %broadcast_in_dim3A_420 = vector.shape_cast %shift_right_logical3A_52 : vector<16xi32> to vector<16x1xi32>
        %gather3A_421 = vector.shape_cast %broadcast_in_dim3A_420 : vector<16x1xi32> to vector<16xi32>
        %gather3A_422 = tpu.dynamic_gather %exp3A_396[%gather3A_421] in [0] : vector<16xf32>, vector<16xi32> -> vector<16xf32>
        %get3A_423 = arith.index_cast %add3A_381 : i32 to index
        %get3A_424 = arith.constant 32 : index
        %get3A_425 = tpu.vector_load %arg9[%get3A_423, %get3A_424] {strides = array<i32>} : memref<80x80xf32, #tpu.memory_space<vmem>>, vector<16xf32>,
        %mul3A_426 = arith.mulf %get3A_425, %gather3A_422 : vector<16xf32>
        %swap3A_427 = arith.index_cast %add3A_381 : i32 to index
        %swap3A_428 = arith.constant 32 : index
        %swap3A_429 = tpu.vector_load %arg9[%swap3A_427, %swap3A_428] {strides = array<i32>} : memref<80x80xf32, #tpu.memory_space<vmem>>, vector<16xf32>,
        tpu.vector_store %arg9[%swap3A_427, %swap3A_428], %mul3A_426 {strides = array<i32>} : memref<80x80xf32, #tpu.memory_space<vmem>>, vector<16xf32>,
        %broadcast_in_dim3A_430 = vector.shape_cast %shift_right_logical3A_59 : vector<16xi32> to vector<16x1xi32>
        %gather3A_431 = vector.shape_cast %broadcast_in_dim3A_430 : vector<16x1xi32> to vector<16xi32>
        %gather3A_432 = tpu.dynamic_gather %exp3A_396[%gather3A_431] in [0] : vector<16xf32>, vector<16xi32> -> vector<16xf32>
        %get3A_433 = arith.index_cast %add3A_381 : i32 to index
        %get3A_434 = arith.constant 48 : index
        %get3A_435 = tpu.vector_load %arg9[%get3A_433, %get3A_434] {strides = array<i32>} : memref<80x80xf32, #tpu.memory_space<vmem>>, vector<16xf32>,
        %mul3A_436 = arith.mulf %get3A_435, %gather3A_432 : vector<16xf32>
        %swap3A_437 = arith.index_cast %add3A_381 : i32 to index
        %swap3A_438 = arith.constant 48 : index
        %swap3A_439 = tpu.vector_load %arg9[%swap3A_437, %swap3A_438] {strides = array<i32>} : memref<80x80xf32, #tpu.memory_space<vmem>>, vector<16xf32>,
        tpu.vector_store %arg9[%swap3A_437, %swap3A_438], %mul3A_436 {strides = array<i32>} : memref<80x80xf32, #tpu.memory_space<vmem>>, vector<16xf32>,
        %scan3A_440 = arith.constant 5 : i32
        %scan3A_441 = arith.addi %scan3A_127, %scan3A_440 : i32
        %mul3A_442 = arith.constant 1 : i32
        %mul3A_443 = arith.muli %scan3A_441, %mul3A_442 : i32
        %add3A_444 = arith.constant 0 : i32
        %add3A_445 = arith.addi %add3A_444, %mul3A_443 : i32
        %get3A_446 = arith.index_cast %add3A_445 : i32 to index
        %get3A_447 = arith.constant 64 : index
        %get3A_448 = tpu.vector_load %arg9[%get3A_446, %get3A_447] {strides = array<i32>} : memref<80x80xf32, #tpu.memory_space<vmem>>, vector<16xf32>,
        %get3A_449 = arith.index_cast %add3A_445 : i32 to index
        %get3A_450 = arith.constant 0 : index
        %get3A_451 = tpu.vector_load %arg11[%get3A_449, %get3A_450] {strides = array<i32>} : memref<80x16xf32, #tpu.memory_space<vmem>>, vector<16xf32>,
        %add3A_452 = arith.addf %get3A_448, %get3A_451 : vector<16xf32>
        %gt3A_453 = arith.constant 0.000000e+00 : f32
        %gt3A_454 = vector.broadcast %gt3A_453 : f32 to vector<16xf32>
        %gt3A_455 = arith.cmpf ogt, %add3A_452, %gt3A_454 : vector<16xf32>
        %mul3A_456 = arith.constant 2.000000e-01 : f32
        %mul3A_457 = vector.broadcast %mul3A_456 : f32 to vector<16xf32>
        %mul3A_458 = arith.mulf %add3A_452, %mul3A_457 : vector<16xf32>
        %select_n3A_459 = arith.select %gt3A_455, %add3A_452, %mul3A_458 : vector<16xi1>, vector<16xf32>
        %exp3A_460 = math.exp %select_n3A_459 : vector<16xf32>
        %swap3A_461 = arith.index_cast %add3A_445 : i32 to index
        %swap3A_462 = arith.constant 64 : index
        %swap3A_463 = tpu.vector_load %arg9[%swap3A_461, %swap3A_462] {strides = array<i32>} : memref<80x80xf32, #tpu.memory_space<vmem>>, vector<16xf32>,
        tpu.vector_store %arg9[%swap3A_461, %swap3A_462], %exp3A_460 {strides = array<i32>} : memref<80x80xf32, #tpu.memory_space<vmem>>, vector<16xf32>,
        %broadcast_in_dim3A_464 = vector.shape_cast %shift_right_logical3A_38 : vector<16xi32> to vector<16x1xi32>
        %gather3A_465 = vector.shape_cast %broadcast_in_dim3A_464 : vector<16x1xi32> to vector<16xi32>
        %gather3A_466 = tpu.dynamic_gather %exp3A_460[%gather3A_465] in [0] : vector<16xf32>, vector<16xi32> -> vector<16xf32>
        %get3A_467 = arith.index_cast %add3A_445 : i32 to index
        %get3A_468 = arith.constant 0 : index
        %get3A_469 = tpu.vector_load %arg9[%get3A_467, %get3A_468] {strides = array<i32>} : memref<80x80xf32, #tpu.memory_space<vmem>>, vector<16xf32>,
        %mul3A_470 = arith.mulf %get3A_469, %gather3A_466 : vector<16xf32>
        %swap3A_471 = arith.index_cast %add3A_445 : i32 to index
        %swap3A_472 = arith.constant 0 : index
        %swap3A_473 = tpu.vector_load %arg9[%swap3A_471, %swap3A_472] {strides = array<i32>} : memref<80x80xf32, #tpu.memory_space<vmem>>, vector<16xf32>,
        tpu.vector_store %arg9[%swap3A_471, %swap3A_472], %mul3A_470 {strides = array<i32>} : memref<80x80xf32, #tpu.memory_space<vmem>>, vector<16xf32>,
        %broadcast_in_dim3A_474 = vector.shape_cast %shift_right_logical3A_45 : vector<16xi32> to vector<16x1xi32>
        %gather3A_475 = vector.shape_cast %broadcast_in_dim3A_474 : vector<16x1xi32> to vector<16xi32>
        %gather3A_476 = tpu.dynamic_gather %exp3A_460[%gather3A_475] in [0] : vector<16xf32>, vector<16xi32> -> vector<16xf32>
        %get3A_477 = arith.index_cast %add3A_445 : i32 to index
        %get3A_478 = arith.constant 16 : index
        %get3A_479 = tpu.vector_load %arg9[%get3A_477, %get3A_478] {strides = array<i32>} : memref<80x80xf32, #tpu.memory_space<vmem>>, vector<16xf32>,
        %mul3A_480 = arith.mulf %get3A_479, %gather3A_476 : vector<16xf32>
        %swap3A_481 = arith.index_cast %add3A_445 : i32 to index
        %swap3A_482 = arith.constant 16 : index
        %swap3A_483 = tpu.vector_load %arg9[%swap3A_481, %swap3A_482] {strides = array<i32>} : memref<80x80xf32, #tpu.memory_space<vmem>>, vector<16xf32>,
        tpu.vector_store %arg9[%swap3A_481, %swap3A_482], %mul3A_480 {strides = array<i32>} : memref<80x80xf32, #tpu.memory_space<vmem>>, vector<16xf32>,
        %broadcast_in_dim3A_484 = vector.shape_cast %shift_right_logical3A_52 : vector<16xi32> to vector<16x1xi32>
        %gather3A_485 = vector.shape_cast %broadcast_in_dim3A_484 : vector<16x1xi32> to vector<16xi32>
        %gather3A_486 = tpu.dynamic_gather %exp3A_460[%gather3A_485] in [0] : vector<16xf32>, vector<16xi32> -> vector<16xf32>
        %get3A_487 = arith.index_cast %add3A_445 : i32 to index
        %get3A_488 = arith.constant 32 : index
        %get3A_489 = tpu.vector_load %arg9[%get3A_487, %get3A_488] {strides = array<i32>} : memref<80x80xf32, #tpu.memory_space<vmem>>, vector<16xf32>,
        %mul3A_490 = arith.mulf %get3A_489, %gather3A_486 : vector<16xf32>
        %swap3A_491 = arith.index_cast %add3A_445 : i32 to index
        %swap3A_492 = arith.constant 32 : index
        %swap3A_493 = tpu.vector_load %arg9[%swap3A_491, %swap3A_492] {strides = array<i32>} : memref<80x80xf32, #tpu.memory_space<vmem>>, vector<16xf32>,
        tpu.vector_store %arg9[%swap3A_491, %swap3A_492], %mul3A_490 {strides = array<i32>} : memref<80x80xf32, #tpu.memory_space<vmem>>, vector<16xf32>,
        %broadcast_in_dim3A_494 = vector.shape_cast %shift_right_logical3A_59 : vector<16xi32> to vector<16x1xi32>
        %gather3A_495 = vector.shape_cast %broadcast_in_dim3A_494 : vector<16x1xi32> to vector<16xi32>
        %gather3A_496 = tpu.dynamic_gather %exp3A_460[%gather3A_495] in [0] : vector<16xf32>, vector<16xi32> -> vector<16xf32>
        %get3A_497 = arith.index_cast %add3A_445 : i32 to index
        %get3A_498 = arith.constant 48 : index
        %get3A_499 = tpu.vector_load %arg9[%get3A_497, %get3A_498] {strides = array<i32>} : memref<80x80xf32, #tpu.memory_space<vmem>>, vector<16xf32>,
        %mul3A_500 = arith.mulf %get3A_499, %gather3A_496 : vector<16xf32>
        %swap3A_501 = arith.index_cast %add3A_445 : i32 to index
        %swap3A_502 = arith.constant 48 : index
        %swap3A_503 = tpu.vector_load %arg9[%swap3A_501, %swap3A_502] {strides = array<i32>} : memref<80x80xf32, #tpu.memory_space<vmem>>, vector<16xf32>,
        tpu.vector_store %arg9[%swap3A_501, %swap3A_502], %mul3A_500 {strides = array<i32>} : memref<80x80xf32, #tpu.memory_space<vmem>>, vector<16xf32>,
        %scan3A_504 = arith.constant 6 : i32
        %scan3A_505 = arith.addi %scan3A_127, %scan3A_504 : i32
        %mul3A_506 = arith.constant 1 : i32
        %mul3A_507 = arith.muli %scan3A_505, %mul3A_506 : i32
        %add3A_508 = arith.constant 0 : i32
        %add3A_509 = arith.addi %add3A_508, %mul3A_507 : i32
        %get3A_510 = arith.index_cast %add3A_509 : i32 to index
        %get3A_511 = arith.constant 64 : index
        %get3A_512 = tpu.vector_load %arg9[%get3A_510, %get3A_511] {strides = array<i32>} : memref<80x80xf32, #tpu.memory_space<vmem>>, vector<16xf32>,
        %get3A_513 = arith.index_cast %add3A_509 : i32 to index
        %get3A_514 = arith.constant 0 : index
        %get3A_515 = tpu.vector_load %arg11[%get3A_513, %get3A_514] {strides = array<i32>} : memref<80x16xf32, #tpu.memory_space<vmem>>, vector<16xf32>,
        %add3A_516 = arith.addf %get3A_512, %get3A_515 : vector<16xf32>
        %gt3A_517 = arith.constant 0.000000e+00 : f32
        %gt3A_518 = vector.broadcast %gt3A_517 : f32 to vector<16xf32>
        %gt3A_519 = arith.cmpf ogt, %add3A_516, %gt3A_518 : vector<16xf32>
        %mul3A_520 = arith.constant 2.000000e-01 : f32
        %mul3A_521 = vector.broadcast %mul3A_520 : f32 to vector<16xf32>
        %mul3A_522 = arith.mulf %add3A_516, %mul3A_521 : vector<16xf32>
        %select_n3A_523 = arith.select %gt3A_519, %add3A_516, %mul3A_522 : vector<16xi1>, vector<16xf32>
        %exp3A_524 = math.exp %select_n3A_523 : vector<16xf32>
        %swap3A_525 = arith.index_cast %add3A_509 : i32 to index
        %swap3A_526 = arith.constant 64 : index
        %swap3A_527 = tpu.vector_load %arg9[%swap3A_525, %swap3A_526] {strides = array<i32>} : memref<80x80xf32, #tpu.memory_space<vmem>>, vector<16xf32>,
        tpu.vector_store %arg9[%swap3A_525, %swap3A_526], %exp3A_524 {strides = array<i32>} : memref<80x80xf32, #tpu.memory_space<vmem>>, vector<16xf32>,
        %broadcast_in_dim3A_528 = vector.shape_cast %shift_right_logical3A_38 : vector<16xi32> to vector<16x1xi32>
        %gather3A_529 = vector.shape_cast %broadcast_in_dim3A_528 : vector<16x1xi32> to vector<16xi32>
        %gather3A_530 = tpu.dynamic_gather %exp3A_524[%gather3A_529] in [0] : vector<16xf32>, vector<16xi32> -> vector<16xf32>
        %get3A_531 = arith.index_cast %add3A_509 : i32 to index
        %get3A_532 = arith.constant 0 : index
        %get3A_533 = tpu.vector_load %arg9[%get3A_531, %get3A_532] {strides = array<i32>} : memref<80x80xf32, #tpu.memory_space<vmem>>, vector<16xf32>,
        %mul3A_534 = arith.mulf %get3A_533, %gather3A_530 : vector<16xf32>
        %swap3A_535 = arith.index_cast %add3A_509 : i32 to index
        %swap3A_536 = arith.constant 0 : index
        %swap3A_537 = tpu.vector_load %arg9[%swap3A_535, %swap3A_536] {strides = array<i32>} : memref<80x80xf32, #tpu.memory_space<vmem>>, vector<16xf32>,
        tpu.vector_store %arg9[%swap3A_535, %swap3A_536], %mul3A_534 {strides = array<i32>} : memref<80x80xf32, #tpu.memory_space<vmem>>, vector<16xf32>,
        %broadcast_in_dim3A_538 = vector.shape_cast %shift_right_logical3A_45 : vector<16xi32> to vector<16x1xi32>
        %gather3A_539 = vector.shape_cast %broadcast_in_dim3A_538 : vector<16x1xi32> to vector<16xi32>
        %gather3A_540 = tpu.dynamic_gather %exp3A_524[%gather3A_539] in [0] : vector<16xf32>, vector<16xi32> -> vector<16xf32>
        %get3A_541 = arith.index_cast %add3A_509 : i32 to index
        %get3A_542 = arith.constant 16 : index
        %get3A_543 = tpu.vector_load %arg9[%get3A_541, %get3A_542] {strides = array<i32>} : memref<80x80xf32, #tpu.memory_space<vmem>>, vector<16xf32>,
        %mul3A_544 = arith.mulf %get3A_543, %gather3A_540 : vector<16xf32>
        %swap3A_545 = arith.index_cast %add3A_509 : i32 to index
        %swap3A_546 = arith.constant 16 : index
        %swap3A_547 = tpu.vector_load %arg9[%swap3A_545, %swap3A_546] {strides = array<i32>} : memref<80x80xf32, #tpu.memory_space<vmem>>, vector<16xf32>,
        tpu.vector_store %arg9[%swap3A_545, %swap3A_546], %mul3A_544 {strides = array<i32>} : memref<80x80xf32, #tpu.memory_space<vmem>>, vector<16xf32>,
        %broadcast_in_dim3A_548 = vector.shape_cast %shift_right_logical3A_52 : vector<16xi32> to vector<16x1xi32>
        %gather3A_549 = vector.shape_cast %broadcast_in_dim3A_548 : vector<16x1xi32> to vector<16xi32>
        %gather3A_550 = tpu.dynamic_gather %exp3A_524[%gather3A_549] in [0] : vector<16xf32>, vector<16xi32> -> vector<16xf32>
        %get3A_551 = arith.index_cast %add3A_509 : i32 to index
        %get3A_552 = arith.constant 32 : index
        %get3A_553 = tpu.vector_load %arg9[%get3A_551, %get3A_552] {strides = array<i32>} : memref<80x80xf32, #tpu.memory_space<vmem>>, vector<16xf32>,
        %mul3A_554 = arith.mulf %get3A_553, %gather3A_550 : vector<16xf32>
        %swap3A_555 = arith.index_cast %add3A_509 : i32 to index
        %swap3A_556 = arith.constant 32 : index
        %swap3A_557 = tpu.vector_load %arg9[%swap3A_555, %swap3A_556] {strides = array<i32>} : memref<80x80xf32, #tpu.memory_space<vmem>>, vector<16xf32>,
        tpu.vector_store %arg9[%swap3A_555, %swap3A_556], %mul3A_554 {strides = array<i32>} : memref<80x80xf32, #tpu.memory_space<vmem>>, vector<16xf32>,
        %broadcast_in_dim3A_558 = vector.shape_cast %shift_right_logical3A_59 : vector<16xi32> to vector<16x1xi32>
        %gather3A_559 = vector.shape_cast %broadcast_in_dim3A_558 : vector<16x1xi32> to vector<16xi32>
        %gather3A_560 = tpu.dynamic_gather %exp3A_524[%gather3A_559] in [0] : vector<16xf32>, vector<16xi32> -> vector<16xf32>
        %get3A_561 = arith.index_cast %add3A_509 : i32 to index
        %get3A_562 = arith.constant 48 : index
        %get3A_563 = tpu.vector_load %arg9[%get3A_561, %get3A_562] {strides = array<i32>} : memref<80x80xf32, #tpu.memory_space<vmem>>, vector<16xf32>,
        %mul3A_564 = arith.mulf %get3A_563, %gather3A_560 : vector<16xf32>
        %swap3A_565 = arith.index_cast %add3A_509 : i32 to index
        %swap3A_566 = arith.constant 48 : index
        %swap3A_567 = tpu.vector_load %arg9[%swap3A_565, %swap3A_566] {strides = array<i32>} : memref<80x80xf32, #tpu.memory_space<vmem>>, vector<16xf32>,
        tpu.vector_store %arg9[%swap3A_565, %swap3A_566], %mul3A_564 {strides = array<i32>} : memref<80x80xf32, #tpu.memory_space<vmem>>, vector<16xf32>,
        %scan3A_568 = arith.constant 7 : i32
        %scan3A_569 = arith.addi %scan3A_127, %scan3A_568 : i32
        %mul3A_570 = arith.constant 1 : i32
        %mul3A_571 = arith.muli %scan3A_569, %mul3A_570 : i32
        %add3A_572 = arith.constant 0 : i32
        %add3A_573 = arith.addi %add3A_572, %mul3A_571 : i32
        %get3A_574 = arith.index_cast %add3A_573 : i32 to index
        %get3A_575 = arith.constant 64 : index
        %get3A_576 = tpu.vector_load %arg9[%get3A_574, %get3A_575] {strides = array<i32>} : memref<80x80xf32, #tpu.memory_space<vmem>>, vector<16xf32>,
        %get3A_577 = arith.index_cast %add3A_573 : i32 to index
        %get3A_578 = arith.constant 0 : index
        %get3A_579 = tpu.vector_load %arg11[%get3A_577, %get3A_578] {strides = array<i32>} : memref<80x16xf32, #tpu.memory_space<vmem>>, vector<16xf32>,
        %add3A_580 = arith.addf %get3A_576, %get3A_579 : vector<16xf32>
        %gt3A_581 = arith.constant 0.000000e+00 : f32
        %gt3A_582 = vector.broadcast %gt3A_581 : f32 to vector<16xf32>
        %gt3A_583 = arith.cmpf ogt, %add3A_580, %gt3A_582 : vector<16xf32>
        %mul3A_584 = arith.constant 2.000000e-01 : f32
        %mul3A_585 = vector.broadcast %mul3A_584 : f32 to vector<16xf32>
        %mul3A_586 = arith.mulf %add3A_580, %mul3A_585 : vector<16xf32>
        %select_n3A_587 = arith.select %gt3A_583, %add3A_580, %mul3A_586 : vector<16xi1>, vector<16xf32>
        %exp3A_588 = math.exp %select_n3A_587 : vector<16xf32>
        %swap3A_589 = arith.index_cast %add3A_573 : i32 to index
        %swap3A_590 = arith.constant 64 : index
        %swap3A_591 = tpu.vector_load %arg9[%swap3A_589, %swap3A_590] {strides = array<i32>} : memref<80x80xf32, #tpu.memory_space<vmem>>, vector<16xf32>,
        tpu.vector_store %arg9[%swap3A_589, %swap3A_590], %exp3A_588 {strides = array<i32>} : memref<80x80xf32, #tpu.memory_space<vmem>>, vector<16xf32>,
        %broadcast_in_dim3A_592 = vector.shape_cast %shift_right_logical3A_38 : vector<16xi32> to vector<16x1xi32>
        %gather3A_593 = vector.shape_cast %broadcast_in_dim3A_592 : vector<16x1xi32> to vector<16xi32>
        %gather3A_594 = tpu.dynamic_gather %exp3A_588[%gather3A_593] in [0] : vector<16xf32>, vector<16xi32> -> vector<16xf32>
        %get3A_595 = arith.index_cast %add3A_573 : i32 to index
        %get3A_596 = arith.constant 0 : index
        %get3A_597 = tpu.vector_load %arg9[%get3A_595, %get3A_596] {strides = array<i32>} : memref<80x80xf32, #tpu.memory_space<vmem>>, vector<16xf32>,
        %mul3A_598 = arith.mulf %get3A_597, %gather3A_594 : vector<16xf32>
        %swap3A_599 = arith.index_cast %add3A_573 : i32 to index
        %swap3A_600 = arith.constant 0 : index
        %swap3A_601 = tpu.vector_load %arg9[%swap3A_599, %swap3A_600] {strides = array<i32>} : memref<80x80xf32, #tpu.memory_space<vmem>>, vector<16xf32>,
        tpu.vector_store %arg9[%swap3A_599, %swap3A_600], %mul3A_598 {strides = array<i32>} : memref<80x80xf32, #tpu.memory_space<vmem>>, vector<16xf32>,
        %broadcast_in_dim3A_602 = vector.shape_cast %shift_right_logical3A_45 : vector<16xi32> to vector<16x1xi32>
        %gather3A_603 = vector.shape_cast %broadcast_in_dim3A_602 : vector<16x1xi32> to vector<16xi32>
        %gather3A_604 = tpu.dynamic_gather %exp3A_588[%gather3A_603] in [0] : vector<16xf32>, vector<16xi32> -> vector<16xf32>
        %get3A_605 = arith.index_cast %add3A_573 : i32 to index
        %get3A_606 = arith.constant 16 : index
        %get3A_607 = tpu.vector_load %arg9[%get3A_605, %get3A_606] {strides = array<i32>} : memref<80x80xf32, #tpu.memory_space<vmem>>, vector<16xf32>,
        %mul3A_608 = arith.mulf %get3A_607, %gather3A_604 : vector<16xf32>
        %swap3A_609 = arith.index_cast %add3A_573 : i32 to index
        %swap3A_610 = arith.constant 16 : index
        %swap3A_611 = tpu.vector_load %arg9[%swap3A_609, %swap3A_610] {strides = array<i32>} : memref<80x80xf32, #tpu.memory_space<vmem>>, vector<16xf32>,
        tpu.vector_store %arg9[%swap3A_609, %swap3A_610], %mul3A_608 {strides = array<i32>} : memref<80x80xf32, #tpu.memory_space<vmem>>, vector<16xf32>,
        %broadcast_in_dim3A_612 = vector.shape_cast %shift_right_logical3A_52 : vector<16xi32> to vector<16x1xi32>
        %gather3A_613 = vector.shape_cast %broadcast_in_dim3A_612 : vector<16x1xi32> to vector<16xi32>
        %gather3A_614 = tpu.dynamic_gather %exp3A_588[%gather3A_613] in [0] : vector<16xf32>, vector<16xi32> -> vector<16xf32>
        %get3A_615 = arith.index_cast %add3A_573 : i32 to index
        %get3A_616 = arith.constant 32 : index
        %get3A_617 = tpu.vector_load %arg9[%get3A_615, %get3A_616] {strides = array<i32>} : memref<80x80xf32, #tpu.memory_space<vmem>>, vector<16xf32>,
        %mul3A_618 = arith.mulf %get3A_617, %gather3A_614 : vector<16xf32>
        %swap3A_619 = arith.index_cast %add3A_573 : i32 to index
        %swap3A_620 = arith.constant 32 : index
        %swap3A_621 = tpu.vector_load %arg9[%swap3A_619, %swap3A_620] {strides = array<i32>} : memref<80x80xf32, #tpu.memory_space<vmem>>, vector<16xf32>,
        tpu.vector_store %arg9[%swap3A_619, %swap3A_620], %mul3A_618 {strides = array<i32>} : memref<80x80xf32, #tpu.memory_space<vmem>>, vector<16xf32>,
        %broadcast_in_dim3A_622 = vector.shape_cast %shift_right_logical3A_59 : vector<16xi32> to vector<16x1xi32>
        %gather3A_623 = vector.shape_cast %broadcast_in_dim3A_622 : vector<16x1xi32> to vector<16xi32>
        %gather3A_624 = tpu.dynamic_gather %exp3A_588[%gather3A_623] in [0] : vector<16xf32>, vector<16xi32> -> vector<16xf32>
        %get3A_625 = arith.index_cast %add3A_573 : i32 to index
        %get3A_626 = arith.constant 48 : index
        %get3A_627 = tpu.vector_load %arg9[%get3A_625, %get3A_626] {strides = array<i32>} : memref<80x80xf32, #tpu.memory_space<vmem>>, vector<16xf32>,
        %mul3A_628 = arith.mulf %get3A_627, %gather3A_624 : vector<16xf32>
        %swap3A_629 = arith.index_cast %add3A_573 : i32 to index
        %swap3A_630 = arith.constant 48 : index
        %swap3A_631 = tpu.vector_load %arg9[%swap3A_629, %swap3A_630] {strides = array<i32>} : memref<80x80xf32, #tpu.memory_space<vmem>>, vector<16xf32>,
        tpu.vector_store %arg9[%swap3A_629, %swap3A_630], %mul3A_628 {strides = array<i32>} : memref<80x80xf32, #tpu.memory_space<vmem>>, vector<16xf32>,
      }
      %scan3A_110 = arith.constant 80 : i32
      "tpu.region"() ({
        %run_scoped3A = tpu.sem_alloc : memref<!tpu.dma_semaphore, #tpu.memory_space<semaphore_mem>>
        %dma_start3A_127 = arith.constant 0 : i32
        %dma_start3A_128 = tpu.memref_slice %arg8[%add3A_89, %dma_start3A_127] : memref<125x80xi32, #tpu.memory_space<vmem>> -> memref<1x80xi32, #tpu.memory_space<vmem>>
        %dma_start3A_129 = tpu.memref_squeeze %dma_start3A_128 : memref<1x80xi32, #tpu.memory_space<vmem>> -> memref<80xi32, #tpu.memory_space<vmem>>
        %dma_start3A_130 = arith.constant 0 : i32
        %dma_start3A_131 = arith.constant 0 : i32
        %dma_start3A_132 = tpu.memref_slice %arg14[%dma_start3A_130, %dma_start3A_131] : memref<10112x80xf32, #tpu.memory_space<vmem_shared>> -> memref<10112x80xf32, #tpu.memory_space<vmem_shared>>
        tpu.enqueue_indirect_dma source(%arg9 : memref<80x80xf32, #tpu.memory_space<vmem>>) target(%dma_start3A_132 : memref<10112x80xf32, #tpu.memory_space<vmem_shared>>) offsets(%dma_start3A_129 : memref<80xi32, #tpu.memory_space<vmem>>) semaphore(%run_scoped3A : memref<!tpu.dma_semaphore, #tpu.memory_space<semaphore_mem>>) {add = true}
        %dma_wait3A_133 = arith.constant 0 : i32
        %dma_wait3A_134 = tpu.memref_slice %arg8[%add3A_89, %dma_wait3A_133] : memref<125x80xi32, #tpu.memory_space<vmem>> -> memref<1x80xi32, #tpu.memory_space<vmem>>
        %dma_wait3A_135 = tpu.memref_squeeze %dma_wait3A_134 : memref<1x80xi32, #tpu.memory_space<vmem>> -> memref<80xi32, #tpu.memory_space<vmem>>
        %dma_wait3A_136 = arith.constant 0 : i32
        %dma_wait3A_137 = arith.constant 0 : i32
        %dma_wait3A_138 = tpu.memref_slice %arg14[%dma_wait3A_136, %dma_wait3A_137] : memref<10112x80xf32, #tpu.memory_space<vmem_shared>> -> memref<10112x80xf32, #tpu.memory_space<vmem_shared>>
        tpu.wait_indirect_dma semaphore(%run_scoped3A : memref<!tpu.dma_semaphore, #tpu.memory_space<semaphore_mem>>) src(%arg9 : memref<80x80xf32, #tpu.memory_space<vmem>>) dst(%dma_wait3A_138 : memref<10112x80xf32, #tpu.memory_space<vmem_shared>>)
        tpu.yield
      }) : () -> ()
      %add3A_111 = arith.constant 1 : i32
      %add3A_112 = arith.addi %add3A_87, %add3A_111 : i32
      %add3A_113 = arith.constant 2 : i32
      %add3A_114 = arith.addi %add3A_112, %add3A_113 : i32
      %sub3A_115 = arith.constant 1 : i32
      %sub3A_116 = arith.subi %add3A_114, %sub3A_115 : i32
      %lt3A_117 = arith.constant 125 : i32
      %lt3A_118 = arith.cmpi slt, %sub3A_116, %lt3A_117 : i32
      %convert_element_type3A_119 = arith.extui %lt3A_118 : i1 to i32
      %cond3A_120 = arith.constant 0 : i32
      %cond3A_121 = arith.cmpi ne, %convert_element_type3A_119, %cond3A_120 : i32
      scf.if %cond3A_121 {
        %add3A_127 = arith.constant 2 : i32
        %add3A_128 = arith.addi %add3A_112, %add3A_127 : i32
        %sub3A_129 = arith.constant 1 : i32
        %sub3A_130 = arith.subi %add3A_128, %sub3A_129 : i32
        %dma_start3A_131 = arith.constant 0 : i32
        %dma_start3A_132 = tpu.memref_slice %arg7[%sub3A_130, %dma_start3A_131] : memref<125x80xi32, #tpu.memory_space<vmem>> -> memref<1x80xi32, #tpu.memory_space<vmem>>
        %dma_start3A_133 = tpu.memref_squeeze %dma_start3A_132 : memref<1x80xi32, #tpu.memory_space<vmem>> -> memref<80xi32, #tpu.memory_space<vmem>>
        %dma_start3A_134 = arith.constant 0 : i32
        %dma_start3A_135 = arith.constant 0 : i32
        %dma_start3A_136 = tpu.memref_slice %arg2[%dma_start3A_134, %dma_start3A_135] : memref<10000x80xf32, #tpu.memory_space<hbm>> -> memref<10000x80xf32, #tpu.memory_space<hbm>>
        tpu.enqueue_indirect_dma source(%dma_start3A_136 : memref<10000x80xf32, #tpu.memory_space<hbm>>) target(%arg9 : memref<80x80xf32, #tpu.memory_space<vmem>>) offsets(%dma_start3A_133 : memref<80xi32, #tpu.memory_space<vmem>>) semaphore(%arg15 : memref<!tpu.dma_semaphore, #tpu.memory_space<semaphore_mem>>)
        %dma_start3A_137 = arith.constant 0 : i32
        %dma_start3A_138 = tpu.memref_slice %arg8[%sub3A_130, %dma_start3A_137] : memref<125x80xi32, #tpu.memory_space<vmem>> -> memref<1x80xi32, #tpu.memory_space<vmem>>
        %dma_start3A_139 = tpu.memref_squeeze %dma_start3A_138 : memref<1x80xi32, #tpu.memory_space<vmem>> -> memref<80xi32, #tpu.memory_space<vmem>>
        %dma_start3A_140 = arith.constant 0 : i32
        %dma_start3A_141 = arith.constant 0 : i32
        %dma_start3A_142 = tpu.memref_slice %arg3[%dma_start3A_140, %dma_start3A_141] : memref<10000x16xf32, #tpu.memory_space<hbm>> -> memref<10000x16xf32, #tpu.memory_space<hbm>>
        tpu.enqueue_indirect_dma source(%dma_start3A_142 : memref<10000x16xf32, #tpu.memory_space<hbm>>) target(%arg11 : memref<80x16xf32, #tpu.memory_space<vmem>>) offsets(%dma_start3A_139 : memref<80xi32, #tpu.memory_space<vmem>>) semaphore(%arg17 : memref<!tpu.dma_semaphore, #tpu.memory_space<semaphore_mem>>)
      } else {
      }
      %lt3A_122 = arith.constant 125 : i32
      %lt3A_123 = arith.cmpi slt, %add3A_112, %lt3A_122 : i32
      %convert_element_type3A_124 = arith.extui %lt3A_123 : i1 to i32
      %cond3A_125 = arith.constant 0 : i32
      %cond3A_126 = arith.cmpi ne, %convert_element_type3A_124, %cond3A_125 : i32
      scf.if %cond3A_126 {
        %dma_wait3A_127 = arith.constant 0 : i32
        %dma_wait3A_128 = tpu.memref_slice %arg7[%add3A_112, %dma_wait3A_127] : memref<125x80xi32, #tpu.memory_space<vmem>> -> memref<1x80xi32, #tpu.memory_space<vmem>>
        %dma_wait3A_129 = tpu.memref_squeeze %dma_wait3A_128 : memref<1x80xi32, #tpu.memory_space<vmem>> -> memref<80xi32, #tpu.memory_space<vmem>>
        %dma_wait3A_130 = arith.constant 0 : i32
        %dma_wait3A_131 = arith.constant 0 : i32
        %dma_wait3A_132 = tpu.memref_slice %arg2[%dma_wait3A_130, %dma_wait3A_131] : memref<10000x80xf32, #tpu.memory_space<hbm>> -> memref<10000x80xf32, #tpu.memory_space<hbm>>
        tpu.wait_indirect_dma semaphore(%arg16 : memref<!tpu.dma_semaphore, #tpu.memory_space<semaphore_mem>>) src(%dma_wait3A_132 : memref<10000x80xf32, #tpu.memory_space<hbm>>) dst(%arg10 : memref<80x80xf32, #tpu.memory_space<vmem>>)
        %dma_wait3A_133 = arith.constant 0 : i32
        %dma_wait3A_134 = tpu.memref_slice %arg8[%add3A_112, %dma_wait3A_133] : memref<125x80xi32, #tpu.memory_space<vmem>> -> memref<1x80xi32, #tpu.memory_space<vmem>>
        %dma_wait3A_135 = tpu.memref_squeeze %dma_wait3A_134 : memref<1x80xi32, #tpu.memory_space<vmem>> -> memref<80xi32, #tpu.memory_space<vmem>>
        %dma_wait3A_136 = arith.constant 0 : i32
        %dma_wait3A_137 = arith.constant 0 : i32
        %dma_wait3A_138 = tpu.memref_slice %arg3[%dma_wait3A_136, %dma_wait3A_137] : memref<10000x16xf32, #tpu.memory_space<hbm>> -> memref<10000x16xf32, #tpu.memory_space<hbm>>
        tpu.wait_indirect_dma semaphore(%arg18 : memref<!tpu.dma_semaphore, #tpu.memory_space<semaphore_mem>>) src(%dma_wait3A_138 : memref<10000x16xf32, #tpu.memory_space<hbm>>) dst(%arg12 : memref<80x16xf32, #tpu.memory_space<vmem>>)
        %scan3A_139 = arith.constant 0 : i32
        %scan3A_140 = arith.constant 80 : i32
        %scan3A_141 = arith.addi %scan3A_139, %scan3A_140 : i32
        %scan3A_142 = arith.constant 8 : i32
        scf.for %scan3A_144 = %scan3A_139 to %scan3A_141 step %scan3A_142  : i32 {
          %mul3A_145 = arith.constant 1 : i32
          %mul3A_146 = arith.muli %scan3A_144, %mul3A_145 : i32
          %add3A_147 = arith.constant 0 : i32
          %add3A_148 = arith.addi %add3A_147, %mul3A_146 : i32
          %get3A = arith.index_cast %add3A_148 : i32 to index
          %get3A_149 = arith.constant 64 : index
          %get3A_150 = tpu.vector_load %arg10[%get3A, %get3A_149] {strides = array<i32>} : memref<80x80xf32, #tpu.memory_space<vmem>>, vector<16xf32>,
          %get3A_151 = arith.index_cast %add3A_148 : i32 to index
          %get3A_152 = arith.constant 0 : index
          %get3A_153 = tpu.vector_load %arg12[%get3A_151, %get3A_152] {strides = array<i32>} : memref<80x16xf32, #tpu.memory_space<vmem>>, vector<16xf32>,
          %add3A_154 = arith.addf %get3A_150, %get3A_153 : vector<16xf32>
          %gt3A = arith.constant 0.000000e+00 : f32
          %gt3A_155 = vector.broadcast %gt3A : f32 to vector<16xf32>
          %gt3A_156 = arith.cmpf ogt, %add3A_154, %gt3A_155 : vector<16xf32>
          %mul3A_157 = arith.constant 2.000000e-01 : f32
          %mul3A_158 = vector.broadcast %mul3A_157 : f32 to vector<16xf32>
          %mul3A_159 = arith.mulf %add3A_154, %mul3A_158 : vector<16xf32>
          %select_n3A = arith.select %gt3A_156, %add3A_154, %mul3A_159 : vector<16xi1>, vector<16xf32>
          %exp3A = math.exp %select_n3A : vector<16xf32>
          %swap3A = arith.index_cast %add3A_148 : i32 to index
          %swap3A_160 = arith.constant 64 : index
          %swap3A_161 = tpu.vector_load %arg10[%swap3A, %swap3A_160] {strides = array<i32>} : memref<80x80xf32, #tpu.memory_space<vmem>>, vector<16xf32>,
          tpu.vector_store %arg10[%swap3A, %swap3A_160], %exp3A {strides = array<i32>} : memref<80x80xf32, #tpu.memory_space<vmem>>, vector<16xf32>,
          %broadcast_in_dim3A_162 = vector.shape_cast %shift_right_logical3A_38 : vector<16xi32> to vector<16x1xi32>
          %gather3A = vector.shape_cast %broadcast_in_dim3A_162 : vector<16x1xi32> to vector<16xi32>
          %gather3A_163 = tpu.dynamic_gather %exp3A[%gather3A] in [0] : vector<16xf32>, vector<16xi32> -> vector<16xf32>
          %get3A_164 = arith.index_cast %add3A_148 : i32 to index
          %get3A_165 = arith.constant 0 : index
          %get3A_166 = tpu.vector_load %arg10[%get3A_164, %get3A_165] {strides = array<i32>} : memref<80x80xf32, #tpu.memory_space<vmem>>, vector<16xf32>,
          %mul3A_167 = arith.mulf %get3A_166, %gather3A_163 : vector<16xf32>
          %swap3A_168 = arith.index_cast %add3A_148 : i32 to index
          %swap3A_169 = arith.constant 0 : index
          %swap3A_170 = tpu.vector_load %arg10[%swap3A_168, %swap3A_169] {strides = array<i32>} : memref<80x80xf32, #tpu.memory_space<vmem>>, vector<16xf32>,
          tpu.vector_store %arg10[%swap3A_168, %swap3A_169], %mul3A_167 {strides = array<i32>} : memref<80x80xf32, #tpu.memory_space<vmem>>, vector<16xf32>,
          %broadcast_in_dim3A_171 = vector.shape_cast %shift_right_logical3A_45 : vector<16xi32> to vector<16x1xi32>
          %gather3A_172 = vector.shape_cast %broadcast_in_dim3A_171 : vector<16x1xi32> to vector<16xi32>
          %gather3A_173 = tpu.dynamic_gather %exp3A[%gather3A_172] in [0] : vector<16xf32>, vector<16xi32> -> vector<16xf32>
          %get3A_174 = arith.index_cast %add3A_148 : i32 to index
          %get3A_175 = arith.constant 16 : index
          %get3A_176 = tpu.vector_load %arg10[%get3A_174, %get3A_175] {strides = array<i32>} : memref<80x80xf32, #tpu.memory_space<vmem>>, vector<16xf32>,
          %mul3A_177 = arith.mulf %get3A_176, %gather3A_173 : vector<16xf32>
          %swap3A_178 = arith.index_cast %add3A_148 : i32 to index
          %swap3A_179 = arith.constant 16 : index
          %swap3A_180 = tpu.vector_load %arg10[%swap3A_178, %swap3A_179] {strides = array<i32>} : memref<80x80xf32, #tpu.memory_space<vmem>>, vector<16xf32>,
          tpu.vector_store %arg10[%swap3A_178, %swap3A_179], %mul3A_177 {strides = array<i32>} : memref<80x80xf32, #tpu.memory_space<vmem>>, vector<16xf32>,
          %broadcast_in_dim3A_181 = vector.shape_cast %shift_right_logical3A_52 : vector<16xi32> to vector<16x1xi32>
          %gather3A_182 = vector.shape_cast %broadcast_in_dim3A_181 : vector<16x1xi32> to vector<16xi32>
          %gather3A_183 = tpu.dynamic_gather %exp3A[%gather3A_182] in [0] : vector<16xf32>, vector<16xi32> -> vector<16xf32>
          %get3A_184 = arith.index_cast %add3A_148 : i32 to index
          %get3A_185 = arith.constant 32 : index
          %get3A_186 = tpu.vector_load %arg10[%get3A_184, %get3A_185] {strides = array<i32>} : memref<80x80xf32, #tpu.memory_space<vmem>>, vector<16xf32>,
          %mul3A_187 = arith.mulf %get3A_186, %gather3A_183 : vector<16xf32>
          %swap3A_188 = arith.index_cast %add3A_148 : i32 to index
          %swap3A_189 = arith.constant 32 : index
          %swap3A_190 = tpu.vector_load %arg10[%swap3A_188, %swap3A_189] {strides = array<i32>} : memref<80x80xf32, #tpu.memory_space<vmem>>, vector<16xf32>,
          tpu.vector_store %arg10[%swap3A_188, %swap3A_189], %mul3A_187 {strides = array<i32>} : memref<80x80xf32, #tpu.memory_space<vmem>>, vector<16xf32>,
          %broadcast_in_dim3A_191 = vector.shape_cast %shift_right_logical3A_59 : vector<16xi32> to vector<16x1xi32>
          %gather3A_192 = vector.shape_cast %broadcast_in_dim3A_191 : vector<16x1xi32> to vector<16xi32>
          %gather3A_193 = tpu.dynamic_gather %exp3A[%gather3A_192] in [0] : vector<16xf32>, vector<16xi32> -> vector<16xf32>
          %get3A_194 = arith.index_cast %add3A_148 : i32 to index
          %get3A_195 = arith.constant 48 : index
          %get3A_196 = tpu.vector_load %arg10[%get3A_194, %get3A_195] {strides = array<i32>} : memref<80x80xf32, #tpu.memory_space<vmem>>, vector<16xf32>,
          %mul3A_197 = arith.mulf %get3A_196, %gather3A_193 : vector<16xf32>
          %swap3A_198 = arith.index_cast %add3A_148 : i32 to index
          %swap3A_199 = arith.constant 48 : index
          %swap3A_200 = tpu.vector_load %arg10[%swap3A_198, %swap3A_199] {strides = array<i32>} : memref<80x80xf32, #tpu.memory_space<vmem>>, vector<16xf32>,
          tpu.vector_store %arg10[%swap3A_198, %swap3A_199], %mul3A_197 {strides = array<i32>} : memref<80x80xf32, #tpu.memory_space<vmem>>, vector<16xf32>,
          %scan3A_201 = arith.constant 1 : i32
          %scan3A_202 = arith.addi %scan3A_144, %scan3A_201 : i32
          %mul3A_203 = arith.constant 1 : i32
          %mul3A_204 = arith.muli %scan3A_202, %mul3A_203 : i32
          %add3A_205 = arith.constant 0 : i32
          %add3A_206 = arith.addi %add3A_205, %mul3A_204 : i32
          %get3A_207 = arith.index_cast %add3A_206 : i32 to index
          %get3A_208 = arith.constant 64 : index
          %get3A_209 = tpu.vector_load %arg10[%get3A_207, %get3A_208] {strides = array<i32>} : memref<80x80xf32, #tpu.memory_space<vmem>>, vector<16xf32>,
          %get3A_210 = arith.index_cast %add3A_206 : i32 to index
          %get3A_211 = arith.constant 0 : index
          %get3A_212 = tpu.vector_load %arg12[%get3A_210, %get3A_211] {strides = array<i32>} : memref<80x16xf32, #tpu.memory_space<vmem>>, vector<16xf32>,
          %add3A_213 = arith.addf %get3A_209, %get3A_212 : vector<16xf32>
          %gt3A_214 = arith.constant 0.000000e+00 : f32
          %gt3A_215 = vector.broadcast %gt3A_214 : f32 to vector<16xf32>
          %gt3A_216 = arith.cmpf ogt, %add3A_213, %gt3A_215 : vector<16xf32>
          %mul3A_217 = arith.constant 2.000000e-01 : f32
          %mul3A_218 = vector.broadcast %mul3A_217 : f32 to vector<16xf32>
          %mul3A_219 = arith.mulf %add3A_213, %mul3A_218 : vector<16xf32>
          %select_n3A_220 = arith.select %gt3A_216, %add3A_213, %mul3A_219 : vector<16xi1>, vector<16xf32>
          %exp3A_221 = math.exp %select_n3A_220 : vector<16xf32>
          %swap3A_222 = arith.index_cast %add3A_206 : i32 to index
          %swap3A_223 = arith.constant 64 : index
          %swap3A_224 = tpu.vector_load %arg10[%swap3A_222, %swap3A_223] {strides = array<i32>} : memref<80x80xf32, #tpu.memory_space<vmem>>, vector<16xf32>,
          tpu.vector_store %arg10[%swap3A_222, %swap3A_223], %exp3A_221 {strides = array<i32>} : memref<80x80xf32, #tpu.memory_space<vmem>>, vector<16xf32>,
          %broadcast_in_dim3A_225 = vector.shape_cast %shift_right_logical3A_38 : vector<16xi32> to vector<16x1xi32>
          %gather3A_226 = vector.shape_cast %broadcast_in_dim3A_225 : vector<16x1xi32> to vector<16xi32>
          %gather3A_227 = tpu.dynamic_gather %exp3A_221[%gather3A_226] in [0] : vector<16xf32>, vector<16xi32> -> vector<16xf32>
          %get3A_228 = arith.index_cast %add3A_206 : i32 to index
          %get3A_229 = arith.constant 0 : index
          %get3A_230 = tpu.vector_load %arg10[%get3A_228, %get3A_229] {strides = array<i32>} : memref<80x80xf32, #tpu.memory_space<vmem>>, vector<16xf32>,
          %mul3A_231 = arith.mulf %get3A_230, %gather3A_227 : vector<16xf32>
          %swap3A_232 = arith.index_cast %add3A_206 : i32 to index
          %swap3A_233 = arith.constant 0 : index
          %swap3A_234 = tpu.vector_load %arg10[%swap3A_232, %swap3A_233] {strides = array<i32>} : memref<80x80xf32, #tpu.memory_space<vmem>>, vector<16xf32>,
          tpu.vector_store %arg10[%swap3A_232, %swap3A_233], %mul3A_231 {strides = array<i32>} : memref<80x80xf32, #tpu.memory_space<vmem>>, vector<16xf32>,
          %broadcast_in_dim3A_235 = vector.shape_cast %shift_right_logical3A_45 : vector<16xi32> to vector<16x1xi32>
          %gather3A_236 = vector.shape_cast %broadcast_in_dim3A_235 : vector<16x1xi32> to vector<16xi32>
          %gather3A_237 = tpu.dynamic_gather %exp3A_221[%gather3A_236] in [0] : vector<16xf32>, vector<16xi32> -> vector<16xf32>
          %get3A_238 = arith.index_cast %add3A_206 : i32 to index
          %get3A_239 = arith.constant 16 : index
          %get3A_240 = tpu.vector_load %arg10[%get3A_238, %get3A_239] {strides = array<i32>} : memref<80x80xf32, #tpu.memory_space<vmem>>, vector<16xf32>,
          %mul3A_241 = arith.mulf %get3A_240, %gather3A_237 : vector<16xf32>
          %swap3A_242 = arith.index_cast %add3A_206 : i32 to index
          %swap3A_243 = arith.constant 16 : index
          %swap3A_244 = tpu.vector_load %arg10[%swap3A_242, %swap3A_243] {strides = array<i32>} : memref<80x80xf32, #tpu.memory_space<vmem>>, vector<16xf32>,
          tpu.vector_store %arg10[%swap3A_242, %swap3A_243], %mul3A_241 {strides = array<i32>} : memref<80x80xf32, #tpu.memory_space<vmem>>, vector<16xf32>,
          %broadcast_in_dim3A_245 = vector.shape_cast %shift_right_logical3A_52 : vector<16xi32> to vector<16x1xi32>
          %gather3A_246 = vector.shape_cast %broadcast_in_dim3A_245 : vector<16x1xi32> to vector<16xi32>
          %gather3A_247 = tpu.dynamic_gather %exp3A_221[%gather3A_246] in [0] : vector<16xf32>, vector<16xi32> -> vector<16xf32>
          %get3A_248 = arith.index_cast %add3A_206 : i32 to index
          %get3A_249 = arith.constant 32 : index
          %get3A_250 = tpu.vector_load %arg10[%get3A_248, %get3A_249] {strides = array<i32>} : memref<80x80xf32, #tpu.memory_space<vmem>>, vector<16xf32>,
          %mul3A_251 = arith.mulf %get3A_250, %gather3A_247 : vector<16xf32>
          %swap3A_252 = arith.index_cast %add3A_206 : i32 to index
          %swap3A_253 = arith.constant 32 : index
          %swap3A_254 = tpu.vector_load %arg10[%swap3A_252, %swap3A_253] {strides = array<i32>} : memref<80x80xf32, #tpu.memory_space<vmem>>, vector<16xf32>,
          tpu.vector_store %arg10[%swap3A_252, %swap3A_253], %mul3A_251 {strides = array<i32>} : memref<80x80xf32, #tpu.memory_space<vmem>>, vector<16xf32>,
          %broadcast_in_dim3A_255 = vector.shape_cast %shift_right_logical3A_59 : vector<16xi32> to vector<16x1xi32>
          %gather3A_256 = vector.shape_cast %broadcast_in_dim3A_255 : vector<16x1xi32> to vector<16xi32>
          %gather3A_257 = tpu.dynamic_gather %exp3A_221[%gather3A_256] in [0] : vector<16xf32>, vector<16xi32> -> vector<16xf32>
          %get3A_258 = arith.index_cast %add3A_206 : i32 to index
          %get3A_259 = arith.constant 48 : index
          %get3A_260 = tpu.vector_load %arg10[%get3A_258, %get3A_259] {strides = array<i32>} : memref<80x80xf32, #tpu.memory_space<vmem>>, vector<16xf32>,
          %mul3A_261 = arith.mulf %get3A_260, %gather3A_257 : vector<16xf32>
          %swap3A_262 = arith.index_cast %add3A_206 : i32 to index
          %swap3A_263 = arith.constant 48 : index
          %swap3A_264 = tpu.vector_load %arg10[%swap3A_262, %swap3A_263] {strides = array<i32>} : memref<80x80xf32, #tpu.memory_space<vmem>>, vector<16xf32>,
          tpu.vector_store %arg10[%swap3A_262, %swap3A_263], %mul3A_261 {strides = array<i32>} : memref<80x80xf32, #tpu.memory_space<vmem>>, vector<16xf32>,
          %scan3A_265 = arith.constant 2 : i32
          %scan3A_266 = arith.addi %scan3A_144, %scan3A_265 : i32
          %mul3A_267 = arith.constant 1 : i32
          %mul3A_268 = arith.muli %scan3A_266, %mul3A_267 : i32
          %add3A_269 = arith.constant 0 : i32
          %add3A_270 = arith.addi %add3A_269, %mul3A_268 : i32
          %get3A_271 = arith.index_cast %add3A_270 : i32 to index
          %get3A_272 = arith.constant 64 : index
          %get3A_273 = tpu.vector_load %arg10[%get3A_271, %get3A_272] {strides = array<i32>} : memref<80x80xf32, #tpu.memory_space<vmem>>, vector<16xf32>,
          %get3A_274 = arith.index_cast %add3A_270 : i32 to index
          %get3A_275 = arith.constant 0 : index
          %get3A_276 = tpu.vector_load %arg12[%get3A_274, %get3A_275] {strides = array<i32>} : memref<80x16xf32, #tpu.memory_space<vmem>>, vector<16xf32>,
          %add3A_277 = arith.addf %get3A_273, %get3A_276 : vector<16xf32>
          %gt3A_278 = arith.constant 0.000000e+00 : f32
          %gt3A_279 = vector.broadcast %gt3A_278 : f32 to vector<16xf32>
          %gt3A_280 = arith.cmpf ogt, %add3A_277, %gt3A_279 : vector<16xf32>
          %mul3A_281 = arith.constant 2.000000e-01 : f32
          %mul3A_282 = vector.broadcast %mul3A_281 : f32 to vector<16xf32>
          %mul3A_283 = arith.mulf %add3A_277, %mul3A_282 : vector<16xf32>
          %select_n3A_284 = arith.select %gt3A_280, %add3A_277, %mul3A_283 : vector<16xi1>, vector<16xf32>
          %exp3A_285 = math.exp %select_n3A_284 : vector<16xf32>
          %swap3A_286 = arith.index_cast %add3A_270 : i32 to index
          %swap3A_287 = arith.constant 64 : index
          %swap3A_288 = tpu.vector_load %arg10[%swap3A_286, %swap3A_287] {strides = array<i32>} : memref<80x80xf32, #tpu.memory_space<vmem>>, vector<16xf32>,
          tpu.vector_store %arg10[%swap3A_286, %swap3A_287], %exp3A_285 {strides = array<i32>} : memref<80x80xf32, #tpu.memory_space<vmem>>, vector<16xf32>,
          %broadcast_in_dim3A_289 = vector.shape_cast %shift_right_logical3A_38 : vector<16xi32> to vector<16x1xi32>
          %gather3A_290 = vector.shape_cast %broadcast_in_dim3A_289 : vector<16x1xi32> to vector<16xi32>
          %gather3A_291 = tpu.dynamic_gather %exp3A_285[%gather3A_290] in [0] : vector<16xf32>, vector<16xi32> -> vector<16xf32>
          %get3A_292 = arith.index_cast %add3A_270 : i32 to index
          %get3A_293 = arith.constant 0 : index
          %get3A_294 = tpu.vector_load %arg10[%get3A_292, %get3A_293] {strides = array<i32>} : memref<80x80xf32, #tpu.memory_space<vmem>>, vector<16xf32>,
          %mul3A_295 = arith.mulf %get3A_294, %gather3A_291 : vector<16xf32>
          %swap3A_296 = arith.index_cast %add3A_270 : i32 to index
          %swap3A_297 = arith.constant 0 : index
          %swap3A_298 = tpu.vector_load %arg10[%swap3A_296, %swap3A_297] {strides = array<i32>} : memref<80x80xf32, #tpu.memory_space<vmem>>, vector<16xf32>,
          tpu.vector_store %arg10[%swap3A_296, %swap3A_297], %mul3A_295 {strides = array<i32>} : memref<80x80xf32, #tpu.memory_space<vmem>>, vector<16xf32>,
          %broadcast_in_dim3A_299 = vector.shape_cast %shift_right_logical3A_45 : vector<16xi32> to vector<16x1xi32>
          %gather3A_300 = vector.shape_cast %broadcast_in_dim3A_299 : vector<16x1xi32> to vector<16xi32>
          %gather3A_301 = tpu.dynamic_gather %exp3A_285[%gather3A_300] in [0] : vector<16xf32>, vector<16xi32> -> vector<16xf32>
          %get3A_302 = arith.index_cast %add3A_270 : i32 to index
          %get3A_303 = arith.constant 16 : index
          %get3A_304 = tpu.vector_load %arg10[%get3A_302, %get3A_303] {strides = array<i32>} : memref<80x80xf32, #tpu.memory_space<vmem>>, vector<16xf32>,
          %mul3A_305 = arith.mulf %get3A_304, %gather3A_301 : vector<16xf32>
          %swap3A_306 = arith.index_cast %add3A_270 : i32 to index
          %swap3A_307 = arith.constant 16 : index
          %swap3A_308 = tpu.vector_load %arg10[%swap3A_306, %swap3A_307] {strides = array<i32>} : memref<80x80xf32, #tpu.memory_space<vmem>>, vector<16xf32>,
          tpu.vector_store %arg10[%swap3A_306, %swap3A_307], %mul3A_305 {strides = array<i32>} : memref<80x80xf32, #tpu.memory_space<vmem>>, vector<16xf32>,
          %broadcast_in_dim3A_309 = vector.shape_cast %shift_right_logical3A_52 : vector<16xi32> to vector<16x1xi32>
          %gather3A_310 = vector.shape_cast %broadcast_in_dim3A_309 : vector<16x1xi32> to vector<16xi32>
          %gather3A_311 = tpu.dynamic_gather %exp3A_285[%gather3A_310] in [0] : vector<16xf32>, vector<16xi32> -> vector<16xf32>
          %get3A_312 = arith.index_cast %add3A_270 : i32 to index
          %get3A_313 = arith.constant 32 : index
          %get3A_314 = tpu.vector_load %arg10[%get3A_312, %get3A_313] {strides = array<i32>} : memref<80x80xf32, #tpu.memory_space<vmem>>, vector<16xf32>,
          %mul3A_315 = arith.mulf %get3A_314, %gather3A_311 : vector<16xf32>
          %swap3A_316 = arith.index_cast %add3A_270 : i32 to index
          %swap3A_317 = arith.constant 32 : index
          %swap3A_318 = tpu.vector_load %arg10[%swap3A_316, %swap3A_317] {strides = array<i32>} : memref<80x80xf32, #tpu.memory_space<vmem>>, vector<16xf32>,
          tpu.vector_store %arg10[%swap3A_316, %swap3A_317], %mul3A_315 {strides = array<i32>} : memref<80x80xf32, #tpu.memory_space<vmem>>, vector<16xf32>,
          %broadcast_in_dim3A_319 = vector.shape_cast %shift_right_logical3A_59 : vector<16xi32> to vector<16x1xi32>
          %gather3A_320 = vector.shape_cast %broadcast_in_dim3A_319 : vector<16x1xi32> to vector<16xi32>
          %gather3A_321 = tpu.dynamic_gather %exp3A_285[%gather3A_320] in [0] : vector<16xf32>, vector<16xi32> -> vector<16xf32>
          %get3A_322 = arith.index_cast %add3A_270 : i32 to index
          %get3A_323 = arith.constant 48 : index
          %get3A_324 = tpu.vector_load %arg10[%get3A_322, %get3A_323] {strides = array<i32>} : memref<80x80xf32, #tpu.memory_space<vmem>>, vector<16xf32>,
          %mul3A_325 = arith.mulf %get3A_324, %gather3A_321 : vector<16xf32>
          %swap3A_326 = arith.index_cast %add3A_270 : i32 to index
          %swap3A_327 = arith.constant 48 : index
          %swap3A_328 = tpu.vector_load %arg10[%swap3A_326, %swap3A_327] {strides = array<i32>} : memref<80x80xf32, #tpu.memory_space<vmem>>, vector<16xf32>,
          tpu.vector_store %arg10[%swap3A_326, %swap3A_327], %mul3A_325 {strides = array<i32>} : memref<80x80xf32, #tpu.memory_space<vmem>>, vector<16xf32>,
          %scan3A_329 = arith.constant 3 : i32
          %scan3A_330 = arith.addi %scan3A_144, %scan3A_329 : i32
          %mul3A_331 = arith.constant 1 : i32
          %mul3A_332 = arith.muli %scan3A_330, %mul3A_331 : i32
          %add3A_333 = arith.constant 0 : i32
          %add3A_334 = arith.addi %add3A_333, %mul3A_332 : i32
          %get3A_335 = arith.index_cast %add3A_334 : i32 to index
          %get3A_336 = arith.constant 64 : index
          %get3A_337 = tpu.vector_load %arg10[%get3A_335, %get3A_336] {strides = array<i32>} : memref<80x80xf32, #tpu.memory_space<vmem>>, vector<16xf32>,
          %get3A_338 = arith.index_cast %add3A_334 : i32 to index
          %get3A_339 = arith.constant 0 : index
          %get3A_340 = tpu.vector_load %arg12[%get3A_338, %get3A_339] {strides = array<i32>} : memref<80x16xf32, #tpu.memory_space<vmem>>, vector<16xf32>,
          %add3A_341 = arith.addf %get3A_337, %get3A_340 : vector<16xf32>
          %gt3A_342 = arith.constant 0.000000e+00 : f32
          %gt3A_343 = vector.broadcast %gt3A_342 : f32 to vector<16xf32>
          %gt3A_344 = arith.cmpf ogt, %add3A_341, %gt3A_343 : vector<16xf32>
          %mul3A_345 = arith.constant 2.000000e-01 : f32
          %mul3A_346 = vector.broadcast %mul3A_345 : f32 to vector<16xf32>
          %mul3A_347 = arith.mulf %add3A_341, %mul3A_346 : vector<16xf32>
          %select_n3A_348 = arith.select %gt3A_344, %add3A_341, %mul3A_347 : vector<16xi1>, vector<16xf32>
          %exp3A_349 = math.exp %select_n3A_348 : vector<16xf32>
          %swap3A_350 = arith.index_cast %add3A_334 : i32 to index
          %swap3A_351 = arith.constant 64 : index
          %swap3A_352 = tpu.vector_load %arg10[%swap3A_350, %swap3A_351] {strides = array<i32>} : memref<80x80xf32, #tpu.memory_space<vmem>>, vector<16xf32>,
          tpu.vector_store %arg10[%swap3A_350, %swap3A_351], %exp3A_349 {strides = array<i32>} : memref<80x80xf32, #tpu.memory_space<vmem>>, vector<16xf32>,
          %broadcast_in_dim3A_353 = vector.shape_cast %shift_right_logical3A_38 : vector<16xi32> to vector<16x1xi32>
          %gather3A_354 = vector.shape_cast %broadcast_in_dim3A_353 : vector<16x1xi32> to vector<16xi32>
          %gather3A_355 = tpu.dynamic_gather %exp3A_349[%gather3A_354] in [0] : vector<16xf32>, vector<16xi32> -> vector<16xf32>
          %get3A_356 = arith.index_cast %add3A_334 : i32 to index
          %get3A_357 = arith.constant 0 : index
          %get3A_358 = tpu.vector_load %arg10[%get3A_356, %get3A_357] {strides = array<i32>} : memref<80x80xf32, #tpu.memory_space<vmem>>, vector<16xf32>,
          %mul3A_359 = arith.mulf %get3A_358, %gather3A_355 : vector<16xf32>
          %swap3A_360 = arith.index_cast %add3A_334 : i32 to index
          %swap3A_361 = arith.constant 0 : index
          %swap3A_362 = tpu.vector_load %arg10[%swap3A_360, %swap3A_361] {strides = array<i32>} : memref<80x80xf32, #tpu.memory_space<vmem>>, vector<16xf32>,
          tpu.vector_store %arg10[%swap3A_360, %swap3A_361], %mul3A_359 {strides = array<i32>} : memref<80x80xf32, #tpu.memory_space<vmem>>, vector<16xf32>,
          %broadcast_in_dim3A_363 = vector.shape_cast %shift_right_logical3A_45 : vector<16xi32> to vector<16x1xi32>
          %gather3A_364 = vector.shape_cast %broadcast_in_dim3A_363 : vector<16x1xi32> to vector<16xi32>
          %gather3A_365 = tpu.dynamic_gather %exp3A_349[%gather3A_364] in [0] : vector<16xf32>, vector<16xi32> -> vector<16xf32>
          %get3A_366 = arith.index_cast %add3A_334 : i32 to index
          %get3A_367 = arith.constant 16 : index
          %get3A_368 = tpu.vector_load %arg10[%get3A_366, %get3A_367] {strides = array<i32>} : memref<80x80xf32, #tpu.memory_space<vmem>>, vector<16xf32>,
          %mul3A_369 = arith.mulf %get3A_368, %gather3A_365 : vector<16xf32>
          %swap3A_370 = arith.index_cast %add3A_334 : i32 to index
          %swap3A_371 = arith.constant 16 : index
          %swap3A_372 = tpu.vector_load %arg10[%swap3A_370, %swap3A_371] {strides = array<i32>} : memref<80x80xf32, #tpu.memory_space<vmem>>, vector<16xf32>,
          tpu.vector_store %arg10[%swap3A_370, %swap3A_371], %mul3A_369 {strides = array<i32>} : memref<80x80xf32, #tpu.memory_space<vmem>>, vector<16xf32>,
          %broadcast_in_dim3A_373 = vector.shape_cast %shift_right_logical3A_52 : vector<16xi32> to vector<16x1xi32>
          %gather3A_374 = vector.shape_cast %broadcast_in_dim3A_373 : vector<16x1xi32> to vector<16xi32>
          %gather3A_375 = tpu.dynamic_gather %exp3A_349[%gather3A_374] in [0] : vector<16xf32>, vector<16xi32> -> vector<16xf32>
          %get3A_376 = arith.index_cast %add3A_334 : i32 to index
          %get3A_377 = arith.constant 32 : index
          %get3A_378 = tpu.vector_load %arg10[%get3A_376, %get3A_377] {strides = array<i32>} : memref<80x80xf32, #tpu.memory_space<vmem>>, vector<16xf32>,
          %mul3A_379 = arith.mulf %get3A_378, %gather3A_375 : vector<16xf32>
          %swap3A_380 = arith.index_cast %add3A_334 : i32 to index
          %swap3A_381 = arith.constant 32 : index
          %swap3A_382 = tpu.vector_load %arg10[%swap3A_380, %swap3A_381] {strides = array<i32>} : memref<80x80xf32, #tpu.memory_space<vmem>>, vector<16xf32>,
          tpu.vector_store %arg10[%swap3A_380, %swap3A_381], %mul3A_379 {strides = array<i32>} : memref<80x80xf32, #tpu.memory_space<vmem>>, vector<16xf32>,
          %broadcast_in_dim3A_383 = vector.shape_cast %shift_right_logical3A_59 : vector<16xi32> to vector<16x1xi32>
          %gather3A_384 = vector.shape_cast %broadcast_in_dim3A_383 : vector<16x1xi32> to vector<16xi32>
          %gather3A_385 = tpu.dynamic_gather %exp3A_349[%gather3A_384] in [0] : vector<16xf32>, vector<16xi32> -> vector<16xf32>
          %get3A_386 = arith.index_cast %add3A_334 : i32 to index
          %get3A_387 = arith.constant 48 : index
          %get3A_388 = tpu.vector_load %arg10[%get3A_386, %get3A_387] {strides = array<i32>} : memref<80x80xf32, #tpu.memory_space<vmem>>, vector<16xf32>,
          %mul3A_389 = arith.mulf %get3A_388, %gather3A_385 : vector<16xf32>
          %swap3A_390 = arith.index_cast %add3A_334 : i32 to index
          %swap3A_391 = arith.constant 48 : index
          %swap3A_392 = tpu.vector_load %arg10[%swap3A_390, %swap3A_391] {strides = array<i32>} : memref<80x80xf32, #tpu.memory_space<vmem>>, vector<16xf32>,
          tpu.vector_store %arg10[%swap3A_390, %swap3A_391], %mul3A_389 {strides = array<i32>} : memref<80x80xf32, #tpu.memory_space<vmem>>, vector<16xf32>,
          %scan3A_393 = arith.constant 4 : i32
          %scan3A_394 = arith.addi %scan3A_144, %scan3A_393 : i32
          %mul3A_395 = arith.constant 1 : i32
          %mul3A_396 = arith.muli %scan3A_394, %mul3A_395 : i32
          %add3A_397 = arith.constant 0 : i32
          %add3A_398 = arith.addi %add3A_397, %mul3A_396 : i32
          %get3A_399 = arith.index_cast %add3A_398 : i32 to index
          %get3A_400 = arith.constant 64 : index
          %get3A_401 = tpu.vector_load %arg10[%get3A_399, %get3A_400] {strides = array<i32>} : memref<80x80xf32, #tpu.memory_space<vmem>>, vector<16xf32>,
          %get3A_402 = arith.index_cast %add3A_398 : i32 to index
          %get3A_403 = arith.constant 0 : index
          %get3A_404 = tpu.vector_load %arg12[%get3A_402, %get3A_403] {strides = array<i32>} : memref<80x16xf32, #tpu.memory_space<vmem>>, vector<16xf32>,
          %add3A_405 = arith.addf %get3A_401, %get3A_404 : vector<16xf32>
          %gt3A_406 = arith.constant 0.000000e+00 : f32
          %gt3A_407 = vector.broadcast %gt3A_406 : f32 to vector<16xf32>
          %gt3A_408 = arith.cmpf ogt, %add3A_405, %gt3A_407 : vector<16xf32>
          %mul3A_409 = arith.constant 2.000000e-01 : f32
          %mul3A_410 = vector.broadcast %mul3A_409 : f32 to vector<16xf32>
          %mul3A_411 = arith.mulf %add3A_405, %mul3A_410 : vector<16xf32>
          %select_n3A_412 = arith.select %gt3A_408, %add3A_405, %mul3A_411 : vector<16xi1>, vector<16xf32>
          %exp3A_413 = math.exp %select_n3A_412 : vector<16xf32>
          %swap3A_414 = arith.index_cast %add3A_398 : i32 to index
          %swap3A_415 = arith.constant 64 : index
          %swap3A_416 = tpu.vector_load %arg10[%swap3A_414, %swap3A_415] {strides = array<i32>} : memref<80x80xf32, #tpu.memory_space<vmem>>, vector<16xf32>,
          tpu.vector_store %arg10[%swap3A_414, %swap3A_415], %exp3A_413 {strides = array<i32>} : memref<80x80xf32, #tpu.memory_space<vmem>>, vector<16xf32>,
          %broadcast_in_dim3A_417 = vector.shape_cast %shift_right_logical3A_38 : vector<16xi32> to vector<16x1xi32>
          %gather3A_418 = vector.shape_cast %broadcast_in_dim3A_417 : vector<16x1xi32> to vector<16xi32>
          %gather3A_419 = tpu.dynamic_gather %exp3A_413[%gather3A_418] in [0] : vector<16xf32>, vector<16xi32> -> vector<16xf32>
          %get3A_420 = arith.index_cast %add3A_398 : i32 to index
          %get3A_421 = arith.constant 0 : index
          %get3A_422 = tpu.vector_load %arg10[%get3A_420, %get3A_421] {strides = array<i32>} : memref<80x80xf32, #tpu.memory_space<vmem>>, vector<16xf32>,
          %mul3A_423 = arith.mulf %get3A_422, %gather3A_419 : vector<16xf32>
          %swap3A_424 = arith.index_cast %add3A_398 : i32 to index
          %swap3A_425 = arith.constant 0 : index
          %swap3A_426 = tpu.vector_load %arg10[%swap3A_424, %swap3A_425] {strides = array<i32>} : memref<80x80xf32, #tpu.memory_space<vmem>>, vector<16xf32>,
          tpu.vector_store %arg10[%swap3A_424, %swap3A_425], %mul3A_423 {strides = array<i32>} : memref<80x80xf32, #tpu.memory_space<vmem>>, vector<16xf32>,
          %broadcast_in_dim3A_427 = vector.shape_cast %shift_right_logical3A_45 : vector<16xi32> to vector<16x1xi32>
          %gather3A_428 = vector.shape_cast %broadcast_in_dim3A_427 : vector<16x1xi32> to vector<16xi32>
          %gather3A_429 = tpu.dynamic_gather %exp3A_413[%gather3A_428] in [0] : vector<16xf32>, vector<16xi32> -> vector<16xf32>
          %get3A_430 = arith.index_cast %add3A_398 : i32 to index
          %get3A_431 = arith.constant 16 : index
          %get3A_432 = tpu.vector_load %arg10[%get3A_430, %get3A_431] {strides = array<i32>} : memref<80x80xf32, #tpu.memory_space<vmem>>, vector<16xf32>,
          %mul3A_433 = arith.mulf %get3A_432, %gather3A_429 : vector<16xf32>
          %swap3A_434 = arith.index_cast %add3A_398 : i32 to index
          %swap3A_435 = arith.constant 16 : index
          %swap3A_436 = tpu.vector_load %arg10[%swap3A_434, %swap3A_435] {strides = array<i32>} : memref<80x80xf32, #tpu.memory_space<vmem>>, vector<16xf32>,
          tpu.vector_store %arg10[%swap3A_434, %swap3A_435], %mul3A_433 {strides = array<i32>} : memref<80x80xf32, #tpu.memory_space<vmem>>, vector<16xf32>,
          %broadcast_in_dim3A_437 = vector.shape_cast %shift_right_logical3A_52 : vector<16xi32> to vector<16x1xi32>
          %gather3A_438 = vector.shape_cast %broadcast_in_dim3A_437 : vector<16x1xi32> to vector<16xi32>
          %gather3A_439 = tpu.dynamic_gather %exp3A_413[%gather3A_438] in [0] : vector<16xf32>, vector<16xi32> -> vector<16xf32>
          %get3A_440 = arith.index_cast %add3A_398 : i32 to index
          %get3A_441 = arith.constant 32 : index
          %get3A_442 = tpu.vector_load %arg10[%get3A_440, %get3A_441] {strides = array<i32>} : memref<80x80xf32, #tpu.memory_space<vmem>>, vector<16xf32>,
          %mul3A_443 = arith.mulf %get3A_442, %gather3A_439 : vector<16xf32>
          %swap3A_444 = arith.index_cast %add3A_398 : i32 to index
          %swap3A_445 = arith.constant 32 : index
          %swap3A_446 = tpu.vector_load %arg10[%swap3A_444, %swap3A_445] {strides = array<i32>} : memref<80x80xf32, #tpu.memory_space<vmem>>, vector<16xf32>,
          tpu.vector_store %arg10[%swap3A_444, %swap3A_445], %mul3A_443 {strides = array<i32>} : memref<80x80xf32, #tpu.memory_space<vmem>>, vector<16xf32>,
          %broadcast_in_dim3A_447 = vector.shape_cast %shift_right_logical3A_59 : vector<16xi32> to vector<16x1xi32>
          %gather3A_448 = vector.shape_cast %broadcast_in_dim3A_447 : vector<16x1xi32> to vector<16xi32>
          %gather3A_449 = tpu.dynamic_gather %exp3A_413[%gather3A_448] in [0] : vector<16xf32>, vector<16xi32> -> vector<16xf32>
          %get3A_450 = arith.index_cast %add3A_398 : i32 to index
          %get3A_451 = arith.constant 48 : index
          %get3A_452 = tpu.vector_load %arg10[%get3A_450, %get3A_451] {strides = array<i32>} : memref<80x80xf32, #tpu.memory_space<vmem>>, vector<16xf32>,
          %mul3A_453 = arith.mulf %get3A_452, %gather3A_449 : vector<16xf32>
          %swap3A_454 = arith.index_cast %add3A_398 : i32 to index
          %swap3A_455 = arith.constant 48 : index
          %swap3A_456 = tpu.vector_load %arg10[%swap3A_454, %swap3A_455] {strides = array<i32>} : memref<80x80xf32, #tpu.memory_space<vmem>>, vector<16xf32>,
          tpu.vector_store %arg10[%swap3A_454, %swap3A_455], %mul3A_453 {strides = array<i32>} : memref<80x80xf32, #tpu.memory_space<vmem>>, vector<16xf32>,
          %scan3A_457 = arith.constant 5 : i32
          %scan3A_458 = arith.addi %scan3A_144, %scan3A_457 : i32
          %mul3A_459 = arith.constant 1 : i32
          %mul3A_460 = arith.muli %scan3A_458, %mul3A_459 : i32
          %add3A_461 = arith.constant 0 : i32
          %add3A_462 = arith.addi %add3A_461, %mul3A_460 : i32
          %get3A_463 = arith.index_cast %add3A_462 : i32 to index
          %get3A_464 = arith.constant 64 : index
          %get3A_465 = tpu.vector_load %arg10[%get3A_463, %get3A_464] {strides = array<i32>} : memref<80x80xf32, #tpu.memory_space<vmem>>, vector<16xf32>,
          %get3A_466 = arith.index_cast %add3A_462 : i32 to index
          %get3A_467 = arith.constant 0 : index
          %get3A_468 = tpu.vector_load %arg12[%get3A_466, %get3A_467] {strides = array<i32>} : memref<80x16xf32, #tpu.memory_space<vmem>>, vector<16xf32>,
          %add3A_469 = arith.addf %get3A_465, %get3A_468 : vector<16xf32>
          %gt3A_470 = arith.constant 0.000000e+00 : f32
          %gt3A_471 = vector.broadcast %gt3A_470 : f32 to vector<16xf32>
          %gt3A_472 = arith.cmpf ogt, %add3A_469, %gt3A_471 : vector<16xf32>
          %mul3A_473 = arith.constant 2.000000e-01 : f32
          %mul3A_474 = vector.broadcast %mul3A_473 : f32 to vector<16xf32>
          %mul3A_475 = arith.mulf %add3A_469, %mul3A_474 : vector<16xf32>
          %select_n3A_476 = arith.select %gt3A_472, %add3A_469, %mul3A_475 : vector<16xi1>, vector<16xf32>
          %exp3A_477 = math.exp %select_n3A_476 : vector<16xf32>
          %swap3A_478 = arith.index_cast %add3A_462 : i32 to index
          %swap3A_479 = arith.constant 64 : index
          %swap3A_480 = tpu.vector_load %arg10[%swap3A_478, %swap3A_479] {strides = array<i32>} : memref<80x80xf32, #tpu.memory_space<vmem>>, vector<16xf32>,
          tpu.vector_store %arg10[%swap3A_478, %swap3A_479], %exp3A_477 {strides = array<i32>} : memref<80x80xf32, #tpu.memory_space<vmem>>, vector<16xf32>,
          %broadcast_in_dim3A_481 = vector.shape_cast %shift_right_logical3A_38 : vector<16xi32> to vector<16x1xi32>
          %gather3A_482 = vector.shape_cast %broadcast_in_dim3A_481 : vector<16x1xi32> to vector<16xi32>
          %gather3A_483 = tpu.dynamic_gather %exp3A_477[%gather3A_482] in [0] : vector<16xf32>, vector<16xi32> -> vector<16xf32>
          %get3A_484 = arith.index_cast %add3A_462 : i32 to index
          %get3A_485 = arith.constant 0 : index
          %get3A_486 = tpu.vector_load %arg10[%get3A_484, %get3A_485] {strides = array<i32>} : memref<80x80xf32, #tpu.memory_space<vmem>>, vector<16xf32>,
          %mul3A_487 = arith.mulf %get3A_486, %gather3A_483 : vector<16xf32>
          %swap3A_488 = arith.index_cast %add3A_462 : i32 to index
          %swap3A_489 = arith.constant 0 : index
          %swap3A_490 = tpu.vector_load %arg10[%swap3A_488, %swap3A_489] {strides = array<i32>} : memref<80x80xf32, #tpu.memory_space<vmem>>, vector<16xf32>,
          tpu.vector_store %arg10[%swap3A_488, %swap3A_489], %mul3A_487 {strides = array<i32>} : memref<80x80xf32, #tpu.memory_space<vmem>>, vector<16xf32>,
          %broadcast_in_dim3A_491 = vector.shape_cast %shift_right_logical3A_45 : vector<16xi32> to vector<16x1xi32>
          %gather3A_492 = vector.shape_cast %broadcast_in_dim3A_491 : vector<16x1xi32> to vector<16xi32>
          %gather3A_493 = tpu.dynamic_gather %exp3A_477[%gather3A_492] in [0] : vector<16xf32>, vector<16xi32> -> vector<16xf32>
          %get3A_494 = arith.index_cast %add3A_462 : i32 to index
          %get3A_495 = arith.constant 16 : index
          %get3A_496 = tpu.vector_load %arg10[%get3A_494, %get3A_495] {strides = array<i32>} : memref<80x80xf32, #tpu.memory_space<vmem>>, vector<16xf32>,
          %mul3A_497 = arith.mulf %get3A_496, %gather3A_493 : vector<16xf32>
          %swap3A_498 = arith.index_cast %add3A_462 : i32 to index
          %swap3A_499 = arith.constant 16 : index
          %swap3A_500 = tpu.vector_load %arg10[%swap3A_498, %swap3A_499] {strides = array<i32>} : memref<80x80xf32, #tpu.memory_space<vmem>>, vector<16xf32>,
          tpu.vector_store %arg10[%swap3A_498, %swap3A_499], %mul3A_497 {strides = array<i32>} : memref<80x80xf32, #tpu.memory_space<vmem>>, vector<16xf32>,
          %broadcast_in_dim3A_501 = vector.shape_cast %shift_right_logical3A_52 : vector<16xi32> to vector<16x1xi32>
          %gather3A_502 = vector.shape_cast %broadcast_in_dim3A_501 : vector<16x1xi32> to vector<16xi32>
          %gather3A_503 = tpu.dynamic_gather %exp3A_477[%gather3A_502] in [0] : vector<16xf32>, vector<16xi32> -> vector<16xf32>
          %get3A_504 = arith.index_cast %add3A_462 : i32 to index
          %get3A_505 = arith.constant 32 : index
          %get3A_506 = tpu.vector_load %arg10[%get3A_504, %get3A_505] {strides = array<i32>} : memref<80x80xf32, #tpu.memory_space<vmem>>, vector<16xf32>,
          %mul3A_507 = arith.mulf %get3A_506, %gather3A_503 : vector<16xf32>
          %swap3A_508 = arith.index_cast %add3A_462 : i32 to index
          %swap3A_509 = arith.constant 32 : index
          %swap3A_510 = tpu.vector_load %arg10[%swap3A_508, %swap3A_509] {strides = array<i32>} : memref<80x80xf32, #tpu.memory_space<vmem>>, vector<16xf32>,
          tpu.vector_store %arg10[%swap3A_508, %swap3A_509], %mul3A_507 {strides = array<i32>} : memref<80x80xf32, #tpu.memory_space<vmem>>, vector<16xf32>,
          %broadcast_in_dim3A_511 = vector.shape_cast %shift_right_logical3A_59 : vector<16xi32> to vector<16x1xi32>
          %gather3A_512 = vector.shape_cast %broadcast_in_dim3A_511 : vector<16x1xi32> to vector<16xi32>
          %gather3A_513 = tpu.dynamic_gather %exp3A_477[%gather3A_512] in [0] : vector<16xf32>, vector<16xi32> -> vector<16xf32>
          %get3A_514 = arith.index_cast %add3A_462 : i32 to index
          %get3A_515 = arith.constant 48 : index
          %get3A_516 = tpu.vector_load %arg10[%get3A_514, %get3A_515] {strides = array<i32>} : memref<80x80xf32, #tpu.memory_space<vmem>>, vector<16xf32>,
          %mul3A_517 = arith.mulf %get3A_516, %gather3A_513 : vector<16xf32>
          %swap3A_518 = arith.index_cast %add3A_462 : i32 to index
          %swap3A_519 = arith.constant 48 : index
          %swap3A_520 = tpu.vector_load %arg10[%swap3A_518, %swap3A_519] {strides = array<i32>} : memref<80x80xf32, #tpu.memory_space<vmem>>, vector<16xf32>,
          tpu.vector_store %arg10[%swap3A_518, %swap3A_519], %mul3A_517 {strides = array<i32>} : memref<80x80xf32, #tpu.memory_space<vmem>>, vector<16xf32>,
          %scan3A_521 = arith.constant 6 : i32
          %scan3A_522 = arith.addi %scan3A_144, %scan3A_521 : i32
          %mul3A_523 = arith.constant 1 : i32
          %mul3A_524 = arith.muli %scan3A_522, %mul3A_523 : i32
          %add3A_525 = arith.constant 0 : i32
          %add3A_526 = arith.addi %add3A_525, %mul3A_524 : i32
          %get3A_527 = arith.index_cast %add3A_526 : i32 to index
          %get3A_528 = arith.constant 64 : index
          %get3A_529 = tpu.vector_load %arg10[%get3A_527, %get3A_528] {strides = array<i32>} : memref<80x80xf32, #tpu.memory_space<vmem>>, vector<16xf32>,
          %get3A_530 = arith.index_cast %add3A_526 : i32 to index
          %get3A_531 = arith.constant 0 : index
          %get3A_532 = tpu.vector_load %arg12[%get3A_530, %get3A_531] {strides = array<i32>} : memref<80x16xf32, #tpu.memory_space<vmem>>, vector<16xf32>,
          %add3A_533 = arith.addf %get3A_529, %get3A_532 : vector<16xf32>
          %gt3A_534 = arith.constant 0.000000e+00 : f32
          %gt3A_535 = vector.broadcast %gt3A_534 : f32 to vector<16xf32>
          %gt3A_536 = arith.cmpf ogt, %add3A_533, %gt3A_535 : vector<16xf32>
          %mul3A_537 = arith.constant 2.000000e-01 : f32
          %mul3A_538 = vector.broadcast %mul3A_537 : f32 to vector<16xf32>
          %mul3A_539 = arith.mulf %add3A_533, %mul3A_538 : vector<16xf32>
          %select_n3A_540 = arith.select %gt3A_536, %add3A_533, %mul3A_539 : vector<16xi1>, vector<16xf32>
          %exp3A_541 = math.exp %select_n3A_540 : vector<16xf32>
          %swap3A_542 = arith.index_cast %add3A_526 : i32 to index
          %swap3A_543 = arith.constant 64 : index
          %swap3A_544 = tpu.vector_load %arg10[%swap3A_542, %swap3A_543] {strides = array<i32>} : memref<80x80xf32, #tpu.memory_space<vmem>>, vector<16xf32>,
          tpu.vector_store %arg10[%swap3A_542, %swap3A_543], %exp3A_541 {strides = array<i32>} : memref<80x80xf32, #tpu.memory_space<vmem>>, vector<16xf32>,
          %broadcast_in_dim3A_545 = vector.shape_cast %shift_right_logical3A_38 : vector<16xi32> to vector<16x1xi32>
          %gather3A_546 = vector.shape_cast %broadcast_in_dim3A_545 : vector<16x1xi32> to vector<16xi32>
          %gather3A_547 = tpu.dynamic_gather %exp3A_541[%gather3A_546] in [0] : vector<16xf32>, vector<16xi32> -> vector<16xf32>
          %get3A_548 = arith.index_cast %add3A_526 : i32 to index
          %get3A_549 = arith.constant 0 : index
          %get3A_550 = tpu.vector_load %arg10[%get3A_548, %get3A_549] {strides = array<i32>} : memref<80x80xf32, #tpu.memory_space<vmem>>, vector<16xf32>,
          %mul3A_551 = arith.mulf %get3A_550, %gather3A_547 : vector<16xf32>
          %swap3A_552 = arith.index_cast %add3A_526 : i32 to index
          %swap3A_553 = arith.constant 0 : index
          %swap3A_554 = tpu.vector_load %arg10[%swap3A_552, %swap3A_553] {strides = array<i32>} : memref<80x80xf32, #tpu.memory_space<vmem>>, vector<16xf32>,
          tpu.vector_store %arg10[%swap3A_552, %swap3A_553], %mul3A_551 {strides = array<i32>} : memref<80x80xf32, #tpu.memory_space<vmem>>, vector<16xf32>,
          %broadcast_in_dim3A_555 = vector.shape_cast %shift_right_logical3A_45 : vector<16xi32> to vector<16x1xi32>
          %gather3A_556 = vector.shape_cast %broadcast_in_dim3A_555 : vector<16x1xi32> to vector<16xi32>
          %gather3A_557 = tpu.dynamic_gather %exp3A_541[%gather3A_556] in [0] : vector<16xf32>, vector<16xi32> -> vector<16xf32>
          %get3A_558 = arith.index_cast %add3A_526 : i32 to index
          %get3A_559 = arith.constant 16 : index
          %get3A_560 = tpu.vector_load %arg10[%get3A_558, %get3A_559] {strides = array<i32>} : memref<80x80xf32, #tpu.memory_space<vmem>>, vector<16xf32>,
          %mul3A_561 = arith.mulf %get3A_560, %gather3A_557 : vector<16xf32>
          %swap3A_562 = arith.index_cast %add3A_526 : i32 to index
          %swap3A_563 = arith.constant 16 : index
          %swap3A_564 = tpu.vector_load %arg10[%swap3A_562, %swap3A_563] {strides = array<i32>} : memref<80x80xf32, #tpu.memory_space<vmem>>, vector<16xf32>,
          tpu.vector_store %arg10[%swap3A_562, %swap3A_563], %mul3A_561 {strides = array<i32>} : memref<80x80xf32, #tpu.memory_space<vmem>>, vector<16xf32>,
          %broadcast_in_dim3A_565 = vector.shape_cast %shift_right_logical3A_52 : vector<16xi32> to vector<16x1xi32>
          %gather3A_566 = vector.shape_cast %broadcast_in_dim3A_565 : vector<16x1xi32> to vector<16xi32>
          %gather3A_567 = tpu.dynamic_gather %exp3A_541[%gather3A_566] in [0] : vector<16xf32>, vector<16xi32> -> vector<16xf32>
          %get3A_568 = arith.index_cast %add3A_526 : i32 to index
          %get3A_569 = arith.constant 32 : index
          %get3A_570 = tpu.vector_load %arg10[%get3A_568, %get3A_569] {strides = array<i32>} : memref<80x80xf32, #tpu.memory_space<vmem>>, vector<16xf32>,
          %mul3A_571 = arith.mulf %get3A_570, %gather3A_567 : vector<16xf32>
          %swap3A_572 = arith.index_cast %add3A_526 : i32 to index
          %swap3A_573 = arith.constant 32 : index
          %swap3A_574 = tpu.vector_load %arg10[%swap3A_572, %swap3A_573] {strides = array<i32>} : memref<80x80xf32, #tpu.memory_space<vmem>>, vector<16xf32>,
          tpu.vector_store %arg10[%swap3A_572, %swap3A_573], %mul3A_571 {strides = array<i32>} : memref<80x80xf32, #tpu.memory_space<vmem>>, vector<16xf32>,
          %broadcast_in_dim3A_575 = vector.shape_cast %shift_right_logical3A_59 : vector<16xi32> to vector<16x1xi32>
          %gather3A_576 = vector.shape_cast %broadcast_in_dim3A_575 : vector<16x1xi32> to vector<16xi32>
          %gather3A_577 = tpu.dynamic_gather %exp3A_541[%gather3A_576] in [0] : vector<16xf32>, vector<16xi32> -> vector<16xf32>
          %get3A_578 = arith.index_cast %add3A_526 : i32 to index
          %get3A_579 = arith.constant 48 : index
          %get3A_580 = tpu.vector_load %arg10[%get3A_578, %get3A_579] {strides = array<i32>} : memref<80x80xf32, #tpu.memory_space<vmem>>, vector<16xf32>,
          %mul3A_581 = arith.mulf %get3A_580, %gather3A_577 : vector<16xf32>
          %swap3A_582 = arith.index_cast %add3A_526 : i32 to index
          %swap3A_583 = arith.constant 48 : index
          %swap3A_584 = tpu.vector_load %arg10[%swap3A_582, %swap3A_583] {strides = array<i32>} : memref<80x80xf32, #tpu.memory_space<vmem>>, vector<16xf32>,
          tpu.vector_store %arg10[%swap3A_582, %swap3A_583], %mul3A_581 {strides = array<i32>} : memref<80x80xf32, #tpu.memory_space<vmem>>, vector<16xf32>,
          %scan3A_585 = arith.constant 7 : i32
          %scan3A_586 = arith.addi %scan3A_144, %scan3A_585 : i32
          %mul3A_587 = arith.constant 1 : i32
          %mul3A_588 = arith.muli %scan3A_586, %mul3A_587 : i32
          %add3A_589 = arith.constant 0 : i32
          %add3A_590 = arith.addi %add3A_589, %mul3A_588 : i32
          %get3A_591 = arith.index_cast %add3A_590 : i32 to index
          %get3A_592 = arith.constant 64 : index
          %get3A_593 = tpu.vector_load %arg10[%get3A_591, %get3A_592] {strides = array<i32>} : memref<80x80xf32, #tpu.memory_space<vmem>>, vector<16xf32>,
          %get3A_594 = arith.index_cast %add3A_590 : i32 to index
          %get3A_595 = arith.constant 0 : index
          %get3A_596 = tpu.vector_load %arg12[%get3A_594, %get3A_595] {strides = array<i32>} : memref<80x16xf32, #tpu.memory_space<vmem>>, vector<16xf32>,
          %add3A_597 = arith.addf %get3A_593, %get3A_596 : vector<16xf32>
          %gt3A_598 = arith.constant 0.000000e+00 : f32
          %gt3A_599 = vector.broadcast %gt3A_598 : f32 to vector<16xf32>
          %gt3A_600 = arith.cmpf ogt, %add3A_597, %gt3A_599 : vector<16xf32>
          %mul3A_601 = arith.constant 2.000000e-01 : f32
          %mul3A_602 = vector.broadcast %mul3A_601 : f32 to vector<16xf32>
          %mul3A_603 = arith.mulf %add3A_597, %mul3A_602 : vector<16xf32>
          %select_n3A_604 = arith.select %gt3A_600, %add3A_597, %mul3A_603 : vector<16xi1>, vector<16xf32>
          %exp3A_605 = math.exp %select_n3A_604 : vector<16xf32>
          %swap3A_606 = arith.index_cast %add3A_590 : i32 to index
          %swap3A_607 = arith.constant 64 : index
          %swap3A_608 = tpu.vector_load %arg10[%swap3A_606, %swap3A_607] {strides = array<i32>} : memref<80x80xf32, #tpu.memory_space<vmem>>, vector<16xf32>,
          tpu.vector_store %arg10[%swap3A_606, %swap3A_607], %exp3A_605 {strides = array<i32>} : memref<80x80xf32, #tpu.memory_space<vmem>>, vector<16xf32>,
          %broadcast_in_dim3A_609 = vector.shape_cast %shift_right_logical3A_38 : vector<16xi32> to vector<16x1xi32>
          %gather3A_610 = vector.shape_cast %broadcast_in_dim3A_609 : vector<16x1xi32> to vector<16xi32>
          %gather3A_611 = tpu.dynamic_gather %exp3A_605[%gather3A_610] in [0] : vector<16xf32>, vector<16xi32> -> vector<16xf32>
          %get3A_612 = arith.index_cast %add3A_590 : i32 to index
          %get3A_613 = arith.constant 0 : index
          %get3A_614 = tpu.vector_load %arg10[%get3A_612, %get3A_613] {strides = array<i32>} : memref<80x80xf32, #tpu.memory_space<vmem>>, vector<16xf32>,
          %mul3A_615 = arith.mulf %get3A_614, %gather3A_611 : vector<16xf32>
          %swap3A_616 = arith.index_cast %add3A_590 : i32 to index
          %swap3A_617 = arith.constant 0 : index
          %swap3A_618 = tpu.vector_load %arg10[%swap3A_616, %swap3A_617] {strides = array<i32>} : memref<80x80xf32, #tpu.memory_space<vmem>>, vector<16xf32>,
          tpu.vector_store %arg10[%swap3A_616, %swap3A_617], %mul3A_615 {strides = array<i32>} : memref<80x80xf32, #tpu.memory_space<vmem>>, vector<16xf32>,
          %broadcast_in_dim3A_619 = vector.shape_cast %shift_right_logical3A_45 : vector<16xi32> to vector<16x1xi32>
          %gather3A_620 = vector.shape_cast %broadcast_in_dim3A_619 : vector<16x1xi32> to vector<16xi32>
          %gather3A_621 = tpu.dynamic_gather %exp3A_605[%gather3A_620] in [0] : vector<16xf32>, vector<16xi32> -> vector<16xf32>
          %get3A_622 = arith.index_cast %add3A_590 : i32 to index
          %get3A_623 = arith.constant 16 : index
          %get3A_624 = tpu.vector_load %arg10[%get3A_622, %get3A_623] {strides = array<i32>} : memref<80x80xf32, #tpu.memory_space<vmem>>, vector<16xf32>,
          %mul3A_625 = arith.mulf %get3A_624, %gather3A_621 : vector<16xf32>
          %swap3A_626 = arith.index_cast %add3A_590 : i32 to index
          %swap3A_627 = arith.constant 16 : index
          %swap3A_628 = tpu.vector_load %arg10[%swap3A_626, %swap3A_627] {strides = array<i32>} : memref<80x80xf32, #tpu.memory_space<vmem>>, vector<16xf32>,
          tpu.vector_store %arg10[%swap3A_626, %swap3A_627], %mul3A_625 {strides = array<i32>} : memref<80x80xf32, #tpu.memory_space<vmem>>, vector<16xf32>,
          %broadcast_in_dim3A_629 = vector.shape_cast %shift_right_logical3A_52 : vector<16xi32> to vector<16x1xi32>
          %gather3A_630 = vector.shape_cast %broadcast_in_dim3A_629 : vector<16x1xi32> to vector<16xi32>
          %gather3A_631 = tpu.dynamic_gather %exp3A_605[%gather3A_630] in [0] : vector<16xf32>, vector<16xi32> -> vector<16xf32>
          %get3A_632 = arith.index_cast %add3A_590 : i32 to index
          %get3A_633 = arith.constant 32 : index
          %get3A_634 = tpu.vector_load %arg10[%get3A_632, %get3A_633] {strides = array<i32>} : memref<80x80xf32, #tpu.memory_space<vmem>>, vector<16xf32>,
          %mul3A_635 = arith.mulf %get3A_634, %gather3A_631 : vector<16xf32>
          %swap3A_636 = arith.index_cast %add3A_590 : i32 to index
          %swap3A_637 = arith.constant 32 : index
          %swap3A_638 = tpu.vector_load %arg10[%swap3A_636, %swap3A_637] {strides = array<i32>} : memref<80x80xf32, #tpu.memory_space<vmem>>, vector<16xf32>,
          tpu.vector_store %arg10[%swap3A_636, %swap3A_637], %mul3A_635 {strides = array<i32>} : memref<80x80xf32, #tpu.memory_space<vmem>>, vector<16xf32>,
          %broadcast_in_dim3A_639 = vector.shape_cast %shift_right_logical3A_59 : vector<16xi32> to vector<16x1xi32>
          %gather3A_640 = vector.shape_cast %broadcast_in_dim3A_639 : vector<16x1xi32> to vector<16xi32>
          %gather3A_641 = tpu.dynamic_gather %exp3A_605[%gather3A_640] in [0] : vector<16xf32>, vector<16xi32> -> vector<16xf32>
          %get3A_642 = arith.index_cast %add3A_590 : i32 to index
          %get3A_643 = arith.constant 48 : index
          %get3A_644 = tpu.vector_load %arg10[%get3A_642, %get3A_643] {strides = array<i32>} : memref<80x80xf32, #tpu.memory_space<vmem>>, vector<16xf32>,
          %mul3A_645 = arith.mulf %get3A_644, %gather3A_641 : vector<16xf32>
          %swap3A_646 = arith.index_cast %add3A_590 : i32 to index
          %swap3A_647 = arith.constant 48 : index
          %swap3A_648 = tpu.vector_load %arg10[%swap3A_646, %swap3A_647] {strides = array<i32>} : memref<80x80xf32, #tpu.memory_space<vmem>>, vector<16xf32>,
          tpu.vector_store %arg10[%swap3A_646, %swap3A_647], %mul3A_645 {strides = array<i32>} : memref<80x80xf32, #tpu.memory_space<vmem>>, vector<16xf32>,
        }
        %scan3A_143 = arith.constant 80 : i32
        "tpu.region"() ({
          %run_scoped3A = tpu.sem_alloc : memref<!tpu.dma_semaphore, #tpu.memory_space<semaphore_mem>>
          %dma_start3A_144 = arith.constant 0 : i32
          %dma_start3A_145 = tpu.memref_slice %arg8[%add3A_112, %dma_start3A_144] : memref<125x80xi32, #tpu.memory_space<vmem>> -> memref<1x80xi32, #tpu.memory_space<vmem>>
          %dma_start3A_146 = tpu.memref_squeeze %dma_start3A_145 : memref<1x80xi32, #tpu.memory_space<vmem>> -> memref<80xi32, #tpu.memory_space<vmem>>
          %dma_start3A_147 = arith.constant 0 : i32
          %dma_start3A_148 = arith.constant 0 : i32
          %dma_start3A_149 = tpu.memref_slice %arg14[%dma_start3A_147, %dma_start3A_148] : memref<10112x80xf32, #tpu.memory_space<vmem_shared>> -> memref<10112x80xf32, #tpu.memory_space<vmem_shared>>
          tpu.enqueue_indirect_dma source(%arg10 : memref<80x80xf32, #tpu.memory_space<vmem>>) target(%dma_start3A_149 : memref<10112x80xf32, #tpu.memory_space<vmem_shared>>) offsets(%dma_start3A_146 : memref<80xi32, #tpu.memory_space<vmem>>) semaphore(%run_scoped3A : memref<!tpu.dma_semaphore, #tpu.memory_space<semaphore_mem>>) {add = true}
          %dma_wait3A_150 = arith.constant 0 : i32
          %dma_wait3A_151 = tpu.memref_slice %arg8[%add3A_112, %dma_wait3A_150] : memref<125x80xi32, #tpu.memory_space<vmem>> -> memref<1x80xi32, #tpu.memory_space<vmem>>
          %dma_wait3A_152 = tpu.memref_squeeze %dma_wait3A_151 : memref<1x80xi32, #tpu.memory_space<vmem>> -> memref<80xi32, #tpu.memory_space<vmem>>
          %dma_wait3A_153 = arith.constant 0 : i32
          %dma_wait3A_154 = arith.constant 0 : i32
          %dma_wait3A_155 = tpu.memref_slice %arg14[%dma_wait3A_153, %dma_wait3A_154] : memref<10112x80xf32, #tpu.memory_space<vmem_shared>> -> memref<10112x80xf32, #tpu.memory_space<vmem_shared>>
          tpu.wait_indirect_dma semaphore(%run_scoped3A : memref<!tpu.dma_semaphore, #tpu.memory_space<semaphore_mem>>) src(%arg10 : memref<80x80xf32, #tpu.memory_space<vmem>>) dst(%dma_wait3A_155 : memref<10112x80xf32, #tpu.memory_space<vmem_shared>>)
          tpu.yield
        }) : () -> ()
      } else {
      }
    }
    %scan3A_77 = arith.constant 63 : i32
    %barrier3A_78 = arith.constant 0 : index
    tpu.barrier barrier_id(%barrier3A_78)
    %mul3A_79 = arith.constant 632 : i32
    %mul3A_80 = arith.muli %arg1, %mul3A_79 : i32
    %mul3A_81 = arith.constant 632 : i32
    %mul3A_82 = arith.muli %arg1, %mul3A_81 : i32
    "tpu.region"() ({
      %run_scoped3A = tpu.sem_alloc : memref<!tpu.dma_semaphore, #tpu.memory_space<semaphore_mem>>
      %dma_start3A_83 = arith.constant 0 : i32
      %dma_start3A_84 = tpu.memref_slice %arg6[%arg0, %mul3A_82, %dma_start3A_83] : memref<2x10112x80xf32, #tpu.memory_space<hbm>> -> memref<1x632x80xf32, #tpu.memory_space<hbm>>
      %dma_start3A_85 = tpu.memref_squeeze %dma_start3A_84 : memref<1x632x80xf32, #tpu.memory_space<hbm>> -> memref<632x80xf32, #tpu.memory_space<hbm>>
      %dma_start3A_86 = arith.constant 0 : i32
      %dma_start3A_87 = tpu.memref_slice %arg14[%mul3A_80, %dma_start3A_86] : memref<10112x80xf32, #tpu.memory_space<vmem_shared>> -> memref<632x80xf32, #tpu.memory_space<vmem_shared>>
      tpu.enqueue_dma source(%dma_start3A_87 : memref<632x80xf32, #tpu.memory_space<vmem_shared>>) target(%dma_start3A_85 : memref<632x80xf32, #tpu.memory_space<hbm>>) target_semaphore(%run_scoped3A : memref<!tpu.dma_semaphore, #tpu.memory_space<semaphore_mem>>)
      %dma_wait3A = arith.constant 0 : i32
      %dma_wait3A_88 = tpu.memref_slice %arg6[%arg0, %mul3A_82, %dma_wait3A] : memref<2x10112x80xf32, #tpu.memory_space<hbm>> -> memref<1x632x80xf32, #tpu.memory_space<hbm>>
      %dma_wait3A_89 = tpu.memref_squeeze %dma_wait3A_88 : memref<1x632x80xf32, #tpu.memory_space<hbm>> -> memref<632x80xf32, #tpu.memory_space<hbm>>
      %dma_wait3A_90 = arith.constant 0 : i32
      %dma_wait3A_91 = tpu.memref_slice %arg14[%mul3A_80, %dma_wait3A_90] : memref<10112x80xf32, #tpu.memory_space<vmem_shared>> -> memref<632x80xf32, #tpu.memory_space<vmem_shared>>
      tpu.wait_dma2 semaphore(%run_scoped3A : memref<!tpu.dma_semaphore, #tpu.memory_space<semaphore_mem>>) src(%dma_wait3A_91 : memref<632x80xf32, #tpu.memory_space<vmem_shared>>) dst(%dma_wait3A_89 : memref<632x80xf32, #tpu.memory_space<hbm>>)
      tpu.yield
    }) : () -> ()
    return
  }
}

#map = affine_map<(d0, d1) -> (0, 0)>
#map1 = affine_map<(d0, d1) -> (0, 0, 0)>
module attributes {stable_mosaic.version = 14 : i64} {
  func.func @sc_edge(%arg0: i32, %arg1: i32, %arg2: memref<10000x32xf32, #tpu.memory_space<hbm>>, %arg3: memref<10000x16xf32, #tpu.memory_space<hbm>>, %arg4: memref<32x125x80xi32, #tpu.memory_space<hbm>>, %arg5: memref<32x125x80xi32, #tpu.memory_space<hbm>>, %arg6: memref<2x10112x32xf32, #tpu.memory_space<hbm>>, %arg7: memref<125x80xi32, #tpu.memory_space<vmem>>, %arg8: memref<125x80xi32, #tpu.memory_space<vmem>>, %arg9: memref<80x32xf32, #tpu.memory_space<vmem>>, %arg10: memref<80x32xf32, #tpu.memory_space<vmem>>, %arg11: memref<80x16xf32, #tpu.memory_space<vmem>>, %arg12: memref<80x16xf32, #tpu.memory_space<vmem>>, %arg13: memref<104x32xf32, #tpu.memory_space<vmem>>, %arg14: memref<10112x32xf32, #tpu.memory_space<vmem_shared>>, %arg15: memref<!tpu.dma_semaphore, #tpu.memory_space<semaphore_mem>>, %arg16: memref<!tpu.dma_semaphore, #tpu.memory_space<semaphore_mem>>, %arg17: memref<!tpu.dma_semaphore, #tpu.memory_space<semaphore_mem>>, %arg18: memref<!tpu.dma_semaphore, #tpu.memory_space<semaphore_mem>>) attributes {dimension_semantics = [#tpu.dimension_semantics<core_parallel>, #tpu.dimension_semantics<subcore_parallel>], iteration_bounds = array<i64: 2, 16>, scalar_prefetch = 0 : i64, scratch_operands = 12 : i64, tpu.core_type = #tpu.core_type<sc_vector_subcore>, window_params = [{transform_indices = #map}, {transform_indices = #map}, {transform_indices = #map1}, {transform_indices = #map1}, {transform_indices = #map1}]} {
    %mul3A = arith.constant 16 : i32
    %mul3A_0 = arith.muli %arg0, %mul3A : i32
    %add3A = arith.addi %mul3A_0, %arg1 : i32
    "tpu.region"() ({
      %run_scoped3A = tpu.sem_alloc : memref<!tpu.dma_semaphore, #tpu.memory_space<semaphore_mem>>
      %dma_start3A_62 = arith.constant 0 : i32
      %dma_start3A_63 = arith.constant 0 : i32
      %dma_start3A_64 = tpu.memref_slice %arg4[%add3A, %dma_start3A_62, %dma_start3A_63] : memref<32x125x80xi32, #tpu.memory_space<hbm>> -> memref<1x125x80xi32, #tpu.memory_space<hbm>>
      %dma_start3A_65 = tpu.memref_squeeze %dma_start3A_64 : memref<1x125x80xi32, #tpu.memory_space<hbm>> -> memref<125x80xi32, #tpu.memory_space<hbm>>
      %dma_start3A_66 = arith.constant 0 : i32
      %dma_start3A_67 = arith.constant 0 : i32
      %dma_start3A_68 = tpu.memref_slice %arg4[%add3A, %dma_start3A_66, %dma_start3A_67] : memref<32x125x80xi32, #tpu.memory_space<hbm>> -> memref<1x125x80xi32, #tpu.memory_space<hbm>>
      %dma_start3A_69 = tpu.memref_squeeze %dma_start3A_68 : memref<1x125x80xi32, #tpu.memory_space<hbm>> -> memref<125x80xi32, #tpu.memory_space<hbm>>
      tpu.enqueue_dma source(%dma_start3A_69 : memref<125x80xi32, #tpu.memory_space<hbm>>) target(%arg7 : memref<125x80xi32, #tpu.memory_space<vmem>>) target_semaphore(%run_scoped3A : memref<!tpu.dma_semaphore, #tpu.memory_space<semaphore_mem>>)
      %dma_wait3A = arith.constant 0 : i32
      %dma_wait3A_70 = arith.constant 0 : i32
      %dma_wait3A_71 = tpu.memref_slice %arg4[%add3A, %dma_wait3A, %dma_wait3A_70] : memref<32x125x80xi32, #tpu.memory_space<hbm>> -> memref<1x125x80xi32, #tpu.memory_space<hbm>>
      %dma_wait3A_72 = tpu.memref_squeeze %dma_wait3A_71 : memref<1x125x80xi32, #tpu.memory_space<hbm>> -> memref<125x80xi32, #tpu.memory_space<hbm>>
      %dma_wait3A_73 = arith.constant 0 : i32
      %dma_wait3A_74 = arith.constant 0 : i32
      %dma_wait3A_75 = tpu.memref_slice %arg4[%add3A, %dma_wait3A_73, %dma_wait3A_74] : memref<32x125x80xi32, #tpu.memory_space<hbm>> -> memref<1x125x80xi32, #tpu.memory_space<hbm>>
      %dma_wait3A_76 = tpu.memref_squeeze %dma_wait3A_75 : memref<1x125x80xi32, #tpu.memory_space<hbm>> -> memref<125x80xi32, #tpu.memory_space<hbm>>
      tpu.wait_dma2 semaphore(%run_scoped3A : memref<!tpu.dma_semaphore, #tpu.memory_space<semaphore_mem>>) src(%dma_wait3A_76 : memref<125x80xi32, #tpu.memory_space<hbm>>) dst(%arg7 : memref<125x80xi32, #tpu.memory_space<vmem>>)
      tpu.yield
    }) : () -> ()
    "tpu.region"() ({
      %run_scoped3A = tpu.sem_alloc : memref<!tpu.dma_semaphore, #tpu.memory_space<semaphore_mem>>
      %dma_start3A_62 = arith.constant 0 : i32
      %dma_start3A_63 = arith.constant 0 : i32
      %dma_start3A_64 = tpu.memref_slice %arg5[%add3A, %dma_start3A_62, %dma_start3A_63] : memref<32x125x80xi32, #tpu.memory_space<hbm>> -> memref<1x125x80xi32, #tpu.memory_space<hbm>>
      %dma_start3A_65 = tpu.memref_squeeze %dma_start3A_64 : memref<1x125x80xi32, #tpu.memory_space<hbm>> -> memref<125x80xi32, #tpu.memory_space<hbm>>
      %dma_start3A_66 = arith.constant 0 : i32
      %dma_start3A_67 = arith.constant 0 : i32
      %dma_start3A_68 = tpu.memref_slice %arg5[%add3A, %dma_start3A_66, %dma_start3A_67] : memref<32x125x80xi32, #tpu.memory_space<hbm>> -> memref<1x125x80xi32, #tpu.memory_space<hbm>>
      %dma_start3A_69 = tpu.memref_squeeze %dma_start3A_68 : memref<1x125x80xi32, #tpu.memory_space<hbm>> -> memref<125x80xi32, #tpu.memory_space<hbm>>
      tpu.enqueue_dma source(%dma_start3A_69 : memref<125x80xi32, #tpu.memory_space<hbm>>) target(%arg8 : memref<125x80xi32, #tpu.memory_space<vmem>>) target_semaphore(%run_scoped3A : memref<!tpu.dma_semaphore, #tpu.memory_space<semaphore_mem>>)
      %dma_wait3A = arith.constant 0 : i32
      %dma_wait3A_70 = arith.constant 0 : i32
      %dma_wait3A_71 = tpu.memref_slice %arg5[%add3A, %dma_wait3A, %dma_wait3A_70] : memref<32x125x80xi32, #tpu.memory_space<hbm>> -> memref<1x125x80xi32, #tpu.memory_space<hbm>>
      %dma_wait3A_72 = tpu.memref_squeeze %dma_wait3A_71 : memref<1x125x80xi32, #tpu.memory_space<hbm>> -> memref<125x80xi32, #tpu.memory_space<hbm>>
      %dma_wait3A_73 = arith.constant 0 : i32
      %dma_wait3A_74 = arith.constant 0 : i32
      %dma_wait3A_75 = tpu.memref_slice %arg5[%add3A, %dma_wait3A_73, %dma_wait3A_74] : memref<32x125x80xi32, #tpu.memory_space<hbm>> -> memref<1x125x80xi32, #tpu.memory_space<hbm>>
      %dma_wait3A_76 = tpu.memref_squeeze %dma_wait3A_75 : memref<1x125x80xi32, #tpu.memory_space<hbm>> -> memref<125x80xi32, #tpu.memory_space<hbm>>
      tpu.wait_dma2 semaphore(%run_scoped3A : memref<!tpu.dma_semaphore, #tpu.memory_space<semaphore_mem>>) src(%dma_wait3A_76 : memref<125x80xi32, #tpu.memory_space<hbm>>) dst(%arg8 : memref<125x80xi32, #tpu.memory_space<vmem>>)
      tpu.yield
    }) : () -> ()
    %broadcast_in_dim3A = arith.constant 0.000000e+00 : f32
    %broadcast_in_dim3A_1 = vector.broadcast %broadcast_in_dim3A : f32 to vector<16xf32>
    %scan3A = arith.constant 0 : i32
    %scan3A_2 = arith.constant 208 : i32
    %scan3A_3 = arith.addi %scan3A, %scan3A_2 : i32
    %scan3A_4 = arith.constant 1 : i32
    scf.for %scan3A_62 = %scan3A to %scan3A_3 step %scan3A_4  : i32 {
      %mul3A_63 = arith.constant 1 : i32
      %mul3A_64 = arith.muli %scan3A_62, %mul3A_63 : i32
      %add3A_65 = arith.constant 0 : i32
      %add3A_66 = arith.addi %add3A_65, %mul3A_64 : i32
      %jit3A = arith.constant 2 : i32
      %div3A = arith.divsi %add3A_66, %jit3A : i32
      %sign3A = arith.constant 0 : i32
      %sign3A_67 = arith.cmpi sgt, %add3A_66, %sign3A : i32
      %sign3A_68 = arith.extui %sign3A_67 : i1 to i32
      %sign3A_69 = arith.constant 0 : i32
      %sign3A_70 = arith.cmpi slt, %add3A_66, %sign3A_69 : i32
      %sign3A_71 = arith.extui %sign3A_70 : i1 to i32
      %sign3A_72 = arith.subi %sign3A_68, %sign3A_71 : i32
      %sign3A_73 = arith.constant 0 : i32
      %sign3A_74 = arith.cmpi sgt, %jit3A, %sign3A_73 : i32
      %sign3A_75 = arith.extui %sign3A_74 : i1 to i32
      %sign3A_76 = arith.constant 0 : i32
      %sign3A_77 = arith.cmpi slt, %jit3A, %sign3A_76 : i32
      %sign3A_78 = arith.extui %sign3A_77 : i1 to i32
      %sign3A_79 = arith.subi %sign3A_75, %sign3A_78 : i32
      %ne3A = arith.cmpi ne, %sign3A_72, %sign3A_79 : i32
      %rem3A = arith.remsi %add3A_66, %jit3A : i32
      %ne3A_80 = arith.constant 0 : i32
      %ne3A_81 = arith.cmpi ne, %rem3A, %ne3A_80 : i32
      %and3A = arith.andi %ne3A, %ne3A_81 : i1
      %sub3A = arith.constant 1 : i32
      %sub3A_82 = arith.subi %div3A, %sub3A : i32
      %select_n3A = arith.select %and3A, %sub3A_82, %div3A : i32
      %jit3A_83 = arith.constant 2 : i32
      %eq3A = arith.constant 0 : i32
      %eq3A_84 = arith.cmpi eq, %jit3A_83, %eq3A : i32
      %jit3A_85 = arith.constant 1 : i32
      %select_n3A_86 = arith.select %eq3A_84, %jit3A_85, %jit3A_83 : i32
      %rem3A_87 = arith.remsi %add3A_66, %select_n3A_86 : i32
      %ne3A_88 = arith.constant 0 : i32
      %ne3A_89 = arith.cmpi ne, %rem3A_87, %ne3A_88 : i32
      %lt3A = arith.constant 0 : i32
      %lt3A_90 = arith.cmpi slt, %rem3A_87, %lt3A : i32
      %lt3A_91 = arith.constant 0 : i32
      %lt3A_92 = arith.cmpi slt, %select_n3A_86, %lt3A_91 : i32
      %ne3A_93 = arith.xori %lt3A_90, %lt3A_92 : i1
      %and3A_94 = arith.andi %ne3A_93, %ne3A_89 : i1
      %add3A_95 = arith.addi %rem3A_87, %select_n3A_86 : i32
      %select_n3A_96 = arith.select %and3A_94, %add3A_95, %rem3A_87 : i32
      %mul3A_97 = arith.constant 16 : i32
      %mul3A_98 = arith.muli %select_n3A_96, %mul3A_97 : i32
      %swap3A = arith.index_cast %select_n3A : i32 to index
      %swap3A_99 = arith.index_cast %mul3A_98 : i32 to index
      %swap3A_100 = tpu.vector_load %arg13[%swap3A, %swap3A_99] {strides = array<i32>} : memref<104x32xf32, #tpu.memory_space<vmem>>, vector<16xf32>,
      tpu.vector_store %arg13[%swap3A, %swap3A_99], %broadcast_in_dim3A_1 {strides = array<i32>} : memref<104x32xf32, #tpu.memory_space<vmem>>, vector<16xf32>,
    }
    %scan3A_5 = arith.constant 208 : i32
    %mul3A_6 = arith.constant 632 : i32
    %mul3A_7 = arith.muli %arg1, %mul3A_6 : i32
    %add3A_8 = arith.constant 0 : i32
    %add3A_9 = arith.addi %mul3A_7, %add3A_8 : i32
    "tpu.region"() ({
      %run_scoped3A = tpu.sem_alloc : memref<!tpu.dma_semaphore, #tpu.memory_space<semaphore_mem>>
      %dma_start3A_62 = arith.constant 0 : i32
      %dma_start3A_63 = tpu.memref_slice %arg14[%add3A_9, %dma_start3A_62] : memref<10112x32xf32, #tpu.memory_space<vmem_shared>> -> memref<104x32xf32, #tpu.memory_space<vmem_shared>>
      %dma_start3A_64 = arith.constant 0 : i32
      %dma_start3A_65 = tpu.memref_slice %arg14[%add3A_9, %dma_start3A_64] : memref<10112x32xf32, #tpu.memory_space<vmem_shared>> -> memref<104x32xf32, #tpu.memory_space<vmem_shared>>
      tpu.enqueue_dma source(%arg13 : memref<104x32xf32, #tpu.memory_space<vmem>>) target(%dma_start3A_65 : memref<104x32xf32, #tpu.memory_space<vmem_shared>>) target_semaphore(%run_scoped3A : memref<!tpu.dma_semaphore, #tpu.memory_space<semaphore_mem>>)
      %dma_wait3A = arith.constant 0 : i32
      %dma_wait3A_66 = tpu.memref_slice %arg14[%add3A_9, %dma_wait3A] : memref<10112x32xf32, #tpu.memory_space<vmem_shared>> -> memref<104x32xf32, #tpu.memory_space<vmem_shared>>
      %dma_wait3A_67 = arith.constant 0 : i32
      %dma_wait3A_68 = tpu.memref_slice %arg14[%add3A_9, %dma_wait3A_67] : memref<10112x32xf32, #tpu.memory_space<vmem_shared>> -> memref<104x32xf32, #tpu.memory_space<vmem_shared>>
      tpu.wait_dma2 semaphore(%run_scoped3A : memref<!tpu.dma_semaphore, #tpu.memory_space<semaphore_mem>>) src(%arg13 : memref<104x32xf32, #tpu.memory_space<vmem>>) dst(%dma_wait3A_68 : memref<104x32xf32, #tpu.memory_space<vmem_shared>>)
      tpu.yield
    }) : () -> ()
    %mul3A_10 = arith.constant 632 : i32
    %mul3A_11 = arith.muli %arg1, %mul3A_10 : i32
    %add3A_12 = arith.constant 104 : i32
    %add3A_13 = arith.addi %mul3A_11, %add3A_12 : i32
    "tpu.region"() ({
      %run_scoped3A = tpu.sem_alloc : memref<!tpu.dma_semaphore, #tpu.memory_space<semaphore_mem>>
      %dma_start3A_62 = arith.constant 0 : i32
      %dma_start3A_63 = tpu.memref_slice %arg14[%add3A_13, %dma_start3A_62] : memref<10112x32xf32, #tpu.memory_space<vmem_shared>> -> memref<104x32xf32, #tpu.memory_space<vmem_shared>>
      %dma_start3A_64 = arith.constant 0 : i32
      %dma_start3A_65 = tpu.memref_slice %arg14[%add3A_13, %dma_start3A_64] : memref<10112x32xf32, #tpu.memory_space<vmem_shared>> -> memref<104x32xf32, #tpu.memory_space<vmem_shared>>
      tpu.enqueue_dma source(%arg13 : memref<104x32xf32, #tpu.memory_space<vmem>>) target(%dma_start3A_65 : memref<104x32xf32, #tpu.memory_space<vmem_shared>>) target_semaphore(%run_scoped3A : memref<!tpu.dma_semaphore, #tpu.memory_space<semaphore_mem>>)
      %dma_wait3A = arith.constant 0 : i32
      %dma_wait3A_66 = tpu.memref_slice %arg14[%add3A_13, %dma_wait3A] : memref<10112x32xf32, #tpu.memory_space<vmem_shared>> -> memref<104x32xf32, #tpu.memory_space<vmem_shared>>
      %dma_wait3A_67 = arith.constant 0 : i32
      %dma_wait3A_68 = tpu.memref_slice %arg14[%add3A_13, %dma_wait3A_67] : memref<10112x32xf32, #tpu.memory_space<vmem_shared>> -> memref<104x32xf32, #tpu.memory_space<vmem_shared>>
      tpu.wait_dma2 semaphore(%run_scoped3A : memref<!tpu.dma_semaphore, #tpu.memory_space<semaphore_mem>>) src(%arg13 : memref<104x32xf32, #tpu.memory_space<vmem>>) dst(%dma_wait3A_68 : memref<104x32xf32, #tpu.memory_space<vmem_shared>>)
      tpu.yield
    }) : () -> ()
    %mul3A_14 = arith.constant 632 : i32
    %mul3A_15 = arith.muli %arg1, %mul3A_14 : i32
    %add3A_16 = arith.constant 208 : i32
    %add3A_17 = arith.addi %mul3A_15, %add3A_16 : i32
    "tpu.region"() ({
      %run_scoped3A = tpu.sem_alloc : memref<!tpu.dma_semaphore, #tpu.memory_space<semaphore_mem>>
      %dma_start3A_62 = arith.constant 0 : i32
      %dma_start3A_63 = tpu.memref_slice %arg14[%add3A_17, %dma_start3A_62] : memref<10112x32xf32, #tpu.memory_space<vmem_shared>> -> memref<104x32xf32, #tpu.memory_space<vmem_shared>>
      %dma_start3A_64 = arith.constant 0 : i32
      %dma_start3A_65 = tpu.memref_slice %arg14[%add3A_17, %dma_start3A_64] : memref<10112x32xf32, #tpu.memory_space<vmem_shared>> -> memref<104x32xf32, #tpu.memory_space<vmem_shared>>
      tpu.enqueue_dma source(%arg13 : memref<104x32xf32, #tpu.memory_space<vmem>>) target(%dma_start3A_65 : memref<104x32xf32, #tpu.memory_space<vmem_shared>>) target_semaphore(%run_scoped3A : memref<!tpu.dma_semaphore, #tpu.memory_space<semaphore_mem>>)
      %dma_wait3A = arith.constant 0 : i32
      %dma_wait3A_66 = tpu.memref_slice %arg14[%add3A_17, %dma_wait3A] : memref<10112x32xf32, #tpu.memory_space<vmem_shared>> -> memref<104x32xf32, #tpu.memory_space<vmem_shared>>
      %dma_wait3A_67 = arith.constant 0 : i32
      %dma_wait3A_68 = tpu.memref_slice %arg14[%add3A_17, %dma_wait3A_67] : memref<10112x32xf32, #tpu.memory_space<vmem_shared>> -> memref<104x32xf32, #tpu.memory_space<vmem_shared>>
      tpu.wait_dma2 semaphore(%run_scoped3A : memref<!tpu.dma_semaphore, #tpu.memory_space<semaphore_mem>>) src(%arg13 : memref<104x32xf32, #tpu.memory_space<vmem>>) dst(%dma_wait3A_68 : memref<104x32xf32, #tpu.memory_space<vmem_shared>>)
      tpu.yield
    }) : () -> ()
    %mul3A_18 = arith.constant 632 : i32
    %mul3A_19 = arith.muli %arg1, %mul3A_18 : i32
    %add3A_20 = arith.constant 312 : i32
    %add3A_21 = arith.addi %mul3A_19, %add3A_20 : i32
    "tpu.region"() ({
      %run_scoped3A = tpu.sem_alloc : memref<!tpu.dma_semaphore, #tpu.memory_space<semaphore_mem>>
      %dma_start3A_62 = arith.constant 0 : i32
      %dma_start3A_63 = tpu.memref_slice %arg14[%add3A_21, %dma_start3A_62] : memref<10112x32xf32, #tpu.memory_space<vmem_shared>> -> memref<104x32xf32, #tpu.memory_space<vmem_shared>>
      %dma_start3A_64 = arith.constant 0 : i32
      %dma_start3A_65 = tpu.memref_slice %arg14[%add3A_21, %dma_start3A_64] : memref<10112x32xf32, #tpu.memory_space<vmem_shared>> -> memref<104x32xf32, #tpu.memory_space<vmem_shared>>
      tpu.enqueue_dma source(%arg13 : memref<104x32xf32, #tpu.memory_space<vmem>>) target(%dma_start3A_65 : memref<104x32xf32, #tpu.memory_space<vmem_shared>>) target_semaphore(%run_scoped3A : memref<!tpu.dma_semaphore, #tpu.memory_space<semaphore_mem>>)
      %dma_wait3A = arith.constant 0 : i32
      %dma_wait3A_66 = tpu.memref_slice %arg14[%add3A_21, %dma_wait3A] : memref<10112x32xf32, #tpu.memory_space<vmem_shared>> -> memref<104x32xf32, #tpu.memory_space<vmem_shared>>
      %dma_wait3A_67 = arith.constant 0 : i32
      %dma_wait3A_68 = tpu.memref_slice %arg14[%add3A_21, %dma_wait3A_67] : memref<10112x32xf32, #tpu.memory_space<vmem_shared>> -> memref<104x32xf32, #tpu.memory_space<vmem_shared>>
      tpu.wait_dma2 semaphore(%run_scoped3A : memref<!tpu.dma_semaphore, #tpu.memory_space<semaphore_mem>>) src(%arg13 : memref<104x32xf32, #tpu.memory_space<vmem>>) dst(%dma_wait3A_68 : memref<104x32xf32, #tpu.memory_space<vmem_shared>>)
      tpu.yield
    }) : () -> ()
    %mul3A_22 = arith.constant 632 : i32
    %mul3A_23 = arith.muli %arg1, %mul3A_22 : i32
    %add3A_24 = arith.constant 416 : i32
    %add3A_25 = arith.addi %mul3A_23, %add3A_24 : i32
    "tpu.region"() ({
      %run_scoped3A = tpu.sem_alloc : memref<!tpu.dma_semaphore, #tpu.memory_space<semaphore_mem>>
      %dma_start3A_62 = arith.constant 0 : i32
      %dma_start3A_63 = tpu.memref_slice %arg14[%add3A_25, %dma_start3A_62] : memref<10112x32xf32, #tpu.memory_space<vmem_shared>> -> memref<104x32xf32, #tpu.memory_space<vmem_shared>>
      %dma_start3A_64 = arith.constant 0 : i32
      %dma_start3A_65 = tpu.memref_slice %arg14[%add3A_25, %dma_start3A_64] : memref<10112x32xf32, #tpu.memory_space<vmem_shared>> -> memref<104x32xf32, #tpu.memory_space<vmem_shared>>
      tpu.enqueue_dma source(%arg13 : memref<104x32xf32, #tpu.memory_space<vmem>>) target(%dma_start3A_65 : memref<104x32xf32, #tpu.memory_space<vmem_shared>>) target_semaphore(%run_scoped3A : memref<!tpu.dma_semaphore, #tpu.memory_space<semaphore_mem>>)
      %dma_wait3A = arith.constant 0 : i32
      %dma_wait3A_66 = tpu.memref_slice %arg14[%add3A_25, %dma_wait3A] : memref<10112x32xf32, #tpu.memory_space<vmem_shared>> -> memref<104x32xf32, #tpu.memory_space<vmem_shared>>
      %dma_wait3A_67 = arith.constant 0 : i32
      %dma_wait3A_68 = tpu.memref_slice %arg14[%add3A_25, %dma_wait3A_67] : memref<10112x32xf32, #tpu.memory_space<vmem_shared>> -> memref<104x32xf32, #tpu.memory_space<vmem_shared>>
      tpu.wait_dma2 semaphore(%run_scoped3A : memref<!tpu.dma_semaphore, #tpu.memory_space<semaphore_mem>>) src(%arg13 : memref<104x32xf32, #tpu.memory_space<vmem>>) dst(%dma_wait3A_68 : memref<104x32xf32, #tpu.memory_space<vmem_shared>>)
      tpu.yield
    }) : () -> ()
    %mul3A_26 = arith.constant 632 : i32
    %mul3A_27 = arith.muli %arg1, %mul3A_26 : i32
    %add3A_28 = arith.constant 520 : i32
    %add3A_29 = arith.addi %mul3A_27, %add3A_28 : i32
    "tpu.region"() ({
      %run_scoped3A = tpu.sem_alloc : memref<!tpu.dma_semaphore, #tpu.memory_space<semaphore_mem>>
      %dma_start3A_62 = arith.constant 0 : i32
      %dma_start3A_63 = tpu.memref_slice %arg14[%add3A_29, %dma_start3A_62] : memref<10112x32xf32, #tpu.memory_space<vmem_shared>> -> memref<104x32xf32, #tpu.memory_space<vmem_shared>>
      %dma_start3A_64 = arith.constant 0 : i32
      %dma_start3A_65 = tpu.memref_slice %arg14[%add3A_29, %dma_start3A_64] : memref<10112x32xf32, #tpu.memory_space<vmem_shared>> -> memref<104x32xf32, #tpu.memory_space<vmem_shared>>
      tpu.enqueue_dma source(%arg13 : memref<104x32xf32, #tpu.memory_space<vmem>>) target(%dma_start3A_65 : memref<104x32xf32, #tpu.memory_space<vmem_shared>>) target_semaphore(%run_scoped3A : memref<!tpu.dma_semaphore, #tpu.memory_space<semaphore_mem>>)
      %dma_wait3A = arith.constant 0 : i32
      %dma_wait3A_66 = tpu.memref_slice %arg14[%add3A_29, %dma_wait3A] : memref<10112x32xf32, #tpu.memory_space<vmem_shared>> -> memref<104x32xf32, #tpu.memory_space<vmem_shared>>
      %dma_wait3A_67 = arith.constant 0 : i32
      %dma_wait3A_68 = tpu.memref_slice %arg14[%add3A_29, %dma_wait3A_67] : memref<10112x32xf32, #tpu.memory_space<vmem_shared>> -> memref<104x32xf32, #tpu.memory_space<vmem_shared>>
      tpu.wait_dma2 semaphore(%run_scoped3A : memref<!tpu.dma_semaphore, #tpu.memory_space<semaphore_mem>>) src(%arg13 : memref<104x32xf32, #tpu.memory_space<vmem>>) dst(%dma_wait3A_68 : memref<104x32xf32, #tpu.memory_space<vmem_shared>>)
      tpu.yield
    }) : () -> ()
    %mul3A_30 = arith.constant 632 : i32
    %mul3A_31 = arith.muli %arg1, %mul3A_30 : i32
    %add3A_32 = arith.constant 624 : i32
    %add3A_33 = arith.addi %mul3A_31, %add3A_32 : i32
    "tpu.region"() ({
      %run_scoped3A = tpu.sem_alloc : memref<!tpu.dma_semaphore, #tpu.memory_space<semaphore_mem>>
      %dma_start3A_62 = arith.constant 0 : i32
      %dma_start3A_63 = arith.constant 0 : i32
      %dma_start3A_64 = tpu.memref_slice %arg13[%dma_start3A_62, %dma_start3A_63] : memref<104x32xf32, #tpu.memory_space<vmem>> -> memref<8x32xf32, #tpu.memory_space<vmem>>
      %dma_start3A_65 = arith.constant 0 : i32
      %dma_start3A_66 = tpu.memref_slice %arg14[%add3A_33, %dma_start3A_65] : memref<10112x32xf32, #tpu.memory_space<vmem_shared>> -> memref<8x32xf32, #tpu.memory_space<vmem_shared>>
      %dma_start3A_67 = arith.constant 0 : i32
      %dma_start3A_68 = tpu.memref_slice %arg14[%add3A_33, %dma_start3A_67] : memref<10112x32xf32, #tpu.memory_space<vmem_shared>> -> memref<8x32xf32, #tpu.memory_space<vmem_shared>>
      %dma_start3A_69 = arith.constant 0 : i32
      %dma_start3A_70 = arith.constant 0 : i32
      %dma_start3A_71 = tpu.memref_slice %arg13[%dma_start3A_69, %dma_start3A_70] : memref<104x32xf32, #tpu.memory_space<vmem>> -> memref<8x32xf32, #tpu.memory_space<vmem>>
      tpu.enqueue_dma source(%dma_start3A_71 : memref<8x32xf32, #tpu.memory_space<vmem>>) target(%dma_start3A_68 : memref<8x32xf32, #tpu.memory_space<vmem_shared>>) target_semaphore(%run_scoped3A : memref<!tpu.dma_semaphore, #tpu.memory_space<semaphore_mem>>)
      %dma_wait3A = arith.constant 0 : i32
      %dma_wait3A_72 = arith.constant 0 : i32
      %dma_wait3A_73 = tpu.memref_slice %arg13[%dma_wait3A, %dma_wait3A_72] : memref<104x32xf32, #tpu.memory_space<vmem>> -> memref<8x32xf32, #tpu.memory_space<vmem>>
      %dma_wait3A_74 = arith.constant 0 : i32
      %dma_wait3A_75 = tpu.memref_slice %arg14[%add3A_33, %dma_wait3A_74] : memref<10112x32xf32, #tpu.memory_space<vmem_shared>> -> memref<8x32xf32, #tpu.memory_space<vmem_shared>>
      %dma_wait3A_76 = arith.constant 0 : i32
      %dma_wait3A_77 = tpu.memref_slice %arg14[%add3A_33, %dma_wait3A_76] : memref<10112x32xf32, #tpu.memory_space<vmem_shared>> -> memref<8x32xf32, #tpu.memory_space<vmem_shared>>
      %dma_wait3A_78 = arith.constant 0 : i32
      %dma_wait3A_79 = arith.constant 0 : i32
      %dma_wait3A_80 = tpu.memref_slice %arg13[%dma_wait3A_78, %dma_wait3A_79] : memref<104x32xf32, #tpu.memory_space<vmem>> -> memref<8x32xf32, #tpu.memory_space<vmem>>
      tpu.wait_dma2 semaphore(%run_scoped3A : memref<!tpu.dma_semaphore, #tpu.memory_space<semaphore_mem>>) src(%dma_wait3A_80 : memref<8x32xf32, #tpu.memory_space<vmem>>) dst(%dma_wait3A_77 : memref<8x32xf32, #tpu.memory_space<vmem_shared>>)
      tpu.yield
    }) : () -> ()
    %barrier3A = arith.constant 0 : index
    tpu.barrier barrier_id(%barrier3A)
    %iota3A = tpu.iota {dimensions = array<i32: 0>} : vector<16xi32>
    %add3A_34 = arith.constant 0 : i32
    %add3A_35 = vector.broadcast %add3A_34 : i32 to vector<16xi32>
    %add3A_36 = arith.addi %iota3A, %add3A_35 : vector<16xi32>
    %shift_right_logical3A = arith.constant 3 : i32
    %shift_right_logical3A_37 = vector.broadcast %shift_right_logical3A : i32 to vector<16xi32>
    %shift_right_logical3A_38 = arith.shrui %add3A_36, %shift_right_logical3A_37 : vector<16xi32>
    %dma_start3A = arith.constant 0 : i32
    %dma_start3A_39 = arith.constant 0 : i32
    %dma_start3A_40 = tpu.memref_slice %arg7[%dma_start3A, %dma_start3A_39] : memref<125x80xi32, #tpu.memory_space<vmem>> -> memref<1x80xi32, #tpu.memory_space<vmem>>
    %dma_start3A_41 = tpu.memref_squeeze %dma_start3A_40 : memref<1x80xi32, #tpu.memory_space<vmem>> -> memref<80xi32, #tpu.memory_space<vmem>>
    %dma_start3A_42 = arith.constant 0 : i32
    %dma_start3A_43 = arith.constant 0 : i32
    %dma_start3A_44 = tpu.memref_slice %arg2[%dma_start3A_42, %dma_start3A_43] : memref<10000x32xf32, #tpu.memory_space<hbm>> -> memref<10000x32xf32, #tpu.memory_space<hbm>>
    tpu.enqueue_indirect_dma source(%dma_start3A_44 : memref<10000x32xf32, #tpu.memory_space<hbm>>) target(%arg9 : memref<80x32xf32, #tpu.memory_space<vmem>>) offsets(%dma_start3A_41 : memref<80xi32, #tpu.memory_space<vmem>>) semaphore(%arg15 : memref<!tpu.dma_semaphore, #tpu.memory_space<semaphore_mem>>)
    %dma_start3A_45 = arith.constant 0 : i32
    %dma_start3A_46 = arith.constant 0 : i32
    %dma_start3A_47 = tpu.memref_slice %arg8[%dma_start3A_45, %dma_start3A_46] : memref<125x80xi32, #tpu.memory_space<vmem>> -> memref<1x80xi32, #tpu.memory_space<vmem>>
    %dma_start3A_48 = tpu.memref_squeeze %dma_start3A_47 : memref<1x80xi32, #tpu.memory_space<vmem>> -> memref<80xi32, #tpu.memory_space<vmem>>
    %dma_start3A_49 = arith.constant 0 : i32
    %dma_start3A_50 = arith.constant 0 : i32
    %dma_start3A_51 = tpu.memref_slice %arg3[%dma_start3A_49, %dma_start3A_50] : memref<10000x16xf32, #tpu.memory_space<hbm>> -> memref<10000x16xf32, #tpu.memory_space<hbm>>
    tpu.enqueue_indirect_dma source(%dma_start3A_51 : memref<10000x16xf32, #tpu.memory_space<hbm>>) target(%arg11 : memref<80x16xf32, #tpu.memory_space<vmem>>) offsets(%dma_start3A_48 : memref<80xi32, #tpu.memory_space<vmem>>) semaphore(%arg17 : memref<!tpu.dma_semaphore, #tpu.memory_space<semaphore_mem>>)
    %scan3A_52 = arith.constant 0 : i32
    %scan3A_53 = arith.constant 63 : i32
    %scan3A_54 = arith.addi %scan3A_52, %scan3A_53 : i32
    %scan3A_55 = arith.constant 1 : i32
    scf.for %scan3A_62 = %scan3A_52 to %scan3A_54 step %scan3A_55  : i32 {
      %mul3A_63 = arith.constant 2 : i32
      %mul3A_64 = arith.muli %scan3A_62, %mul3A_63 : i32
      %add3A_65 = arith.constant 0 : i32
      %add3A_66 = arith.addi %add3A_65, %mul3A_64 : i32
      %add3A_67 = arith.constant 0 : i32
      %add3A_68 = arith.addi %add3A_66, %add3A_67 : i32
      %add3A_69 = arith.constant 2 : i32
      %add3A_70 = arith.addi %add3A_68, %add3A_69 : i32
      %sub3A = arith.constant 1 : i32
      %sub3A_71 = arith.subi %add3A_70, %sub3A : i32
      %lt3A = arith.constant 125 : i32
      %lt3A_72 = arith.cmpi slt, %sub3A_71, %lt3A : i32
      %convert_element_type3A = arith.extui %lt3A_72 : i1 to i32
      %cond3A = arith.constant 0 : i32
      %cond3A_73 = arith.cmpi ne, %convert_element_type3A, %cond3A : i32
      scf.if %cond3A_73 {
        %add3A_106 = arith.constant 2 : i32
        %add3A_107 = arith.addi %add3A_68, %add3A_106 : i32
        %sub3A_108 = arith.constant 1 : i32
        %sub3A_109 = arith.subi %add3A_107, %sub3A_108 : i32
        %dma_start3A_110 = arith.constant 0 : i32
        %dma_start3A_111 = tpu.memref_slice %arg7[%sub3A_109, %dma_start3A_110] : memref<125x80xi32, #tpu.memory_space<vmem>> -> memref<1x80xi32, #tpu.memory_space<vmem>>
        %dma_start3A_112 = tpu.memref_squeeze %dma_start3A_111 : memref<1x80xi32, #tpu.memory_space<vmem>> -> memref<80xi32, #tpu.memory_space<vmem>>
        %dma_start3A_113 = arith.constant 0 : i32
        %dma_start3A_114 = arith.constant 0 : i32
        %dma_start3A_115 = tpu.memref_slice %arg2[%dma_start3A_113, %dma_start3A_114] : memref<10000x32xf32, #tpu.memory_space<hbm>> -> memref<10000x32xf32, #tpu.memory_space<hbm>>
        tpu.enqueue_indirect_dma source(%dma_start3A_115 : memref<10000x32xf32, #tpu.memory_space<hbm>>) target(%arg10 : memref<80x32xf32, #tpu.memory_space<vmem>>) offsets(%dma_start3A_112 : memref<80xi32, #tpu.memory_space<vmem>>) semaphore(%arg16 : memref<!tpu.dma_semaphore, #tpu.memory_space<semaphore_mem>>)
        %dma_start3A_116 = arith.constant 0 : i32
        %dma_start3A_117 = tpu.memref_slice %arg8[%sub3A_109, %dma_start3A_116] : memref<125x80xi32, #tpu.memory_space<vmem>> -> memref<1x80xi32, #tpu.memory_space<vmem>>
        %dma_start3A_118 = tpu.memref_squeeze %dma_start3A_117 : memref<1x80xi32, #tpu.memory_space<vmem>> -> memref<80xi32, #tpu.memory_space<vmem>>
        %dma_start3A_119 = arith.constant 0 : i32
        %dma_start3A_120 = arith.constant 0 : i32
        %dma_start3A_121 = tpu.memref_slice %arg3[%dma_start3A_119, %dma_start3A_120] : memref<10000x16xf32, #tpu.memory_space<hbm>> -> memref<10000x16xf32, #tpu.memory_space<hbm>>
        tpu.enqueue_indirect_dma source(%dma_start3A_121 : memref<10000x16xf32, #tpu.memory_space<hbm>>) target(%arg12 : memref<80x16xf32, #tpu.memory_space<vmem>>) offsets(%dma_start3A_118 : memref<80xi32, #tpu.memory_space<vmem>>) semaphore(%arg18 : memref<!tpu.dma_semaphore, #tpu.memory_space<semaphore_mem>>)
      } else {
      }
      %dma_wait3A = arith.constant 0 : i32
      %dma_wait3A_74 = tpu.memref_slice %arg7[%add3A_68, %dma_wait3A] : memref<125x80xi32, #tpu.memory_space<vmem>> -> memref<1x80xi32, #tpu.memory_space<vmem>>
      %dma_wait3A_75 = tpu.memref_squeeze %dma_wait3A_74 : memref<1x80xi32, #tpu.memory_space<vmem>> -> memref<80xi32, #tpu.memory_space<vmem>>
      %dma_wait3A_76 = arith.constant 0 : i32
      %dma_wait3A_77 = arith.constant 0 : i32
      %dma_wait3A_78 = tpu.memref_slice %arg2[%dma_wait3A_76, %dma_wait3A_77] : memref<10000x32xf32, #tpu.memory_space<hbm>> -> memref<10000x32xf32, #tpu.memory_space<hbm>>
      tpu.wait_indirect_dma semaphore(%arg15 : memref<!tpu.dma_semaphore, #tpu.memory_space<semaphore_mem>>) src(%dma_wait3A_78 : memref<10000x32xf32, #tpu.memory_space<hbm>>) dst(%arg9 : memref<80x32xf32, #tpu.memory_space<vmem>>)
      %dma_wait3A_79 = arith.constant 0 : i32
      %dma_wait3A_80 = tpu.memref_slice %arg8[%add3A_68, %dma_wait3A_79] : memref<125x80xi32, #tpu.memory_space<vmem>> -> memref<1x80xi32, #tpu.memory_space<vmem>>
      %dma_wait3A_81 = tpu.memref_squeeze %dma_wait3A_80 : memref<1x80xi32, #tpu.memory_space<vmem>> -> memref<80xi32, #tpu.memory_space<vmem>>
      %dma_wait3A_82 = arith.constant 0 : i32
      %dma_wait3A_83 = arith.constant 0 : i32
      %dma_wait3A_84 = tpu.memref_slice %arg3[%dma_wait3A_82, %dma_wait3A_83] : memref<10000x16xf32, #tpu.memory_space<hbm>> -> memref<10000x16xf32, #tpu.memory_space<hbm>>
      tpu.wait_indirect_dma semaphore(%arg17 : memref<!tpu.dma_semaphore, #tpu.memory_space<semaphore_mem>>) src(%dma_wait3A_84 : memref<10000x16xf32, #tpu.memory_space<hbm>>) dst(%arg11 : memref<80x16xf32, #tpu.memory_space<vmem>>)
      %scan3A_85 = arith.constant 0 : i32
      %scan3A_86 = arith.constant 80 : i32
      %scan3A_87 = arith.addi %scan3A_85, %scan3A_86 : i32
      %scan3A_88 = arith.constant 8 : i32
      scf.for %scan3A_106 = %scan3A_85 to %scan3A_87 step %scan3A_88  : i32 {
        %mul3A_107 = arith.constant 1 : i32
        %mul3A_108 = arith.muli %scan3A_106, %mul3A_107 : i32
        %add3A_109 = arith.constant 0 : i32
        %add3A_110 = arith.addi %add3A_109, %mul3A_108 : i32
        %get3A = arith.index_cast %add3A_110 : i32 to index
        %get3A_111 = arith.constant 16 : index
        %get3A_112 = tpu.vector_load %arg9[%get3A, %get3A_111] {strides = array<i32>} : memref<80x32xf32, #tpu.memory_space<vmem>>, vector<16xf32>,
        %get3A_113 = arith.index_cast %add3A_110 : i32 to index
        %get3A_114 = arith.constant 0 : index
        %get3A_115 = tpu.vector_load %arg11[%get3A_113, %get3A_114] {strides = array<i32>} : memref<80x16xf32, #tpu.memory_space<vmem>>, vector<16xf32>,
        %add3A_116 = arith.addf %get3A_112, %get3A_115 : vector<16xf32>
        %gt3A = arith.constant 0.000000e+00 : f32
        %gt3A_117 = vector.broadcast %gt3A : f32 to vector<16xf32>
        %gt3A_118 = arith.cmpf ogt, %add3A_116, %gt3A_117 : vector<16xf32>
        %mul3A_119 = arith.constant 2.000000e-01 : f32
        %mul3A_120 = vector.broadcast %mul3A_119 : f32 to vector<16xf32>
        %mul3A_121 = arith.mulf %add3A_116, %mul3A_120 : vector<16xf32>
        %select_n3A = arith.select %gt3A_118, %add3A_116, %mul3A_121 : vector<16xi1>, vector<16xf32>
        %exp3A = math.exp %select_n3A : vector<16xf32>
        %swap3A = arith.index_cast %add3A_110 : i32 to index
        %swap3A_122 = arith.constant 16 : index
        %swap3A_123 = tpu.vector_load %arg9[%swap3A, %swap3A_122] {strides = array<i32>} : memref<80x32xf32, #tpu.memory_space<vmem>>, vector<16xf32>,
        tpu.vector_store %arg9[%swap3A, %swap3A_122], %exp3A {strides = array<i32>} : memref<80x32xf32, #tpu.memory_space<vmem>>, vector<16xf32>,
        %get3A_124 = arith.index_cast %add3A_110 : i32 to index
        %get3A_125 = arith.constant 0 : index
        %get3A_126 = tpu.vector_load %arg9[%get3A_124, %get3A_125] {strides = array<i32>} : memref<80x32xf32, #tpu.memory_space<vmem>>, vector<16xf32>,
        %mul3A_127 = arith.mulf %get3A_126, %exp3A : vector<16xf32>
        %swap3A_128 = arith.index_cast %add3A_110 : i32 to index
        %swap3A_129 = arith.constant 0 : index
        %swap3A_130 = tpu.vector_load %arg9[%swap3A_128, %swap3A_129] {strides = array<i32>} : memref<80x32xf32, #tpu.memory_space<vmem>>, vector<16xf32>,
        tpu.vector_store %arg9[%swap3A_128, %swap3A_129], %mul3A_127 {strides = array<i32>} : memref<80x32xf32, #tpu.memory_space<vmem>>, vector<16xf32>,
        %scan3A_131 = arith.constant 1 : i32
        %scan3A_132 = arith.addi %scan3A_106, %scan3A_131 : i32
        %mul3A_133 = arith.constant 1 : i32
        %mul3A_134 = arith.muli %scan3A_132, %mul3A_133 : i32
        %add3A_135 = arith.constant 0 : i32
        %add3A_136 = arith.addi %add3A_135, %mul3A_134 : i32
        %get3A_137 = arith.index_cast %add3A_136 : i32 to index
        %get3A_138 = arith.constant 16 : index
        %get3A_139 = tpu.vector_load %arg9[%get3A_137, %get3A_138] {strides = array<i32>} : memref<80x32xf32, #tpu.memory_space<vmem>>, vector<16xf32>,
        %get3A_140 = arith.index_cast %add3A_136 : i32 to index
        %get3A_141 = arith.constant 0 : index
        %get3A_142 = tpu.vector_load %arg11[%get3A_140, %get3A_141] {strides = array<i32>} : memref<80x16xf32, #tpu.memory_space<vmem>>, vector<16xf32>,
        %add3A_143 = arith.addf %get3A_139, %get3A_142 : vector<16xf32>
        %gt3A_144 = arith.constant 0.000000e+00 : f32
        %gt3A_145 = vector.broadcast %gt3A_144 : f32 to vector<16xf32>
        %gt3A_146 = arith.cmpf ogt, %add3A_143, %gt3A_145 : vector<16xf32>
        %mul3A_147 = arith.constant 2.000000e-01 : f32
        %mul3A_148 = vector.broadcast %mul3A_147 : f32 to vector<16xf32>
        %mul3A_149 = arith.mulf %add3A_143, %mul3A_148 : vector<16xf32>
        %select_n3A_150 = arith.select %gt3A_146, %add3A_143, %mul3A_149 : vector<16xi1>, vector<16xf32>
        %exp3A_151 = math.exp %select_n3A_150 : vector<16xf32>
        %swap3A_152 = arith.index_cast %add3A_136 : i32 to index
        %swap3A_153 = arith.constant 16 : index
        %swap3A_154 = tpu.vector_load %arg9[%swap3A_152, %swap3A_153] {strides = array<i32>} : memref<80x32xf32, #tpu.memory_space<vmem>>, vector<16xf32>,
        tpu.vector_store %arg9[%swap3A_152, %swap3A_153], %exp3A_151 {strides = array<i32>} : memref<80x32xf32, #tpu.memory_space<vmem>>, vector<16xf32>,
        %get3A_155 = arith.index_cast %add3A_136 : i32 to index
        %get3A_156 = arith.constant 0 : index
        %get3A_157 = tpu.vector_load %arg9[%get3A_155, %get3A_156] {strides = array<i32>} : memref<80x32xf32, #tpu.memory_space<vmem>>, vector<16xf32>,
        %mul3A_158 = arith.mulf %get3A_157, %exp3A_151 : vector<16xf32>
        %swap3A_159 = arith.index_cast %add3A_136 : i32 to index
        %swap3A_160 = arith.constant 0 : index
        %swap3A_161 = tpu.vector_load %arg9[%swap3A_159, %swap3A_160] {strides = array<i32>} : memref<80x32xf32, #tpu.memory_space<vmem>>, vector<16xf32>,
        tpu.vector_store %arg9[%swap3A_159, %swap3A_160], %mul3A_158 {strides = array<i32>} : memref<80x32xf32, #tpu.memory_space<vmem>>, vector<16xf32>,
        %scan3A_162 = arith.constant 2 : i32
        %scan3A_163 = arith.addi %scan3A_106, %scan3A_162 : i32
        %mul3A_164 = arith.constant 1 : i32
        %mul3A_165 = arith.muli %scan3A_163, %mul3A_164 : i32
        %add3A_166 = arith.constant 0 : i32
        %add3A_167 = arith.addi %add3A_166, %mul3A_165 : i32
        %get3A_168 = arith.index_cast %add3A_167 : i32 to index
        %get3A_169 = arith.constant 16 : index
        %get3A_170 = tpu.vector_load %arg9[%get3A_168, %get3A_169] {strides = array<i32>} : memref<80x32xf32, #tpu.memory_space<vmem>>, vector<16xf32>,
        %get3A_171 = arith.index_cast %add3A_167 : i32 to index
        %get3A_172 = arith.constant 0 : index
        %get3A_173 = tpu.vector_load %arg11[%get3A_171, %get3A_172] {strides = array<i32>} : memref<80x16xf32, #tpu.memory_space<vmem>>, vector<16xf32>,
        %add3A_174 = arith.addf %get3A_170, %get3A_173 : vector<16xf32>
        %gt3A_175 = arith.constant 0.000000e+00 : f32
        %gt3A_176 = vector.broadcast %gt3A_175 : f32 to vector<16xf32>
        %gt3A_177 = arith.cmpf ogt, %add3A_174, %gt3A_176 : vector<16xf32>
        %mul3A_178 = arith.constant 2.000000e-01 : f32
        %mul3A_179 = vector.broadcast %mul3A_178 : f32 to vector<16xf32>
        %mul3A_180 = arith.mulf %add3A_174, %mul3A_179 : vector<16xf32>
        %select_n3A_181 = arith.select %gt3A_177, %add3A_174, %mul3A_180 : vector<16xi1>, vector<16xf32>
        %exp3A_182 = math.exp %select_n3A_181 : vector<16xf32>
        %swap3A_183 = arith.index_cast %add3A_167 : i32 to index
        %swap3A_184 = arith.constant 16 : index
        %swap3A_185 = tpu.vector_load %arg9[%swap3A_183, %swap3A_184] {strides = array<i32>} : memref<80x32xf32, #tpu.memory_space<vmem>>, vector<16xf32>,
        tpu.vector_store %arg9[%swap3A_183, %swap3A_184], %exp3A_182 {strides = array<i32>} : memref<80x32xf32, #tpu.memory_space<vmem>>, vector<16xf32>,
        %get3A_186 = arith.index_cast %add3A_167 : i32 to index
        %get3A_187 = arith.constant 0 : index
        %get3A_188 = tpu.vector_load %arg9[%get3A_186, %get3A_187] {strides = array<i32>} : memref<80x32xf32, #tpu.memory_space<vmem>>, vector<16xf32>,
        %mul3A_189 = arith.mulf %get3A_188, %exp3A_182 : vector<16xf32>
        %swap3A_190 = arith.index_cast %add3A_167 : i32 to index
        %swap3A_191 = arith.constant 0 : index
        %swap3A_192 = tpu.vector_load %arg9[%swap3A_190, %swap3A_191] {strides = array<i32>} : memref<80x32xf32, #tpu.memory_space<vmem>>, vector<16xf32>,
        tpu.vector_store %arg9[%swap3A_190, %swap3A_191], %mul3A_189 {strides = array<i32>} : memref<80x32xf32, #tpu.memory_space<vmem>>, vector<16xf32>,
        %scan3A_193 = arith.constant 3 : i32
        %scan3A_194 = arith.addi %scan3A_106, %scan3A_193 : i32
        %mul3A_195 = arith.constant 1 : i32
        %mul3A_196 = arith.muli %scan3A_194, %mul3A_195 : i32
        %add3A_197 = arith.constant 0 : i32
        %add3A_198 = arith.addi %add3A_197, %mul3A_196 : i32
        %get3A_199 = arith.index_cast %add3A_198 : i32 to index
        %get3A_200 = arith.constant 16 : index
        %get3A_201 = tpu.vector_load %arg9[%get3A_199, %get3A_200] {strides = array<i32>} : memref<80x32xf32, #tpu.memory_space<vmem>>, vector<16xf32>,
        %get3A_202 = arith.index_cast %add3A_198 : i32 to index
        %get3A_203 = arith.constant 0 : index
        %get3A_204 = tpu.vector_load %arg11[%get3A_202, %get3A_203] {strides = array<i32>} : memref<80x16xf32, #tpu.memory_space<vmem>>, vector<16xf32>,
        %add3A_205 = arith.addf %get3A_201, %get3A_204 : vector<16xf32>
        %gt3A_206 = arith.constant 0.000000e+00 : f32
        %gt3A_207 = vector.broadcast %gt3A_206 : f32 to vector<16xf32>
        %gt3A_208 = arith.cmpf ogt, %add3A_205, %gt3A_207 : vector<16xf32>
        %mul3A_209 = arith.constant 2.000000e-01 : f32
        %mul3A_210 = vector.broadcast %mul3A_209 : f32 to vector<16xf32>
        %mul3A_211 = arith.mulf %add3A_205, %mul3A_210 : vector<16xf32>
        %select_n3A_212 = arith.select %gt3A_208, %add3A_205, %mul3A_211 : vector<16xi1>, vector<16xf32>
        %exp3A_213 = math.exp %select_n3A_212 : vector<16xf32>
        %swap3A_214 = arith.index_cast %add3A_198 : i32 to index
        %swap3A_215 = arith.constant 16 : index
        %swap3A_216 = tpu.vector_load %arg9[%swap3A_214, %swap3A_215] {strides = array<i32>} : memref<80x32xf32, #tpu.memory_space<vmem>>, vector<16xf32>,
        tpu.vector_store %arg9[%swap3A_214, %swap3A_215], %exp3A_213 {strides = array<i32>} : memref<80x32xf32, #tpu.memory_space<vmem>>, vector<16xf32>,
        %get3A_217 = arith.index_cast %add3A_198 : i32 to index
        %get3A_218 = arith.constant 0 : index
        %get3A_219 = tpu.vector_load %arg9[%get3A_217, %get3A_218] {strides = array<i32>} : memref<80x32xf32, #tpu.memory_space<vmem>>, vector<16xf32>,
        %mul3A_220 = arith.mulf %get3A_219, %exp3A_213 : vector<16xf32>
        %swap3A_221 = arith.index_cast %add3A_198 : i32 to index
        %swap3A_222 = arith.constant 0 : index
        %swap3A_223 = tpu.vector_load %arg9[%swap3A_221, %swap3A_222] {strides = array<i32>} : memref<80x32xf32, #tpu.memory_space<vmem>>, vector<16xf32>,
        tpu.vector_store %arg9[%swap3A_221, %swap3A_222], %mul3A_220 {strides = array<i32>} : memref<80x32xf32, #tpu.memory_space<vmem>>, vector<16xf32>,
        %scan3A_224 = arith.constant 4 : i32
        %scan3A_225 = arith.addi %scan3A_106, %scan3A_224 : i32
        %mul3A_226 = arith.constant 1 : i32
        %mul3A_227 = arith.muli %scan3A_225, %mul3A_226 : i32
        %add3A_228 = arith.constant 0 : i32
        %add3A_229 = arith.addi %add3A_228, %mul3A_227 : i32
        %get3A_230 = arith.index_cast %add3A_229 : i32 to index
        %get3A_231 = arith.constant 16 : index
        %get3A_232 = tpu.vector_load %arg9[%get3A_230, %get3A_231] {strides = array<i32>} : memref<80x32xf32, #tpu.memory_space<vmem>>, vector<16xf32>,
        %get3A_233 = arith.index_cast %add3A_229 : i32 to index
        %get3A_234 = arith.constant 0 : index
        %get3A_235 = tpu.vector_load %arg11[%get3A_233, %get3A_234] {strides = array<i32>} : memref<80x16xf32, #tpu.memory_space<vmem>>, vector<16xf32>,
        %add3A_236 = arith.addf %get3A_232, %get3A_235 : vector<16xf32>
        %gt3A_237 = arith.constant 0.000000e+00 : f32
        %gt3A_238 = vector.broadcast %gt3A_237 : f32 to vector<16xf32>
        %gt3A_239 = arith.cmpf ogt, %add3A_236, %gt3A_238 : vector<16xf32>
        %mul3A_240 = arith.constant 2.000000e-01 : f32
        %mul3A_241 = vector.broadcast %mul3A_240 : f32 to vector<16xf32>
        %mul3A_242 = arith.mulf %add3A_236, %mul3A_241 : vector<16xf32>
        %select_n3A_243 = arith.select %gt3A_239, %add3A_236, %mul3A_242 : vector<16xi1>, vector<16xf32>
        %exp3A_244 = math.exp %select_n3A_243 : vector<16xf32>
        %swap3A_245 = arith.index_cast %add3A_229 : i32 to index
        %swap3A_246 = arith.constant 16 : index
        %swap3A_247 = tpu.vector_load %arg9[%swap3A_245, %swap3A_246] {strides = array<i32>} : memref<80x32xf32, #tpu.memory_space<vmem>>, vector<16xf32>,
        tpu.vector_store %arg9[%swap3A_245, %swap3A_246], %exp3A_244 {strides = array<i32>} : memref<80x32xf32, #tpu.memory_space<vmem>>, vector<16xf32>,
        %get3A_248 = arith.index_cast %add3A_229 : i32 to index
        %get3A_249 = arith.constant 0 : index
        %get3A_250 = tpu.vector_load %arg9[%get3A_248, %get3A_249] {strides = array<i32>} : memref<80x32xf32, #tpu.memory_space<vmem>>, vector<16xf32>,
        %mul3A_251 = arith.mulf %get3A_250, %exp3A_244 : vector<16xf32>
        %swap3A_252 = arith.index_cast %add3A_229 : i32 to index
        %swap3A_253 = arith.constant 0 : index
        %swap3A_254 = tpu.vector_load %arg9[%swap3A_252, %swap3A_253] {strides = array<i32>} : memref<80x32xf32, #tpu.memory_space<vmem>>, vector<16xf32>,
        tpu.vector_store %arg9[%swap3A_252, %swap3A_253], %mul3A_251 {strides = array<i32>} : memref<80x32xf32, #tpu.memory_space<vmem>>, vector<16xf32>,
        %scan3A_255 = arith.constant 5 : i32
        %scan3A_256 = arith.addi %scan3A_106, %scan3A_255 : i32
        %mul3A_257 = arith.constant 1 : i32
        %mul3A_258 = arith.muli %scan3A_256, %mul3A_257 : i32
        %add3A_259 = arith.constant 0 : i32
        %add3A_260 = arith.addi %add3A_259, %mul3A_258 : i32
        %get3A_261 = arith.index_cast %add3A_260 : i32 to index
        %get3A_262 = arith.constant 16 : index
        %get3A_263 = tpu.vector_load %arg9[%get3A_261, %get3A_262] {strides = array<i32>} : memref<80x32xf32, #tpu.memory_space<vmem>>, vector<16xf32>,
        %get3A_264 = arith.index_cast %add3A_260 : i32 to index
        %get3A_265 = arith.constant 0 : index
        %get3A_266 = tpu.vector_load %arg11[%get3A_264, %get3A_265] {strides = array<i32>} : memref<80x16xf32, #tpu.memory_space<vmem>>, vector<16xf32>,
        %add3A_267 = arith.addf %get3A_263, %get3A_266 : vector<16xf32>
        %gt3A_268 = arith.constant 0.000000e+00 : f32
        %gt3A_269 = vector.broadcast %gt3A_268 : f32 to vector<16xf32>
        %gt3A_270 = arith.cmpf ogt, %add3A_267, %gt3A_269 : vector<16xf32>
        %mul3A_271 = arith.constant 2.000000e-01 : f32
        %mul3A_272 = vector.broadcast %mul3A_271 : f32 to vector<16xf32>
        %mul3A_273 = arith.mulf %add3A_267, %mul3A_272 : vector<16xf32>
        %select_n3A_274 = arith.select %gt3A_270, %add3A_267, %mul3A_273 : vector<16xi1>, vector<16xf32>
        %exp3A_275 = math.exp %select_n3A_274 : vector<16xf32>
        %swap3A_276 = arith.index_cast %add3A_260 : i32 to index
        %swap3A_277 = arith.constant 16 : index
        %swap3A_278 = tpu.vector_load %arg9[%swap3A_276, %swap3A_277] {strides = array<i32>} : memref<80x32xf32, #tpu.memory_space<vmem>>, vector<16xf32>,
        tpu.vector_store %arg9[%swap3A_276, %swap3A_277], %exp3A_275 {strides = array<i32>} : memref<80x32xf32, #tpu.memory_space<vmem>>, vector<16xf32>,
        %get3A_279 = arith.index_cast %add3A_260 : i32 to index
        %get3A_280 = arith.constant 0 : index
        %get3A_281 = tpu.vector_load %arg9[%get3A_279, %get3A_280] {strides = array<i32>} : memref<80x32xf32, #tpu.memory_space<vmem>>, vector<16xf32>,
        %mul3A_282 = arith.mulf %get3A_281, %exp3A_275 : vector<16xf32>
        %swap3A_283 = arith.index_cast %add3A_260 : i32 to index
        %swap3A_284 = arith.constant 0 : index
        %swap3A_285 = tpu.vector_load %arg9[%swap3A_283, %swap3A_284] {strides = array<i32>} : memref<80x32xf32, #tpu.memory_space<vmem>>, vector<16xf32>,
        tpu.vector_store %arg9[%swap3A_283, %swap3A_284], %mul3A_282 {strides = array<i32>} : memref<80x32xf32, #tpu.memory_space<vmem>>, vector<16xf32>,
        %scan3A_286 = arith.constant 6 : i32
        %scan3A_287 = arith.addi %scan3A_106, %scan3A_286 : i32
        %mul3A_288 = arith.constant 1 : i32
        %mul3A_289 = arith.muli %scan3A_287, %mul3A_288 : i32
        %add3A_290 = arith.constant 0 : i32
        %add3A_291 = arith.addi %add3A_290, %mul3A_289 : i32
        %get3A_292 = arith.index_cast %add3A_291 : i32 to index
        %get3A_293 = arith.constant 16 : index
        %get3A_294 = tpu.vector_load %arg9[%get3A_292, %get3A_293] {strides = array<i32>} : memref<80x32xf32, #tpu.memory_space<vmem>>, vector<16xf32>,
        %get3A_295 = arith.index_cast %add3A_291 : i32 to index
        %get3A_296 = arith.constant 0 : index
        %get3A_297 = tpu.vector_load %arg11[%get3A_295, %get3A_296] {strides = array<i32>} : memref<80x16xf32, #tpu.memory_space<vmem>>, vector<16xf32>,
        %add3A_298 = arith.addf %get3A_294, %get3A_297 : vector<16xf32>
        %gt3A_299 = arith.constant 0.000000e+00 : f32
        %gt3A_300 = vector.broadcast %gt3A_299 : f32 to vector<16xf32>
        %gt3A_301 = arith.cmpf ogt, %add3A_298, %gt3A_300 : vector<16xf32>
        %mul3A_302 = arith.constant 2.000000e-01 : f32
        %mul3A_303 = vector.broadcast %mul3A_302 : f32 to vector<16xf32>
        %mul3A_304 = arith.mulf %add3A_298, %mul3A_303 : vector<16xf32>
        %select_n3A_305 = arith.select %gt3A_301, %add3A_298, %mul3A_304 : vector<16xi1>, vector<16xf32>
        %exp3A_306 = math.exp %select_n3A_305 : vector<16xf32>
        %swap3A_307 = arith.index_cast %add3A_291 : i32 to index
        %swap3A_308 = arith.constant 16 : index
        %swap3A_309 = tpu.vector_load %arg9[%swap3A_307, %swap3A_308] {strides = array<i32>} : memref<80x32xf32, #tpu.memory_space<vmem>>, vector<16xf32>,
        tpu.vector_store %arg9[%swap3A_307, %swap3A_308], %exp3A_306 {strides = array<i32>} : memref<80x32xf32, #tpu.memory_space<vmem>>, vector<16xf32>,
        %get3A_310 = arith.index_cast %add3A_291 : i32 to index
        %get3A_311 = arith.constant 0 : index
        %get3A_312 = tpu.vector_load %arg9[%get3A_310, %get3A_311] {strides = array<i32>} : memref<80x32xf32, #tpu.memory_space<vmem>>, vector<16xf32>,
        %mul3A_313 = arith.mulf %get3A_312, %exp3A_306 : vector<16xf32>
        %swap3A_314 = arith.index_cast %add3A_291 : i32 to index
        %swap3A_315 = arith.constant 0 : index
        %swap3A_316 = tpu.vector_load %arg9[%swap3A_314, %swap3A_315] {strides = array<i32>} : memref<80x32xf32, #tpu.memory_space<vmem>>, vector<16xf32>,
        tpu.vector_store %arg9[%swap3A_314, %swap3A_315], %mul3A_313 {strides = array<i32>} : memref<80x32xf32, #tpu.memory_space<vmem>>, vector<16xf32>,
        %scan3A_317 = arith.constant 7 : i32
        %scan3A_318 = arith.addi %scan3A_106, %scan3A_317 : i32
        %mul3A_319 = arith.constant 1 : i32
        %mul3A_320 = arith.muli %scan3A_318, %mul3A_319 : i32
        %add3A_321 = arith.constant 0 : i32
        %add3A_322 = arith.addi %add3A_321, %mul3A_320 : i32
        %get3A_323 = arith.index_cast %add3A_322 : i32 to index
        %get3A_324 = arith.constant 16 : index
        %get3A_325 = tpu.vector_load %arg9[%get3A_323, %get3A_324] {strides = array<i32>} : memref<80x32xf32, #tpu.memory_space<vmem>>, vector<16xf32>,
        %get3A_326 = arith.index_cast %add3A_322 : i32 to index
        %get3A_327 = arith.constant 0 : index
        %get3A_328 = tpu.vector_load %arg11[%get3A_326, %get3A_327] {strides = array<i32>} : memref<80x16xf32, #tpu.memory_space<vmem>>, vector<16xf32>,
        %add3A_329 = arith.addf %get3A_325, %get3A_328 : vector<16xf32>
        %gt3A_330 = arith.constant 0.000000e+00 : f32
        %gt3A_331 = vector.broadcast %gt3A_330 : f32 to vector<16xf32>
        %gt3A_332 = arith.cmpf ogt, %add3A_329, %gt3A_331 : vector<16xf32>
        %mul3A_333 = arith.constant 2.000000e-01 : f32
        %mul3A_334 = vector.broadcast %mul3A_333 : f32 to vector<16xf32>
        %mul3A_335 = arith.mulf %add3A_329, %mul3A_334 : vector<16xf32>
        %select_n3A_336 = arith.select %gt3A_332, %add3A_329, %mul3A_335 : vector<16xi1>, vector<16xf32>
        %exp3A_337 = math.exp %select_n3A_336 : vector<16xf32>
        %swap3A_338 = arith.index_cast %add3A_322 : i32 to index
        %swap3A_339 = arith.constant 16 : index
        %swap3A_340 = tpu.vector_load %arg9[%swap3A_338, %swap3A_339] {strides = array<i32>} : memref<80x32xf32, #tpu.memory_space<vmem>>, vector<16xf32>,
        tpu.vector_store %arg9[%swap3A_338, %swap3A_339], %exp3A_337 {strides = array<i32>} : memref<80x32xf32, #tpu.memory_space<vmem>>, vector<16xf32>,
        %get3A_341 = arith.index_cast %add3A_322 : i32 to index
        %get3A_342 = arith.constant 0 : index
        %get3A_343 = tpu.vector_load %arg9[%get3A_341, %get3A_342] {strides = array<i32>} : memref<80x32xf32, #tpu.memory_space<vmem>>, vector<16xf32>,
        %mul3A_344 = arith.mulf %get3A_343, %exp3A_337 : vector<16xf32>
        %swap3A_345 = arith.index_cast %add3A_322 : i32 to index
        %swap3A_346 = arith.constant 0 : index
        %swap3A_347 = tpu.vector_load %arg9[%swap3A_345, %swap3A_346] {strides = array<i32>} : memref<80x32xf32, #tpu.memory_space<vmem>>, vector<16xf32>,
        tpu.vector_store %arg9[%swap3A_345, %swap3A_346], %mul3A_344 {strides = array<i32>} : memref<80x32xf32, #tpu.memory_space<vmem>>, vector<16xf32>,
      }
      %scan3A_89 = arith.constant 80 : i32
      "tpu.region"() ({
        %run_scoped3A = tpu.sem_alloc : memref<!tpu.dma_semaphore, #tpu.memory_space<semaphore_mem>>
        %dma_start3A_106 = arith.constant 0 : i32
        %dma_start3A_107 = tpu.memref_slice %arg8[%add3A_68, %dma_start3A_106] : memref<125x80xi32, #tpu.memory_space<vmem>> -> memref<1x80xi32, #tpu.memory_space<vmem>>
        %dma_start3A_108 = tpu.memref_squeeze %dma_start3A_107 : memref<1x80xi32, #tpu.memory_space<vmem>> -> memref<80xi32, #tpu.memory_space<vmem>>
        %dma_start3A_109 = arith.constant 0 : i32
        %dma_start3A_110 = arith.constant 0 : i32
        %dma_start3A_111 = tpu.memref_slice %arg14[%dma_start3A_109, %dma_start3A_110] : memref<10112x32xf32, #tpu.memory_space<vmem_shared>> -> memref<10112x32xf32, #tpu.memory_space<vmem_shared>>
        tpu.enqueue_indirect_dma source(%arg9 : memref<80x32xf32, #tpu.memory_space<vmem>>) target(%dma_start3A_111 : memref<10112x32xf32, #tpu.memory_space<vmem_shared>>) offsets(%dma_start3A_108 : memref<80xi32, #tpu.memory_space<vmem>>) semaphore(%run_scoped3A : memref<!tpu.dma_semaphore, #tpu.memory_space<semaphore_mem>>) {add = true}
        %dma_wait3A_112 = arith.constant 0 : i32
        %dma_wait3A_113 = tpu.memref_slice %arg8[%add3A_68, %dma_wait3A_112] : memref<125x80xi32, #tpu.memory_space<vmem>> -> memref<1x80xi32, #tpu.memory_space<vmem>>
        %dma_wait3A_114 = tpu.memref_squeeze %dma_wait3A_113 : memref<1x80xi32, #tpu.memory_space<vmem>> -> memref<80xi32, #tpu.memory_space<vmem>>
        %dma_wait3A_115 = arith.constant 0 : i32
        %dma_wait3A_116 = arith.constant 0 : i32
        %dma_wait3A_117 = tpu.memref_slice %arg14[%dma_wait3A_115, %dma_wait3A_116] : memref<10112x32xf32, #tpu.memory_space<vmem_shared>> -> memref<10112x32xf32, #tpu.memory_space<vmem_shared>>
        tpu.wait_indirect_dma semaphore(%run_scoped3A : memref<!tpu.dma_semaphore, #tpu.memory_space<semaphore_mem>>) src(%arg9 : memref<80x32xf32, #tpu.memory_space<vmem>>) dst(%dma_wait3A_117 : memref<10112x32xf32, #tpu.memory_space<vmem_shared>>)
        tpu.yield
      }) : () -> ()
      %add3A_90 = arith.constant 1 : i32
      %add3A_91 = arith.addi %add3A_66, %add3A_90 : i32
      %add3A_92 = arith.constant 2 : i32
      %add3A_93 = arith.addi %add3A_91, %add3A_92 : i32
      %sub3A_94 = arith.constant 1 : i32
      %sub3A_95 = arith.subi %add3A_93, %sub3A_94 : i32
      %lt3A_96 = arith.constant 125 : i32
      %lt3A_97 = arith.cmpi slt, %sub3A_95, %lt3A_96 : i32
      %convert_element_type3A_98 = arith.extui %lt3A_97 : i1 to i32
      %cond3A_99 = arith.constant 0 : i32
      %cond3A_100 = arith.cmpi ne, %convert_element_type3A_98, %cond3A_99 : i32
      scf.if %cond3A_100 {
        %add3A_106 = arith.constant 2 : i32
        %add3A_107 = arith.addi %add3A_91, %add3A_106 : i32
        %sub3A_108 = arith.constant 1 : i32
        %sub3A_109 = arith.subi %add3A_107, %sub3A_108 : i32
        %dma_start3A_110 = arith.constant 0 : i32
        %dma_start3A_111 = tpu.memref_slice %arg7[%sub3A_109, %dma_start3A_110] : memref<125x80xi32, #tpu.memory_space<vmem>> -> memref<1x80xi32, #tpu.memory_space<vmem>>
        %dma_start3A_112 = tpu.memref_squeeze %dma_start3A_111 : memref<1x80xi32, #tpu.memory_space<vmem>> -> memref<80xi32, #tpu.memory_space<vmem>>
        %dma_start3A_113 = arith.constant 0 : i32
        %dma_start3A_114 = arith.constant 0 : i32
        %dma_start3A_115 = tpu.memref_slice %arg2[%dma_start3A_113, %dma_start3A_114] : memref<10000x32xf32, #tpu.memory_space<hbm>> -> memref<10000x32xf32, #tpu.memory_space<hbm>>
        tpu.enqueue_indirect_dma source(%dma_start3A_115 : memref<10000x32xf32, #tpu.memory_space<hbm>>) target(%arg9 : memref<80x32xf32, #tpu.memory_space<vmem>>) offsets(%dma_start3A_112 : memref<80xi32, #tpu.memory_space<vmem>>) semaphore(%arg15 : memref<!tpu.dma_semaphore, #tpu.memory_space<semaphore_mem>>)
        %dma_start3A_116 = arith.constant 0 : i32
        %dma_start3A_117 = tpu.memref_slice %arg8[%sub3A_109, %dma_start3A_116] : memref<125x80xi32, #tpu.memory_space<vmem>> -> memref<1x80xi32, #tpu.memory_space<vmem>>
        %dma_start3A_118 = tpu.memref_squeeze %dma_start3A_117 : memref<1x80xi32, #tpu.memory_space<vmem>> -> memref<80xi32, #tpu.memory_space<vmem>>
        %dma_start3A_119 = arith.constant 0 : i32
        %dma_start3A_120 = arith.constant 0 : i32
        %dma_start3A_121 = tpu.memref_slice %arg3[%dma_start3A_119, %dma_start3A_120] : memref<10000x16xf32, #tpu.memory_space<hbm>> -> memref<10000x16xf32, #tpu.memory_space<hbm>>
        tpu.enqueue_indirect_dma source(%dma_start3A_121 : memref<10000x16xf32, #tpu.memory_space<hbm>>) target(%arg11 : memref<80x16xf32, #tpu.memory_space<vmem>>) offsets(%dma_start3A_118 : memref<80xi32, #tpu.memory_space<vmem>>) semaphore(%arg17 : memref<!tpu.dma_semaphore, #tpu.memory_space<semaphore_mem>>)
      } else {
      }
      %lt3A_101 = arith.constant 125 : i32
      %lt3A_102 = arith.cmpi slt, %add3A_91, %lt3A_101 : i32
      %convert_element_type3A_103 = arith.extui %lt3A_102 : i1 to i32
      %cond3A_104 = arith.constant 0 : i32
      %cond3A_105 = arith.cmpi ne, %convert_element_type3A_103, %cond3A_104 : i32
      scf.if %cond3A_105 {
        %dma_wait3A_106 = arith.constant 0 : i32
        %dma_wait3A_107 = tpu.memref_slice %arg7[%add3A_91, %dma_wait3A_106] : memref<125x80xi32, #tpu.memory_space<vmem>> -> memref<1x80xi32, #tpu.memory_space<vmem>>
        %dma_wait3A_108 = tpu.memref_squeeze %dma_wait3A_107 : memref<1x80xi32, #tpu.memory_space<vmem>> -> memref<80xi32, #tpu.memory_space<vmem>>
        %dma_wait3A_109 = arith.constant 0 : i32
        %dma_wait3A_110 = arith.constant 0 : i32
        %dma_wait3A_111 = tpu.memref_slice %arg2[%dma_wait3A_109, %dma_wait3A_110] : memref<10000x32xf32, #tpu.memory_space<hbm>> -> memref<10000x32xf32, #tpu.memory_space<hbm>>
        tpu.wait_indirect_dma semaphore(%arg16 : memref<!tpu.dma_semaphore, #tpu.memory_space<semaphore_mem>>) src(%dma_wait3A_111 : memref<10000x32xf32, #tpu.memory_space<hbm>>) dst(%arg10 : memref<80x32xf32, #tpu.memory_space<vmem>>)
        %dma_wait3A_112 = arith.constant 0 : i32
        %dma_wait3A_113 = tpu.memref_slice %arg8[%add3A_91, %dma_wait3A_112] : memref<125x80xi32, #tpu.memory_space<vmem>> -> memref<1x80xi32, #tpu.memory_space<vmem>>
        %dma_wait3A_114 = tpu.memref_squeeze %dma_wait3A_113 : memref<1x80xi32, #tpu.memory_space<vmem>> -> memref<80xi32, #tpu.memory_space<vmem>>
        %dma_wait3A_115 = arith.constant 0 : i32
        %dma_wait3A_116 = arith.constant 0 : i32
        %dma_wait3A_117 = tpu.memref_slice %arg3[%dma_wait3A_115, %dma_wait3A_116] : memref<10000x16xf32, #tpu.memory_space<hbm>> -> memref<10000x16xf32, #tpu.memory_space<hbm>>
        tpu.wait_indirect_dma semaphore(%arg18 : memref<!tpu.dma_semaphore, #tpu.memory_space<semaphore_mem>>) src(%dma_wait3A_117 : memref<10000x16xf32, #tpu.memory_space<hbm>>) dst(%arg12 : memref<80x16xf32, #tpu.memory_space<vmem>>)
        %scan3A_118 = arith.constant 0 : i32
        %scan3A_119 = arith.constant 80 : i32
        %scan3A_120 = arith.addi %scan3A_118, %scan3A_119 : i32
        %scan3A_121 = arith.constant 8 : i32
        scf.for %scan3A_123 = %scan3A_118 to %scan3A_120 step %scan3A_121  : i32 {
          %mul3A_124 = arith.constant 1 : i32
          %mul3A_125 = arith.muli %scan3A_123, %mul3A_124 : i32
          %add3A_126 = arith.constant 0 : i32
          %add3A_127 = arith.addi %add3A_126, %mul3A_125 : i32
          %get3A = arith.index_cast %add3A_127 : i32 to index
          %get3A_128 = arith.constant 16 : index
          %get3A_129 = tpu.vector_load %arg10[%get3A, %get3A_128] {strides = array<i32>} : memref<80x32xf32, #tpu.memory_space<vmem>>, vector<16xf32>,
          %get3A_130 = arith.index_cast %add3A_127 : i32 to index
          %get3A_131 = arith.constant 0 : index
          %get3A_132 = tpu.vector_load %arg12[%get3A_130, %get3A_131] {strides = array<i32>} : memref<80x16xf32, #tpu.memory_space<vmem>>, vector<16xf32>,
          %add3A_133 = arith.addf %get3A_129, %get3A_132 : vector<16xf32>
          %gt3A = arith.constant 0.000000e+00 : f32
          %gt3A_134 = vector.broadcast %gt3A : f32 to vector<16xf32>
          %gt3A_135 = arith.cmpf ogt, %add3A_133, %gt3A_134 : vector<16xf32>
          %mul3A_136 = arith.constant 2.000000e-01 : f32
          %mul3A_137 = vector.broadcast %mul3A_136 : f32 to vector<16xf32>
          %mul3A_138 = arith.mulf %add3A_133, %mul3A_137 : vector<16xf32>
          %select_n3A = arith.select %gt3A_135, %add3A_133, %mul3A_138 : vector<16xi1>, vector<16xf32>
          %exp3A = math.exp %select_n3A : vector<16xf32>
          %swap3A = arith.index_cast %add3A_127 : i32 to index
          %swap3A_139 = arith.constant 16 : index
          %swap3A_140 = tpu.vector_load %arg10[%swap3A, %swap3A_139] {strides = array<i32>} : memref<80x32xf32, #tpu.memory_space<vmem>>, vector<16xf32>,
          tpu.vector_store %arg10[%swap3A, %swap3A_139], %exp3A {strides = array<i32>} : memref<80x32xf32, #tpu.memory_space<vmem>>, vector<16xf32>,
          %get3A_141 = arith.index_cast %add3A_127 : i32 to index
          %get3A_142 = arith.constant 0 : index
          %get3A_143 = tpu.vector_load %arg10[%get3A_141, %get3A_142] {strides = array<i32>} : memref<80x32xf32, #tpu.memory_space<vmem>>, vector<16xf32>,
          %mul3A_144 = arith.mulf %get3A_143, %exp3A : vector<16xf32>
          %swap3A_145 = arith.index_cast %add3A_127 : i32 to index
          %swap3A_146 = arith.constant 0 : index
          %swap3A_147 = tpu.vector_load %arg10[%swap3A_145, %swap3A_146] {strides = array<i32>} : memref<80x32xf32, #tpu.memory_space<vmem>>, vector<16xf32>,
          tpu.vector_store %arg10[%swap3A_145, %swap3A_146], %mul3A_144 {strides = array<i32>} : memref<80x32xf32, #tpu.memory_space<vmem>>, vector<16xf32>,
          %scan3A_148 = arith.constant 1 : i32
          %scan3A_149 = arith.addi %scan3A_123, %scan3A_148 : i32
          %mul3A_150 = arith.constant 1 : i32
          %mul3A_151 = arith.muli %scan3A_149, %mul3A_150 : i32
          %add3A_152 = arith.constant 0 : i32
          %add3A_153 = arith.addi %add3A_152, %mul3A_151 : i32
          %get3A_154 = arith.index_cast %add3A_153 : i32 to index
          %get3A_155 = arith.constant 16 : index
          %get3A_156 = tpu.vector_load %arg10[%get3A_154, %get3A_155] {strides = array<i32>} : memref<80x32xf32, #tpu.memory_space<vmem>>, vector<16xf32>,
          %get3A_157 = arith.index_cast %add3A_153 : i32 to index
          %get3A_158 = arith.constant 0 : index
          %get3A_159 = tpu.vector_load %arg12[%get3A_157, %get3A_158] {strides = array<i32>} : memref<80x16xf32, #tpu.memory_space<vmem>>, vector<16xf32>,
          %add3A_160 = arith.addf %get3A_156, %get3A_159 : vector<16xf32>
          %gt3A_161 = arith.constant 0.000000e+00 : f32
          %gt3A_162 = vector.broadcast %gt3A_161 : f32 to vector<16xf32>
          %gt3A_163 = arith.cmpf ogt, %add3A_160, %gt3A_162 : vector<16xf32>
          %mul3A_164 = arith.constant 2.000000e-01 : f32
          %mul3A_165 = vector.broadcast %mul3A_164 : f32 to vector<16xf32>
          %mul3A_166 = arith.mulf %add3A_160, %mul3A_165 : vector<16xf32>
          %select_n3A_167 = arith.select %gt3A_163, %add3A_160, %mul3A_166 : vector<16xi1>, vector<16xf32>
          %exp3A_168 = math.exp %select_n3A_167 : vector<16xf32>
          %swap3A_169 = arith.index_cast %add3A_153 : i32 to index
          %swap3A_170 = arith.constant 16 : index
          %swap3A_171 = tpu.vector_load %arg10[%swap3A_169, %swap3A_170] {strides = array<i32>} : memref<80x32xf32, #tpu.memory_space<vmem>>, vector<16xf32>,
          tpu.vector_store %arg10[%swap3A_169, %swap3A_170], %exp3A_168 {strides = array<i32>} : memref<80x32xf32, #tpu.memory_space<vmem>>, vector<16xf32>,
          %get3A_172 = arith.index_cast %add3A_153 : i32 to index
          %get3A_173 = arith.constant 0 : index
          %get3A_174 = tpu.vector_load %arg10[%get3A_172, %get3A_173] {strides = array<i32>} : memref<80x32xf32, #tpu.memory_space<vmem>>, vector<16xf32>,
          %mul3A_175 = arith.mulf %get3A_174, %exp3A_168 : vector<16xf32>
          %swap3A_176 = arith.index_cast %add3A_153 : i32 to index
          %swap3A_177 = arith.constant 0 : index
          %swap3A_178 = tpu.vector_load %arg10[%swap3A_176, %swap3A_177] {strides = array<i32>} : memref<80x32xf32, #tpu.memory_space<vmem>>, vector<16xf32>,
          tpu.vector_store %arg10[%swap3A_176, %swap3A_177], %mul3A_175 {strides = array<i32>} : memref<80x32xf32, #tpu.memory_space<vmem>>, vector<16xf32>,
          %scan3A_179 = arith.constant 2 : i32
          %scan3A_180 = arith.addi %scan3A_123, %scan3A_179 : i32
          %mul3A_181 = arith.constant 1 : i32
          %mul3A_182 = arith.muli %scan3A_180, %mul3A_181 : i32
          %add3A_183 = arith.constant 0 : i32
          %add3A_184 = arith.addi %add3A_183, %mul3A_182 : i32
          %get3A_185 = arith.index_cast %add3A_184 : i32 to index
          %get3A_186 = arith.constant 16 : index
          %get3A_187 = tpu.vector_load %arg10[%get3A_185, %get3A_186] {strides = array<i32>} : memref<80x32xf32, #tpu.memory_space<vmem>>, vector<16xf32>,
          %get3A_188 = arith.index_cast %add3A_184 : i32 to index
          %get3A_189 = arith.constant 0 : index
          %get3A_190 = tpu.vector_load %arg12[%get3A_188, %get3A_189] {strides = array<i32>} : memref<80x16xf32, #tpu.memory_space<vmem>>, vector<16xf32>,
          %add3A_191 = arith.addf %get3A_187, %get3A_190 : vector<16xf32>
          %gt3A_192 = arith.constant 0.000000e+00 : f32
          %gt3A_193 = vector.broadcast %gt3A_192 : f32 to vector<16xf32>
          %gt3A_194 = arith.cmpf ogt, %add3A_191, %gt3A_193 : vector<16xf32>
          %mul3A_195 = arith.constant 2.000000e-01 : f32
          %mul3A_196 = vector.broadcast %mul3A_195 : f32 to vector<16xf32>
          %mul3A_197 = arith.mulf %add3A_191, %mul3A_196 : vector<16xf32>
          %select_n3A_198 = arith.select %gt3A_194, %add3A_191, %mul3A_197 : vector<16xi1>, vector<16xf32>
          %exp3A_199 = math.exp %select_n3A_198 : vector<16xf32>
          %swap3A_200 = arith.index_cast %add3A_184 : i32 to index
          %swap3A_201 = arith.constant 16 : index
          %swap3A_202 = tpu.vector_load %arg10[%swap3A_200, %swap3A_201] {strides = array<i32>} : memref<80x32xf32, #tpu.memory_space<vmem>>, vector<16xf32>,
          tpu.vector_store %arg10[%swap3A_200, %swap3A_201], %exp3A_199 {strides = array<i32>} : memref<80x32xf32, #tpu.memory_space<vmem>>, vector<16xf32>,
          %get3A_203 = arith.index_cast %add3A_184 : i32 to index
          %get3A_204 = arith.constant 0 : index
          %get3A_205 = tpu.vector_load %arg10[%get3A_203, %get3A_204] {strides = array<i32>} : memref<80x32xf32, #tpu.memory_space<vmem>>, vector<16xf32>,
          %mul3A_206 = arith.mulf %get3A_205, %exp3A_199 : vector<16xf32>
          %swap3A_207 = arith.index_cast %add3A_184 : i32 to index
          %swap3A_208 = arith.constant 0 : index
          %swap3A_209 = tpu.vector_load %arg10[%swap3A_207, %swap3A_208] {strides = array<i32>} : memref<80x32xf32, #tpu.memory_space<vmem>>, vector<16xf32>,
          tpu.vector_store %arg10[%swap3A_207, %swap3A_208], %mul3A_206 {strides = array<i32>} : memref<80x32xf32, #tpu.memory_space<vmem>>, vector<16xf32>,
          %scan3A_210 = arith.constant 3 : i32
          %scan3A_211 = arith.addi %scan3A_123, %scan3A_210 : i32
          %mul3A_212 = arith.constant 1 : i32
          %mul3A_213 = arith.muli %scan3A_211, %mul3A_212 : i32
          %add3A_214 = arith.constant 0 : i32
          %add3A_215 = arith.addi %add3A_214, %mul3A_213 : i32
          %get3A_216 = arith.index_cast %add3A_215 : i32 to index
          %get3A_217 = arith.constant 16 : index
          %get3A_218 = tpu.vector_load %arg10[%get3A_216, %get3A_217] {strides = array<i32>} : memref<80x32xf32, #tpu.memory_space<vmem>>, vector<16xf32>,
          %get3A_219 = arith.index_cast %add3A_215 : i32 to index
          %get3A_220 = arith.constant 0 : index
          %get3A_221 = tpu.vector_load %arg12[%get3A_219, %get3A_220] {strides = array<i32>} : memref<80x16xf32, #tpu.memory_space<vmem>>, vector<16xf32>,
          %add3A_222 = arith.addf %get3A_218, %get3A_221 : vector<16xf32>
          %gt3A_223 = arith.constant 0.000000e+00 : f32
          %gt3A_224 = vector.broadcast %gt3A_223 : f32 to vector<16xf32>
          %gt3A_225 = arith.cmpf ogt, %add3A_222, %gt3A_224 : vector<16xf32>
          %mul3A_226 = arith.constant 2.000000e-01 : f32
          %mul3A_227 = vector.broadcast %mul3A_226 : f32 to vector<16xf32>
          %mul3A_228 = arith.mulf %add3A_222, %mul3A_227 : vector<16xf32>
          %select_n3A_229 = arith.select %gt3A_225, %add3A_222, %mul3A_228 : vector<16xi1>, vector<16xf32>
          %exp3A_230 = math.exp %select_n3A_229 : vector<16xf32>
          %swap3A_231 = arith.index_cast %add3A_215 : i32 to index
          %swap3A_232 = arith.constant 16 : index
          %swap3A_233 = tpu.vector_load %arg10[%swap3A_231, %swap3A_232] {strides = array<i32>} : memref<80x32xf32, #tpu.memory_space<vmem>>, vector<16xf32>,
          tpu.vector_store %arg10[%swap3A_231, %swap3A_232], %exp3A_230 {strides = array<i32>} : memref<80x32xf32, #tpu.memory_space<vmem>>, vector<16xf32>,
          %get3A_234 = arith.index_cast %add3A_215 : i32 to index
          %get3A_235 = arith.constant 0 : index
          %get3A_236 = tpu.vector_load %arg10[%get3A_234, %get3A_235] {strides = array<i32>} : memref<80x32xf32, #tpu.memory_space<vmem>>, vector<16xf32>,
          %mul3A_237 = arith.mulf %get3A_236, %exp3A_230 : vector<16xf32>
          %swap3A_238 = arith.index_cast %add3A_215 : i32 to index
          %swap3A_239 = arith.constant 0 : index
          %swap3A_240 = tpu.vector_load %arg10[%swap3A_238, %swap3A_239] {strides = array<i32>} : memref<80x32xf32, #tpu.memory_space<vmem>>, vector<16xf32>,
          tpu.vector_store %arg10[%swap3A_238, %swap3A_239], %mul3A_237 {strides = array<i32>} : memref<80x32xf32, #tpu.memory_space<vmem>>, vector<16xf32>,
          %scan3A_241 = arith.constant 4 : i32
          %scan3A_242 = arith.addi %scan3A_123, %scan3A_241 : i32
          %mul3A_243 = arith.constant 1 : i32
          %mul3A_244 = arith.muli %scan3A_242, %mul3A_243 : i32
          %add3A_245 = arith.constant 0 : i32
          %add3A_246 = arith.addi %add3A_245, %mul3A_244 : i32
          %get3A_247 = arith.index_cast %add3A_246 : i32 to index
          %get3A_248 = arith.constant 16 : index
          %get3A_249 = tpu.vector_load %arg10[%get3A_247, %get3A_248] {strides = array<i32>} : memref<80x32xf32, #tpu.memory_space<vmem>>, vector<16xf32>,
          %get3A_250 = arith.index_cast %add3A_246 : i32 to index
          %get3A_251 = arith.constant 0 : index
          %get3A_252 = tpu.vector_load %arg12[%get3A_250, %get3A_251] {strides = array<i32>} : memref<80x16xf32, #tpu.memory_space<vmem>>, vector<16xf32>,
          %add3A_253 = arith.addf %get3A_249, %get3A_252 : vector<16xf32>
          %gt3A_254 = arith.constant 0.000000e+00 : f32
          %gt3A_255 = vector.broadcast %gt3A_254 : f32 to vector<16xf32>
          %gt3A_256 = arith.cmpf ogt, %add3A_253, %gt3A_255 : vector<16xf32>
          %mul3A_257 = arith.constant 2.000000e-01 : f32
          %mul3A_258 = vector.broadcast %mul3A_257 : f32 to vector<16xf32>
          %mul3A_259 = arith.mulf %add3A_253, %mul3A_258 : vector<16xf32>
          %select_n3A_260 = arith.select %gt3A_256, %add3A_253, %mul3A_259 : vector<16xi1>, vector<16xf32>
          %exp3A_261 = math.exp %select_n3A_260 : vector<16xf32>
          %swap3A_262 = arith.index_cast %add3A_246 : i32 to index
          %swap3A_263 = arith.constant 16 : index
          %swap3A_264 = tpu.vector_load %arg10[%swap3A_262, %swap3A_263] {strides = array<i32>} : memref<80x32xf32, #tpu.memory_space<vmem>>, vector<16xf32>,
          tpu.vector_store %arg10[%swap3A_262, %swap3A_263], %exp3A_261 {strides = array<i32>} : memref<80x32xf32, #tpu.memory_space<vmem>>, vector<16xf32>,
          %get3A_265 = arith.index_cast %add3A_246 : i32 to index
          %get3A_266 = arith.constant 0 : index
          %get3A_267 = tpu.vector_load %arg10[%get3A_265, %get3A_266] {strides = array<i32>} : memref<80x32xf32, #tpu.memory_space<vmem>>, vector<16xf32>,
          %mul3A_268 = arith.mulf %get3A_267, %exp3A_261 : vector<16xf32>
          %swap3A_269 = arith.index_cast %add3A_246 : i32 to index
          %swap3A_270 = arith.constant 0 : index
          %swap3A_271 = tpu.vector_load %arg10[%swap3A_269, %swap3A_270] {strides = array<i32>} : memref<80x32xf32, #tpu.memory_space<vmem>>, vector<16xf32>,
          tpu.vector_store %arg10[%swap3A_269, %swap3A_270], %mul3A_268 {strides = array<i32>} : memref<80x32xf32, #tpu.memory_space<vmem>>, vector<16xf32>,
          %scan3A_272 = arith.constant 5 : i32
          %scan3A_273 = arith.addi %scan3A_123, %scan3A_272 : i32
          %mul3A_274 = arith.constant 1 : i32
          %mul3A_275 = arith.muli %scan3A_273, %mul3A_274 : i32
          %add3A_276 = arith.constant 0 : i32
          %add3A_277 = arith.addi %add3A_276, %mul3A_275 : i32
          %get3A_278 = arith.index_cast %add3A_277 : i32 to index
          %get3A_279 = arith.constant 16 : index
          %get3A_280 = tpu.vector_load %arg10[%get3A_278, %get3A_279] {strides = array<i32>} : memref<80x32xf32, #tpu.memory_space<vmem>>, vector<16xf32>,
          %get3A_281 = arith.index_cast %add3A_277 : i32 to index
          %get3A_282 = arith.constant 0 : index
          %get3A_283 = tpu.vector_load %arg12[%get3A_281, %get3A_282] {strides = array<i32>} : memref<80x16xf32, #tpu.memory_space<vmem>>, vector<16xf32>,
          %add3A_284 = arith.addf %get3A_280, %get3A_283 : vector<16xf32>
          %gt3A_285 = arith.constant 0.000000e+00 : f32
          %gt3A_286 = vector.broadcast %gt3A_285 : f32 to vector<16xf32>
          %gt3A_287 = arith.cmpf ogt, %add3A_284, %gt3A_286 : vector<16xf32>
          %mul3A_288 = arith.constant 2.000000e-01 : f32
          %mul3A_289 = vector.broadcast %mul3A_288 : f32 to vector<16xf32>
          %mul3A_290 = arith.mulf %add3A_284, %mul3A_289 : vector<16xf32>
          %select_n3A_291 = arith.select %gt3A_287, %add3A_284, %mul3A_290 : vector<16xi1>, vector<16xf32>
          %exp3A_292 = math.exp %select_n3A_291 : vector<16xf32>
          %swap3A_293 = arith.index_cast %add3A_277 : i32 to index
          %swap3A_294 = arith.constant 16 : index
          %swap3A_295 = tpu.vector_load %arg10[%swap3A_293, %swap3A_294] {strides = array<i32>} : memref<80x32xf32, #tpu.memory_space<vmem>>, vector<16xf32>,
          tpu.vector_store %arg10[%swap3A_293, %swap3A_294], %exp3A_292 {strides = array<i32>} : memref<80x32xf32, #tpu.memory_space<vmem>>, vector<16xf32>,
          %get3A_296 = arith.index_cast %add3A_277 : i32 to index
          %get3A_297 = arith.constant 0 : index
          %get3A_298 = tpu.vector_load %arg10[%get3A_296, %get3A_297] {strides = array<i32>} : memref<80x32xf32, #tpu.memory_space<vmem>>, vector<16xf32>,
          %mul3A_299 = arith.mulf %get3A_298, %exp3A_292 : vector<16xf32>
          %swap3A_300 = arith.index_cast %add3A_277 : i32 to index
          %swap3A_301 = arith.constant 0 : index
          %swap3A_302 = tpu.vector_load %arg10[%swap3A_300, %swap3A_301] {strides = array<i32>} : memref<80x32xf32, #tpu.memory_space<vmem>>, vector<16xf32>,
          tpu.vector_store %arg10[%swap3A_300, %swap3A_301], %mul3A_299 {strides = array<i32>} : memref<80x32xf32, #tpu.memory_space<vmem>>, vector<16xf32>,
          %scan3A_303 = arith.constant 6 : i32
          %scan3A_304 = arith.addi %scan3A_123, %scan3A_303 : i32
          %mul3A_305 = arith.constant 1 : i32
          %mul3A_306 = arith.muli %scan3A_304, %mul3A_305 : i32
          %add3A_307 = arith.constant 0 : i32
          %add3A_308 = arith.addi %add3A_307, %mul3A_306 : i32
          %get3A_309 = arith.index_cast %add3A_308 : i32 to index
          %get3A_310 = arith.constant 16 : index
          %get3A_311 = tpu.vector_load %arg10[%get3A_309, %get3A_310] {strides = array<i32>} : memref<80x32xf32, #tpu.memory_space<vmem>>, vector<16xf32>,
          %get3A_312 = arith.index_cast %add3A_308 : i32 to index
          %get3A_313 = arith.constant 0 : index
          %get3A_314 = tpu.vector_load %arg12[%get3A_312, %get3A_313] {strides = array<i32>} : memref<80x16xf32, #tpu.memory_space<vmem>>, vector<16xf32>,
          %add3A_315 = arith.addf %get3A_311, %get3A_314 : vector<16xf32>
          %gt3A_316 = arith.constant 0.000000e+00 : f32
          %gt3A_317 = vector.broadcast %gt3A_316 : f32 to vector<16xf32>
          %gt3A_318 = arith.cmpf ogt, %add3A_315, %gt3A_317 : vector<16xf32>
          %mul3A_319 = arith.constant 2.000000e-01 : f32
          %mul3A_320 = vector.broadcast %mul3A_319 : f32 to vector<16xf32>
          %mul3A_321 = arith.mulf %add3A_315, %mul3A_320 : vector<16xf32>
          %select_n3A_322 = arith.select %gt3A_318, %add3A_315, %mul3A_321 : vector<16xi1>, vector<16xf32>
          %exp3A_323 = math.exp %select_n3A_322 : vector<16xf32>
          %swap3A_324 = arith.index_cast %add3A_308 : i32 to index
          %swap3A_325 = arith.constant 16 : index
          %swap3A_326 = tpu.vector_load %arg10[%swap3A_324, %swap3A_325] {strides = array<i32>} : memref<80x32xf32, #tpu.memory_space<vmem>>, vector<16xf32>,
          tpu.vector_store %arg10[%swap3A_324, %swap3A_325], %exp3A_323 {strides = array<i32>} : memref<80x32xf32, #tpu.memory_space<vmem>>, vector<16xf32>,
          %get3A_327 = arith.index_cast %add3A_308 : i32 to index
          %get3A_328 = arith.constant 0 : index
          %get3A_329 = tpu.vector_load %arg10[%get3A_327, %get3A_328] {strides = array<i32>} : memref<80x32xf32, #tpu.memory_space<vmem>>, vector<16xf32>,
          %mul3A_330 = arith.mulf %get3A_329, %exp3A_323 : vector<16xf32>
          %swap3A_331 = arith.index_cast %add3A_308 : i32 to index
          %swap3A_332 = arith.constant 0 : index
          %swap3A_333 = tpu.vector_load %arg10[%swap3A_331, %swap3A_332] {strides = array<i32>} : memref<80x32xf32, #tpu.memory_space<vmem>>, vector<16xf32>,
          tpu.vector_store %arg10[%swap3A_331, %swap3A_332], %mul3A_330 {strides = array<i32>} : memref<80x32xf32, #tpu.memory_space<vmem>>, vector<16xf32>,
          %scan3A_334 = arith.constant 7 : i32
          %scan3A_335 = arith.addi %scan3A_123, %scan3A_334 : i32
          %mul3A_336 = arith.constant 1 : i32
          %mul3A_337 = arith.muli %scan3A_335, %mul3A_336 : i32
          %add3A_338 = arith.constant 0 : i32
          %add3A_339 = arith.addi %add3A_338, %mul3A_337 : i32
          %get3A_340 = arith.index_cast %add3A_339 : i32 to index
          %get3A_341 = arith.constant 16 : index
          %get3A_342 = tpu.vector_load %arg10[%get3A_340, %get3A_341] {strides = array<i32>} : memref<80x32xf32, #tpu.memory_space<vmem>>, vector<16xf32>,
          %get3A_343 = arith.index_cast %add3A_339 : i32 to index
          %get3A_344 = arith.constant 0 : index
          %get3A_345 = tpu.vector_load %arg12[%get3A_343, %get3A_344] {strides = array<i32>} : memref<80x16xf32, #tpu.memory_space<vmem>>, vector<16xf32>,
          %add3A_346 = arith.addf %get3A_342, %get3A_345 : vector<16xf32>
          %gt3A_347 = arith.constant 0.000000e+00 : f32
          %gt3A_348 = vector.broadcast %gt3A_347 : f32 to vector<16xf32>
          %gt3A_349 = arith.cmpf ogt, %add3A_346, %gt3A_348 : vector<16xf32>
          %mul3A_350 = arith.constant 2.000000e-01 : f32
          %mul3A_351 = vector.broadcast %mul3A_350 : f32 to vector<16xf32>
          %mul3A_352 = arith.mulf %add3A_346, %mul3A_351 : vector<16xf32>
          %select_n3A_353 = arith.select %gt3A_349, %add3A_346, %mul3A_352 : vector<16xi1>, vector<16xf32>
          %exp3A_354 = math.exp %select_n3A_353 : vector<16xf32>
          %swap3A_355 = arith.index_cast %add3A_339 : i32 to index
          %swap3A_356 = arith.constant 16 : index
          %swap3A_357 = tpu.vector_load %arg10[%swap3A_355, %swap3A_356] {strides = array<i32>} : memref<80x32xf32, #tpu.memory_space<vmem>>, vector<16xf32>,
          tpu.vector_store %arg10[%swap3A_355, %swap3A_356], %exp3A_354 {strides = array<i32>} : memref<80x32xf32, #tpu.memory_space<vmem>>, vector<16xf32>,
          %get3A_358 = arith.index_cast %add3A_339 : i32 to index
          %get3A_359 = arith.constant 0 : index
          %get3A_360 = tpu.vector_load %arg10[%get3A_358, %get3A_359] {strides = array<i32>} : memref<80x32xf32, #tpu.memory_space<vmem>>, vector<16xf32>,
          %mul3A_361 = arith.mulf %get3A_360, %exp3A_354 : vector<16xf32>
          %swap3A_362 = arith.index_cast %add3A_339 : i32 to index
          %swap3A_363 = arith.constant 0 : index
          %swap3A_364 = tpu.vector_load %arg10[%swap3A_362, %swap3A_363] {strides = array<i32>} : memref<80x32xf32, #tpu.memory_space<vmem>>, vector<16xf32>,
          tpu.vector_store %arg10[%swap3A_362, %swap3A_363], %mul3A_361 {strides = array<i32>} : memref<80x32xf32, #tpu.memory_space<vmem>>, vector<16xf32>,
        }
        %scan3A_122 = arith.constant 80 : i32
        "tpu.region"() ({
          %run_scoped3A = tpu.sem_alloc : memref<!tpu.dma_semaphore, #tpu.memory_space<semaphore_mem>>
          %dma_start3A_123 = arith.constant 0 : i32
          %dma_start3A_124 = tpu.memref_slice %arg8[%add3A_91, %dma_start3A_123] : memref<125x80xi32, #tpu.memory_space<vmem>> -> memref<1x80xi32, #tpu.memory_space<vmem>>
          %dma_start3A_125 = tpu.memref_squeeze %dma_start3A_124 : memref<1x80xi32, #tpu.memory_space<vmem>> -> memref<80xi32, #tpu.memory_space<vmem>>
          %dma_start3A_126 = arith.constant 0 : i32
          %dma_start3A_127 = arith.constant 0 : i32
          %dma_start3A_128 = tpu.memref_slice %arg14[%dma_start3A_126, %dma_start3A_127] : memref<10112x32xf32, #tpu.memory_space<vmem_shared>> -> memref<10112x32xf32, #tpu.memory_space<vmem_shared>>
          tpu.enqueue_indirect_dma source(%arg10 : memref<80x32xf32, #tpu.memory_space<vmem>>) target(%dma_start3A_128 : memref<10112x32xf32, #tpu.memory_space<vmem_shared>>) offsets(%dma_start3A_125 : memref<80xi32, #tpu.memory_space<vmem>>) semaphore(%run_scoped3A : memref<!tpu.dma_semaphore, #tpu.memory_space<semaphore_mem>>) {add = true}
          %dma_wait3A_129 = arith.constant 0 : i32
          %dma_wait3A_130 = tpu.memref_slice %arg8[%add3A_91, %dma_wait3A_129] : memref<125x80xi32, #tpu.memory_space<vmem>> -> memref<1x80xi32, #tpu.memory_space<vmem>>
          %dma_wait3A_131 = tpu.memref_squeeze %dma_wait3A_130 : memref<1x80xi32, #tpu.memory_space<vmem>> -> memref<80xi32, #tpu.memory_space<vmem>>
          %dma_wait3A_132 = arith.constant 0 : i32
          %dma_wait3A_133 = arith.constant 0 : i32
          %dma_wait3A_134 = tpu.memref_slice %arg14[%dma_wait3A_132, %dma_wait3A_133] : memref<10112x32xf32, #tpu.memory_space<vmem_shared>> -> memref<10112x32xf32, #tpu.memory_space<vmem_shared>>
          tpu.wait_indirect_dma semaphore(%run_scoped3A : memref<!tpu.dma_semaphore, #tpu.memory_space<semaphore_mem>>) src(%arg10 : memref<80x32xf32, #tpu.memory_space<vmem>>) dst(%dma_wait3A_134 : memref<10112x32xf32, #tpu.memory_space<vmem_shared>>)
          tpu.yield
        }) : () -> ()
      } else {
      }
    }
    %scan3A_56 = arith.constant 63 : i32
    %barrier3A_57 = arith.constant 0 : index
    tpu.barrier barrier_id(%barrier3A_57)
    %mul3A_58 = arith.constant 632 : i32
    %mul3A_59 = arith.muli %arg1, %mul3A_58 : i32
    %mul3A_60 = arith.constant 632 : i32
    %mul3A_61 = arith.muli %arg1, %mul3A_60 : i32
    "tpu.region"() ({
      %run_scoped3A = tpu.sem_alloc : memref<!tpu.dma_semaphore, #tpu.memory_space<semaphore_mem>>
      %dma_start3A_62 = arith.constant 0 : i32
      %dma_start3A_63 = tpu.memref_slice %arg6[%arg0, %mul3A_61, %dma_start3A_62] : memref<2x10112x32xf32, #tpu.memory_space<hbm>> -> memref<1x632x32xf32, #tpu.memory_space<hbm>>
      %dma_start3A_64 = tpu.memref_squeeze %dma_start3A_63 : memref<1x632x32xf32, #tpu.memory_space<hbm>> -> memref<632x32xf32, #tpu.memory_space<hbm>>
      %dma_start3A_65 = arith.constant 0 : i32
      %dma_start3A_66 = tpu.memref_slice %arg14[%mul3A_59, %dma_start3A_65] : memref<10112x32xf32, #tpu.memory_space<vmem_shared>> -> memref<632x32xf32, #tpu.memory_space<vmem_shared>>
      tpu.enqueue_dma source(%dma_start3A_66 : memref<632x32xf32, #tpu.memory_space<vmem_shared>>) target(%dma_start3A_64 : memref<632x32xf32, #tpu.memory_space<hbm>>) target_semaphore(%run_scoped3A : memref<!tpu.dma_semaphore, #tpu.memory_space<semaphore_mem>>)
      %dma_wait3A = arith.constant 0 : i32
      %dma_wait3A_67 = tpu.memref_slice %arg6[%arg0, %mul3A_61, %dma_wait3A] : memref<2x10112x32xf32, #tpu.memory_space<hbm>> -> memref<1x632x32xf32, #tpu.memory_space<hbm>>
      %dma_wait3A_68 = tpu.memref_squeeze %dma_wait3A_67 : memref<1x632x32xf32, #tpu.memory_space<hbm>> -> memref<632x32xf32, #tpu.memory_space<hbm>>
      %dma_wait3A_69 = arith.constant 0 : i32
      %dma_wait3A_70 = tpu.memref_slice %arg14[%mul3A_59, %dma_wait3A_69] : memref<10112x32xf32, #tpu.memory_space<vmem_shared>> -> memref<632x32xf32, #tpu.memory_space<vmem_shared>>
      tpu.wait_dma2 semaphore(%run_scoped3A : memref<!tpu.dma_semaphore, #tpu.memory_space<semaphore_mem>>) src(%dma_wait3A_70 : memref<632x32xf32, #tpu.memory_space<vmem_shared>>) dst(%dma_wait3A_68 : memref<632x32xf32, #tpu.memory_space<hbm>>)
      tpu.yield
    }) : () -> ()
    return
  }
}

module attributes {stable_mosaic.version = 14 : i64} {
  func.func @_tc_pre_body(%arg0: i32, %arg1: memref<1000x128xf32, #tpu.memory_space<vmem>>, %arg2: memref<128x64xf32, #tpu.memory_space<vmem>>, %arg3: memref<64x16xf32, #tpu.memory_space<vmem>>, %arg4: memref<64x16xf32, #tpu.memory_space<vmem>>, %arg5: memref<16x64xf32, #tpu.memory_space<vmem>>, %arg6: memref<1000x80xf32, #tpu.memory_space<vmem>>, %arg7: memref<1000x16xf32, #tpu.memory_space<vmem>>, %arg8: memref<1000x80xf32, #tpu.memory_space<vmem>>) attributes {dimension_semantics = [#tpu.dimension_semantics<arbitrary>], iteration_bounds = array<i64: 10>, scalar_prefetch = 0 : i64, scratch_operands = 0 : i64, tpu.core_type = #tpu.core_type<tc>, window_params = [{transform_indices = @transform_0, window_bounds = array<i64: 1000, 128>}, {pipeline_mode = #tpu.pipeline_mode<synchronous>, transform_indices = @transform_1, window_bounds = array<i64: 128, 64>}, {pipeline_mode = #tpu.pipeline_mode<synchronous>, transform_indices = @transform_2, window_bounds = array<i64: 64, 16>}, {pipeline_mode = #tpu.pipeline_mode<synchronous>, transform_indices = @transform_3, window_bounds = array<i64: 64, 16>}, {pipeline_mode = #tpu.pipeline_mode<synchronous>, transform_indices = @transform_4, window_bounds = array<i64: 16, 64>}, {transform_indices = @transform_5, window_bounds = array<i64: 1000, 80>}, {transform_indices = @transform_6, window_bounds = array<i64: 1000, 16>}, {transform_indices = @transform_7, window_bounds = array<i64: 1000, 80>}]} {
    %get3A = arith.constant 0 : index
    %get3A_0 = arith.constant 0 : index
    %get3A_1 = vector.load %arg1[%get3A, %get3A_0] : memref<1000x128xf32, #tpu.memory_space<vmem>>, vector<1000x128xf32>
    %get3A_2 = arith.constant 0 : index
    %get3A_3 = arith.constant 0 : index
    %get3A_4 = vector.load %arg2[%get3A_2, %get3A_3] : memref<128x64xf32, #tpu.memory_space<vmem>>, vector<128x64xf32>
    %dot_general3A = arith.constant dense<0.000000e+00> : vector<1000x64xf32>
    %dot_general3A_5 = tpu.matmul %get3A_1, %get3A_4, %dot_general3A {dimension_numbers = #tpu.dot_dimension_numbers<[1], [0], [0], [1], [0, 0, 1, 1], [], []>, transpose_lhs_hint = false} : vector<1000x128xf32>, vector<128x64xf32>, vector<1000x64xf32> -> vector<1000x64xf32>
    %get3A_6 = arith.constant 0 : index
    %get3A_7 = arith.constant 0 : index
    %get3A_8 = vector.load %arg3[%get3A_6, %get3A_7] : memref<64x16xf32, #tpu.memory_space<vmem>>, vector<64x16xf32>
    %dot_general3A_9 = arith.constant dense<0.000000e+00> : vector<1000x16xf32>
    %dot_general3A_10 = tpu.matmul %dot_general3A_5, %get3A_8, %dot_general3A_9 {dimension_numbers = #tpu.dot_dimension_numbers<[1], [0], [0], [1], [0, 0, 1, 1], [], []>, transpose_lhs_hint = false} : vector<1000x64xf32>, vector<64x16xf32>, vector<1000x16xf32> -> vector<1000x16xf32>
    %get3A_11 = arith.constant 0 : index
    %get3A_12 = arith.constant 0 : index
    %get3A_13 = vector.load %arg4[%get3A_11, %get3A_12] : memref<64x16xf32, #tpu.memory_space<vmem>>, vector<64x16xf32>
    %dot_general3A_14 = arith.constant dense<0.000000e+00> : vector<1000x16xf32>
    %dot_general3A_15 = tpu.matmul %dot_general3A_5, %get3A_13, %dot_general3A_14 {dimension_numbers = #tpu.dot_dimension_numbers<[1], [0], [0], [1], [0, 0, 1, 1], [], []>, transpose_lhs_hint = false} : vector<1000x64xf32>, vector<64x16xf32>, vector<1000x16xf32> -> vector<1000x16xf32>
    %concatenate3A = tpu.concatenate %dot_general3A_5, %dot_general3A_10 in 1 : vector<1000x64xf32>, vector<1000x16xf32> -> vector<1000x80xf32>
    %swap3A = arith.constant 0 : index
    %swap3A_16 = arith.constant 0 : index
    %swap3A_17 = vector.load %arg6[%swap3A, %swap3A_16] : memref<1000x80xf32, #tpu.memory_space<vmem>>, vector<1000x80xf32>
    tpu.vector_store %arg6[%swap3A, %swap3A_16], %concatenate3A {strides = array<i32>} : memref<1000x80xf32, #tpu.memory_space<vmem>>, vector<1000x80xf32>,
    %swap3A_18 = arith.constant 0 : index
    %swap3A_19 = arith.constant 0 : index
    %swap3A_20 = vector.load %arg7[%swap3A_18, %swap3A_19] : memref<1000x16xf32, #tpu.memory_space<vmem>>, vector<1000x16xf32>
    tpu.vector_store %arg7[%swap3A_18, %swap3A_19], %dot_general3A_15 {strides = array<i32>} : memref<1000x16xf32, #tpu.memory_space<vmem>>, vector<1000x16xf32>,
    %add3A = arith.addf %dot_general3A_10, %dot_general3A_15 : vector<1000x16xf32>
    %ge3A = arith.constant 0.000000e+00 : f32
    %ge3A_21 = vector.broadcast %ge3A : f32 to vector<1000x16xf32>
    %ge3A_22 = arith.cmpf oge, %add3A, %ge3A_21 : vector<1000x16xf32>
    %mul3A = arith.constant 2.000000e-01 : f32
    %mul3A_23 = vector.broadcast %mul3A : f32 to vector<1000x16xf32>
    %mul3A_24 = arith.mulf %add3A, %mul3A_23 : vector<1000x16xf32>
    %select_n3A = arith.select %ge3A_22, %add3A, %mul3A_24 : vector<1000x16xi1>, vector<1000x16xf32>
    %exp3A = math.exp %select_n3A : vector<1000x16xf32>
    %get3A_25 = arith.constant 0 : index
    %get3A_26 = arith.constant 0 : index
    %get3A_27 = vector.load %arg5[%get3A_25, %get3A_26] : memref<16x64xf32, #tpu.memory_space<vmem>>, vector<16x64xf32>
    %dot_general3A_28 = arith.constant dense<0.000000e+00> : vector<1000x64xf32>
    %dot_general3A_29 = tpu.matmul %exp3A, %get3A_27, %dot_general3A_28 {dimension_numbers = #tpu.dot_dimension_numbers<[1], [0], [0], [1], [0, 0, 1, 1], [], []>, transpose_lhs_hint = false} : vector<1000x16xf32>, vector<16x64xf32>, vector<1000x64xf32> -> vector<1000x64xf32>
    %mul3A_30 = arith.mulf %dot_general3A_5, %dot_general3A_29 : vector<1000x64xf32>
    %concatenate3A_31 = tpu.concatenate %mul3A_30, %exp3A in 1 : vector<1000x64xf32>, vector<1000x16xf32> -> vector<1000x80xf32>
    %swap3A_32 = arith.constant 0 : index
    %swap3A_33 = arith.constant 0 : index
    %swap3A_34 = vector.load %arg8[%swap3A_32, %swap3A_33] : memref<1000x80xf32, #tpu.memory_space<vmem>>, vector<1000x80xf32>
    tpu.vector_store %arg8[%swap3A_32, %swap3A_33], %concatenate3A_31 {strides = array<i32>} : memref<1000x80xf32, #tpu.memory_space<vmem>>, vector<1000x80xf32>,
    return
  }
  func.func @transform_0(%arg0: i32) -> (i32, i32) {
    %c0_i32 = arith.constant 0 : i32
    %c0_i32_0 = arith.constant 0 : i32
    return %arg0, %c0_i32 : i32, i32
  }
  func.func @transform_1(%arg0: i32) -> (i32, i32) {
    %c0_i32 = arith.constant 0 : i32
    %c0_i32_0 = arith.constant 0 : i32
    %c0_i32_1 = arith.constant 0 : i32
    return %c0_i32, %c0_i32_0 : i32, i32
  }
  func.func @transform_2(%arg0: i32) -> (i32, i32) {
    %c0_i32 = arith.constant 0 : i32
    %c0_i32_0 = arith.constant 0 : i32
    %c0_i32_1 = arith.constant 0 : i32
    return %c0_i32, %c0_i32_0 : i32, i32
  }
  func.func @transform_3(%arg0: i32) -> (i32, i32) {
    %c0_i32 = arith.constant 0 : i32
    %c0_i32_0 = arith.constant 0 : i32
    %c0_i32_1 = arith.constant 0 : i32
    return %c0_i32, %c0_i32_0 : i32, i32
  }
  func.func @transform_4(%arg0: i32) -> (i32, i32) {
    %c0_i32 = arith.constant 0 : i32
    %c0_i32_0 = arith.constant 0 : i32
    %c0_i32_1 = arith.constant 0 : i32
    return %c0_i32, %c0_i32_0 : i32, i32
  }
  func.func @transform_5(%arg0: i32) -> (i32, i32) {
    %c0_i32 = arith.constant 0 : i32
    %c0_i32_0 = arith.constant 0 : i32
    return %arg0, %c0_i32 : i32, i32
  }
  func.func @transform_6(%arg0: i32) -> (i32, i32) {
    %c0_i32 = arith.constant 0 : i32
    %c0_i32_0 = arith.constant 0 : i32
    return %arg0, %c0_i32 : i32, i32
  }
  func.func @transform_7(%arg0: i32) -> (i32, i32) {
    %c0_i32 = arith.constant 0 : i32
    %c0_i32_0 = arith.constant 0 : i32
    return %arg0, %c0_i32 : i32, i32
  }
}

module attributes {stable_mosaic.version = 14 : i64} {
  func.func @_tc_mid_body(%arg0: i32, %arg1: memref<2x1000x80xf32, #tpu.memory_space<vmem>>, %arg2: memref<1000x80xf32, #tpu.memory_space<vmem>>, %arg3: memref<1x64xf32, #tpu.memory_space<vmem>>, %arg4: memref<64x32xf32, #tpu.memory_space<vmem>>, %arg5: memref<32x32xf32, #tpu.memory_space<vmem>>, %arg6: memref<32x16xf32, #tpu.memory_space<vmem>>, %arg7: memref<16x64xf32, #tpu.memory_space<vmem>>, %arg8: memref<1000x32xf32, #tpu.memory_space<vmem>>, %arg9: memref<1000x16xf32, #tpu.memory_space<vmem>>, %arg10: memref<1000x32xf32, #tpu.memory_space<vmem>>) attributes {dimension_semantics = [#tpu.dimension_semantics<arbitrary>], iteration_bounds = array<i64: 10>, scalar_prefetch = 0 : i64, scratch_operands = 0 : i64, tpu.core_type = #tpu.core_type<tc>, window_params = [{transform_indices = @transform_0, window_bounds = array<i64: 2, 1000, 80>}, {transform_indices = @transform_1, window_bounds = array<i64: 1000, 80>}, {pipeline_mode = #tpu.pipeline_mode<synchronous>, transform_indices = @transform_2, window_bounds = array<i64: 1, 64>}, {pipeline_mode = #tpu.pipeline_mode<synchronous>, transform_indices = @transform_3, window_bounds = array<i64: 64, 32>}, {pipeline_mode = #tpu.pipeline_mode<synchronous>, transform_indices = @transform_4, window_bounds = array<i64: 32, 32>}, {pipeline_mode = #tpu.pipeline_mode<synchronous>, transform_indices = @transform_5, window_bounds = array<i64: 32, 16>}, {pipeline_mode = #tpu.pipeline_mode<synchronous>, transform_indices = @transform_6, window_bounds = array<i64: 16, 64>}, {transform_indices = @transform_7, window_bounds = array<i64: 1000, 32>}, {transform_indices = @transform_8, window_bounds = array<i64: 1000, 16>}, {transform_indices = @transform_9, window_bounds = array<i64: 1000, 32>}]} {
    %get3A = arith.constant 0 : index
    %get3A_0 = arith.constant 0 : index
    %get3A_1 = arith.constant 0 : index
    %get3A_2 = vector.load %arg1[%get3A, %get3A_0, %get3A_1] : memref<2x1000x80xf32, #tpu.memory_space<vmem>>, vector<1x1000x80xf32>
    %get3A_3 = vector.shape_cast %get3A_2 : vector<1x1000x80xf32> to vector<1000x80xf32>
    %get3A_4 = arith.constant 1 : index
    %get3A_5 = arith.constant 0 : index
    %get3A_6 = arith.constant 0 : index
    %get3A_7 = vector.load %arg1[%get3A_4, %get3A_5, %get3A_6] : memref<2x1000x80xf32, #tpu.memory_space<vmem>>, vector<1x1000x80xf32>
    %get3A_8 = vector.shape_cast %get3A_7 : vector<1x1000x80xf32> to vector<1000x80xf32>
    %add3A = arith.addf %get3A_3, %get3A_8 : vector<1000x80xf32>
    %get3A_9 = arith.constant 0 : index
    %get3A_10 = arith.constant 0 : index
    %get3A_11 = vector.load %arg2[%get3A_9, %get3A_10] : memref<1000x80xf32, #tpu.memory_space<vmem>>, vector<1000x80xf32>
    %add3A_12 = arith.addf %add3A, %get3A_11 : vector<1000x80xf32>
    %slice3A = vector.extract_strided_slice %add3A_12 {offsets = [0, 64], sizes = [1000, 16], strides = [1, 1]} : vector<1000x80xf32> to vector<1000x16xf32>
    %get3A_13 = arith.constant 0 : index
    %get3A_14 = arith.constant 0 : index
    %get3A_15 = vector.load %arg7[%get3A_13, %get3A_14] : memref<16x64xf32, #tpu.memory_space<vmem>>, vector<16x64xf32>
    %dot_general3A = arith.constant dense<0.000000e+00> : vector<1000x64xf32>
    %dot_general3A_16 = tpu.matmul %slice3A, %get3A_15, %dot_general3A {dimension_numbers = #tpu.dot_dimension_numbers<[1], [0], [0], [1], [0, 0, 1, 1], [], []>, transpose_lhs_hint = false} : vector<1000x16xf32>, vector<16x64xf32>, vector<1000x64xf32> -> vector<1000x64xf32>
    %slice3A_17 = vector.extract_strided_slice %add3A_12 {offsets = [0, 0], sizes = [1000, 64], strides = [1, 1]} : vector<1000x80xf32> to vector<1000x64xf32>
    %add3A_18 = arith.constant 1.000000e-16 : f32
    %add3A_19 = vector.broadcast %add3A_18 : f32 to vector<1000x64xf32>
    %add3A_20 = arith.addf %dot_general3A_16, %add3A_19 : vector<1000x64xf32>
    %div3A = arith.divf %slice3A_17, %add3A_20 : vector<1000x64xf32>
    %get3A_21 = arith.constant 0 : index
    %get3A_22 = arith.constant 0 : index
    %get3A_23 = vector.load %arg3[%get3A_21, %get3A_22] : memref<1x64xf32, #tpu.memory_space<vmem>>, vector<1x64xf32>
    %add3A_24 = vector.broadcast %get3A_23 : vector<1x64xf32> to vector<1000x64xf32>
    %add3A_25 = arith.addf %div3A, %add3A_24 : vector<1000x64xf32>
    %gt3A = arith.constant 0.000000e+00 : f32
    %gt3A_26 = vector.broadcast %gt3A : f32 to vector<1000x64xf32>
    %gt3A_27 = arith.cmpf ogt, %add3A_25, %gt3A_26 : vector<1000x64xf32>
    %min3A = arith.constant 0.000000e+00 : f32
    %min3A_28 = vector.broadcast %min3A : f32 to vector<1000x64xf32>
    %min3A_29 = arith.minimumf %add3A_25, %min3A_28 : vector<1000x64xf32>
    %exp3A = math.exp %min3A_29 : vector<1000x64xf32>
    %sub3A = arith.constant 1.000000e+00 : f32
    %sub3A_30 = vector.broadcast %sub3A : f32 to vector<1000x64xf32>
    %sub3A_31 = arith.subf %exp3A, %sub3A_30 : vector<1000x64xf32>
    %select_n3A = arith.select %gt3A_27, %add3A_25, %sub3A_31 : vector<1000x64xi1>, vector<1000x64xf32>
    %get3A_32 = arith.constant 0 : index
    %get3A_33 = arith.constant 0 : index
    %get3A_34 = vector.load %arg4[%get3A_32, %get3A_33] : memref<64x32xf32, #tpu.memory_space<vmem>>, vector<64x32xf32>
    %dot_general3A_35 = arith.constant dense<0.000000e+00> : vector<1000x32xf32>
    %dot_general3A_36 = tpu.matmul %select_n3A, %get3A_34, %dot_general3A_35 {dimension_numbers = #tpu.dot_dimension_numbers<[1], [0], [0], [1], [0, 0, 1, 1], [], []>, transpose_lhs_hint = false} : vector<1000x64xf32>, vector<64x32xf32>, vector<1000x32xf32> -> vector<1000x32xf32>
    %get3A_37 = arith.constant 0 : index
    %get3A_38 = arith.constant 0 : index
    %get3A_39 = vector.load %arg5[%get3A_37, %get3A_38] : memref<32x32xf32, #tpu.memory_space<vmem>>, vector<32x32xf32>
    %dot_general3A_40 = arith.constant dense<0.000000e+00> : vector<1000x32xf32>
    %dot_general3A_41 = tpu.matmul %dot_general3A_36, %get3A_39, %dot_general3A_40 {dimension_numbers = #tpu.dot_dimension_numbers<[1], [0], [0], [1], [0, 0, 1, 1], [], []>, transpose_lhs_hint = false} : vector<1000x32xf32>, vector<32x32xf32>, vector<1000x32xf32> -> vector<1000x32xf32>
    %add3A_42 = arith.addf %dot_general3A_36, %dot_general3A_41 : vector<1000x32xf32>
    %get3A_43 = arith.constant 0 : index
    %get3A_44 = arith.constant 0 : index
    %get3A_45 = vector.load %arg6[%get3A_43, %get3A_44] : memref<32x16xf32, #tpu.memory_space<vmem>>, vector<32x16xf32>
    %dot_general3A_46 = arith.constant dense<0.000000e+00> : vector<1000x16xf32>
    %dot_general3A_47 = tpu.matmul %dot_general3A_36, %get3A_45, %dot_general3A_46 {dimension_numbers = #tpu.dot_dimension_numbers<[1], [0], [0], [1], [0, 0, 1, 1], [], []>, transpose_lhs_hint = false} : vector<1000x32xf32>, vector<32x16xf32>, vector<1000x16xf32> -> vector<1000x16xf32>
    %swap3A = arith.constant 0 : index
    %swap3A_48 = arith.constant 0 : index
    %swap3A_49 = vector.load %arg8[%swap3A, %swap3A_48] : memref<1000x32xf32, #tpu.memory_space<vmem>>, vector<1000x32xf32>
    tpu.vector_store %arg8[%swap3A, %swap3A_48], %add3A_42 {strides = array<i32>} : memref<1000x32xf32, #tpu.memory_space<vmem>>, vector<1000x32xf32>,
    %swap3A_50 = arith.constant 0 : index
    %swap3A_51 = arith.constant 0 : index
    %swap3A_52 = vector.load %arg9[%swap3A_50, %swap3A_51] : memref<1000x16xf32, #tpu.memory_space<vmem>>, vector<1000x16xf32>
    tpu.vector_store %arg9[%swap3A_50, %swap3A_51], %dot_general3A_47 {strides = array<i32>} : memref<1000x16xf32, #tpu.memory_space<vmem>>, vector<1000x16xf32>,
    %slice3A_53 = vector.extract_strided_slice %add3A_42 {offsets = [0, 16], sizes = [1000, 16], strides = [1, 1]} : vector<1000x32xf32> to vector<1000x16xf32>
    %add3A_54 = arith.addf %slice3A_53, %dot_general3A_47 : vector<1000x16xf32>
    %ge3A = arith.constant 0.000000e+00 : f32
    %ge3A_55 = vector.broadcast %ge3A : f32 to vector<1000x16xf32>
    %ge3A_56 = arith.cmpf oge, %add3A_54, %ge3A_55 : vector<1000x16xf32>
    %mul3A = arith.constant 2.000000e-01 : f32
    %mul3A_57 = vector.broadcast %mul3A : f32 to vector<1000x16xf32>
    %mul3A_58 = arith.mulf %add3A_54, %mul3A_57 : vector<1000x16xf32>
    %select_n3A_59 = arith.select %ge3A_56, %add3A_54, %mul3A_58 : vector<1000x16xi1>, vector<1000x16xf32>
    %exp3A_60 = math.exp %select_n3A_59 : vector<1000x16xf32>
    %slice3A_61 = vector.extract_strided_slice %dot_general3A_36 {offsets = [0, 0], sizes = [1000, 16], strides = [1, 1]} : vector<1000x32xf32> to vector<1000x16xf32>
    %mul3A_62 = arith.mulf %slice3A_61, %exp3A_60 : vector<1000x16xf32>
    %concatenate3A = tpu.concatenate %mul3A_62, %exp3A_60 in 1 : vector<1000x16xf32>, vector<1000x16xf32> -> vector<1000x32xf32>
    %swap3A_63 = arith.constant 0 : index
    %swap3A_64 = arith.constant 0 : index
    %swap3A_65 = vector.load %arg10[%swap3A_63, %swap3A_64] : memref<1000x32xf32, #tpu.memory_space<vmem>>, vector<1000x32xf32>
    tpu.vector_store %arg10[%swap3A_63, %swap3A_64], %concatenate3A {strides = array<i32>} : memref<1000x32xf32, #tpu.memory_space<vmem>>, vector<1000x32xf32>,
    return
  }
  func.func @transform_0(%arg0: i32) -> (i32, i32, i32) {
    %c0_i32 = arith.constant 0 : i32
    %c0_i32_0 = arith.constant 0 : i32
    %c0_i32_1 = arith.constant 0 : i32
    return %c0_i32, %arg0, %c0_i32_0 : i32, i32, i32
  }
  func.func @transform_1(%arg0: i32) -> (i32, i32) {
    %c0_i32 = arith.constant 0 : i32
    %c0_i32_0 = arith.constant 0 : i32
    return %arg0, %c0_i32 : i32, i32
  }
  func.func @transform_2(%arg0: i32) -> (i32, i32) {
    %c0_i32 = arith.constant 0 : i32
    %c0_i32_0 = arith.constant 0 : i32
    %c0_i32_1 = arith.constant 0 : i32
    return %c0_i32, %c0_i32_0 : i32, i32
  }
  func.func @transform_3(%arg0: i32) -> (i32, i32) {
    %c0_i32 = arith.constant 0 : i32
    %c0_i32_0 = arith.constant 0 : i32
    %c0_i32_1 = arith.constant 0 : i32
    return %c0_i32, %c0_i32_0 : i32, i32
  }
  func.func @transform_4(%arg0: i32) -> (i32, i32) {
    %c0_i32 = arith.constant 0 : i32
    %c0_i32_0 = arith.constant 0 : i32
    %c0_i32_1 = arith.constant 0 : i32
    return %c0_i32, %c0_i32_0 : i32, i32
  }
  func.func @transform_5(%arg0: i32) -> (i32, i32) {
    %c0_i32 = arith.constant 0 : i32
    %c0_i32_0 = arith.constant 0 : i32
    %c0_i32_1 = arith.constant 0 : i32
    return %c0_i32, %c0_i32_0 : i32, i32
  }
  func.func @transform_6(%arg0: i32) -> (i32, i32) {
    %c0_i32 = arith.constant 0 : i32
    %c0_i32_0 = arith.constant 0 : i32
    %c0_i32_1 = arith.constant 0 : i32
    return %c0_i32, %c0_i32_0 : i32, i32
  }
  func.func @transform_7(%arg0: i32) -> (i32, i32) {
    %c0_i32 = arith.constant 0 : i32
    %c0_i32_0 = arith.constant 0 : i32
    return %arg0, %c0_i32 : i32, i32
  }
  func.func @transform_8(%arg0: i32) -> (i32, i32) {
    %c0_i32 = arith.constant 0 : i32
    %c0_i32_0 = arith.constant 0 : i32
    return %arg0, %c0_i32 : i32, i32
  }
  func.func @transform_9(%arg0: i32) -> (i32, i32) {
    %c0_i32 = arith.constant 0 : i32
    %c0_i32_0 = arith.constant 0 : i32
    return %arg0, %c0_i32 : i32, i32
  }
}

module attributes {stable_mosaic.version = 14 : i64} {
  func.func @_tc_post_body(%arg0: i32, %arg1: memref<2x1000x32xf32, #tpu.memory_space<vmem>>, %arg2: memref<1000x32xf32, #tpu.memory_space<vmem>>, %arg3: memref<1x2xf32, #tpu.memory_space<vmem>>, %arg4: memref<1000x2xf32, #tpu.memory_space<vmem>>) attributes {dimension_semantics = [#tpu.dimension_semantics<arbitrary>], iteration_bounds = array<i64: 10>, scalar_prefetch = 0 : i64, scratch_operands = 0 : i64, tpu.core_type = #tpu.core_type<tc>, window_params = [{transform_indices = @transform_0, window_bounds = array<i64: 2, 1000, 32>}, {transform_indices = @transform_1, window_bounds = array<i64: 1000, 32>}, {pipeline_mode = #tpu.pipeline_mode<synchronous>, transform_indices = @transform_2, window_bounds = array<i64: 1, 2>}, {transform_indices = @transform_3, window_bounds = array<i64: 1000, 2>}]} {
    %get3A = arith.constant 0 : index
    %get3A_0 = arith.constant 0 : index
    %get3A_1 = arith.constant 0 : index
    %get3A_2 = vector.load %arg1[%get3A, %get3A_0, %get3A_1] : memref<2x1000x32xf32, #tpu.memory_space<vmem>>, vector<1x1000x32xf32>
    %get3A_3 = vector.shape_cast %get3A_2 : vector<1x1000x32xf32> to vector<1000x32xf32>
    %get3A_4 = arith.constant 1 : index
    %get3A_5 = arith.constant 0 : index
    %get3A_6 = arith.constant 0 : index
    %get3A_7 = vector.load %arg1[%get3A_4, %get3A_5, %get3A_6] : memref<2x1000x32xf32, #tpu.memory_space<vmem>>, vector<1x1000x32xf32>
    %get3A_8 = vector.shape_cast %get3A_7 : vector<1x1000x32xf32> to vector<1000x32xf32>
    %add3A = arith.addf %get3A_3, %get3A_8 : vector<1000x32xf32>
    %get3A_9 = arith.constant 0 : index
    %get3A_10 = arith.constant 0 : index
    %get3A_11 = vector.load %arg2[%get3A_9, %get3A_10] : memref<1000x32xf32, #tpu.memory_space<vmem>>, vector<1000x32xf32>
    %add3A_12 = arith.addf %add3A, %get3A_11 : vector<1000x32xf32>
    %slice3A = vector.extract_strided_slice %add3A_12 {offsets = [0, 0], sizes = [1000, 2], strides = [1, 1]} : vector<1000x32xf32> to vector<1000x2xf32>
    %slice3A_13 = vector.extract_strided_slice %add3A_12 {offsets = [0, 16], sizes = [1000, 2], strides = [1, 1]} : vector<1000x32xf32> to vector<1000x2xf32>
    %add3A_14 = arith.constant 1.000000e-16 : f32
    %add3A_15 = vector.broadcast %add3A_14 : f32 to vector<1000x2xf32>
    %add3A_16 = arith.addf %slice3A_13, %add3A_15 : vector<1000x2xf32>
    %div3A = arith.divf %slice3A, %add3A_16 : vector<1000x2xf32>
    %get3A_17 = arith.constant 0 : index
    %get3A_18 = arith.constant 0 : index
    %get3A_19 = vector.load %arg3[%get3A_17, %get3A_18] : memref<1x2xf32, #tpu.memory_space<vmem>>, vector<1x2xf32>
    %add3A_20 = vector.broadcast %get3A_19 : vector<1x2xf32> to vector<1000x2xf32>
    %add3A_21 = arith.addf %div3A, %add3A_20 : vector<1000x2xf32>
    %reduce_max3A = arith.constant dense<0xFF800000> : vector<1000xf32>
    %reduce_max3A_22 = vector.multi_reduction <maximumf>, %add3A_21, %reduce_max3A [1] : vector<1000x2xf32> to vector<1000xf32>
    %broadcast_in_dim3A = vector.shape_cast %reduce_max3A_22 : vector<1000xf32> to vector<1000x1xf32>
    %sub3A = vector.broadcast %broadcast_in_dim3A : vector<1000x1xf32> to vector<1000x2xf32>
    %sub3A_23 = arith.subf %add3A_21, %sub3A : vector<1000x2xf32>
    %sub3A_24 = vector.broadcast %broadcast_in_dim3A : vector<1000x1xf32> to vector<1000x2xf32>
    %sub3A_25 = arith.subf %add3A_21, %sub3A_24 : vector<1000x2xf32>
    %exp3A = math.exp %sub3A_25 : vector<1000x2xf32>
    %reduce_sum3A = arith.constant dense<0.000000e+00> : vector<1000xf32>
    %reduce_sum3A_26 = vector.multi_reduction <add>, %exp3A, %reduce_sum3A [1] : vector<1000x2xf32> to vector<1000xf32>
    %broadcast_in_dim3A_27 = vector.shape_cast %reduce_sum3A_26 : vector<1000xf32> to vector<1000x1xf32>
    %log3A = math.log %broadcast_in_dim3A_27 : vector<1000x1xf32>
    %sub3A_28 = vector.broadcast %log3A : vector<1000x1xf32> to vector<1000x2xf32>
    %sub3A_29 = arith.subf %sub3A_23, %sub3A_28 : vector<1000x2xf32>
    %swap3A = arith.constant 0 : index
    %swap3A_30 = arith.constant 0 : index
    %swap3A_31 = vector.load %arg4[%swap3A, %swap3A_30] : memref<1000x2xf32, #tpu.memory_space<vmem>>, vector<1000x2xf32>
    tpu.vector_store %arg4[%swap3A, %swap3A_30], %sub3A_29 {strides = array<i32>} : memref<1000x2xf32, #tpu.memory_space<vmem>>, vector<1000x2xf32>,
    return
  }
  func.func @transform_0(%arg0: i32) -> (i32, i32, i32) {
    %c0_i32 = arith.constant 0 : i32
    %c0_i32_0 = arith.constant 0 : i32
    %c0_i32_1 = arith.constant 0 : i32
    return %c0_i32, %arg0, %c0_i32_0 : i32, i32, i32
  }
  func.func @transform_1(%arg0: i32) -> (i32, i32) {
    %c0_i32 = arith.constant 0 : i32
    %c0_i32_0 = arith.constant 0 : i32
    return %arg0, %c0_i32 : i32, i32
  }
  func.func @transform_2(%arg0: i32) -> (i32, i32) {
    %c0_i32 = arith.constant 0 : i32
    %c0_i32_0 = arith.constant 0 : i32
    %c0_i32_1 = arith.constant 0 : i32
    return %c0_i32, %c0_i32_0 : i32, i32
  }
  func.func @transform_3(%arg0: i32) -> (i32, i32) {
    %c0_i32 = arith.constant 0 : i32
    %c0_i32_0 = arith.constant 0 : i32
    return %arg0, %c0_i32 : i32, i32
  }
}

</mosaic_0001>

<sc_bundles>
// kernel: kernel.10.cloned.1.call-start
scs
__scs_entry_jumppad:
0x0: {  	(pc) =	sbr.rel $0x88, $3  }
0x1: {  	(tag) =	ssettag $0x0;
	lr =	simm.s32 $0x1  }
0x2: {  	[smem:$0x3F97] =	sst lr;
	_ =	strace $0xD0000000  }
0x3: {  	_ = 	snop  }
0x4: {  	_ = 	snop  }
0x5: {  	_ = 	snop  }
0x6: {  	_ = 	snop  }
0x7: {  	_ = 	snop  }
__scs_overlays_trampoline_lowered:
0x8: {  	[smem:$0x3FA6] =	sst s0  }
0x9: {  	[smem:$0x3FA7] =	sst s1  }
0xa: {  	[smem:$0x3FA8] =	sst s2  }
0xb: {  	[smem:$0x3FA9] =	sst s3  }
0xc: {  	[smem:$0x3FAA] =	sst s4  }
0xd: {  	[smem:$0x3FAB] =	sst s5  }
0xe: {  	[smem:$0x3FAC] =	sst s6  }
0xf: {  	[smem:$0x3FAD] =	sst s7  }
0x10: {  	[smem:$0x3FAE] =	sst s8  }
0x11: {  	[smem:$0x3FAF] =	sst s9;
	s0 =	simm.s32 @!p0 $0x0  }
0x12: {  	s1 =	sld [smem:$0x3F95];
	s0 =	simm.s32 @p0 $0x1  }
0x13: {  	[smem:$0x3FB0] =	sst s0;
	s0 =	simm.s32 @!p1 $0x0  }
0x14: {  	s2 =	sld [smem:$0x3F94];
	s0 =	simm.s32 @p1 $0x1  }
0x15: {  	[smem:$0x3FB1] =	sst s0;
	s0 =	simm.s32 @!p2 $0x0  }
0x16: {  	s3 =	sld [smem:$0x3FDB];
	s0 =	simm.s32 @p2 $0x1  }
0x17: {  	s4 =	simm.s32 $0x1BF5;
	[smem:$0x3FB3] =	sst s0  }
0x18: {  	s0 =	sld [smem:$0x3F96];
	_ =	swait.ge [sflag:s4], $0x0  }
0x19: {  	s7 =	sld [smem:$0x3F97]  }
0x1a: {  	s8 =	sadd.s32 $0xFFFFE003, lr  }
0x1b: {  	s9 =	sadd.s32 $0xFFFFFEF7, lr;
	s5 =	simm.s32 $0xFFFFFFFF;
	p2 =	slt.u32 s8, $0xFFFFF086  }
0x1c: {  	p1 =	slt.u32 s9, $0xF7A;
	s5 =	simm.s32 @!p2 $0x0  }
0x1d: {  	s5 =	simm.s32 @p1 $0x1;
	p0 =	seq.s32 s7, s2  }
0x1e: {  	s7 =	smul.u32 @!p0 $0xF7A, s2;
	p2 =	seq.s32 @!p0 s5, $0x0  }
0x1f: {  	s9 =	smul.u32 $0xF7A, s1;
	s8 =	simm.s32 @!p0 $0x1BF5;
	p2 =	por !p2, p0  }
0x20: {  	[sflag:s8] =	ssyncset.s32 @!p0 $0xFFFFF086;
	s6 =	sadd.s32 @!p0 s3, s7;
	s7 =	simm.s32 @!p0 $0x108  }
0x21: {  	s3 =	sadd.s32 s3, s9;
	s6 =	sadd.s32 @!p0 $0x88, s6;
	s7 =	simm.s32 @p2 $0x1082  }
0x22: {  	[simem:s7], [sflag:s8] =	dma.local @!p0 [hbm:s6], $0xF7A  }
0x23: {  	s9 =	sor.u32 $0xD0000000, s2;
	s6 =	simm.s32 $0x108;
	_ =	swait.ge @!p0 [sflag:s8], $0x0  }
0x24: {  	s3 =	sadd.s32 $0x88, s3;
	s6 =	simm.s32 @!p1 $0x1082;
	[sflag:s4] =	ssyncset.s32 $0xFFFFF086  }
0x25: {  	[simem:s6], [sflag:s4] =	dma.local [hbm:s3], $0xF7A  }
0x26: {  	[smem:$0x3F97] =	sst s1;
	(tag) =	ssettag s2;
	_ =	strace s9  }
0x27: {  	s1 =	sld [smem:$0x3FA7]  }
0x28: {  	s2 =	sld [smem:$0x3FA8]  }
0x29: {  	s4 =	sld [smem:$0x3FAA]  }
0x2a: {  	p0 =	seq.s32 s5, $0x0;
	s5 =	sld [smem:$0x3FAB]  }
0x2b: {  	s6 =	sld [smem:$0x3FAC]  }
0x2c: {  	s7 =	sld [smem:$0x3FAD]  }
0x2d: {  	s3 =	simm.s32 $0x108;
	s8 =	sld [smem:$0x3FAE]  }
0x2e: {  	s3 =	simm.s32 @!p0 $0x1082;
	s9 =	sld [smem:$0x3FAF]  }
0x2f: {  	lr =	sadd.s32 s0, s3;
	s0 =	sld [smem:$0x3FA6]  }
0x30: {  	s3 =	sld [smem:$0x3FA9]  }
0x31: {  	[smem:$0x3FB2] =	sst s10  }
0x32: {  	s10 =	sld [smem:$0x3FB0];
	_ =	sdelay $0x3  }
0x33: {  	p0 =	seq.s32 s10, $0x1;
	s10 =	sld [smem:$0x3FB2];
	_ =	sdelay $0x3  }
0x34: {  	[smem:$0x3FB2] =	sst s10  }
0x35: {  	s10 =	sld [smem:$0x3FB1];
	_ =	sdelay $0x3  }
0x36: {  	p1 =	seq.s32 s10, $0x1;
	s10 =	sld [smem:$0x3FB2];
	_ =	sdelay $0x3  }
0x37: {  	[smem:$0x3FB2] =	sst s10  }
0x38: {  	s10 =	sld [smem:$0x3FB3]  }
0x39: {  	_ = 	snop;
	(pc) =	sbr.ind lr, $3  }
0x3a: {  	_ = 	snop  }
0x3b: {  	_ = 	snop  }
0x3c: {  	p2 =	seq.s32 s10, $0x1;
	s10 =	sld [smem:$0x3FB2]  }
0x3d: {  	_ =	shalt  }
0x3e: {  	_ =	shalt  }
0x3f: {  	_ =	shalt  }
0x40: {  	_ =	shalt  }
0x41: {  	_ =	shalt  }
0x42: {  	_ =	shalt  }
0x43: {  	_ =	shalt  }
0x44: {  	_ =	shalt  }
0x45: {  	_ =	shalt  }
0x46: {  	_ =	shalt  }
0x47: {  	_ =	shalt  }
0x48: {  	_ =	shalt  }
0x49: {  	_ =	shalt  }
0x4a: {  	_ =	shalt  }
0x4b: {  	_ =	shalt  }
0x4c: {  	_ =	shalt  }
0x4d: {  	_ =	shalt  }
0x4e: {  	_ =	shalt  }
0x4f: {  	_ =	shalt  }
0x50: {  	_ =	shalt  }
0x51: {  	_ =	shalt  }
0x52: {  	_ =	shalt  }
0x53: {  	_ =	shalt  }
0x54: {  	_ =	shalt  }
0x55: {  	_ =	shalt  }
0x56: {  	_ =	shalt  }
0x57: {  	_ =	shalt  }
0x58: {  	_ =	shalt  }
0x59: {  	_ =	shalt  }
0x5a: {  	_ =	shalt  }
0x5b: {  	_ =	shalt  }
0x5c: {  	_ =	shalt  }
0x5d: {  	_ =	shalt  }
0x5e: {  	_ =	shalt  }
0x5f: {  	_ =	shalt  }
0x60: {  	_ =	shalt  }
0x61: {  	_ =	shalt  }
0x62: {  	_ =	shalt  }
0x63: {  	_ =	shalt  }
0x64: {  	_ =	shalt  }
0x65: {  	_ =	shalt  }
0x66: {  	_ =	shalt  }
0x67: {  	_ =	shalt  }
0x68: {  	_ =	shalt  }
0x69: {  	_ =	shalt  }
0x6a: {  	_ =	shalt  }
0x6b: {  	_ =	shalt  }
0x6c: {  	_ =	shalt  }
0x6d: {  	_ =	shalt  }
0x6e: {  	_ =	shalt  }
0x6f: {  	_ =	shalt  }
0x70: {  	_ =	shalt  }
0x71: {  	_ =	shalt  }
0x72: {  	_ =	shalt  }
0x73: {  	_ =	shalt  }
0x74: {  	_ =	shalt  }
0x75: {  	_ =	shalt  }
0x76: {  	_ =	shalt  }
0x77: {  	_ =	shalt  }
0x78: {  	_ =	shalt  }
0x79: {  	_ =	shalt  }
0x7a: {  	_ =	shalt  }
0x7b: {  	_ =	shalt  }
0x7c: {  	_ =	shalt  }
0x7d: {  	_ =	shalt  }
0x7e: {  	_ =	shalt  }
0x7f: {  	_ =	shalt  }
0x80: {  	_ =	shalt  }
0x81: {  	_ =	shalt  }
0x82: {  	_ =	shalt  }
0x83: {  	_ =	shalt  }
0x84: {  	_ =	shalt  }
0x85: {  	_ =	shalt  }
0x86: {  	_ =	shalt  }
0x87: {  	_ =	shalt  }
.Lfunc_end0:
.L_simem_size_0:
called_computation.1_lowered:
.L_overlay_start_0:
0x88: {  	s2 =	sld [smem:$0x3FD9]  }
0x89: {  	s3 =	sld [smem:$0x3FFE];
	_ =	sdelay $0x1  }
0x8a: {  	s1 =	srdreg.scid  }
0x8b: {  	s0 =	sand.u32 $0x1, s1  }
0x8c: {  	s16 =	sshll.u32 s0, $0xA;
	s2 =	sadd.s32 s3, s2  }
0x8d: {  	s2 =	sadd.s32 s2, s16  }
0x8e: {  	[smem:$0x3FBE] =	sst s2  }
0x8f: {  	_ = 	snop  }
0x90: {  	(tm) =	ssettm $0x1  }
0x91: {  	s17 =	sld [smem:$0x3FFB];
	_ =	sdelay $0x3  }
0x92: {  	_ =	strace s17  }
0x93: {  	s2 =	sld [smem:$0x3FFC];
	_ =	sdelay $0x3  }
0x94: {  	_ =	strace s2  }
0x95: {  	s2 =	sld [smem:$0x3FFD];
	_ =	sdelay $0x3  }
0x96: {  	_ =	strace s2  }
0x97: {  	_ =	strace $0x8FFFFFFF  }
0x98: {  	s18 =	sld [smem:$0x3FDB];
	_ =	sdelay $0x1  }
0x99: {  	s19 =	simm.s32 $_scs_section_size  }
0x9a: {  	s4 =	simm.s32 $_size__tile_overlayer_lowered;
	s5 =	simm.s32 $_tile_overlayer_lowered  }
0x9b: {  	s22 =	simm.s32 $0x1BFF;
	s21 =	sshll.u32 s5, $0x1;
	s2 =	sadd.s32 s19, s18  }
0x9c: {  	s6 =	simm.s32 $0x0;
	s20 =	sshll.u32 s4, $0x1;
	s4 =	sadd.s32 s21, s2  }
0x9d: {  	[timem:s6], [sflag:s22] =	dma.local [hbm:s4], s20  }
0x9e: {  	_ =	swait.ge [sflag:s22], s20  }
0x9f: {  	s3 =	ssub.s32 $0x0, s20;
	[sflag:s22] =	ssyncset.done $0x0  }
0xa0: {  	[sflag:s22] =	ssyncadd.s32 s3;
	_ =	sdelay $0x1  }
0xa1: {  	s23 =	simm.s32 $0x1B8B  }
0xa2: {  	_ =	swait.ge [sflag:s23], $0x1  }
0xa3: {  	[sflag:s23] =	ssyncset.done $0x0  }
0xa4: {  	s25 =	simm.s32 $0x1B8E;
	s24 =	sld [smem:$0x3FFE];
	[sflag:s23] =	ssyncadd.s32 $0xFFFFFFFF  }
0xa5: {  	s26 =	simm.s32 $execute0_lowered;
	[smem:$0x3FD2] =	sst s25  }
0xa6: {  	s4 =	sshll.u32 s26, $0x1;
	_ =	strace $0x80000049;
	[dreg:$0x1] =	wrdreg $0xFFFFFFFF  }
0xa7: {  	s28 =	simm.s32 $_size_execute0_lowered;
	s2 =	sadd.s32 s2, s4;
	[dreg:$0x0] =	wrdreg $0x0  }
0xa8: {  	s4 =	sshll.u32 s28, $0x1;
	[dreg:$0x2] =	wrdreg s2  }
0xa9: {  	[dreg:$0x3] =	wrdreg s4  }
0xaa: {  	[dreg:$0x4] =	wrdreg $0xC0  }
0xab: {  	_ =	task [dreg:s6], $0x5FFFF  }
0xac: {  	[dreg:$0x1] =	wrdreg $0xFFFFFFFF  }
0xad: {  	[dreg:$0x0] =	wrdreg $0x60  }
0xae: {  	[dreg:$0x2] =	wrdreg s24  }
0xaf: {  	[dreg:$0x3] =	wrdreg $0x79200  }
0xb0: {  	[dreg:$0x4] =	wrdreg $0x9  }
0xb1: {  	_ =	task.clear_ibuf [dreg:s6], $0x5FFFF;
	_ =	strace $0x90000049  }
0xb2: {  	s29 =	simm.s32 $0x9;
	_ =	strace $0x8000004B  }
0xb3: {  	_ =	swait.ge [sflag:s29], $0x1  }
0xb4: {  	[sflag:s29] =	ssyncadd.s32 $0xFFFFFFFF  }
0xb5: {  	_ =	strace $0x9000004B  }
0xb6: {  	_ =	sfence  }
0xb7: {  	s30 =	sld [smem:$0x0];
	_ =	sdelay $0x2  }
0xb8: {  	s31 =	sshll.u32 s1, $0xD;
	s1 =	sshrl.u32 s1, $0x2  }
0xb9: {  	s3 =	sand.u32 $0x4000, s31;
	s1 =	sadd.s32 s1, s30  }
0xba: {  	s0 =	sor.u32 s3, s0;
	s1 =	sshll.u32 s1, $0x11  }
0xbb: {  	s0 =	sor.u32 s1, s0  }
0xbc: {  	s0 =	sadd.s32 $0x8F2B, s0  }
0xbd: {  	[sflag:s0] =	ssyncadd.remote.s32 $0x1  }
0xbe: {  	_ =	sfence.sel $0xFFFF  }
0xbf: {  	[dreg:$0x0] =	wrdreg $0xFFFFFFFF;
	(pc) =	sbr.abs _section_cstart, $3  }
0xc0: {  	[dreg:$0x1] =	wrdreg $0xFFFFFFFF  }
0xc1: {  	_ =	task.clear_ibuf [dreg:s6], $0x2FFFF;
	_ =	strace $0x9FFFFFFF  }
0xc2: {  	(tm) =	ssettm $0x7FFFFFFF  }
0xc3: {  	_ =	shalt  }
tec
execute0_lowered:
.L_overlay_start_1:
0x0: {  	(tag) =	ssettag $0x1  }
0x1: {  	s0 =	rddreg [dreg:$0x0]  }
0x2: {  	s2 =	rddreg [dreg:$0x1]  }
0x3: {  	s1 =	srdreg.scid;
	s9 =	stileid.u32;
	s3 =	simm.s32 $0x0  }
0x4: {  	s17 =	simm.s32 $0x5;
	s22 =	simm.s32 $0x2710;
	s19 =	simm.s32 $0x6C20  }
0x5: {  	s20 =	simm.s32 $0x50;
	s21 =	simm.s32 $0x4E20;
	s23 =	simm.s32 $0x1  }
0x6: {  	s24 =	simm.s32 $0x3;
	s28 =	simm.s32 $0x4;
	s29 =	simm.s32 $0x5820  }
0x7: {  	s30 =	simm.s32 $0x0;
	s1 =	sand.u32 $0x1, s1;
	s6 =	smul.u32 $0x4F00, s9  }
0x8: {  	[smem:$0x7FF] =	sst s3;
	s4 =	sadd.s32 $0x14800, s0;
	s5 =	sshll.u32 s1, $0x4  }
0x9: {  	s7 =	smul.u32 $0x4F000, s1;
	_ =	strace $0x8000004A;
	s1 =	ssub.s32 $0x2, s1  }
0xa: {  	s8 =	sor.u32 s9, s5;
	s5 =	sadd.s32 $0x1E600, s0;
	s9 =	smul.u32 $0x13C00, s9  }
0xb: {  	s25 =	sshrl.u32 s1, $0x1;
	s8 =	smul.u32 $0x4E2, s8;
	s7 =	sadd.s32 s6, s7  }
0xc: {  	s1 =	ssub.s32 s1, s25;
	s25 =	simm.s32 $0x6;
	s7 =	sshrl.u32 s7, $0x3  }
0xd: {  	s9 =	sshrl.u32 s9, $0x2;
	s16 =	smax.u32 s1, $0x1;
	s8 =	sadd.s32 s8, s0  }
.Ltmp0:
0xe: {  	s0 =	sadd.s32 s7, s0;
	s31 =	sadd.s32 s9, s2;
	(pc) =	sbr.rel .LBB2_1-.Ltmp0, $4  }
0xf: {  	s26 =	sadd.s32 $0xAA00, s8;
	s7 =	sadd.s32 $0xC00, s8;
	s8 =	sadd.s32 s6, s2  }
0x10: {  	s9 =	sadd.s32 $0xD00, s31;
	s10 =	sadd.s32 $0x1A00, s31;
	s11 =	sadd.s32 $0x2700, s31  }
0x11: {  	s12 =	sadd.s32 $0x3400, s31;
	s13 =	sadd.s32 $0x4100, s31;
	s14 =	sadd.s32 $0x4E00, s31  }
0x12: {  	v0 =	vimm.f32 $0.0e+00;
	s15 =	sadd.s32 $0x23600, s0;
	[dreg:$0x3] =	wrdreg s26;
	s26 =	simm.s32 $0x2  }
.LBB2_11:
0x13: {  	s0 =	stileid.u32;
	s30 =	sadd.s32 $0x1, s30  }
0x14: {  	[bflag:$0x0] =	sbarrier.arrive $0xFFFF;
	s0 =	sshll.u32 s0, $0x6;
	p0 =	sne.s32 s30, s16  }
.Ltmp1:
0x15: {  	s1 =	sshrl.u32 s8, $0x3;
	s0 =	sor.u32 $0x1C05, s0;
	(pc) =	sbr.rel @!p0 .LBB2_12-.Ltmp1, $4  }
0x16: {  	[hbm:s15], [sflag:s0] =	dma.local [spmem:s1], $0x9E0  }
0x17: {  	_ =	swait.ge [sflag:s17], $0x9E0  }
0x18: {  	[sflag:s17] =	ssyncset.done $0x0  }
0x19: {  	s22 =	simm.s32 $0x2710;
	[sflag:s17] =	ssyncadd.s32 $0xFFFFF620  }
.LBB2_1:
0x1a: {  	s0 =	rddreg [dreg:$0x3]  }
0x1b: {  	[tilespmem:s3], [sflag:$0x5] =	stream.linear.gather [hbm4b:s0+s3], $0x2710, $0x38;
	[tilespmem:$0xC820] =	vst v63  }
0x1c: {  	_ =	swait.ge [sflag:s17], $0x2710  }
0x1d: {  	[sflag:s17] =	ssyncset.done $0x0  }
0x1e: {  	[sflag:s17] =	ssyncadd.s32 $0xFFFFD8F0  }
0x1f: {  	[tilespmem:s22], [sflag:$0x5] =	stream.linear.gather [hbm4b:s7+s3], $0x2710, $0x38;
	[tilespmem:$0xC820] =	vst v63  }
0x20: {  	s31 =	sand.u32 $0x3F80, s3;
	s1 =	sand.u32 $0x10, s3;
	_ =	swait.ge [sflag:s17], $0x2710  }
0x21: {  	s6 =	sshrl.u32 s31, $0x2;
	s0 =	simm.s32 $0x40;
	[sflag:s17] =	ssyncset.done $0x0  }
0x22: {  	s6 =	sor.u32 s1, s6;
	s1 =	simm.s32 $0x0;
	[sflag:s17] =	ssyncadd.s32 $0xFFFFD8F0  }
.LBB2_2:
0x23: {  	p0 =	sne.s32 s0, $0x33C0  }
0x24: {  	[tilespmem:s6+$0x6C20] =	vst v0;
	s1 =	sadd.s32 $0x10, s1;
	s6 =	smov.u32 s0;
	s0 =	sadd.s32 $0x40, s0  }
.Ltmp2:
0x25: {  	(pc) =	sbr.rel @p0 .LBB2_2-.Ltmp2, $4  }
0x26: {  	_ = 	snop  }
0x27: {  	s6 =	sand.u32 $0x3F80, s6  }
0x28: {  	s18 =	sand.u32 $0x10, s1;
	s6 =	sshrl.u32 s6, $0x2  }
0x29: {  	s6 =	sor.u32 s18, s6  }
0x2a: {  	[tilespmem:s6+$0x6C20] =	vst v0  }
0x2b: {  	[spmem:s8] =	stream.linear.scatter [tilespmem:s19], [sflag:$0x5], $0xD00, $0x38;
	[tilespmem:$0xC820] =	vst v63  }
0x2c: {  	_ =	swait.ge [sflag:s17], $0xD00  }
0x2d: {  	[sflag:s17] =	ssyncset.done $0x0  }
0x2e: {  	[sflag:s17] =	ssyncadd.s32 $0xFFFFF300  }
0x2f: {  	[spmem:s9] =	stream.linear.scatter [tilespmem:s19], [sflag:$0x5], $0xD00, $0x38;
	[tilespmem:$0xC820] =	vst v63  }
0x30: {  	_ =	swait.ge [sflag:s17], $0xD00  }
0x31: {  	[sflag:s17] =	ssyncset.done $0x0  }
0x32: {  	[sflag:s17] =	ssyncadd.s32 $0xFFFFF300  }
0x33: {  	[spmem:s10] =	stream.linear.scatter [tilespmem:s19], [sflag:$0x5], $0xD00, $0x38;
	[tilespmem:$0xC820] =	vst v63  }
0x34: {  	_ =	swait.ge [sflag:s17], $0xD00  }
0x35: {  	[sflag:s17] =	ssyncset.done $0x0  }
0x36: {  	[sflag:s17] =	ssyncadd.s32 $0xFFFFF300  }
0x37: {  	[spmem:s11] =	stream.linear.scatter [tilespmem:s19], [sflag:$0x5], $0xD00, $0x38;
	[tilespmem:$0xC820] =	vst v63  }
0x38: {  	_ =	swait.ge [sflag:s17], $0xD00  }
0x39: {  	[sflag:s17] =	ssyncset.done $0x0  }
0x3a: {  	[sflag:s17] =	ssyncadd.s32 $0xFFFFF300  }
0x3b: {  	[spmem:s12] =	stream.linear.scatter [tilespmem:s19], [sflag:$0x5], $0xD00, $0x38;
	[tilespmem:$0xC820] =	vst v63  }
0x3c: {  	_ =	swait.ge [sflag:s17], $0xD00  }
0x3d: {  	[sflag:s17] =	ssyncset.done $0x0  }
0x3e: {  	[sflag:s17] =	ssyncadd.s32 $0xFFFFF300  }
0x3f: {  	[spmem:s13] =	stream.linear.scatter [tilespmem:s19], [sflag:$0x5], $0xD00, $0x38;
	[tilespmem:$0xC820] =	vst v63  }
0x40: {  	_ =	swait.ge [sflag:s17], $0xD00  }
0x41: {  	[sflag:s17] =	ssyncset.done $0x0  }
0x42: {  	[sflag:s17] =	ssyncadd.s32 $0xFFFFF300  }
0x43: {  	[spmem:s14] =	stream.linear.scatter [tilespmem:s19], [sflag:$0x5], $0x100, $0x38;
	[tilespmem:$0xC820] =	vst v63  }
0x44: {  	_ =	swait.ge [sflag:s17], $0x100  }
0x45: {  	[sflag:s17] =	ssyncset.done $0x0  }
.Ltmp3:
0x46: {  	[sflag:s17] =	ssyncadd.s32 $0xFFFFFF00;
	(pc) =	sbr.rel .LBB2_4-.Ltmp3, $4  }
0x47: {  	s31 =	simm.s32 $0x0;
	[bflag:$0x0] =	sbarrier.arrive $0xFFFF  }
0x48: {  	[tilespmem:s21], [sflag:$0x1] =	stream.indirect.gather [hbm4b:s4+s20], $0x20, s31, s20, $0xb8;
	[tilespmem:$0xC820] =	vst v63  }
0x49: {  	s0 =	simm.s32 $0x6220  }
0x4a: {  	[tilespmem:s0], [sflag:$0x3] =	stream.indirect.gather [hbm4b:s5+s20], $0x10, s22, s20, $0xb8;
	[tilespmem:$0xC820] =	vst v63  }
.LBB2_10:
0x4b: {  	s31 =	sadd.s32 $0x1, s31  }
0x4c: {  	p0 =	sne.s32 s31, $0x3F  }
.Ltmp4:
0x4d: {  	_ = 	snop;
	(pc) =	sbr.rel @!p0 .LBB2_11-.Ltmp4, $1  }
0x4e: {  	_ =	sdelay $0x3  }
.LBB2_4:
0x4f: {  	s0 =	sshllo.u32 s31, $0x1  }
0x50: {  	p0 =	sgt.u32 s0, $0x7C  }
0x51: {  	s1 =	smul.u32 @!p0 $0x50, s0  }
0x52: {  	s6 =	simm.s32 @!p0 $0x50;
	s18 =	simm.s32 @!p0 $0x5820  }
0x53: {  	[tilespmem:s18], [sflag:$0x2] =	stream.indirect.gather @!p0 [hbm4b:s4+s6], $0x20, s1, s6, $0xb8;
	[tilespmem:$0xC820] =	vst v63  }
0x54: {  	s1 =	sadd.s32 @!p0 $0x2710, s1;
	s18 =	simm.s32 @!p0 $0x6720  }
0x55: {  	[tilespmem:s18], [sflag:$0x4] =	stream.indirect.gather @!p0 [hbm4b:s5+s6], $0x10, s1, s6, $0xb8;
	[tilespmem:$0xC820] =	vst v63  }
0x56: {  	_ =	swait.ge [sflag:s23], $0xA00  }
0x57: {  	[sflag:s23] =	ssyncset.done $0x0  }
0x58: {  	[sflag:s23] =	ssyncadd.s32 $0xFFFFF600  }
0x59: {  	_ =	swait.ge [sflag:s24], $0x500  }
0x5a: {  	[sflag:s24] =	ssyncset.done $0x0  }
0x5b: {  	s22 =	simm.s32 $0x4EA0;
	[sflag:s24] =	ssyncadd.s32 $0xFFFFFB00  }
0x5c: {  	s1 =	simm.s32 $0x6260;
	v1 =	vld [tilespmem:s22+$0xFFFFFF90]  }
0x5d: {  	v2 =	vld [tilespmem:s1+$0xFFFFFFC0];
	_ =	sdelay $0x4  }
0x5e: {  	v1 =	vadd.f32 v2, v1;
	_ =	sdelay $0x1  }
0x5f: {  	v2 =	vmul.f32 $2.000000030e-01, v1  }
0x60: {  	vm0 =	vgt.f32 v1, $0.0e+00  }
0x61: {  	v1 =	vsel vm0, v1, v2  }
0x62: {  	v1 =	vmul.f32 $1.442695020e+00, v1;
	_ =	sdelay $0x1  }
0x63: {  	(erf) = vpow2.f32 v1;
	_ =	sdelay $0x4  }
0x64: {  	v1 =	vld [tilespmem:s22+$0xFFFFFF80];
	_ =	sdelay $0x3  }
0x65: {  	v2 =	vpop (erf)  }
0x66: {  	v1 =	vmul.f32 v2, v1  }
0x67: {  	[tilespmem:s22+$0xFFFFFF90] =	vst v2  }
0x68: {  	[tilespmem:s22+$0xFFFFFF80] =	vst v1;
	v1 =	vld [tilespmem:s22+$0xFFFFFFB0]  }
0x69: {  	v2 =	vld [tilespmem:s1+$0xFFFFFFD0];
	_ =	sdelay $0x4  }
0x6a: {  	v1 =	vadd.f32 v2, v1;
	_ =	sdelay $0x1  }
0x6b: {  	v2 =	vmul.f32 $2.000000030e-01, v1  }
0x6c: {  	vm9 =	vgt.f32 v1, $0.0e+00  }
0x6d: {  	v1 =	vsel vm9, v1, v2  }
0x6e: {  	v1 =	vmul.f32 $1.442695020e+00, v1;
	_ =	sdelay $0x1  }
0x6f: {  	(erf) = vpow2.f32 v1;
	_ =	sdelay $0x4  }
0x70: {  	v1 =	vld [tilespmem:s22+$0xFFFFFFA0];
	_ =	sdelay $0x3  }
0x71: {  	v2 =	vpop (erf)  }
0x72: {  	v1 =	vmul.f32 v2, v1  }
0x73: {  	[tilespmem:s22+$0xFFFFFFB0] =	vst v2  }
0x74: {  	[tilespmem:s22+$0xFFFFFFA0] =	vst v1;
	v1 =	vld [tilespmem:s22+$0xFFFFFFD0]  }
0x75: {  	v2 =	vld [tilespmem:s1+$0xFFFFFFE0];
	_ =	sdelay $0x4  }
0x76: {  	v1 =	vadd.f32 v2, v1;
	_ =	sdelay $0x1  }
0x77: {  	v2 =	vmul.f32 $2.000000030e-01, v1  }
0x78: {  	vm10 =	vgt.f32 v1, $0.0e+00  }
0x79: {  	v1 =	vsel vm10, v1, v2  }
0x7a: {  	v1 =	vmul.f32 $1.442695020e+00, v1;
	_ =	sdelay $0x1  }
0x7b: {  	(erf) = vpow2.f32 v1;
	_ =	sdelay $0x4  }
0x7c: {  	v1 =	vld [tilespmem:s22+$0xFFFFFFC0];
	_ =	sdelay $0x3  }
0x7d: {  	v2 =	vpop (erf)  }
0x7e: {  	v1 =	vmul.f32 v2, v1  }
0x7f: {  	[tilespmem:s22+$0xFFFFFFD0] =	vst v2  }
0x80: {  	[tilespmem:s22+$0xFFFFFFC0] =	vst v1;
	v1 =	vld [tilespmem:s22+$0xFFFFFFF0]  }
0x81: {  	v2 =	vld [tilespmem:s1+$0xFFFFFFF0];
	_ =	sdelay $0x4  }
0x82: {  	v1 =	vadd.f32 v2, v1;
	_ =	sdelay $0x1  }
0x83: {  	v2 =	vmul.f32 $2.000000030e-01, v1  }
0x84: {  	vm11 =	vgt.f32 v1, $0.0e+00  }
0x85: {  	v1 =	vsel vm11, v1, v2  }
0x86: {  	v1 =	vmul.f32 $1.442695020e+00, v1;
	_ =	sdelay $0x1  }
0x87: {  	(erf) = vpow2.f32 v1;
	_ =	sdelay $0x4  }
0x88: {  	v1 =	vld [tilespmem:s22+$0xFFFFFFE0];
	_ =	sdelay $0x3  }
0x89: {  	v2 =	vpop (erf)  }
0x8a: {  	v1 =	vmul.f32 v2, v1  }
0x8b: {  	[tilespmem:s22+$0xFFFFFFF0] =	vst v2  }
0x8c: {  	[tilespmem:s22+$0xFFFFFFE0] =	vst v1;
	v1 =	vld [tilespmem:s22+$0x10]  }
0x8d: {  	v2 =	vld [tilespmem:s1+$0x0];
	_ =	sdelay $0x4  }
0x8e: {  	v1 =	vadd.f32 v2, v1;
	_ =	sdelay $0x1  }
0x8f: {  	v2 =	vmul.f32 $2.000000030e-01, v1  }
0x90: {  	vm12 =	vgt.f32 v1, $0.0e+00  }
0x91: {  	v1 =	vsel vm12, v1, v2  }
0x92: {  	v1 =	vmul.f32 $1.442695020e+00, v1;
	_ =	sdelay $0x1  }
0x93: {  	(erf) = vpow2.f32 v1;
	_ =	sdelay $0x4  }
0x94: {  	v1 =	vld [tilespmem:s22+$0x0];
	_ =	sdelay $0x3  }
0x95: {  	v2 =	vpop (erf)  }
0x96: {  	v1 =	vmul.f32 v2, v1  }
0x97: {  	[tilespmem:s22+$0x10] =	vst v2  }
0x98: {  	[tilespmem:s22+$0x0] =	vst v1;
	v1 =	vld [tilespmem:s22+$0x30]  }
0x99: {  	v2 =	vld [tilespmem:s1+$0x10];
	_ =	sdelay $0x4  }
0x9a: {  	v1 =	vadd.f32 v2, v1;
	_ =	sdelay $0x1  }
0x9b: {  	v2 =	vmul.f32 $2.000000030e-01, v1  }
0x9c: {  	vm13 =	vgt.f32 v1, $0.0e+00  }
0x9d: {  	v1 =	vsel vm13, v1, v2  }
0x9e: {  	v1 =	vmul.f32 $1.442695020e+00, v1;
	_ =	sdelay $0x1  }
0x9f: {  	(erf) = vpow2.f32 v1;
	_ =	sdelay $0x4  }
0xa0: {  	v1 =	vld [tilespmem:s22+$0x20];
	_ =	sdelay $0x3  }
0xa1: {  	v2 =	vpop (erf)  }
0xa2: {  	v1 =	vmul.f32 v2, v1  }
0xa3: {  	[tilespmem:s22+$0x30] =	vst v2  }
0xa4: {  	[tilespmem:s22+$0x20] =	vst v1;
	v1 =	vld [tilespmem:s22+$0x50]  }
0xa5: {  	v2 =	vld [tilespmem:s1+$0x20];
	_ =	sdelay $0x4  }
0xa6: {  	v1 =	vadd.f32 v2, v1;
	_ =	sdelay $0x1  }
0xa7: {  	v2 =	vmul.f32 $2.000000030e-01, v1  }
0xa8: {  	vm14 =	vgt.f32 v1, $0.0e+00  }
0xa9: {  	v1 =	vsel vm14, v1, v2  }
0xaa: {  	v1 =	vmul.f32 $1.442695020e+00, v1;
	_ =	sdelay $0x1  }
0xab: {  	(erf) = vpow2.f32 v1;
	_ =	sdelay $0x4  }
0xac: {  	v1 =	vld [tilespmem:s22+$0x40];
	_ =	sdelay $0x3  }
0xad: {  	v2 =	vpop (erf)  }
0xae: {  	v1 =	vmul.f32 v2, v1  }
0xaf: {  	[tilespmem:s22+$0x50] =	vst v2  }
0xb0: {  	[tilespmem:s22+$0x40] =	vst v1;
	v1 =	vld [tilespmem:s22+$0x70]  }
0xb1: {  	v2 =	vld [tilespmem:s1+$0x30];
	_ =	sdelay $0x4  }
0xb2: {  	v1 =	vadd.f32 v2, v1;
	_ =	sdelay $0x1  }
0xb3: {  	v2 =	vmul.f32 $2.000000030e-01, v1  }
0xb4: {  	vm15 =	vgt.f32 v1, $0.0e+00  }
0xb5: {  	v1 =	vsel vm15, v1, v2  }
0xb6: {  	v1 =	vmul.f32 $1.442695020e+00, v1;
	_ =	sdelay $0x1  }
0xb7: {  	(erf) = vpow2.f32 v1;
	_ =	sdelay $0x4  }
0xb8: {  	v1 =	vld [tilespmem:s22+$0x60];
	_ =	sdelay $0x3  }
0xb9: {  	v2 =	vpop (erf)  }
0xba: {  	v1 =	vmul.f32 v2, v1  }
0xbb: {  	s18 =	simm.s32 $0x0;
	s6 =	simm.s32 $0x4FA0;
	[tilespmem:s22+$0x70] =	vst v2  }
.LBB2_5:
0xbc: {  	v2 =	vld [tilespmem:s6+$0xFFFFFF90];
	s18 =	sadd.s32 $0x8, s18;
	[tilespmem:s22+$0x60] =	vst v1;
	s1 =	sadd.s32 $0x80, s1;
	s22 =	smov.u32 s6  }
0xbd: {  	v1 =	vld [tilespmem:s1+$0xFFFFFFC0];
	p1 =	slt.u32 s18, $0x48;
	_ =	sdelay $0x4  }
0xbe: {  	v1 =	vadd.f32 v1, v2;
	_ =	sdelay $0x1  }
0xbf: {  	v2 =	vmul.f32 $2.000000030e-01, v1  }
0xc0: {  	vm0 =	vgt.f32 v1, $0.0e+00  }
0xc1: {  	v1 =	vsel vm0, v1, v2  }
0xc2: {  	v1 =	vmul.f32 $1.442695020e+00, v1;
	_ =	sdelay $0x1  }
0xc3: {  	(erf) = vpow2.f32 v1;
	_ =	sdelay $0x4  }
0xc4: {  	v1 =	vld [tilespmem:s6+$0xFFFFFF80];
	_ =	sdelay $0x3  }
0xc5: {  	v2 =	vpop (erf)  }
0xc6: {  	v1 =	vmul.f32 v2, v1  }
0xc7: {  	[tilespmem:s6+$0xFFFFFF90] =	vst v2  }
0xc8: {  	[tilespmem:s6+$0xFFFFFF80] =	vst v1;
	v1 =	vld [tilespmem:s6+$0xFFFFFFB0]  }
0xc9: {  	v2 =	vld [tilespmem:s1+$0xFFFFFFD0];
	_ =	sdelay $0x4  }
0xca: {  	v1 =	vadd.f32 v2, v1;
	_ =	sdelay $0x1  }
0xcb: {  	v2 =	vmul.f32 $2.000000030e-01, v1  }
0xcc: {  	vm0 =	vgt.f32 v1, $0.0e+00  }
0xcd: {  	v1 =	vsel vm0, v1, v2  }
0xce: {  	v1 =	vmul.f32 $1.442695020e+00, v1;
	_ =	sdelay $0x1  }
0xcf: {  	(erf) = vpow2.f32 v1;
	_ =	sdelay $0x4  }
0xd0: {  	v1 =	vld [tilespmem:s6+$0xFFFFFFA0];
	_ =	sdelay $0x3  }
0xd1: {  	v2 =	vpop (erf)  }
0xd2: {  	v1 =	vmul.f32 v2, v1  }
0xd3: {  	[tilespmem:s6+$0xFFFFFFB0] =	vst v2  }
0xd4: {  	[tilespmem:s6+$0xFFFFFFA0] =	vst v1;
	v1 =	vld [tilespmem:s6+$0xFFFFFFD0]  }
0xd5: {  	v2 =	vld [tilespmem:s1+$0xFFFFFFE0];
	_ =	sdelay $0x4  }
0xd6: {  	v1 =	vadd.f32 v2, v1;
	_ =	sdelay $0x1  }
0xd7: {  	v2 =	vmul.f32 $2.000000030e-01, v1  }
0xd8: {  	vm0 =	vgt.f32 v1, $0.0e+00  }
0xd9: {  	v1 =	vsel vm0, v1, v2  }
0xda: {  	v1 =	vmul.f32 $1.442695020e+00, v1;
	_ =	sdelay $0x1  }
0xdb: {  	(erf) = vpow2.f32 v1;
	_ =	sdelay $0x4  }
0xdc: {  	v1 =	vld [tilespmem:s6+$0xFFFFFFC0];
	_ =	sdelay $0x3  }
0xdd: {  	v2 =	vpop (erf)  }
0xde: {  	v1 =	vmul.f32 v2, v1  }
0xdf: {  	[tilespmem:s6+$0xFFFFFFD0] =	vst v2  }
0xe0: {  	[tilespmem:s6+$0xFFFFFFC0] =	vst v1;
	v1 =	vld [tilespmem:s6+$0xFFFFFFF0]  }
0xe1: {  	v2 =	vld [tilespmem:s1+$0xFFFFFFF0];
	_ =	sdelay $0x4  }
0xe2: {  	v1 =	vadd.f32 v2, v1;
	_ =	sdelay $0x1  }
0xe3: {  	v2 =	vmul.f32 $2.000000030e-01, v1  }
0xe4: {  	vm0 =	vgt.f32 v1, $0.0e+00  }
0xe5: {  	v1 =	vsel vm0, v1, v2  }
0xe6: {  	v1 =	vmul.f32 $1.442695020e+00, v1;
	_ =	sdelay $0x1  }
0xe7: {  	(erf) = vpow2.f32 v1;
	_ =	sdelay $0x4  }
0xe8: {  	v1 =	vld [tilespmem:s6+$0xFFFFFFE0];
	_ =	sdelay $0x3  }
0xe9: {  	v2 =	vpop (erf)  }
0xea: {  	[tilespmem:s6+$0xFFFFFFF0] =	vst v2;
	v1 =	vmul.f32 v2, v1;
	_ =	sdelay $0x1  }
0xeb: {  	[tilespmem:s6+$0xFFFFFFE0] =	vst v1;
	v1 =	vld [tilespmem:s6+$0x10]  }
0xec: {  	v2 =	vld [tilespmem:s1+$0x0];
	_ =	sdelay $0x4  }
0xed: {  	v1 =	vadd.f32 v2, v1;
	_ =	sdelay $0x1  }
0xee: {  	v2 =	vmul.f32 $2.000000030e-01, v1  }
0xef: {  	vm0 =	vgt.f32 v1, $0.0e+00  }
0xf0: {  	v1 =	vsel vm0, v1, v2  }
0xf1: {  	v1 =	vmul.f32 $1.442695020e+00, v1;
	_ =	sdelay $0x1  }
0xf2: {  	(erf) = vpow2.f32 v1;
	_ =	sdelay $0x4  }
0xf3: {  	v1 =	vld [tilespmem:s6+$0x0];
	_ =	sdelay $0x3  }
0xf4: {  	v2 =	vpop (erf)  }
0xf5: {  	[tilespmem:s6+$0x10] =	vst v2;
	v1 =	vmul.f32 v2, v1;
	_ =	sdelay $0x1  }
0xf6: {  	[tilespmem:s6+$0x0] =	vst v1;
	v1 =	vld [tilespmem:s6+$0x30]  }
0xf7: {  	v2 =	vld [tilespmem:s1+$0x10];
	_ =	sdelay $0x4  }
0xf8: {  	v1 =	vadd.f32 v2, v1;
	_ =	sdelay $0x1  }
0xf9: {  	v2 =	vmul.f32 $2.000000030e-01, v1  }
0xfa: {  	vm0 =	vgt.f32 v1, $0.0e+00  }
0xfb: {  	v1 =	vsel vm0, v1, v2  }
0xfc: {  	v1 =	vmul.f32 $1.442695020e+00, v1;
	_ =	sdelay $0x1  }
0xfd: {  	(erf) = vpow2.f32 v1;
	_ =	sdelay $0x4  }
0xfe: {  	v1 =	vld [tilespmem:s6+$0x20];
	_ =	sdelay $0x3  }
0xff: {  	v2 =	vpop (erf)  }
0x100: {  	[tilespmem:s6+$0x30] =	vst v2;
	v1 =	vmul.f32 v2, v1;
	_ =	sdelay $0x1  }
0x101: {  	[tilespmem:s6+$0x20] =	vst v1;
	v1 =	vld [tilespmem:s6+$0x50]  }
0x102: {  	v2 =	vld [tilespmem:s1+$0x20];
	_ =	sdelay $0x4  }
0x103: {  	v1 =	vadd.f32 v2, v1;
	_ =	sdelay $0x1  }
0x104: {  	v2 =	vmul.f32 $2.000000030e-01, v1  }
0x105: {  	vm0 =	vgt.f32 v1, $0.0e+00  }
0x106: {  	v1 =	vsel vm0, v1, v2  }
0x107: {  	v1 =	vmul.f32 $1.442695020e+00, v1;
	_ =	sdelay $0x1  }
0x108: {  	(erf) = vpow2.f32 v1;
	_ =	sdelay $0x4  }
0x109: {  	v1 =	vld [tilespmem:s6+$0x40];
	_ =	sdelay $0x3  }
0x10a: {  	v2 =	vpop (erf)  }
0x10b: {  	[tilespmem:s6+$0x50] =	vst v2;
	v1 =	vmul.f32 v2, v1;
	_ =	sdelay $0x1  }
0x10c: {  	[tilespmem:s6+$0x40] =	vst v1;
	v1 =	vld [tilespmem:s6+$0x70]  }
0x10d: {  	v2 =	vld [tilespmem:s1+$0x30];
	_ =	sdelay $0x4  }
0x10e: {  	v1 =	vadd.f32 v2, v1;
	_ =	sdelay $0x1  }
0x10f: {  	v2 =	vmul.f32 $2.000000030e-01, v1  }
0x110: {  	vm0 =	vgt.f32 v1, $0.0e+00  }
0x111: {  	v1 =	vsel vm0, v1, v2  }
0x112: {  	v1 =	vmul.f32 $1.442695020e+00, v1;
	_ =	sdelay $0x1  }
0x113: {  	(erf) = vpow2.f32 v1;
	_ =	sdelay $0x4  }
0x114: {  	v1 =	vld [tilespmem:s6+$0x60];
	_ =	sdelay $0x1  }
.Ltmp5:
0x115: {  	(pc) =	sbr.rel @p1 .LBB2_5-.Ltmp5, $4  }
0x116: {  	_ = 	snop  }
0x117: {  	v2 =	vpop (erf)  }
0x118: {  	[tilespmem:s6+$0x70] =	vst v2;
	v1 =	vmul.f32 v2, v1  }
0x119: {  	s6 =	sadd.s32 $0x100, s6  }
0x11a: {  	s1 =	smul.u32 $0x280, s31;
	_ =	sdelay $0x1  }
0x11b: {  	s1 =	sshra.s32 s1, $0x2  }
0x11c: {  	[tilespmem:s22+$0x60] =	vst v1;
	p1 =	seq.s32 s31, $0x3E;
	s1 =	sadd.s32 $0x2710, s1  }
0x11d: {  	[spmem:s2] =	stream.indirect.scatter.add.f32 [tilespmem:s21], [sflag:$0x6], $0x20, s1, s20, $0xb8;
	[tilespmem:$0xC820] =	vst v63  }
0x11e: {  	s1 =	smul.u32 @!p1 $0xA0, s31;
	_ =	swait.ge [sflag:s25], $0xA00  }
.Ltmp6:
0x11f: {  	s18 =	simm.s32 @!p1 $0x50;
	[sflag:s25] =	ssyncset.done $0x0;
	(pc) =	sbr.rel @p0 .LBB2_10-.Ltmp6, $4  }
0x120: {  	s22 =	simm.s32 @!p1 $0x4E20;
	s6 =	sadd.s32 @!p1 $0xA0, s1;
	[sflag:s25] =	ssyncadd.s32 $0xFFFFF600  }
0x121: {  	[tilespmem:s22], [sflag:$0x1] =	stream.indirect.gather @!p1 [hbm4b:s4+s18], $0x20, s6, s18, $0xb8;
	[tilespmem:$0xC820] =	vst v63  }
0x122: {  	s1 =	sadd.s32 @!p1 $0x27B0, s1;
	s6 =	simm.s32 @!p1 $0x6220  }
0x123: {  	[tilespmem:s6], [sflag:$0x3] =	stream.indirect.gather @!p1 [hbm4b:s5+s18], $0x10, s1, s18, $0xb8;
	[tilespmem:$0xC820] =	vst v63  }
0x124: {  	_ =	swait.ge [sflag:s26], $0xA00  }
0x125: {  	[sflag:s26] =	ssyncset.done $0x0  }
0x126: {  	[sflag:s26] =	ssyncadd.s32 $0xFFFFF600  }
0x127: {  	_ =	swait.ge [sflag:s28], $0x500  }
0x128: {  	[sflag:s28] =	ssyncset.done $0x0  }
0x129: {  	s22 =	simm.s32 $0x58A0;
	[sflag:s28] =	ssyncadd.s32 $0xFFFFFB00  }
0x12a: {  	s1 =	simm.s32 $0x6760;
	v1 =	vld [tilespmem:s22+$0xFFFFFF90]  }
0x12b: {  	v2 =	vld [tilespmem:s1+$0xFFFFFFC0];
	_ =	sdelay $0x4  }
0x12c: {  	v1 =	vadd.f32 v2, v1;
	_ =	sdelay $0x1  }
0x12d: {  	v2 =	vmul.f32 $2.000000030e-01, v1  }
0x12e: {  	vm0 =	vgt.f32 v1, $0.0e+00  }
0x12f: {  	v1 =	vsel vm0, v1, v2  }
0x130: {  	v1 =	vmul.f32 $1.442695020e+00, v1;
	_ =	sdelay $0x1  }
0x131: {  	(erf) = vpow2.f32 v1;
	_ =	sdelay $0x4  }
0x132: {  	v1 =	vld [tilespmem:s22+$0xFFFFFF80];
	_ =	sdelay $0x3  }
0x133: {  	v2 =	vpop (erf)  }
0x134: {  	v1 =	vmul.f32 v2, v1  }
0x135: {  	[tilespmem:s22+$0xFFFFFF90] =	vst v2  }
0x136: {  	[tilespmem:s22+$0xFFFFFF80] =	vst v1;
	v1 =	vld [tilespmem:s22+$0xFFFFFFB0]  }
0x137: {  	v2 =	vld [tilespmem:s1+$0xFFFFFFD0];
	_ =	sdelay $0x4  }
0x138: {  	v1 =	vadd.f32 v2, v1;
	_ =	sdelay $0x1  }
0x139: {  	v2 =	vmul.f32 $2.000000030e-01, v1  }
0x13a: {  	vm9 =	vgt.f32 v1, $0.0e+00  }
0x13b: {  	v1 =	vsel vm9, v1, v2  }
0x13c: {  	v1 =	vmul.f32 $1.442695020e+00, v1;
	_ =	sdelay $0x1  }
0x13d: {  	(erf) = vpow2.f32 v1;
	_ =	sdelay $0x4  }
0x13e: {  	v1 =	vld [tilespmem:s22+$0xFFFFFFA0];
	_ =	sdelay $0x3  }
0x13f: {  	v2 =	vpop (erf)  }
0x140: {  	v1 =	vmul.f32 v2, v1  }
0x141: {  	[tilespmem:s22+$0xFFFFFFB0] =	vst v2  }
0x142: {  	[tilespmem:s22+$0xFFFFFFA0] =	vst v1;
	v1 =	vld [tilespmem:s22+$0xFFFFFFD0]  }
0x143: {  	v2 =	vld [tilespmem:s1+$0xFFFFFFE0];
	_ =	sdelay $0x4  }
0x144: {  	v1 =	vadd.f32 v2, v1;
	_ =	sdelay $0x1  }
0x145: {  	v2 =	vmul.f32 $2.000000030e-01, v1  }
0x146: {  	vm10 =	vgt.f32 v1, $0.0e+00  }
0x147: {  	v1 =	vsel vm10, v1, v2  }
0x148: {  	v1 =	vmul.f32 $1.442695020e+00, v1;
	_ =	sdelay $0x1  }
0x149: {  	(erf) = vpow2.f32 v1;
	_ =	sdelay $0x4  }
0x14a: {  	v1 =	vld [tilespmem:s22+$0xFFFFFFC0];
	_ =	sdelay $0x3  }
0x14b: {  	v2 =	vpop (erf)  }
0x14c: {  	v1 =	vmul.f32 v2, v1  }
0x14d: {  	[tilespmem:s22+$0xFFFFFFD0] =	vst v2  }
0x14e: {  	[tilespmem:s22+$0xFFFFFFC0] =	vst v1;
	v1 =	vld [tilespmem:s22+$0xFFFFFFF0]  }
0x14f: {  	v2 =	vld [tilespmem:s1+$0xFFFFFFF0];
	_ =	sdelay $0x4  }
0x150: {  	v1 =	vadd.f32 v2, v1;
	_ =	sdelay $0x1  }
0x151: {  	v2 =	vmul.f32 $2.000000030e-01, v1  }
0x152: {  	vm11 =	vgt.f32 v1, $0.0e+00  }
0x153: {  	v1 =	vsel vm11, v1, v2  }
0x154: {  	v1 =	vmul.f32 $1.442695020e+00, v1;
	_ =	sdelay $0x1  }
0x155: {  	(erf) = vpow2.f32 v1;
	_ =	sdelay $0x4  }
0x156: {  	v1 =	vld [tilespmem:s22+$0xFFFFFFE0];
	_ =	sdelay $0x3  }
0x157: {  	v2 =	vpop (erf)  }
0x158: {  	v1 =	vmul.f32 v2, v1  }
0x159: {  	[tilespmem:s22+$0xFFFFFFF0] =	vst v2  }
0x15a: {  	[tilespmem:s22+$0xFFFFFFE0] =	vst v1;
	v1 =	vld [tilespmem:s22+$0x10]  }
0x15b: {  	v2 =	vld [tilespmem:s1+$0x0];
	_ =	sdelay $0x4  }
0x15c: {  	v1 =	vadd.f32 v2, v1;
	_ =	sdelay $0x1  }
0x15d: {  	v2 =	vmul.f32 $2.000000030e-01, v1  }
0x15e: {  	vm12 =	vgt.f32 v1, $0.0e+00  }
0x15f: {  	v1 =	vsel vm12, v1, v2  }
0x160: {  	v1 =	vmul.f32 $1.442695020e+00, v1;
	_ =	sdelay $0x1  }
0x161: {  	(erf) = vpow2.f32 v1;
	_ =	sdelay $0x4  }
0x162: {  	v1 =	vld [tilespmem:s22+$0x0];
	_ =	sdelay $0x3  }
0x163: {  	v2 =	vpop (erf)  }
0x164: {  	v1 =	vmul.f32 v2, v1  }
0x165: {  	[tilespmem:s22+$0x10] =	vst v2  }
0x166: {  	[tilespmem:s22+$0x0] =	vst v1;
	v1 =	vld [tilespmem:s22+$0x30]  }
0x167: {  	v2 =	vld [tilespmem:s1+$0x10];
	_ =	sdelay $0x4  }
0x168: {  	v1 =	vadd.f32 v2, v1;
	_ =	sdelay $0x1  }
0x169: {  	v2 =	vmul.f32 $2.000000030e-01, v1  }
0x16a: {  	vm13 =	vgt.f32 v1, $0.0e+00  }
0x16b: {  	v1 =	vsel vm13, v1, v2  }
0x16c: {  	v1 =	vmul.f32 $1.442695020e+00, v1;
	_ =	sdelay $0x1  }
0x16d: {  	(erf) = vpow2.f32 v1;
	_ =	sdelay $0x4  }
0x16e: {  	v1 =	vld [tilespmem:s22+$0x20];
	_ =	sdelay $0x3  }
0x16f: {  	v2 =	vpop (erf)  }
0x170: {  	v1 =	vmul.f32 v2, v1  }
0x171: {  	[tilespmem:s22+$0x30] =	vst v2  }
0x172: {  	[tilespmem:s22+$0x20] =	vst v1;
	v1 =	vld [tilespmem:s22+$0x50]  }
0x173: {  	v2 =	vld [tilespmem:s1+$0x20];
	_ =	sdelay $0x4  }
0x174: {  	v1 =	vadd.f32 v2, v1;
	_ =	sdelay $0x1  }
0x175: {  	v2 =	vmul.f32 $2.000000030e-01, v1  }
0x176: {  	vm14 =	vgt.f32 v1, $0.0e+00  }
0x177: {  	v1 =	vsel vm14, v1, v2  }
0x178: {  	v1 =	vmul.f32 $1.442695020e+00, v1;
	_ =	sdelay $0x1  }
0x179: {  	(erf) = vpow2.f32 v1;
	_ =	sdelay $0x4  }
0x17a: {  	v1 =	vld [tilespmem:s22+$0x40];
	_ =	sdelay $0x3  }
0x17b: {  	v2 =	vpop (erf)  }
0x17c: {  	v1 =	vmul.f32 v2, v1  }
0x17d: {  	[tilespmem:s22+$0x50] =	vst v2  }
0x17e: {  	[tilespmem:s22+$0x40] =	vst v1;
	v1 =	vld [tilespmem:s22+$0x70]  }
0x17f: {  	v2 =	vld [tilespmem:s1+$0x30];
	_ =	sdelay $0x4  }
0x180: {  	v1 =	vadd.f32 v2, v1;
	_ =	sdelay $0x1  }
0x181: {  	v2 =	vmul.f32 $2.000000030e-01, v1  }
0x182: {  	vm15 =	vgt.f32 v1, $0.0e+00  }
0x183: {  	v1 =	vsel vm15, v1, v2  }
0x184: {  	v1 =	vmul.f32 $1.442695020e+00, v1;
	_ =	sdelay $0x1  }
0x185: {  	(erf) = vpow2.f32 v1;
	_ =	sdelay $0x4  }
0x186: {  	v1 =	vld [tilespmem:s22+$0x60];
	_ =	sdelay $0x3  }
0x187: {  	v2 =	vpop (erf)  }
0x188: {  	v1 =	vmul.f32 v2, v1  }
0x189: {  	s18 =	simm.s32 $0x0;
	s6 =	simm.s32 $0x59A0;
	[tilespmem:s22+$0x70] =	vst v2  }
.LBB2_8:
0x18a: {  	v2 =	vld [tilespmem:s6+$0xFFFFFF90];
	s18 =	sadd.s32 $0x8, s18;
	[tilespmem:s22+$0x60] =	vst v1;
	s1 =	sadd.s32 $0x80, s1;
	s22 =	smov.u32 s6  }
0x18b: {  	v1 =	vld [tilespmem:s1+$0xFFFFFFC0];
	p0 =	slt.u32 s18, $0x48;
	_ =	sdelay $0x4  }
0x18c: {  	v1 =	vadd.f32 v1, v2;
	_ =	sdelay $0x1  }
0x18d: {  	v2 =	vmul.f32 $2.000000030e-01, v1  }
0x18e: {  	vm0 =	vgt.f32 v1, $0.0e+00  }
0x18f: {  	v1 =	vsel vm0, v1, v2  }
0x190: {  	v1 =	vmul.f32 $1.442695020e+00, v1;
	_ =	sdelay $0x1  }
0x191: {  	(erf) = vpow2.f32 v1;
	_ =	sdelay $0x4  }
0x192: {  	v1 =	vld [tilespmem:s6+$0xFFFFFF80];
	_ =	sdelay $0x3  }
0x193: {  	v2 =	vpop (erf)  }
0x194: {  	v1 =	vmul.f32 v2, v1  }
0x195: {  	[tilespmem:s6+$0xFFFFFF90] =	vst v2  }
0x196: {  	[tilespmem:s6+$0xFFFFFF80] =	vst v1;
	v1 =	vld [tilespmem:s6+$0xFFFFFFB0]  }
0x197: {  	v2 =	vld [tilespmem:s1+$0xFFFFFFD0];
	_ =	sdelay $0x4  }
0x198: {  	v1 =	vadd.f32 v2, v1;
	_ =	sdelay $0x1  }
0x199: {  	v2 =	vmul.f32 $2.000000030e-01, v1  }
0x19a: {  	vm0 =	vgt.f32 v1, $0.0e+00  }
0x19b: {  	v1 =	vsel vm0, v1, v2  }
0x19c: {  	v1 =	vmul.f32 $1.442695020e+00, v1;
	_ =	sdelay $0x1  }
0x19d: {  	(erf) = vpow2.f32 v1;
	_ =	sdelay $0x4  }
0x19e: {  	v1 =	vld [tilespmem:s6+$0xFFFFFFA0];
	_ =	sdelay $0x3  }
0x19f: {  	v2 =	vpop (erf)  }
0x1a0: {  	v1 =	vmul.f32 v2, v1  }
0x1a1: {  	[tilespmem:s6+$0xFFFFFFB0] =	vst v2  }
0x1a2: {  	[tilespmem:s6+$0xFFFFFFA0] =	vst v1;
	v1 =	vld [tilespmem:s6+$0xFFFFFFD0]  }
0x1a3: {  	v2 =	vld [tilespmem:s1+$0xFFFFFFE0];
	_ =	sdelay $0x4  }
0x1a4: {  	v1 =	vadd.f32 v2, v1;
	_ =	sdelay $0x1  }
0x1a5: {  	v2 =	vmul.f32 $2.000000030e-01, v1  }
0x1a6: {  	vm0 =	vgt.f32 v1, $0.0e+00  }
0x1a7: {  	v1 =	vsel vm0, v1, v2  }
0x1a8: {  	v1 =	vmul.f32 $1.442695020e+00, v1;
	_ =	sdelay $0x1  }
0x1a9: {  	(erf) = vpow2.f32 v1;
	_ =	sdelay $0x4  }
0x1aa: {  	v1 =	vld [tilespmem:s6+$0xFFFFFFC0];
	_ =	sdelay $0x3  }
0x1ab: {  	v2 =	vpop (erf)  }
0x1ac: {  	v1 =	vmul.f32 v2, v1  }
0x1ad: {  	[tilespmem:s6+$0xFFFFFFD0] =	vst v2  }
0x1ae: {  	[tilespmem:s6+$0xFFFFFFC0] =	vst v1;
	v1 =	vld [tilespmem:s6+$0xFFFFFFF0]  }
0x1af: {  	v2 =	vld [tilespmem:s1+$0xFFFFFFF0];
	_ =	sdelay $0x4  }
0x1b0: {  	v1 =	vadd.f32 v2, v1;
	_ =	sdelay $0x1  }
0x1b1: {  	v2 =	vmul.f32 $2.000000030e-01, v1  }
0x1b2: {  	vm0 =	vgt.f32 v1, $0.0e+00  }
0x1b3: {  	v1 =	vsel vm0, v1, v2  }
0x1b4: {  	v1 =	vmul.f32 $1.442695020e+00, v1;
	_ =	sdelay $0x1  }
0x1b5: {  	(erf) = vpow2.f32 v1;
	_ =	sdelay $0x4  }
0x1b6: {  	v1 =	vld [tilespmem:s6+$0xFFFFFFE0];
	_ =	sdelay $0x3  }
0x1b7: {  	v2 =	vpop (erf)  }
0x1b8: {  	[tilespmem:s6+$0xFFFFFFF0] =	vst v2;
	v1 =	vmul.f32 v2, v1;
	_ =	sdelay $0x1  }
0x1b9: {  	[tilespmem:s6+$0xFFFFFFE0] =	vst v1;
	v1 =	vld [tilespmem:s6+$0x10]  }
0x1ba: {  	v2 =	vld [tilespmem:s1+$0x0];
	_ =	sdelay $0x4  }
0x1bb: {  	v1 =	vadd.f32 v2, v1;
	_ =	sdelay $0x1  }
0x1bc: {  	v2 =	vmul.f32 $2.000000030e-01, v1  }
0x1bd: {  	vm0 =	vgt.f32 v1, $0.0e+00  }
0x1be: {  	v1 =	vsel vm0, v1, v2  }
0x1bf: {  	v1 =	vmul.f32 $1.442695020e+00, v1;
	_ =	sdelay $0x1  }
0x1c0: {  	(erf) = vpow2.f32 v1;
	_ =	sdelay $0x4  }
0x1c1: {  	v1 =	vld [tilespmem:s6+$0x0];
	_ =	sdelay $0x3  }
0x1c2: {  	v2 =	vpop (erf)  }
0x1c3: {  	[tilespmem:s6+$0x10] =	vst v2;
	v1 =	vmul.f32 v2, v1;
	_ =	sdelay $0x1  }
0x1c4: {  	[tilespmem:s6+$0x0] =	vst v1;
	v1 =	vld [tilespmem:s6+$0x30]  }
0x1c5: {  	v2 =	vld [tilespmem:s1+$0x10];
	_ =	sdelay $0x4  }
0x1c6: {  	v1 =	vadd.f32 v2, v1;
	_ =	sdelay $0x1  }
0x1c7: {  	v2 =	vmul.f32 $2.000000030e-01, v1  }
0x1c8: {  	vm0 =	vgt.f32 v1, $0.0e+00  }
0x1c9: {  	v1 =	vsel vm0, v1, v2  }
0x1ca: {  	v1 =	vmul.f32 $1.442695020e+00, v1;
	_ =	sdelay $0x1  }
0x1cb: {  	(erf) = vpow2.f32 v1;
	_ =	sdelay $0x4  }
0x1cc: {  	v1 =	vld [tilespmem:s6+$0x20];
	_ =	sdelay $0x3  }
0x1cd: {  	v2 =	vpop (erf)  }
0x1ce: {  	[tilespmem:s6+$0x30] =	vst v2;
	v1 =	vmul.f32 v2, v1;
	_ =	sdelay $0x1  }
0x1cf: {  	[tilespmem:s6+$0x20] =	vst v1;
	v1 =	vld [tilespmem:s6+$0x50]  }
0x1d0: {  	v2 =	vld [tilespmem:s1+$0x20];
	_ =	sdelay $0x4  }
0x1d1: {  	v1 =	vadd.f32 v2, v1;
	_ =	sdelay $0x1  }
0x1d2: {  	v2 =	vmul.f32 $2.000000030e-01, v1  }
0x1d3: {  	vm0 =	vgt.f32 v1, $0.0e+00  }
0x1d4: {  	v1 =	vsel vm0, v1, v2  }
0x1d5: {  	v1 =	vmul.f32 $1.442695020e+00, v1;
	_ =	sdelay $0x1  }
0x1d6: {  	(erf) = vpow2.f32 v1;
	_ =	sdelay $0x4  }
0x1d7: {  	v1 =	vld [tilespmem:s6+$0x40];
	_ =	sdelay $0x3  }
0x1d8: {  	v2 =	vpop (erf)  }
0x1d9: {  	[tilespmem:s6+$0x50] =	vst v2;
	v1 =	vmul.f32 v2, v1;
	_ =	sdelay $0x1  }
0x1da: {  	[tilespmem:s6+$0x40] =	vst v1;
	v1 =	vld [tilespmem:s6+$0x70]  }
0x1db: {  	v2 =	vld [tilespmem:s1+$0x30];
	_ =	sdelay $0x4  }
0x1dc: {  	v1 =	vadd.f32 v2, v1;
	_ =	sdelay $0x1  }
0x1dd: {  	v2 =	vmul.f32 $2.000000030e-01, v1  }
0x1de: {  	vm0 =	vgt.f32 v1, $0.0e+00  }
0x1df: {  	v1 =	vsel vm0, v1, v2  }
0x1e0: {  	v1 =	vmul.f32 $1.442695020e+00, v1;
	_ =	sdelay $0x1  }
0x1e1: {  	(erf) = vpow2.f32 v1;
	_ =	sdelay $0x4  }
0x1e2: {  	v1 =	vld [tilespmem:s6+$0x60];
	_ =	sdelay $0x1  }
.Ltmp7:
0x1e3: {  	(pc) =	sbr.rel @p0 .LBB2_8-.Ltmp7, $4  }
0x1e4: {  	_ = 	snop  }
0x1e5: {  	v2 =	vpop (erf)  }
0x1e6: {  	[tilespmem:s6+$0x70] =	vst v2;
	v1 =	vmul.f32 v2, v1  }
0x1e7: {  	s6 =	sadd.s32 $0x100, s6  }
0x1e8: {  	s0 =	smul.u32 $0x140, s0;
	_ =	sdelay $0x1  }
0x1e9: {  	s0 =	sshra.s32 s0, $0x2  }
.Ltmp8:
0x1ea: {  	[tilespmem:s22+$0x60] =	vst v1;
	s0 =	sadd.s32 $0x2710, s0;
	(pc) =	sbr.rel .LBB2_10-.Ltmp8, $4  }
0x1eb: {  	[spmem:s2] =	stream.indirect.scatter.add.f32 [tilespmem:s29], [sflag:$0x5], $0x20, s0, s20, $0xb8;
	[tilespmem:$0xC820] =	vst v63  }
0x1ec: {  	_ =	swait.ge [sflag:s17], $0xA00  }
0x1ed: {  	[sflag:s17] =	ssyncset.done $0x0  }
0x1ee: {  	[sflag:s17] =	ssyncadd.s32 $0xFFFFF600  }
.LBB2_12:
0x1ef: {  	_ =	sfence.sel $0x180000  }
0x1f0: {  	[bflag:$0x0] =	sbarrier.arrive $0xFFFF  }
0x1f1: {  	_ =	strace $0x9000004A  }
0x1f2: {  	s0 =	stileid.u32;
	[bflag:$0x2] =	sbarrier.arrive $0xFFFF  }
0x1f3: {  	p0 =	sne.s32 s0, $0x0;
	s0 =	rddreg [dreg:$0x2]  }
0x1f4: {  	s0 =	sadd.s32 @!p0 $0x100000, s0  }
0x1f5: {  	[sflag:s0] =	ssyncadd.tile.s32 @!p0 $0x1;
	_ =	shalt  }
.Lfunc_end2:
_tile_overlayer_lowered:
.L_overlay_start_2:
0x1f6: {  	(tag) =	ssettag $0x2  }
0x1f7: {  	s0 =	rddreg [dreg:$0x0];
	s2 =	stileid.u32  }
0x1f8: {  	s1 =	rddreg [dreg:$0x1];
	p0 =	sne.s32 s2, $0x0  }
0x1f9: {  	s3 =	rddreg [dreg:$0x2];
	[bflag:$0x3] =	sbarrier.arrive $0xFFFF;
	s2 =	simm.s32 @!p0 $0x1C05  }
0x1fa: {  	[timem:s3], [sflag:s2] =	dma.local @!p0 [hbm:s0], s1  }
0x1fb: {  	s0 =	simm.s32 @!p0 $0x5  }
0x1fc: {  	_ =	swait.ge @!p0 [sflag:s0], s1  }
0x1fd: {  	s1 =	ssub.s32 @!p0 $0x0, s1;
	[sflag:s0] =	ssyncset.done @!p0 $0x0  }
0x1fe: {  	[sflag:s0] =	ssyncadd.s32 @!p0 s1  }
0x1ff: {  	[bflag:$0x3] =	sbarrier.arrive $0xFFFF  }
0x200: {  	_ =	shalt  }

// kernel: kernel.7.cloned.1.call-start
scs
__scs_entry_jumppad:
0x0: {  	(pc) =	sbr.rel $0x88, $3  }
0x1: {  	(tag) =	ssettag $0x0;
	lr =	simm.s32 $0x1  }
0x2: {  	[smem:$0x3F97] =	sst lr;
	_ =	strace $0xD0000000  }
0x3: {  	_ = 	snop  }
0x4: {  	_ = 	snop  }
0x5: {  	_ = 	snop  }
0x6: {  	_ = 	snop  }
0x7: {  	_ = 	snop  }
__scs_overlays_trampoline_lowered:
0x8: {  	[smem:$0x3FA6] =	sst s0  }
0x9: {  	[smem:$0x3FA7] =	sst s1  }
0xa: {  	[smem:$0x3FA8] =	sst s2  }
0xb: {  	[smem:$0x3FA9] =	sst s3  }
0xc: {  	[smem:$0x3FAA] =	sst s4  }
0xd: {  	[smem:$0x3FAB] =	sst s5  }
0xe: {  	[smem:$0x3FAC] =	sst s6  }
0xf: {  	[smem:$0x3FAD] =	sst s7  }
0x10: {  	[smem:$0x3FAE] =	sst s8  }
0x11: {  	[smem:$0x3FAF] =	sst s9;
	s0 =	simm.s32 @!p0 $0x0  }
0x12: {  	s1 =	sld [smem:$0x3F95];
	s0 =	simm.s32 @p0 $0x1  }
0x13: {  	[smem:$0x3FB0] =	sst s0;
	s0 =	simm.s32 @!p1 $0x0  }
0x14: {  	s2 =	sld [smem:$0x3F94];
	s0 =	simm.s32 @p1 $0x1  }
0x15: {  	[smem:$0x3FB1] =	sst s0;
	s0 =	simm.s32 @!p2 $0x0  }
0x16: {  	s3 =	sld [smem:$0x3FDB];
	s0 =	simm.s32 @p2 $0x1  }
0x17: {  	s4 =	simm.s32 $0x1BF5;
	[smem:$0x3FB3] =	sst s0  }
0x18: {  	s0 =	sld [smem:$0x3F96];
	_ =	swait.ge [sflag:s4], $0x0  }
0x19: {  	s7 =	sld [smem:$0x3F97]  }
0x1a: {  	s8 =	sadd.s32 $0xFFFFE003, lr  }
0x1b: {  	s9 =	sadd.s32 $0xFFFFFEF7, lr;
	s5 =	simm.s32 $0xFFFFFFFF;
	p2 =	slt.u32 s8, $0xFFFFF086  }
0x1c: {  	p1 =	slt.u32 s9, $0xF7A;
	s5 =	simm.s32 @!p2 $0x0  }
0x1d: {  	s5 =	simm.s32 @p1 $0x1;
	p0 =	seq.s32 s7, s2  }
0x1e: {  	s7 =	smul.u32 @!p0 $0xF7A, s2;
	p2 =	seq.s32 @!p0 s5, $0x0  }
0x1f: {  	s9 =	smul.u32 $0xF7A, s1;
	s8 =	simm.s32 @!p0 $0x1BF5;
	p2 =	por !p2, p0  }
0x20: {  	[sflag:s8] =	ssyncset.s32 @!p0 $0xFFFFF086;
	s6 =	sadd.s32 @!p0 s3, s7;
	s7 =	simm.s32 @!p0 $0x108  }
0x21: {  	s3 =	sadd.s32 s3, s9;
	s6 =	sadd.s32 @!p0 $0x88, s6;
	s7 =	simm.s32 @p2 $0x1082  }
0x22: {  	[simem:s7], [sflag:s8] =	dma.local @!p0 [hbm:s6], $0xF7A  }
0x23: {  	s9 =	sor.u32 $0xD0000000, s2;
	s6 =	simm.s32 $0x108;
	_ =	swait.ge @!p0 [sflag:s8], $0x0  }
0x24: {  	s3 =	sadd.s32 $0x88, s3;
	s6 =	simm.s32 @!p1 $0x1082;
	[sflag:s4] =	ssyncset.s32 $0xFFFFF086  }
0x25: {  	[simem:s6], [sflag:s4] =	dma.local [hbm:s3], $0xF7A  }
0x26: {  	[smem:$0x3F97] =	sst s1;
	(tag) =	ssettag s2;
	_ =	strace s9  }
0x27: {  	s1 =	sld [smem:$0x3FA7]  }
0x28: {  	s2 =	sld [smem:$0x3FA8]  }
0x29: {  	s4 =	sld [smem:$0x3FAA]  }
0x2a: {  	p0 =	seq.s32 s5, $0x0;
	s5 =	sld [smem:$0x3FAB]  }
0x2b: {  	s6 =	sld [smem:$0x3FAC]  }
0x2c: {  	s7 =	sld [smem:$0x3FAD]  }
0x2d: {  	s3 =	simm.s32 $0x108;
	s8 =	sld [smem:$0x3FAE]  }
0x2e: {  	s3 =	simm.s32 @!p0 $0x1082;
	s9 =	sld [smem:$0x3FAF]  }
0x2f: {  	lr =	sadd.s32 s0, s3;
	s0 =	sld [smem:$0x3FA6]  }
0x30: {  	s3 =	sld [smem:$0x3FA9]  }
0x31: {  	[smem:$0x3FB2] =	sst s10  }
0x32: {  	s10 =	sld [smem:$0x3FB0];
	_ =	sdelay $0x3  }
0x33: {  	p0 =	seq.s32 s10, $0x1;
	s10 =	sld [smem:$0x3FB2];
	_ =	sdelay $0x3  }
0x34: {  	[smem:$0x3FB2] =	sst s10  }
0x35: {  	s10 =	sld [smem:$0x3FB1];
	_ =	sdelay $0x3  }
0x36: {  	p1 =	seq.s32 s10, $0x1;
	s10 =	sld [smem:$0x3FB2];
	_ =	sdelay $0x3  }
0x37: {  	[smem:$0x3FB2] =	sst s10  }
0x38: {  	s10 =	sld [smem:$0x3FB3]  }
0x39: {  	_ = 	snop;
	(pc) =	sbr.ind lr, $3  }
0x3a: {  	_ = 	snop  }
0x3b: {  	_ = 	snop  }
0x3c: {  	p2 =	seq.s32 s10, $0x1;
	s10 =	sld [smem:$0x3FB2]  }
0x3d: {  	_ =	shalt  }
0x3e: {  	_ =	shalt  }
0x3f: {  	_ =	shalt  }
0x40: {  	_ =	shalt  }
0x41: {  	_ =	shalt  }
0x42: {  	_ =	shalt  }
0x43: {  	_ =	shalt  }
0x44: {  	_ =	shalt  }
0x45: {  	_ =	shalt  }
0x46: {  	_ =	shalt  }
0x47: {  	_ =	shalt  }
0x48: {  	_ =	shalt  }
0x49: {  	_ =	shalt  }
0x4a: {  	_ =	shalt  }
0x4b: {  	_ =	shalt  }
0x4c: {  	_ =	shalt  }
0x4d: {  	_ =	shalt  }
0x4e: {  	_ =	shalt  }
0x4f: {  	_ =	shalt  }
0x50: {  	_ =	shalt  }
0x51: {  	_ =	shalt  }
0x52: {  	_ =	shalt  }
0x53: {  	_ =	shalt  }
0x54: {  	_ =	shalt  }
0x55: {  	_ =	shalt  }
0x56: {  	_ =	shalt  }
0x57: {  	_ =	shalt  }
0x58: {  	_ =	shalt  }
0x59: {  	_ =	shalt  }
0x5a: {  	_ =	shalt  }
0x5b: {  	_ =	shalt  }
0x5c: {  	_ =	shalt  }
0x5d: {  	_ =	shalt  }
0x5e: {  	_ =	shalt  }
0x5f: {  	_ =	shalt  }
0x60: {  	_ =	shalt  }
0x61: {  	_ =	shalt  }
0x62: {  	_ =	shalt  }
0x63: {  	_ =	shalt  }
0x64: {  	_ =	shalt  }
0x65: {  	_ =	shalt  }
0x66: {  	_ =	shalt  }
0x67: {  	_ =	shalt  }
0x68: {  	_ =	shalt  }
0x69: {  	_ =	shalt  }
0x6a: {  	_ =	shalt  }
0x6b: {  	_ =	shalt  }
0x6c: {  	_ =	shalt  }
0x6d: {  	_ =	shalt  }
0x6e: {  	_ =	shalt  }
0x6f: {  	_ =	shalt  }
0x70: {  	_ =	shalt  }
0x71: {  	_ =	shalt  }
0x72: {  	_ =	shalt  }
0x73: {  	_ =	shalt  }
0x74: {  	_ =	shalt  }
0x75: {  	_ =	shalt  }
0x76: {  	_ =	shalt  }
0x77: {  	_ =	shalt  }
0x78: {  	_ =	shalt  }
0x79: {  	_ =	shalt  }
0x7a: {  	_ =	shalt  }
0x7b: {  	_ =	shalt  }
0x7c: {  	_ =	shalt  }
0x7d: {  	_ =	shalt  }
0x7e: {  	_ =	shalt  }
0x7f: {  	_ =	shalt  }
0x80: {  	_ =	shalt  }
0x81: {  	_ =	shalt  }
0x82: {  	_ =	shalt  }
0x83: {  	_ =	shalt  }
0x84: {  	_ =	shalt  }
0x85: {  	_ =	shalt  }
0x86: {  	_ =	shalt  }
0x87: {  	_ =	shalt  }
.Lfunc_end0:
.L_simem_size_0:
called_computation_lowered:
.L_overlay_start_0:
0x88: {  	s2 =	sld [smem:$0x3FD9]  }
0x89: {  	s3 =	sld [smem:$0x3FFE];
	_ =	sdelay $0x1  }
0x8a: {  	s1 =	srdreg.scid  }
0x8b: {  	s0 =	sand.u32 $0x1, s1  }
0x8c: {  	s16 =	sshll.u32 s0, $0xA;
	s2 =	sadd.s32 s3, s2  }
0x8d: {  	s2 =	sadd.s32 s2, s16  }
0x8e: {  	[smem:$0x3FBE] =	sst s2  }
0x8f: {  	_ = 	snop  }
0x90: {  	(tm) =	ssettm $0x1  }
0x91: {  	s17 =	sld [smem:$0x3FFB];
	_ =	sdelay $0x3  }
0x92: {  	_ =	strace s17  }
0x93: {  	s2 =	sld [smem:$0x3FFC];
	_ =	sdelay $0x3  }
0x94: {  	_ =	strace s2  }
0x95: {  	s2 =	sld [smem:$0x3FFD];
	_ =	sdelay $0x3  }
0x96: {  	_ =	strace s2  }
0x97: {  	_ =	strace $0x8FFFFFFF  }
0x98: {  	s18 =	sld [smem:$0x3FDB];
	_ =	sdelay $0x1  }
0x99: {  	s19 =	simm.s32 $_scs_section_size  }
0x9a: {  	s4 =	simm.s32 $_size__tile_overlayer_lowered;
	s5 =	simm.s32 $_tile_overlayer_lowered  }
0x9b: {  	s22 =	simm.s32 $0x1BFF;
	s21 =	sshll.u32 s5, $0x1;
	s2 =	sadd.s32 s19, s18  }
0x9c: {  	s6 =	simm.s32 $0x0;
	s20 =	sshll.u32 s4, $0x1;
	s4 =	sadd.s32 s21, s2  }
0x9d: {  	[timem:s6], [sflag:s22] =	dma.local [hbm:s4], s20  }
0x9e: {  	_ =	swait.ge [sflag:s22], s20  }
0x9f: {  	s3 =	ssub.s32 $0x0, s20;
	[sflag:s22] =	ssyncset.done $0x0  }
0xa0: {  	[sflag:s22] =	ssyncadd.s32 s3;
	_ =	sdelay $0x1  }
0xa1: {  	s23 =	simm.s32 $0x1B8B  }
0xa2: {  	_ =	swait.ge [sflag:s23], $0x1  }
0xa3: {  	[sflag:s23] =	ssyncset.done $0x0  }
0xa4: {  	s25 =	simm.s32 $0x1B8E;
	s24 =	sld [smem:$0x3FFE];
	[sflag:s23] =	ssyncadd.s32 $0xFFFFFFFF  }
0xa5: {  	s26 =	simm.s32 $execute0_lowered;
	[smem:$0x3FD2] =	sst s25  }
0xa6: {  	s4 =	sshll.u32 s26, $0x1;
	_ =	strace $0x80000046;
	[dreg:$0x1] =	wrdreg $0xFFFFFFFF  }
0xa7: {  	s28 =	simm.s32 $_size_execute0_lowered;
	s2 =	sadd.s32 s2, s4;
	[dreg:$0x0] =	wrdreg $0x0  }
0xa8: {  	s4 =	sshll.u32 s28, $0x1;
	[dreg:$0x2] =	wrdreg s2  }
0xa9: {  	[dreg:$0x3] =	wrdreg s4  }
0xaa: {  	[dreg:$0x4] =	wrdreg $0xC0  }
0xab: {  	_ =	task [dreg:s6], $0x5FFFF  }
0xac: {  	[dreg:$0x1] =	wrdreg $0xFFFFFFFF  }
0xad: {  	[dreg:$0x0] =	wrdreg $0x60  }
0xae: {  	[dreg:$0x2] =	wrdreg s24  }
0xaf: {  	[dreg:$0x3] =	wrdreg $0xAAA00  }
0xb0: {  	[dreg:$0x4] =	wrdreg $0x9  }
0xb1: {  	_ =	task.clear_ibuf [dreg:s6], $0x5FFFF;
	_ =	strace $0x90000046  }
0xb2: {  	s29 =	simm.s32 $0x9;
	_ =	strace $0x80000048  }
0xb3: {  	_ =	swait.ge [sflag:s29], $0x1  }
0xb4: {  	[sflag:s29] =	ssyncadd.s32 $0xFFFFFFFF  }
0xb5: {  	_ =	strace $0x90000048  }
0xb6: {  	_ =	sfence  }
0xb7: {  	s30 =	sld [smem:$0x0];
	_ =	sdelay $0x2  }
0xb8: {  	s31 =	sshll.u32 s1, $0xD;
	s1 =	sshrl.u32 s1, $0x2  }
0xb9: {  	s3 =	sand.u32 $0x4000, s31;
	s1 =	sadd.s32 s1, s30  }
0xba: {  	s0 =	sor.u32 s3, s0;
	s1 =	sshll.u32 s1, $0x11  }
0xbb: {  	s0 =	sor.u32 s1, s0  }
0xbc: {  	s0 =	sadd.s32 $0x8F2B, s0  }
0xbd: {  	[sflag:s0] =	ssyncadd.remote.s32 $0x1  }
0xbe: {  	_ =	sfence.sel $0xFFFF  }
0xbf: {  	[dreg:$0x0] =	wrdreg $0xFFFFFFFF;
	(pc) =	sbr.abs _section_cstart, $3  }
0xc0: {  	[dreg:$0x1] =	wrdreg $0xFFFFFFFF  }
0xc1: {  	_ =	task.clear_ibuf [dreg:s6], $0x2FFFF;
	_ =	strace $0x9FFFFFFF  }
0xc2: {  	(tm) =	ssettm $0x7FFFFFFF  }
0xc3: {  	_ =	shalt  }
tec
execute0_lowered:
.L_overlay_start_1:
0x0: {  	(tag) =	ssettag $0x1  }
0x1: {  	s0 =	rddreg [dreg:$0x0]  }
0x2: {  	s2 =	rddreg [dreg:$0x1]  }
0x3: {  	s1 =	srdreg.scid;
	s9 =	stileid.u32;
	s3 =	simm.s32 $0x0  }
0x4: {  	s17 =	simm.s32 $0x5;
	s19 =	simm.s32 $0x8A20;
	s20 =	simm.s32 $0x50  }
0x5: {  	s21 =	simm.s32 $0x4E20;
	s23 =	simm.s32 $0x1;
	s28 =	simm.s32 $0x4  }
0x6: {  	s29 =	simm.s32 $0x6720;
	s30 =	simm.s32 $0x0;
	s1 =	sand.u32 $0x1, s1  }
0x7: {  	s6 =	smul.u32 $0xC580, s9;
	[smem:$0x7FF] =	sst s3;
	s4 =	sadd.s32 $0x14800, s0  }
0x8: {  	s5 =	sshll.u32 s1, $0x4;
	s7 =	smul.u32 $0xC5800, s1;
	_ =	strace $0x80000047  }
0x9: {  	s1 =	ssub.s32 $0x2, s1;
	s8 =	sor.u32 s9, s5;
	s9 =	smul.u32 $0x31600, s9  }
0xa: {  	s5 =	sadd.s32 $0x2D000, s0;
	s24 =	sshrl.u32 s1, $0x1;
	s8 =	smul.u32 $0x4E2, s8  }
0xb: {  	s7 =	sadd.s32 s6, s7;
	s1 =	ssub.s32 s1, s24;
	s24 =	simm.s32 $0x3  }
0xc: {  	s7 =	sshrl.u32 s7, $0x3;
	s26 =	sshrl.u32 s9, $0x2;
	s16 =	smax.u32 s1, $0x1  }
0xd: {  	s8 =	sadd.s32 s8, s0;
	s0 =	sadd.s32 s7, s0;
	s31 =	sadd.s32 s26, s2  }
.Ltmp0:
0xe: {  	s26 =	simm.s32 $0x2;
	s25 =	sadd.s32 $0xAA00, s8;
	(pc) =	sbr.rel .LBB2_1-.Ltmp0, $4  }
0xf: {  	s8 =	sadd.s32 $0xC00, s8;
	s9 =	sadd.s32 $0x2080, s31;
	s10 =	sadd.s32 $0x4100, s31  }
0x10: {  	v1 =	vlaneseq.u32;
	s11 =	sadd.s32 $0x6180, s31;
	s12 =	sadd.s32 $0x8200, s31;
	s13 =	sadd.s32 $0xA280, s31  }
0x11: {  	v0 =	vimm.f32 $0.0e+00;
	v1 =	vshrl.u32 v1, $0x3;
	s14 =	sadd.s32 $0xC300, s31;
	s15 =	sadd.s32 $0x32000, s0;
	[dreg:$0x3] =	wrdreg s25  }
0x12: {  	v2 =	vor.u32 $0x2, v1;
	v3 =	vor.u32 $0x4, v1;
	v4 =	vor.u32 $0x6, v1;
	[dreg:$0x4] =	wrdreg s8;
	s8 =	sadd.s32 s6, s2;
	s25 =	simm.s32 $0x6  }
.LBB2_11:
0x13: {  	s0 =	stileid.u32;
	s30 =	sadd.s32 $0x1, s30  }
0x14: {  	[bflag:$0x0] =	sbarrier.arrive $0xFFFF;
	s0 =	sshll.u32 s0, $0x6;
	p0 =	sne.s32 s30, s16  }
.Ltmp1:
0x15: {  	s1 =	sshrl.u32 s8, $0x3;
	s0 =	sor.u32 $0x1C05, s0;
	(pc) =	sbr.rel @!p0 .LBB2_12-.Ltmp1, $4  }
0x16: {  	[hbm:s15], [sflag:s0] =	dma.local [spmem:s1], $0x18B0  }
0x17: {  	_ =	swait.ge [sflag:s17], $0x18B0  }
0x18: {  	[sflag:s17] =	ssyncset.done $0x0  }
0x19: {  	[sflag:s17] =	ssyncadd.s32 $0xFFFFE750  }
.LBB2_1:
0x1a: {  	s0 =	rddreg [dreg:$0x3]  }
0x1b: {  	[tilespmem:s3], [sflag:$0x5] =	stream.linear.gather [hbm4b:s0+s3], $0x2710, $0x38;
	[tilespmem:$0x17020] =	vst v63  }
0x1c: {  	_ =	swait.ge [sflag:s17], $0x2710  }
0x1d: {  	s1 =	simm.s32 $0x2710;
	[sflag:s17] =	ssyncset.done $0x0  }
0x1e: {  	s31 =	smul.u32 $0xCCCD, s3;
	s22 =	rddreg [dreg:$0x4];
	[sflag:s17] =	ssyncadd.s32 $0xFFFFD8F0  }
0x1f: {  	[tilespmem:s1], [sflag:$0x5] =	stream.linear.gather [hbm4b:s22+s3], $0x2710, $0x38;
	[tilespmem:$0x17020] =	vst v63  }
0x20: {  	_ =	swait.ge [sflag:s17], $0x2710  }
0x21: {  	s6 =	simm.s32 $0x0;
	s1 =	sshrl.u32 s31, $0x12;
	[sflag:s17] =	ssyncset.done $0x0  }
0x22: {  	s0 =	simm.s32 $0x1;
	s7 =	smul.u32 $0x5, s1;
	[sflag:s17] =	ssyncadd.s32 $0xFFFFD8F0  }
.LBB2_2:
0x23: {  	s18 =	smul.u32 $0xCCCD, s0  }
0x24: {  	s22 =	smov.u32 s0;
	s1 =	smul.u32 $0x140, s1;
	p0 =	sne.s32 s0, $0x207  }
.Ltmp2:
0x25: {  	s6 =	ssub.s32 s6, s7;
	(pc) =	sbr.rel @p0 .LBB2_2-.Ltmp2, $4  }
0x26: {  	s0 =	sadd.s32 $0x1, s0;
	s6 =	sand.u32 $0xFFFF, s6  }
0x27: {  	s7 =	sshrl.u32 s1, $0x2;
	s31 =	sshll.u32 s6, $0x4;
	s6 =	smov.u32 s22  }
0x28: {  	s1 =	sshrl.u32 s18, $0x12;
	s18 =	sadd.s32 s31, s7  }
0x29: {  	s7 =	smul.u32 $0x5, s1;
	[tilespmem:s18+$0x8A20] =	vst v0  }
0x2a: {  	_ = 	snop  }
0x2b: {  	s1 =	smul.u32 $0x140, s1;
	s0 =	ssub.s32 s6, s7  }
0x2c: {  	s0 =	sand.u32 $0xFFFF, s0  }
0x2d: {  	s1 =	sshrl.u32 s1, $0x2;
	s0 =	sshll.u32 s0, $0x4  }
0x2e: {  	s0 =	sadd.s32 s0, s1  }
0x2f: {  	[tilespmem:s0+$0x8A20] =	vst v0  }
0x30: {  	[spmem:s8] =	stream.linear.scatter [tilespmem:s19], [sflag:$0x5], $0x2080, $0x38;
	[tilespmem:$0x17020] =	vst v63  }
0x31: {  	_ =	swait.ge [sflag:s17], $0x2080  }
0x32: {  	[sflag:s17] =	ssyncset.done $0x0  }
0x33: {  	[sflag:s17] =	ssyncadd.s32 $0xFFFFDF80  }
0x34: {  	[spmem:s9] =	stream.linear.scatter [tilespmem:s19], [sflag:$0x5], $0x2080, $0x38;
	[tilespmem:$0x17020] =	vst v63  }
0x35: {  	_ =	swait.ge [sflag:s17], $0x2080  }
0x36: {  	[sflag:s17] =	ssyncset.done $0x0  }
0x37: {  	[sflag:s17] =	ssyncadd.s32 $0xFFFFDF80  }
0x38: {  	[spmem:s10] =	stream.linear.scatter [tilespmem:s19], [sflag:$0x5], $0x2080, $0x38;
	[tilespmem:$0x17020] =	vst v63  }
0x39: {  	_ =	swait.ge [sflag:s17], $0x2080  }
0x3a: {  	[sflag:s17] =	ssyncset.done $0x0  }
0x3b: {  	[sflag:s17] =	ssyncadd.s32 $0xFFFFDF80  }
0x3c: {  	[spmem:s11] =	stream.linear.scatter [tilespmem:s19], [sflag:$0x5], $0x2080, $0x38;
	[tilespmem:$0x17020] =	vst v63  }
0x3d: {  	_ =	swait.ge [sflag:s17], $0x2080  }
0x3e: {  	[sflag:s17] =	ssyncset.done $0x0  }
0x3f: {  	[sflag:s17] =	ssyncadd.s32 $0xFFFFDF80  }
0x40: {  	[spmem:s12] =	stream.linear.scatter [tilespmem:s19], [sflag:$0x5], $0x2080, $0x38;
	[tilespmem:$0x17020] =	vst v63  }
0x41: {  	_ =	swait.ge [sflag:s17], $0x2080  }
0x42: {  	[sflag:s17] =	ssyncset.done $0x0  }
0x43: {  	[sflag:s17] =	ssyncadd.s32 $0xFFFFDF80  }
0x44: {  	[spmem:s13] =	stream.linear.scatter [tilespmem:s19], [sflag:$0x5], $0x2080, $0x38;
	[tilespmem:$0x17020] =	vst v63  }
0x45: {  	_ =	swait.ge [sflag:s17], $0x2080  }
0x46: {  	[sflag:s17] =	ssyncset.done $0x0  }
0x47: {  	[sflag:s17] =	ssyncadd.s32 $0xFFFFDF80  }
0x48: {  	[spmem:s14] =	stream.linear.scatter [tilespmem:s19], [sflag:$0x5], $0x280, $0x38;
	[tilespmem:$0x17020] =	vst v63  }
0x49: {  	_ =	swait.ge [sflag:s17], $0x280  }
0x4a: {  	[sflag:s17] =	ssyncset.done $0x0  }
.Ltmp3:
0x4b: {  	[sflag:s17] =	ssyncadd.s32 $0xFFFFFD80;
	(pc) =	sbr.rel .LBB2_4-.Ltmp3, $4  }
0x4c: {  	s31 =	simm.s32 $0x0;
	[bflag:$0x0] =	sbarrier.arrive $0xFFFF  }
0x4d: {  	[tilespmem:s21], [sflag:$0x1] =	stream.indirect.gather [hbm4b:s4+s20], $0x50, s31, s20, $0xb8;
	[tilespmem:$0x17020] =	vst v63  }
0x4e: {  	s18 =	simm.s32 $0x2710;
	s22 =	simm.s32 $0x8020  }
0x4f: {  	[tilespmem:s22], [sflag:$0x3] =	stream.indirect.gather [hbm4b:s5+s20], $0x10, s18, s20, $0xb8;
	[tilespmem:$0x17020] =	vst v63  }
.LBB2_10:
0x50: {  	s31 =	sadd.s32 $0x1, s31  }
0x51: {  	p0 =	sne.s32 s31, $0x3F  }
.Ltmp4:
0x52: {  	_ = 	snop;
	(pc) =	sbr.rel @!p0 .LBB2_11-.Ltmp4, $1  }
0x53: {  	_ =	sdelay $0x3  }
.LBB2_4:
0x54: {  	s0 =	sshllo.u32 s31, $0x1  }
0x55: {  	p0 =	sgt.u32 s0, $0x7C  }
0x56: {  	s1 =	smul.u32 @!p0 $0x50, s0  }
0x57: {  	s6 =	simm.s32 @!p0 $0x50;
	s7 =	simm.s32 @!p0 $0x6720  }
0x58: {  	[tilespmem:s7], [sflag:$0x2] =	stream.indirect.gather @!p0 [hbm4b:s4+s6], $0x50, s1, s6, $0xb8;
	[tilespmem:$0x17020] =	vst v63  }
0x59: {  	s1 =	sadd.s32 @!p0 $0x2710, s1;
	s7 =	simm.s32 @!p0 $0x8520  }
0x5a: {  	[tilespmem:s7], [sflag:$0x4] =	stream.indirect.gather @!p0 [hbm4b:s5+s6], $0x10, s1, s6, $0xb8;
	[tilespmem:$0x17020] =	vst v63  }
0x5b: {  	_ =	swait.ge [sflag:s23], $0x1900  }
0x5c: {  	[sflag:s23] =	ssyncset.done $0x0  }
0x5d: {  	[sflag:s23] =	ssyncadd.s32 $0xFFFFE700  }
0x5e: {  	_ =	swait.ge [sflag:s24], $0x500  }
0x5f: {  	[sflag:s24] =	ssyncset.done $0x0  }
0x60: {  	s22 =	simm.s32 $0x4F60;
	[sflag:s24] =	ssyncadd.s32 $0xFFFFFB00  }
0x61: {  	s1 =	simm.s32 $0x8060;
	v5 =	vld [tilespmem:s22+$0xFFFFFF00]  }
0x62: {  	v6 =	vld [tilespmem:s1+$0xFFFFFFC0];
	_ =	sdelay $0x4  }
0x63: {  	v5 =	vadd.f32 v6, v5;
	_ =	sdelay $0x1  }
0x64: {  	v6 =	vmul.f32 $2.000000030e-01, v5  }
0x65: {  	vm0 =	vgt.f32 v5, $0.0e+00  }
0x66: {  	v5 =	vsel vm0, v5, v6  }
0x67: {  	v5 =	vmul.f32 $1.442695020e+00, v5;
	_ =	sdelay $0x1  }
0x68: {  	(erf) = vpow2.f32 v5;
	_ =	sdelay $0x6  }
0x69: {  	v5 =	vld [tilespmem:s22+$0xFFFFFED0]  }
0x6a: {  	v6 =	vld [tilespmem:s22+$0xFFFFFEC0]  }
0x6b: {  	v7 =	vld [tilespmem:s22+$0xFFFFFEF0];
	v8 =	vpop (erf)  }
0x6c: {  	v9 =	vld [tilespmem:s22+$0xFFFFFEE0];
	v10 =	vperm.xlane v8, v2  }
0x6d: {  	v11 =	vperm.xlane v8, v1  }
0x6e: {  	v12 =	vperm.xlane v8, v4;
	v5 =	vmul.f32 v5, v10  }
0x6f: {  	[tilespmem:s22+$0xFFFFFF00] =	vst v8;
	v8 =	vperm.xlane v8, v3;
	v6 =	vmul.f32 v6, v11  }
0x70: {  	v7 =	vmul.f32 v7, v12;
	[tilespmem:s22+$0xFFFFFED0] =	vst v5  }
0x71: {  	v5 =	vmul.f32 v9, v8;
	[tilespmem:s22+$0xFFFFFEC0] =	vst v6  }
0x72: {  	[tilespmem:s22+$0xFFFFFEF0] =	vst v7  }
0x73: {  	[tilespmem:s22+$0xFFFFFEE0] =	vst v5;
	v5 =	vld [tilespmem:s22+$0xFFFFFF50]  }
0x74: {  	v6 =	vld [tilespmem:s1+$0xFFFFFFD0];
	_ =	sdelay $0x4  }
0x75: {  	v5 =	vadd.f32 v6, v5;
	_ =	sdelay $0x1  }
0x76: {  	v6 =	vmul.f32 $2.000000030e-01, v5  }
0x77: {  	vm10 =	vgt.f32 v5, $0.0e+00  }
0x78: {  	v5 =	vsel vm10, v5, v6  }
0x79: {  	v5 =	vmul.f32 $1.442695020e+00, v5;
	_ =	sdelay $0x1  }
0x7a: {  	(erf) = vpow2.f32 v5;
	_ =	sdelay $0x6  }
0x7b: {  	v5 =	vld [tilespmem:s22+$0xFFFFFF10]  }
0x7c: {  	v6 =	vld [tilespmem:s22+$0xFFFFFF30]  }
0x7d: {  	v7 =	vld [tilespmem:s22+$0xFFFFFF40];
	v8 =	vpop (erf)  }
0x7e: {  	v9 =	vld [tilespmem:s22+$0xFFFFFF20];
	v10 =	vperm.xlane v8, v1  }
0x7f: {  	v11 =	vperm.xlane v8, v3  }
0x80: {  	v59 =	vperm.xlane v8, v4;
	v5 =	vmul.f32 v5, v10  }
0x81: {  	[tilespmem:s22+$0xFFFFFF50] =	vst v8;
	v8 =	vperm.xlane v8, v2;
	v6 =	vmul.f32 v6, v11  }
0x82: {  	v7 =	vmul.f32 v7, v59;
	[tilespmem:s22+$0xFFFFFF10] =	vst v5  }
0x83: {  	v5 =	vmul.f32 v9, v8;
	[tilespmem:s22+$0xFFFFFF30] =	vst v6  }
0x84: {  	[tilespmem:s22+$0xFFFFFF40] =	vst v7  }
0x85: {  	[tilespmem:s22+$0xFFFFFF20] =	vst v5;
	v5 =	vld [tilespmem:s22+$0xFFFFFFA0]  }
0x86: {  	v6 =	vld [tilespmem:s1+$0xFFFFFFE0];
	_ =	sdelay $0x4  }
0x87: {  	v5 =	vadd.f32 v6, v5;
	_ =	sdelay $0x1  }
0x88: {  	v6 =	vmul.f32 $2.000000030e-01, v5  }
0x89: {  	vm11 =	vgt.f32 v5, $0.0e+00  }
0x8a: {  	v5 =	vsel vm11, v5, v6  }
0x8b: {  	v5 =	vmul.f32 $1.442695020e+00, v5;
	_ =	sdelay $0x1  }
0x8c: {  	(erf) = vpow2.f32 v5;
	_ =	sdelay $0x6  }
0x8d: {  	v5 =	vld [tilespmem:s22+$0xFFFFFF60]  }
0x8e: {  	v6 =	vld [tilespmem:s22+$0xFFFFFF70]  }
0x8f: {  	v7 =	vld [tilespmem:s22+$0xFFFFFF90];
	v8 =	vpop (erf)  }
0x90: {  	v9 =	vld [tilespmem:s22+$0xFFFFFF80];
	v10 =	vperm.xlane v8, v1  }
0x91: {  	v11 =	vperm.xlane v8, v2  }
0x92: {  	v60 =	vperm.xlane v8, v4;
	v5 =	vmul.f32 v5, v10  }
0x93: {  	[tilespmem:s22+$0xFFFFFFA0] =	vst v8;
	v8 =	vperm.xlane v8, v3;
	v6 =	vmul.f32 v6, v11  }
0x94: {  	v7 =	vmul.f32 v7, v60;
	[tilespmem:s22+$0xFFFFFF60] =	vst v5  }
0x95: {  	v5 =	vmul.f32 v9, v8;
	[tilespmem:s22+$0xFFFFFF70] =	vst v6  }
0x96: {  	[tilespmem:s22+$0xFFFFFF90] =	vst v7  }
0x97: {  	[tilespmem:s22+$0xFFFFFF80] =	vst v5;
	v5 =	vld [tilespmem:s22+$0xFFFFFFF0]  }
0x98: {  	v6 =	vld [tilespmem:s1+$0xFFFFFFF0];
	_ =	sdelay $0x4  }
0x99: {  	v5 =	vadd.f32 v6, v5;
	_ =	sdelay $0x1  }
0x9a: {  	v6 =	vmul.f32 $2.000000030e-01, v5  }
0x9b: {  	vm12 =	vgt.f32 v5, $0.0e+00  }
0x9c: {  	v5 =	vsel vm12, v5, v6  }
0x9d: {  	v5 =	vmul.f32 $1.442695020e+00, v5;
	_ =	sdelay $0x1  }
0x9e: {  	(erf) = vpow2.f32 v5;
	_ =	sdelay $0x6  }
0x9f: {  	v5 =	vld [tilespmem:s22+$0xFFFFFFB0]  }
0xa0: {  	v6 =	vld [tilespmem:s22+$0xFFFFFFD0]  }
0xa1: {  	v7 =	vld [tilespmem:s22+$0xFFFFFFC0];
	v8 =	vpop (erf)  }
0xa2: {  	v9 =	vld [tilespmem:s22+$0xFFFFFFE0];
	v10 =	vperm.xlane v8, v1  }
0xa3: {  	v11 =	vperm.xlane v8, v3  }
0xa4: {  	v61 =	vperm.xlane v8, v2;
	v5 =	vmul.f32 v5, v10  }
0xa5: {  	[tilespmem:s22+$0xFFFFFFF0] =	vst v8;
	v8 =	vperm.xlane v8, v4;
	v6 =	vmul.f32 v6, v11  }
0xa6: {  	v7 =	vmul.f32 v7, v61;
	[tilespmem:s22+$0xFFFFFFB0] =	vst v5  }
0xa7: {  	v5 =	vmul.f32 v9, v8;
	[tilespmem:s22+$0xFFFFFFD0] =	vst v6  }
0xa8: {  	[tilespmem:s22+$0xFFFFFFC0] =	vst v7  }
0xa9: {  	[tilespmem:s22+$0xFFFFFFE0] =	vst v5;
	v5 =	vld [tilespmem:s22+$0x40]  }
0xaa: {  	v6 =	vld [tilespmem:s1+$0x0];
	_ =	sdelay $0x4  }
0xab: {  	v5 =	vadd.f32 v6, v5;
	_ =	sdelay $0x1  }
0xac: {  	v6 =	vmul.f32 $2.000000030e-01, v5  }
0xad: {  	vm13 =	vgt.f32 v5, $0.0e+00  }
0xae: {  	v5 =	vsel vm13, v5, v6  }
0xaf: {  	v5 =	vmul.f32 $1.442695020e+00, v5;
	_ =	sdelay $0x1  }
0xb0: {  	(erf) = vpow2.f32 v5;
	_ =	sdelay $0x6  }
0xb1: {  	v5 =	vld [tilespmem:s22+$0x0]  }
0xb2: {  	v6 =	vld [tilespmem:s22+$0x30]  }
0xb3: {  	v7 =	vld [tilespmem:s22+$0x10];
	v8 =	vpop (erf)  }
0xb4: {  	v9 =	vld [tilespmem:s22+$0x20];
	v10 =	vperm.xlane v8, v1  }
0xb5: {  	v11 =	vperm.xlane v8, v4  }
0xb6: {  	v62 =	vperm.xlane v8, v2;
	v5 =	vmul.f32 v5, v10  }
0xb7: {  	[tilespmem:s22+$0x40] =	vst v8;
	v8 =	vperm.xlane v8, v3;
	v6 =	vmul.f32 v6, v11  }
0xb8: {  	v7 =	vmul.f32 v7, v62;
	[tilespmem:s22+$0x0] =	vst v5  }
0xb9: {  	v5 =	vmul.f32 v9, v8;
	[tilespmem:s22+$0x30] =	vst v6  }
0xba: {  	[tilespmem:s22+$0x10] =	vst v7  }
0xbb: {  	[tilespmem:s22+$0x20] =	vst v5;
	v5 =	vld [tilespmem:s22+$0x90]  }
0xbc: {  	v6 =	vld [tilespmem:s1+$0x10];
	_ =	sdelay $0x4  }
0xbd: {  	v5 =	vadd.f32 v6, v5;
	_ =	sdelay $0x1  }
0xbe: {  	v6 =	vmul.f32 $2.000000030e-01, v5  }
0xbf: {  	vm14 =	vgt.f32 v5, $0.0e+00  }
0xc0: {  	v5 =	vsel vm14, v5, v6  }
0xc1: {  	v5 =	vmul.f32 $1.442695020e+00, v5;
	_ =	sdelay $0x1  }
0xc2: {  	(erf) = vpow2.f32 v5;
	_ =	sdelay $0x6  }
0xc3: {  	v5 =	vld [tilespmem:s22+$0x50]  }
0xc4: {  	v6 =	vld [tilespmem:s22+$0x70]  }
0xc5: {  	v7 =	vld [tilespmem:s22+$0x60];
	v8 =	vpop (erf)  }
0xc6: {  	v9 =	vld [tilespmem:s22+$0x80];
	v10 =	vperm.xlane v8, v1  }
0xc7: {  	v11 =	vperm.xlane v8, v3  }
0xc8: {  	v63 =	vperm.xlane v8, v2;
	v5 =	vmul.f32 v5, v10  }
0xc9: {  	[tilespmem:s22+$0x90] =	vst v8;
	v8 =	vperm.xlane v8, v4;
	v6 =	vmul.f32 v6, v11  }
0xca: {  	v7 =	vmul.f32 v7, v63;
	[tilespmem:s22+$0x50] =	vst v5  }
0xcb: {  	v5 =	vmul.f32 v9, v8;
	[tilespmem:s22+$0x70] =	vst v6  }
0xcc: {  	[tilespmem:s22+$0x60] =	vst v7  }
0xcd: {  	[tilespmem:s22+$0x80] =	vst v5;
	v5 =	vld [tilespmem:s22+$0xE0]  }
0xce: {  	v6 =	vld [tilespmem:s1+$0x20];
	_ =	sdelay $0x4  }
0xcf: {  	v5 =	vadd.f32 v6, v5;
	_ =	sdelay $0x1  }
0xd0: {  	v6 =	vmul.f32 $2.000000030e-01, v5  }
0xd1: {  	vm15 =	vgt.f32 v5, $0.0e+00  }
0xd2: {  	v6 =	vsel vm15, v5, v6  }
0xd3: {  	v7 =	vmul.f32 $1.442695020e+00, v6;
	_ =	sdelay $0x1  }
0xd4: {  	(erf) = vpow2.f32 v7;
	_ =	sdelay $0x4  }
0xd5: {  	v8 =	vld [tilespmem:s22+$0xA0]  }
0xd6: {  	v5 =	vld [tilespmem:s22+$0xC0]  }
0xd7: {  	v6 =	vld [tilespmem:s22+$0xB0]  }
0xd8: {  	s18 =	simm.s32 $0x4F60;
	s7 =	simm.s32 $0x0;
	s6 =	simm.s32 $0x8060;
	v7 =	vld [tilespmem:s22+$0xD0]  }
.LBB2_5:
0xd9: {  	s7 =	sadd.s32 $0x8, s7;
	s22 =	sadd.s32 $0x280, s22;
	s1 =	sadd.s32 $0x80, s1;
	v9 =	vpop (erf)  }
0xda: {  	p1 =	slt.u32 s7, $0x48;
	[tilespmem:s18+$0xE0] =	vst v9;
	v10 =	vperm.xlane v9, v1;
	v11 =	vperm.xlane v9, v2  }
0xdb: {  	v12 =	vperm.xlane v9, v3;
	v9 =	vperm.xlane v9, v4  }
0xdc: {  	v8 =	vmul.f32 v8, v10;
	v6 =	vmul.f32 v6, v11  }
0xdd: {  	v5 =	vmul.f32 v5, v12;
	v7 =	vmul.f32 v7, v9  }
0xde: {  	[tilespmem:s18+$0xA0] =	vst v8  }
0xdf: {  	[tilespmem:s18+$0xC0] =	vst v5  }
0xe0: {  	[tilespmem:s18+$0xB0] =	vst v6  }
0xe1: {  	[tilespmem:s18+$0xD0] =	vst v7;
	v5 =	vld [tilespmem:s18+$0x130]  }
0xe2: {  	v6 =	vld [tilespmem:s6+$0x30];
	s6 =	smov.u32 s1;
	_ =	sdelay $0x4  }
0xe3: {  	v5 =	vadd.f32 v6, v5;
	_ =	sdelay $0x1  }
0xe4: {  	v6 =	vmul.f32 $2.000000030e-01, v5  }
0xe5: {  	vm0 =	vgt.f32 v5, $0.0e+00  }
0xe6: {  	v5 =	vsel vm0, v5, v6  }
0xe7: {  	v5 =	vmul.f32 $1.442695020e+00, v5;
	_ =	sdelay $0x1  }
0xe8: {  	(erf) = vpow2.f32 v5;
	_ =	sdelay $0x4  }
0xe9: {  	v5 =	vld [tilespmem:s18+$0x120]  }
0xea: {  	v6 =	vld [tilespmem:s18+$0xF0]  }
0xeb: {  	v7 =	vld [tilespmem:s18+$0x100]  }
0xec: {  	v8 =	vld [tilespmem:s18+$0x110]  }
0xed: {  	v9 =	vpop (erf)  }
0xee: {  	[tilespmem:s18+$0x130] =	vst v9;
	v10 =	vperm.xlane v9, v1;
	v11 =	vperm.xlane v9, v2  }
0xef: {  	v12 =	vperm.xlane v9, v3;
	v9 =	vperm.xlane v9, v4  }
0xf0: {  	v6 =	vmul.f32 v6, v10;
	v7 =	vmul.f32 v7, v11  }
0xf1: {  	v5 =	vmul.f32 v5, v9;
	v8 =	vmul.f32 v8, v12  }
0xf2: {  	[tilespmem:s18+$0xF0] =	vst v6  }
0xf3: {  	[tilespmem:s18+$0x110] =	vst v8  }
0xf4: {  	[tilespmem:s18+$0x120] =	vst v5  }
0xf5: {  	v5 =	vld [tilespmem:s22+$0xFFFFFF00];
	[tilespmem:s18+$0x100] =	vst v7;
	s18 =	smov.u32 s22  }
0xf6: {  	v6 =	vld [tilespmem:s1+$0xFFFFFFC0];
	_ =	sdelay $0x4  }
0xf7: {  	v5 =	vadd.f32 v6, v5;
	_ =	sdelay $0x1  }
0xf8: {  	v6 =	vmul.f32 $2.000000030e-01, v5  }
0xf9: {  	vm0 =	vgt.f32 v5, $0.0e+00  }
0xfa: {  	v5 =	vsel vm0, v5, v6  }
0xfb: {  	v5 =	vmul.f32 $1.442695020e+00, v5;
	_ =	sdelay $0x1  }
0xfc: {  	(erf) = vpow2.f32 v5;
	_ =	sdelay $0x4  }
0xfd: {  	v5 =	vld [tilespmem:s22+$0xFFFFFEF0]  }
0xfe: {  	v6 =	vld [tilespmem:s22+$0xFFFFFED0]  }
0xff: {  	v7 =	vld [tilespmem:s22+$0xFFFFFEC0]  }
0x100: {  	v8 =	vld [tilespmem:s22+$0xFFFFFEE0]  }
0x101: {  	v9 =	vpop (erf)  }
0x102: {  	[tilespmem:s22+$0xFFFFFF00] =	vst v9;
	v10 =	vperm.xlane v9, v1;
	v11 =	vperm.xlane v9, v2  }
0x103: {  	v12 =	vperm.xlane v9, v3;
	v9 =	vperm.xlane v9, v4  }
0x104: {  	v7 =	vmul.f32 v7, v10;
	v6 =	vmul.f32 v6, v11  }
0x105: {  	v5 =	vmul.f32 v5, v9;
	v8 =	vmul.f32 v8, v12  }
0x106: {  	[tilespmem:s22+$0xFFFFFED0] =	vst v6  }
0x107: {  	[tilespmem:s22+$0xFFFFFEC0] =	vst v7  }
0x108: {  	[tilespmem:s22+$0xFFFFFEF0] =	vst v5  }
0x109: {  	[tilespmem:s22+$0xFFFFFEE0] =	vst v8;
	v5 =	vld [tilespmem:s22+$0xFFFFFF50]  }
0x10a: {  	v6 =	vld [tilespmem:s1+$0xFFFFFFD0];
	_ =	sdelay $0x4  }
0x10b: {  	v5 =	vadd.f32 v6, v5;
	_ =	sdelay $0x1  }
0x10c: {  	v6 =	vmul.f32 $2.000000030e-01, v5  }
0x10d: {  	vm0 =	vgt.f32 v5, $0.0e+00  }
0x10e: {  	v5 =	vsel vm0, v5, v6  }
0x10f: {  	v5 =	vmul.f32 $1.442695020e+00, v5;
	_ =	sdelay $0x1  }
0x110: {  	(erf) = vpow2.f32 v5;
	_ =	sdelay $0x4  }
0x111: {  	v5 =	vld [tilespmem:s22+$0xFFFFFF40]  }
0x112: {  	v6 =	vld [tilespmem:s22+$0xFFFFFF20]  }
0x113: {  	v7 =	vld [tilespmem:s22+$0xFFFFFF10]  }
0x114: {  	v8 =	vld [tilespmem:s22+$0xFFFFFF30]  }
0x115: {  	v9 =	vpop (erf)  }
0x116: {  	[tilespmem:s22+$0xFFFFFF50] =	vst v9;
	v10 =	vperm.xlane v9, v1;
	v11 =	vperm.xlane v9, v2  }
0x117: {  	v12 =	vperm.xlane v9, v3;
	v9 =	vperm.xlane v9, v4  }
0x118: {  	v7 =	vmul.f32 v7, v10;
	v6 =	vmul.f32 v6, v11  }
0x119: {  	v5 =	vmul.f32 v5, v9;
	v8 =	vmul.f32 v8, v12  }
0x11a: {  	[tilespmem:s22+$0xFFFFFF10] =	vst v7  }
0x11b: {  	[tilespmem:s22+$0xFFFFFF30] =	vst v8  }
0x11c: {  	[tilespmem:s22+$0xFFFFFF40] =	vst v5  }
0x11d: {  	[tilespmem:s22+$0xFFFFFF20] =	vst v6;
	v5 =	vld [tilespmem:s22+$0xFFFFFFA0]  }
0x11e: {  	v6 =	vld [tilespmem:s1+$0xFFFFFFE0];
	_ =	sdelay $0x4  }
0x11f: {  	v5 =	vadd.f32 v6, v5;
	_ =	sdelay $0x1  }
0x120: {  	v6 =	vmul.f32 $2.000000030e-01, v5  }
0x121: {  	vm0 =	vgt.f32 v5, $0.0e+00  }
0x122: {  	v5 =	vsel vm0, v5, v6  }
0x123: {  	v5 =	vmul.f32 $1.442695020e+00, v5;
	_ =	sdelay $0x1  }
0x124: {  	(erf) = vpow2.f32 v5;
	_ =	sdelay $0x4  }
0x125: {  	v5 =	vld [tilespmem:s22+$0xFFFFFF90]  }
0x126: {  	v6 =	vld [tilespmem:s22+$0xFFFFFF70]  }
0x127: {  	v7 =	vld [tilespmem:s22+$0xFFFFFF60]  }
0x128: {  	v8 =	vld [tilespmem:s22+$0xFFFFFF80]  }
0x129: {  	v9 =	vpop (erf)  }
0x12a: {  	[tilespmem:s22+$0xFFFFFFA0] =	vst v9;
	v10 =	vperm.xlane v9, v1;
	v11 =	vperm.xlane v9, v2  }
0x12b: {  	v12 =	vperm.xlane v9, v3;
	v9 =	vperm.xlane v9, v4  }
0x12c: {  	v7 =	vmul.f32 v7, v10;
	v6 =	vmul.f32 v6, v11  }
0x12d: {  	v5 =	vmul.f32 v5, v9;
	v8 =	vmul.f32 v8, v12  }
0x12e: {  	[tilespmem:s22+$0xFFFFFF60] =	vst v7  }
0x12f: {  	[tilespmem:s22+$0xFFFFFF70] =	vst v6  }
0x130: {  	[tilespmem:s22+$0xFFFFFF90] =	vst v5  }
0x131: {  	[tilespmem:s22+$0xFFFFFF80] =	vst v8;
	v5 =	vld [tilespmem:s22+$0xFFFFFFF0]  }
0x132: {  	v6 =	vld [tilespmem:s1+$0xFFFFFFF0];
	_ =	sdelay $0x4  }
0x133: {  	v5 =	vadd.f32 v6, v5;
	_ =	sdelay $0x1  }
0x134: {  	v6 =	vmul.f32 $2.000000030e-01, v5  }
0x135: {  	vm0 =	vgt.f32 v5, $0.0e+00  }
0x136: {  	v5 =	vsel vm0, v5, v6  }
0x137: {  	v5 =	vmul.f32 $1.442695020e+00, v5;
	_ =	sdelay $0x1  }
0x138: {  	(erf) = vpow2.f32 v5;
	_ =	sdelay $0x4  }
0x139: {  	v5 =	vld [tilespmem:s22+$0xFFFFFFE0]  }
0x13a: {  	v6 =	vld [tilespmem:s22+$0xFFFFFFC0]  }
0x13b: {  	v7 =	vld [tilespmem:s22+$0xFFFFFFB0]  }
0x13c: {  	v8 =	vld [tilespmem:s22+$0xFFFFFFD0]  }
0x13d: {  	v9 =	vpop (erf)  }
0x13e: {  	[tilespmem:s22+$0xFFFFFFF0] =	vst v9;
	v10 =	vperm.xlane v9, v1;
	v11 =	vperm.xlane v9, v2  }
0x13f: {  	v12 =	vperm.xlane v9, v3;
	v9 =	vperm.xlane v9, v4  }
0x140: {  	v7 =	vmul.f32 v7, v10;
	v6 =	vmul.f32 v6, v11  }
0x141: {  	v5 =	vmul.f32 v5, v9;
	v8 =	vmul.f32 v8, v12  }
0x142: {  	[tilespmem:s22+$0xFFFFFFB0] =	vst v7  }
0x143: {  	[tilespmem:s22+$0xFFFFFFD0] =	vst v8  }
0x144: {  	[tilespmem:s22+$0xFFFFFFC0] =	vst v6  }
0x145: {  	[tilespmem:s22+$0xFFFFFFE0] =	vst v5;
	v5 =	vld [tilespmem:s22+$0x40]  }
0x146: {  	v6 =	vld [tilespmem:s1+$0x0];
	_ =	sdelay $0x4  }
0x147: {  	v5 =	vadd.f32 v6, v5;
	_ =	sdelay $0x1  }
0x148: {  	v6 =	vmul.f32 $2.000000030e-01, v5  }
0x149: {  	vm0 =	vgt.f32 v5, $0.0e+00  }
0x14a: {  	v5 =	vsel vm0, v5, v6  }
0x14b: {  	v5 =	vmul.f32 $1.442695020e+00, v5;
	_ =	sdelay $0x1  }
0x14c: {  	(erf) = vpow2.f32 v5;
	_ =	sdelay $0x4  }
0x14d: {  	v5 =	vld [tilespmem:s22+$0x30]  }
0x14e: {  	v6 =	vld [tilespmem:s22+$0x10]  }
0x14f: {  	v7 =	vld [tilespmem:s22+$0x0]  }
0x150: {  	v8 =	vld [tilespmem:s22+$0x20]  }
0x151: {  	v9 =	vpop (erf)  }
0x152: {  	[tilespmem:s22+$0x40] =	vst v9;
	v10 =	vperm.xlane v9, v1;
	v11 =	vperm.xlane v9, v2  }
0x153: {  	v12 =	vperm.xlane v9, v3;
	v9 =	vperm.xlane v9, v4  }
0x154: {  	v7 =	vmul.f32 v7, v10;
	v6 =	vmul.f32 v6, v11  }
0x155: {  	v5 =	vmul.f32 v5, v9;
	v8 =	vmul.f32 v8, v12  }
0x156: {  	[tilespmem:s22+$0x0] =	vst v7  }
0x157: {  	[tilespmem:s22+$0x30] =	vst v5  }
0x158: {  	[tilespmem:s22+$0x10] =	vst v6  }
0x159: {  	[tilespmem:s22+$0x20] =	vst v8;
	v5 =	vld [tilespmem:s22+$0x90]  }
0x15a: {  	v6 =	vld [tilespmem:s1+$0x10];
	_ =	sdelay $0x4  }
0x15b: {  	v5 =	vadd.f32 v6, v5;
	_ =	sdelay $0x1  }
0x15c: {  	v6 =	vmul.f32 $2.000000030e-01, v5  }
0x15d: {  	vm0 =	vgt.f32 v5, $0.0e+00  }
0x15e: {  	v5 =	vsel vm0, v5, v6  }
0x15f: {  	v5 =	vmul.f32 $1.442695020e+00, v5;
	_ =	sdelay $0x1  }
0x160: {  	(erf) = vpow2.f32 v5;
	_ =	sdelay $0x4  }
0x161: {  	v5 =	vld [tilespmem:s22+$0x80]  }
0x162: {  	v6 =	vld [tilespmem:s22+$0x60]  }
0x163: {  	v7 =	vld [tilespmem:s22+$0x50]  }
0x164: {  	v8 =	vld [tilespmem:s22+$0x70]  }
0x165: {  	v9 =	vpop (erf)  }
0x166: {  	[tilespmem:s22+$0x90] =	vst v9;
	v10 =	vperm.xlane v9, v1;
	v11 =	vperm.xlane v9, v2  }
0x167: {  	v12 =	vperm.xlane v9, v3;
	v9 =	vperm.xlane v9, v4  }
0x168: {  	v7 =	vmul.f32 v7, v10;
	v6 =	vmul.f32 v6, v11  }
0x169: {  	v5 =	vmul.f32 v5, v9;
	v8 =	vmul.f32 v8, v12  }
0x16a: {  	[tilespmem:s22+$0x50] =	vst v7  }
0x16b: {  	[tilespmem:s22+$0x70] =	vst v8  }
0x16c: {  	[tilespmem:s22+$0x60] =	vst v6  }
0x16d: {  	[tilespmem:s22+$0x80] =	vst v5;
	v5 =	vld [tilespmem:s22+$0xE0]  }
0x16e: {  	v6 =	vld [tilespmem:s1+$0x20];
	_ =	sdelay $0x4  }
0x16f: {  	v5 =	vadd.f32 v6, v5;
	_ =	sdelay $0x1  }
0x170: {  	v6 =	vmul.f32 $2.000000030e-01, v5  }
0x171: {  	vm0 =	vgt.f32 v5, $0.0e+00  }
0x172: {  	v5 =	vsel vm0, v5, v6  }
0x173: {  	v5 =	vmul.f32 $1.442695020e+00, v5;
	_ =	sdelay $0x1  }
0x174: {  	(erf) = vpow2.f32 v5;
	_ =	sdelay $0x3  }
.Ltmp5:
0x175: {  	(pc) =	sbr.rel @p1 .LBB2_5-.Ltmp5, $4  }
0x176: {  	v5 =	vld [tilespmem:s22+$0xC0]  }
0x177: {  	v6 =	vld [tilespmem:s22+$0xB0]  }
0x178: {  	v8 =	vld [tilespmem:s22+$0xA0]  }
0x179: {  	v7 =	vld [tilespmem:s22+$0xD0]  }
0x17a: {  	v9 =	vpop (erf)  }
0x17b: {  	v10 =	vperm.xlane v9, v1  }
0x17c: {  	v11 =	vperm.xlane v9, v3  }
0x17d: {  	v12 =	vperm.xlane v9, v2;
	v8 =	vmul.f32 v8, v10  }
0x17e: {  	[tilespmem:s18+$0xE0] =	vst v9;
	v9 =	vperm.xlane v9, v4;
	v5 =	vmul.f32 v5, v11  }
0x17f: {  	v6 =	vmul.f32 v6, v12;
	[tilespmem:s18+$0xA0] =	vst v8  }
0x180: {  	v7 =	vmul.f32 v7, v9;
	[tilespmem:s18+$0xC0] =	vst v5  }
0x181: {  	[tilespmem:s18+$0xB0] =	vst v6  }
0x182: {  	v5 =	vld [tilespmem:s18+$0x130];
	[tilespmem:s18+$0xD0] =	vst v7  }
0x183: {  	v6 =	vld [tilespmem:s6+$0x30];
	_ =	sdelay $0x4  }
0x184: {  	v5 =	vadd.f32 v6, v5;
	_ =	sdelay $0x1  }
0x185: {  	v6 =	vmul.f32 $2.000000030e-01, v5  }
0x186: {  	vm0 =	vgt.f32 v5, $0.0e+00  }
0x187: {  	v5 =	vsel vm0, v5, v6  }
0x188: {  	v5 =	vmul.f32 $1.442695020e+00, v5;
	_ =	sdelay $0x1  }
0x189: {  	(erf) = vpow2.f32 v5;
	_ =	sdelay $0x6  }
0x18a: {  	v5 =	vld [tilespmem:s18+$0xF0]  }
0x18b: {  	v6 =	vld [tilespmem:s18+$0x110]  }
0x18c: {  	v7 =	vld [tilespmem:s18+$0x120];
	v59 =	vpop (erf)  }
0x18d: {  	v60 =	vld [tilespmem:s18+$0x100];
	v61 =	vperm.xlane v59, v1  }
0x18e: {  	v62 =	vperm.xlane v59, v3  }
0x18f: {  	v63 =	vperm.xlane v59, v4;
	v5 =	vmul.f32 v5, v61  }
0x190: {  	[tilespmem:s18+$0x130] =	vst v59;
	v8 =	vperm.xlane v59, v2;
	v6 =	vmul.f32 v6, v62  }
0x191: {  	s1 =	smul.u32 $0x280, s31;
	v7 =	vmul.f32 v7, v63;
	[tilespmem:s18+$0xF0] =	vst v5  }
0x192: {  	v5 =	vmul.f32 v60, v8;
	[tilespmem:s18+$0x110] =	vst v6  }
0x193: {  	s1 =	sshra.s32 s1, $0x2;
	[tilespmem:s18+$0x120] =	vst v7  }
0x194: {  	p1 =	seq.s32 s31, $0x3E;
	s1 =	sadd.s32 $0x2710, s1;
	[tilespmem:s18+$0x100] =	vst v5  }
0x195: {  	[spmem:s2] =	stream.indirect.scatter.add.f32 [tilespmem:s21], [sflag:$0x6], $0x50, s1, s20, $0xb8;
	[tilespmem:$0x17020] =	vst v63  }
0x196: {  	s1 =	smul.u32 @!p1 $0xA0, s31;
	_ =	swait.ge [sflag:s25], $0x1900  }
.Ltmp6:
0x197: {  	s7 =	simm.s32 @!p1 $0x50;
	[sflag:s25] =	ssyncset.done $0x0;
	(pc) =	sbr.rel @p0 .LBB2_10-.Ltmp6, $4  }
0x198: {  	s18 =	simm.s32 @!p1 $0x4E20;
	s6 =	sadd.s32 @!p1 $0xA0, s1;
	[sflag:s25] =	ssyncadd.s32 $0xFFFFE700  }
0x199: {  	[tilespmem:s18], [sflag:$0x1] =	stream.indirect.gather @!p1 [hbm4b:s4+s7], $0x50, s6, s7, $0xb8;
	[tilespmem:$0x17020] =	vst v63  }
0x19a: {  	s1 =	sadd.s32 @!p1 $0x27B0, s1;
	s6 =	simm.s32 @!p1 $0x8020  }
0x19b: {  	[tilespmem:s6], [sflag:$0x3] =	stream.indirect.gather @!p1 [hbm4b:s5+s7], $0x10, s1, s7, $0xb8;
	[tilespmem:$0x17020] =	vst v63  }
0x19c: {  	_ =	swait.ge [sflag:s26], $0x1900  }
0x19d: {  	[sflag:s26] =	ssyncset.done $0x0  }
0x19e: {  	[sflag:s26] =	ssyncadd.s32 $0xFFFFE700  }
0x19f: {  	_ =	swait.ge [sflag:s28], $0x500  }
0x1a0: {  	[sflag:s28] =	ssyncset.done $0x0  }
0x1a1: {  	s22 =	simm.s32 $0x6860;
	[sflag:s28] =	ssyncadd.s32 $0xFFFFFB00  }
0x1a2: {  	s1 =	simm.s32 $0x8560;
	v5 =	vld [tilespmem:s22+$0xFFFFFF00]  }
0x1a3: {  	v6 =	vld [tilespmem:s1+$0xFFFFFFC0];
	_ =	sdelay $0x4  }
0x1a4: {  	v5 =	vadd.f32 v6, v5;
	_ =	sdelay $0x1  }
0x1a5: {  	v6 =	vmul.f32 $2.000000030e-01, v5  }
0x1a6: {  	vm0 =	vgt.f32 v5, $0.0e+00  }
0x1a7: {  	v5 =	vsel vm0, v5, v6  }
0x1a8: {  	v5 =	vmul.f32 $1.442695020e+00, v5;
	_ =	sdelay $0x1  }
0x1a9: {  	(erf) = vpow2.f32 v5;
	_ =	sdelay $0x6  }
0x1aa: {  	v5 =	vld [tilespmem:s22+$0xFFFFFED0]  }
0x1ab: {  	v6 =	vld [tilespmem:s22+$0xFFFFFEC0]  }
0x1ac: {  	v7 =	vld [tilespmem:s22+$0xFFFFFEF0];
	v8 =	vpop (erf)  }
0x1ad: {  	v9 =	vld [tilespmem:s22+$0xFFFFFEE0];
	v10 =	vperm.xlane v8, v2  }
0x1ae: {  	v11 =	vperm.xlane v8, v1  }
0x1af: {  	v12 =	vperm.xlane v8, v4;
	v5 =	vmul.f32 v5, v10  }
0x1b0: {  	[tilespmem:s22+$0xFFFFFF00] =	vst v8;
	v8 =	vperm.xlane v8, v3;
	v6 =	vmul.f32 v6, v11  }
0x1b1: {  	v7 =	vmul.f32 v7, v12;
	[tilespmem:s22+$0xFFFFFED0] =	vst v5  }
0x1b2: {  	v5 =	vmul.f32 v9, v8;
	[tilespmem:s22+$0xFFFFFEC0] =	vst v6  }
0x1b3: {  	[tilespmem:s22+$0xFFFFFEF0] =	vst v7  }
0x1b4: {  	[tilespmem:s22+$0xFFFFFEE0] =	vst v5;
	v5 =	vld [tilespmem:s22+$0xFFFFFF50]  }
0x1b5: {  	v6 =	vld [tilespmem:s1+$0xFFFFFFD0];
	_ =	sdelay $0x4  }
0x1b6: {  	v5 =	vadd.f32 v6, v5;
	_ =	sdelay $0x1  }
0x1b7: {  	v6 =	vmul.f32 $2.000000030e-01, v5  }
0x1b8: {  	vm10 =	vgt.f32 v5, $0.0e+00  }
0x1b9: {  	v5 =	vsel vm10, v5, v6  }
0x1ba: {  	v5 =	vmul.f32 $1.442695020e+00, v5;
	_ =	sdelay $0x1  }
0x1bb: {  	(erf) = vpow2.f32 v5;
	_ =	sdelay $0x6  }
0x1bc: {  	v5 =	vld [tilespmem:s22+$0xFFFFFF10]  }
0x1bd: {  	v6 =	vld [tilespmem:s22+$0xFFFFFF30]  }
0x1be: {  	v7 =	vld [tilespmem:s22+$0xFFFFFF40];
	v8 =	vpop (erf)  }
0x1bf: {  	v9 =	vld [tilespmem:s22+$0xFFFFFF20];
	v10 =	vperm.xlane v8, v1  }
0x1c0: {  	v11 =	vperm.xlane v8, v3  }
0x1c1: {  	v59 =	vperm.xlane v8, v4;
	v5 =	vmul.f32 v5, v10  }
0x1c2: {  	[tilespmem:s22+$0xFFFFFF50] =	vst v8;
	v8 =	vperm.xlane v8, v2;
	v6 =	vmul.f32 v6, v11  }
0x1c3: {  	v7 =	vmul.f32 v7, v59;
	[tilespmem:s22+$0xFFFFFF10] =	vst v5  }
0x1c4: {  	v5 =	vmul.f32 v9, v8;
	[tilespmem:s22+$0xFFFFFF30] =	vst v6  }
0x1c5: {  	[tilespmem:s22+$0xFFFFFF40] =	vst v7  }
0x1c6: {  	[tilespmem:s22+$0xFFFFFF20] =	vst v5;
	v5 =	vld [tilespmem:s22+$0xFFFFFFA0]  }
0x1c7: {  	v6 =	vld [tilespmem:s1+$0xFFFFFFE0];
	_ =	sdelay $0x4  }
0x1c8: {  	v5 =	vadd.f32 v6, v5;
	_ =	sdelay $0x1  }
0x1c9: {  	v6 =	vmul.f32 $2.000000030e-01, v5  }
0x1ca: {  	vm11 =	vgt.f32 v5, $0.0e+00  }
0x1cb: {  	v5 =	vsel vm11, v5, v6  }
0x1cc: {  	v5 =	vmul.f32 $1.442695020e+00, v5;
	_ =	sdelay $0x1  }
0x1cd: {  	(erf) = vpow2.f32 v5;
	_ =	sdelay $0x6  }
0x1ce: {  	v5 =	vld [tilespmem:s22+$0xFFFFFF60]  }
0x1cf: {  	v6 =	vld [tilespmem:s22+$0xFFFFFF70]  }
0x1d0: {  	v7 =	vld [tilespmem:s22+$0xFFFFFF90];
	v8 =	vpop (erf)  }
0x1d1: {  	v9 =	vld [tilespmem:s22+$0xFFFFFF80];
	v10 =	vperm.xlane v8, v1  }
0x1d2: {  	v11 =	vperm.xlane v8, v2  }
0x1d3: {  	v60 =	vperm.xlane v8, v4;
	v5 =	vmul.f32 v5, v10  }
0x1d4: {  	[tilespmem:s22+$0xFFFFFFA0] =	vst v8;
	v8 =	vperm.xlane v8, v3;
	v6 =	vmul.f32 v6, v11  }
0x1d5: {  	v7 =	vmul.f32 v7, v60;
	[tilespmem:s22+$0xFFFFFF60] =	vst v5  }
0x1d6: {  	v5 =	vmul.f32 v9, v8;
	[tilespmem:s22+$0xFFFFFF70] =	vst v6  }
0x1d7: {  	[tilespmem:s22+$0xFFFFFF90] =	vst v7  }
0x1d8: {  	[tilespmem:s22+$0xFFFFFF80] =	vst v5;
	v5 =	vld [tilespmem:s22+$0xFFFFFFF0]  }
0x1d9: {  	v6 =	vld [tilespmem:s1+$0xFFFFFFF0];
	_ =	sdelay $0x4  }
0x1da: {  	v5 =	vadd.f32 v6, v5;
	_ =	sdelay $0x1  }
0x1db: {  	v6 =	vmul.f32 $2.000000030e-01, v5  }
0x1dc: {  	vm12 =	vgt.f32 v5, $0.0e+00  }
0x1dd: {  	v5 =	vsel vm12, v5, v6  }
0x1de: {  	v5 =	vmul.f32 $1.442695020e+00, v5;
	_ =	sdelay $0x1  }
0x1df: {  	(erf) = vpow2.f32 v5;
	_ =	sdelay $0x6  }
0x1e0: {  	v5 =	vld [tilespmem:s22+$0xFFFFFFB0]  }
0x1e1: {  	v6 =	vld [tilespmem:s22+$0xFFFFFFD0]  }
0x1e2: {  	v7 =	vld [tilespmem:s22+$0xFFFFFFC0];
	v8 =	vpop (erf)  }
0x1e3: {  	v9 =	vld [tilespmem:s22+$0xFFFFFFE0];
	v10 =	vperm.xlane v8, v1  }
0x1e4: {  	v11 =	vperm.xlane v8, v3  }
0x1e5: {  	v61 =	vperm.xlane v8, v2;
	v5 =	vmul.f32 v5, v10  }
0x1e6: {  	[tilespmem:s22+$0xFFFFFFF0] =	vst v8;
	v8 =	vperm.xlane v8, v4;
	v6 =	vmul.f32 v6, v11  }
0x1e7: {  	v7 =	vmul.f32 v7, v61;
	[tilespmem:s22+$0xFFFFFFB0] =	vst v5  }
0x1e8: {  	v5 =	vmul.f32 v9, v8;
	[tilespmem:s22+$0xFFFFFFD0] =	vst v6  }
0x1e9: {  	[tilespmem:s22+$0xFFFFFFC0] =	vst v7  }
0x1ea: {  	[tilespmem:s22+$0xFFFFFFE0] =	vst v5;
	v5 =	vld [tilespmem:s22+$0x40]  }
0x1eb: {  	v6 =	vld [tilespmem:s1+$0x0];
	_ =	sdelay $0x4  }
0x1ec: {  	v5 =	vadd.f32 v6, v5;
	_ =	sdelay $0x1  }
0x1ed: {  	v6 =	vmul.f32 $2.000000030e-01, v5  }
0x1ee: {  	vm13 =	vgt.f32 v5, $0.0e+00  }
0x1ef: {  	v5 =	vsel vm13, v5, v6  }
0x1f0: {  	v5 =	vmul.f32 $1.442695020e+00, v5;
	_ =	sdelay $0x1  }
0x1f1: {  	(erf) = vpow2.f32 v5;
	_ =	sdelay $0x6  }
0x1f2: {  	v5 =	vld [tilespmem:s22+$0x0]  }
0x1f3: {  	v6 =	vld [tilespmem:s22+$0x30]  }
0x1f4: {  	v7 =	vld [tilespmem:s22+$0x10];
	v8 =	vpop (erf)  }
0x1f5: {  	v9 =	vld [tilespmem:s22+$0x20];
	v10 =	vperm.xlane v8, v1  }
0x1f6: {  	v11 =	vperm.xlane v8, v4  }
0x1f7: {  	v62 =	vperm.xlane v8, v2;
	v5 =	vmul.f32 v5, v10  }
0x1f8: {  	[tilespmem:s22+$0x40] =	vst v8;
	v8 =	vperm.xlane v8, v3;
	v6 =	vmul.f32 v6, v11  }
0x1f9: {  	v7 =	vmul.f32 v7, v62;
	[tilespmem:s22+$0x0] =	vst v5  }
0x1fa: {  	v5 =	vmul.f32 v9, v8;
	[tilespmem:s22+$0x30] =	vst v6  }
0x1fb: {  	[tilespmem:s22+$0x10] =	vst v7  }
0x1fc: {  	[tilespmem:s22+$0x20] =	vst v5;
	v5 =	vld [tilespmem:s22+$0x90]  }
0x1fd: {  	v6 =	vld [tilespmem:s1+$0x10];
	_ =	sdelay $0x4  }
0x1fe: {  	v5 =	vadd.f32 v6, v5;
	_ =	sdelay $0x1  }
0x1ff: {  	v6 =	vmul.f32 $2.000000030e-01, v5  }
0x200: {  	vm14 =	vgt.f32 v5, $0.0e+00  }
0x201: {  	v5 =	vsel vm14, v5, v6  }
0x202: {  	v5 =	vmul.f32 $1.442695020e+00, v5;
	_ =	sdelay $0x1  }
0x203: {  	(erf) = vpow2.f32 v5;
	_ =	sdelay $0x6  }
0x204: {  	v5 =	vld [tilespmem:s22+$0x50]  }
0x205: {  	v6 =	vld [tilespmem:s22+$0x70]  }
0x206: {  	v7 =	vld [tilespmem:s22+$0x60];
	v8 =	vpop (erf)  }
0x207: {  	v9 =	vld [tilespmem:s22+$0x80];
	v10 =	vperm.xlane v8, v1  }
0x208: {  	v11 =	vperm.xlane v8, v3  }
0x209: {  	v63 =	vperm.xlane v8, v2;
	v5 =	vmul.f32 v5, v10  }
0x20a: {  	[tilespmem:s22+$0x90] =	vst v8;
	v8 =	vperm.xlane v8, v4;
	v6 =	vmul.f32 v6, v11  }
0x20b: {  	v7 =	vmul.f32 v7, v63;
	[tilespmem:s22+$0x50] =	vst v5  }
0x20c: {  	v5 =	vmul.f32 v9, v8;
	[tilespmem:s22+$0x70] =	vst v6  }
0x20d: {  	[tilespmem:s22+$0x60] =	vst v7  }
0x20e: {  	[tilespmem:s22+$0x80] =	vst v5;
	v5 =	vld [tilespmem:s22+$0xE0]  }
0x20f: {  	v6 =	vld [tilespmem:s1+$0x20];
	_ =	sdelay $0x4  }
0x210: {  	v5 =	vadd.f32 v6, v5;
	_ =	sdelay $0x1  }
0x211: {  	v6 =	vmul.f32 $2.000000030e-01, v5  }
0x212: {  	vm15 =	vgt.f32 v5, $0.0e+00  }
0x213: {  	v6 =	vsel vm15, v5, v6  }
0x214: {  	v7 =	vmul.f32 $1.442695020e+00, v6;
	_ =	sdelay $0x1  }
0x215: {  	(erf) = vpow2.f32 v7;
	_ =	sdelay $0x4  }
0x216: {  	v8 =	vld [tilespmem:s22+$0xA0]  }
0x217: {  	v5 =	vld [tilespmem:s22+$0xC0]  }
0x218: {  	v6 =	vld [tilespmem:s22+$0xB0]  }
0x219: {  	s7 =	simm.s32 $0x0;
	s18 =	simm.s32 $0x6860;
	s6 =	simm.s32 $0x8560;
	v7 =	vld [tilespmem:s22+$0xD0]  }
.LBB2_8:
0x21a: {  	s7 =	sadd.s32 $0x8, s7;
	s22 =	sadd.s32 $0x280, s22;
	s1 =	sadd.s32 $0x80, s1;
	v9 =	vpop (erf)  }
0x21b: {  	p0 =	slt.u32 s7, $0x48;
	[tilespmem:s18+$0xE0] =	vst v9;
	v10 =	vperm.xlane v9, v1;
	v11 =	vperm.xlane v9, v2  }
0x21c: {  	v12 =	vperm.xlane v9, v3;
	v9 =	vperm.xlane v9, v4  }
0x21d: {  	v8 =	vmul.f32 v8, v10;
	v6 =	vmul.f32 v6, v11  }
0x21e: {  	v5 =	vmul.f32 v5, v12;
	v7 =	vmul.f32 v7, v9  }
0x21f: {  	[tilespmem:s18+$0xA0] =	vst v8  }
0x220: {  	[tilespmem:s18+$0xC0] =	vst v5  }
0x221: {  	[tilespmem:s18+$0xB0] =	vst v6  }
0x222: {  	[tilespmem:s18+$0xD0] =	vst v7;
	v5 =	vld [tilespmem:s18+$0x130]  }
0x223: {  	v6 =	vld [tilespmem:s6+$0x30];
	s6 =	smov.u32 s1;
	_ =	sdelay $0x4  }
0x224: {  	v5 =	vadd.f32 v6, v5;
	_ =	sdelay $0x1  }
0x225: {  	v6 =	vmul.f32 $2.000000030e-01, v5  }
0x226: {  	vm0 =	vgt.f32 v5, $0.0e+00  }
0x227: {  	v5 =	vsel vm0, v5, v6  }
0x228: {  	v5 =	vmul.f32 $1.442695020e+00, v5;
	_ =	sdelay $0x1  }
0x229: {  	(erf) = vpow2.f32 v5;
	_ =	sdelay $0x4  }
0x22a: {  	v5 =	vld [tilespmem:s18+$0x120]  }
0x22b: {  	v6 =	vld [tilespmem:s18+$0xF0]  }
0x22c: {  	v7 =	vld [tilespmem:s18+$0x100]  }
0x22d: {  	v8 =	vld [tilespmem:s18+$0x110]  }
0x22e: {  	v9 =	vpop (erf)  }
0x22f: {  	[tilespmem:s18+$0x130] =	vst v9;
	v10 =	vperm.xlane v9, v1;
	v11 =	vperm.xlane v9, v2  }
0x230: {  	v12 =	vperm.xlane v9, v3;
	v9 =	vperm.xlane v9, v4  }
0x231: {  	v6 =	vmul.f32 v6, v10;
	v7 =	vmul.f32 v7, v11  }
0x232: {  	v5 =	vmul.f32 v5, v9;
	v8 =	vmul.f32 v8, v12  }
0x233: {  	[tilespmem:s18+$0xF0] =	vst v6  }
0x234: {  	[tilespmem:s18+$0x110] =	vst v8  }
0x235: {  	[tilespmem:s18+$0x120] =	vst v5  }
0x236: {  	v5 =	vld [tilespmem:s22+$0xFFFFFF00];
	[tilespmem:s18+$0x100] =	vst v7;
	s18 =	smov.u32 s22  }
0x237: {  	v6 =	vld [tilespmem:s1+$0xFFFFFFC0];
	_ =	sdelay $0x4  }
0x238: {  	v5 =	vadd.f32 v6, v5;
	_ =	sdelay $0x1  }
0x239: {  	v6 =	vmul.f32 $2.000000030e-01, v5  }
0x23a: {  	vm0 =	vgt.f32 v5, $0.0e+00  }
0x23b: {  	v5 =	vsel vm0, v5, v6  }
0x23c: {  	v5 =	vmul.f32 $1.442695020e+00, v5;
	_ =	sdelay $0x1  }
0x23d: {  	(erf) = vpow2.f32 v5;
	_ =	sdelay $0x4  }
0x23e: {  	v5 =	vld [tilespmem:s22+$0xFFFFFEF0]  }
0x23f: {  	v6 =	vld [tilespmem:s22+$0xFFFFFED0]  }
0x240: {  	v7 =	vld [tilespmem:s22+$0xFFFFFEC0]  }
0x241: {  	v8 =	vld [tilespmem:s22+$0xFFFFFEE0]  }
0x242: {  	v9 =	vpop (erf)  }
0x243: {  	[tilespmem:s22+$0xFFFFFF00] =	vst v9;
	v10 =	vperm.xlane v9, v1;
	v11 =	vperm.xlane v9, v2  }
0x244: {  	v12 =	vperm.xlane v9, v3;
	v9 =	vperm.xlane v9, v4  }
0x245: {  	v7 =	vmul.f32 v7, v10;
	v6 =	vmul.f32 v6, v11  }
0x246: {  	v5 =	vmul.f32 v5, v9;
	v8 =	vmul.f32 v8, v12  }
0x247: {  	[tilespmem:s22+$0xFFFFFED0] =	vst v6  }
0x248: {  	[tilespmem:s22+$0xFFFFFEC0] =	vst v7  }
0x249: {  	[tilespmem:s22+$0xFFFFFEF0] =	vst v5  }
0x24a: {  	[tilespmem:s22+$0xFFFFFEE0] =	vst v8;
	v5 =	vld [tilespmem:s22+$0xFFFFFF50]  }
0x24b: {  	v6 =	vld [tilespmem:s1+$0xFFFFFFD0];
	_ =	sdelay $0x4  }
0x24c: {  	v5 =	vadd.f32 v6, v5;
	_ =	sdelay $0x1  }
0x24d: {  	v6 =	vmul.f32 $2.000000030e-01, v5  }
0x24e: {  	vm0 =	vgt.f32 v5, $0.0e+00  }
0x24f: {  	v5 =	vsel vm0, v5, v6  }
0x250: {  	v5 =	vmul.f32 $1.442695020e+00, v5;
	_ =	sdelay $0x1  }
0x251: {  	(erf) = vpow2.f32 v5;
	_ =	sdelay $0x4  }
0x252: {  	v5 =	vld [tilespmem:s22+$0xFFFFFF40]  }
0x253: {  	v6 =	vld [tilespmem:s22+$0xFFFFFF20]  }
0x254: {  	v7 =	vld [tilespmem:s22+$0xFFFFFF10]  }
0x255: {  	v8 =	vld [tilespmem:s22+$0xFFFFFF30]  }
0x256: {  	v9 =	vpop (erf)  }
0x257: {  	[tilespmem:s22+$0xFFFFFF50] =	vst v9;
	v10 =	vperm.xlane v9, v1;
	v11 =	vperm.xlane v9, v2  }
0x258: {  	v12 =	vperm.xlane v9, v3;
	v9 =	vperm.xlane v9, v4  }
0x259: {  	v7 =	vmul.f32 v7, v10;
	v6 =	vmul.f32 v6, v11  }
0x25a: {  	v5 =	vmul.f32 v5, v9;
	v8 =	vmul.f32 v8, v12  }
0x25b: {  	[tilespmem:s22+$0xFFFFFF10] =	vst v7  }
0x25c: {  	[tilespmem:s22+$0xFFFFFF30] =	vst v8  }
0x25d: {  	[tilespmem:s22+$0xFFFFFF40] =	vst v5  }
0x25e: {  	[tilespmem:s22+$0xFFFFFF20] =	vst v6;
	v5 =	vld [tilespmem:s22+$0xFFFFFFA0]  }
0x25f: {  	v6 =	vld [tilespmem:s1+$0xFFFFFFE0];
	_ =	sdelay $0x4  }
0x260: {  	v5 =	vadd.f32 v6, v5;
	_ =	sdelay $0x1  }
0x261: {  	v6 =	vmul.f32 $2.000000030e-01, v5  }
0x262: {  	vm0 =	vgt.f32 v5, $0.0e+00  }
0x263: {  	v5 =	vsel vm0, v5, v6  }
0x264: {  	v5 =	vmul.f32 $1.442695020e+00, v5;
	_ =	sdelay $0x1  }
0x265: {  	(erf) = vpow2.f32 v5;
	_ =	sdelay $0x4  }
0x266: {  	v5 =	vld [tilespmem:s22+$0xFFFFFF90]  }
0x267: {  	v6 =	vld [tilespmem:s22+$0xFFFFFF70]  }
0x268: {  	v7 =	vld [tilespmem:s22+$0xFFFFFF60]  }
0x269: {  	v8 =	vld [tilespmem:s22+$0xFFFFFF80]  }
0x26a: {  	v9 =	vpop (erf)  }
0x26b: {  	[tilespmem:s22+$0xFFFFFFA0] =	vst v9;
	v10 =	vperm.xlane v9, v1;
	v11 =	vperm.xlane v9, v2  }
0x26c: {  	v12 =	vperm.xlane v9, v3;
	v9 =	vperm.xlane v9, v4  }
0x26d: {  	v7 =	vmul.f32 v7, v10;
	v6 =	vmul.f32 v6, v11  }
0x26e: {  	v5 =	vmul.f32 v5, v9;
	v8 =	vmul.f32 v8, v12  }
0x26f: {  	[tilespmem:s22+$0xFFFFFF60] =	vst v7  }
0x270: {  	[tilespmem:s22+$0xFFFFFF70] =	vst v6  }
0x271: {  	[tilespmem:s22+$0xFFFFFF90] =	vst v5  }
0x272: {  	[tilespmem:s22+$0xFFFFFF80] =	vst v8;
	v5 =	vld [tilespmem:s22+$0xFFFFFFF0]  }
0x273: {  	v6 =	vld [tilespmem:s1+$0xFFFFFFF0];
	_ =	sdelay $0x4  }
0x274: {  	v5 =	vadd.f32 v6, v5;
	_ =	sdelay $0x1  }
0x275: {  	v6 =	vmul.f32 $2.000000030e-01, v5  }
0x276: {  	vm0 =	vgt.f32 v5, $0.0e+00  }
0x277: {  	v5 =	vsel vm0, v5, v6  }
0x278: {  	v5 =	vmul.f32 $1.442695020e+00, v5;
	_ =	sdelay $0x1  }
0x279: {  	(erf) = vpow2.f32 v5;
	_ =	sdelay $0x4  }
0x27a: {  	v5 =	vld [tilespmem:s22+$0xFFFFFFE0]  }
0x27b: {  	v6 =	vld [tilespmem:s22+$0xFFFFFFC0]  }
0x27c: {  	v7 =	vld [tilespmem:s22+$0xFFFFFFB0]  }
0x27d: {  	v8 =	vld [tilespmem:s22+$0xFFFFFFD0]  }
0x27e: {  	v9 =	vpop (erf)  }
0x27f: {  	[tilespmem:s22+$0xFFFFFFF0] =	vst v9;
	v10 =	vperm.xlane v9, v1;
	v11 =	vperm.xlane v9, v2  }
0x280: {  	v12 =	vperm.xlane v9, v3;
	v9 =	vperm.xlane v9, v4  }
0x281: {  	v7 =	vmul.f32 v7, v10;
	v6 =	vmul.f32 v6, v11  }
0x282: {  	v5 =	vmul.f32 v5, v9;
	v8 =	vmul.f32 v8, v12  }
0x283: {  	[tilespmem:s22+$0xFFFFFFB0] =	vst v7  }
0x284: {  	[tilespmem:s22+$0xFFFFFFD0] =	vst v8  }
0x285: {  	[tilespmem:s22+$0xFFFFFFC0] =	vst v6  }
0x286: {  	[tilespmem:s22+$0xFFFFFFE0] =	vst v5;
	v5 =	vld [tilespmem:s22+$0x40]  }
0x287: {  	v6 =	vld [tilespmem:s1+$0x0];
	_ =	sdelay $0x4  }
0x288: {  	v5 =	vadd.f32 v6, v5;
	_ =	sdelay $0x1  }
0x289: {  	v6 =	vmul.f32 $2.000000030e-01, v5  }
0x28a: {  	vm0 =	vgt.f32 v5, $0.0e+00  }
0x28b: {  	v5 =	vsel vm0, v5, v6  }
0x28c: {  	v5 =	vmul.f32 $1.442695020e+00, v5;
	_ =	sdelay $0x1  }
0x28d: {  	(erf) = vpow2.f32 v5;
	_ =	sdelay $0x4  }
0x28e: {  	v5 =	vld [tilespmem:s22+$0x30]  }
0x28f: {  	v6 =	vld [tilespmem:s22+$0x10]  }
0x290: {  	v7 =	vld [tilespmem:s22+$0x0]  }
0x291: {  	v8 =	vld [tilespmem:s22+$0x20]  }
0x292: {  	v9 =	vpop (erf)  }
0x293: {  	[tilespmem:s22+$0x40] =	vst v9;
	v10 =	vperm.xlane v9, v1;
	v11 =	vperm.xlane v9, v2  }
0x294: {  	v12 =	vperm.xlane v9, v3;
	v9 =	vperm.xlane v9, v4  }
0x295: {  	v7 =	vmul.f32 v7, v10;
	v6 =	vmul.f32 v6, v11  }
0x296: {  	v5 =	vmul.f32 v5, v9;
	v8 =	vmul.f32 v8, v12  }
0x297: {  	[tilespmem:s22+$0x0] =	vst v7  }
0x298: {  	[tilespmem:s22+$0x30] =	vst v5  }
0x299: {  	[tilespmem:s22+$0x10] =	vst v6  }
0x29a: {  	[tilespmem:s22+$0x20] =	vst v8;
	v5 =	vld [tilespmem:s22+$0x90]  }
0x29b: {  	v6 =	vld [tilespmem:s1+$0x10];
	_ =	sdelay $0x4  }
0x29c: {  	v5 =	vadd.f32 v6, v5;
	_ =	sdelay $0x1  }
0x29d: {  	v6 =	vmul.f32 $2.000000030e-01, v5  }
0x29e: {  	vm0 =	vgt.f32 v5, $0.0e+00  }
0x29f: {  	v5 =	vsel vm0, v5, v6  }
0x2a0: {  	v5 =	vmul.f32 $1.442695020e+00, v5;
	_ =	sdelay $0x1  }
0x2a1: {  	(erf) = vpow2.f32 v5;
	_ =	sdelay $0x4  }
0x2a2: {  	v5 =	vld [tilespmem:s22+$0x80]  }
0x2a3: {  	v6 =	vld [tilespmem:s22+$0x60]  }
0x2a4: {  	v7 =	vld [tilespmem:s22+$0x50]  }
0x2a5: {  	v8 =	vld [tilespmem:s22+$0x70]  }
0x2a6: {  	v9 =	vpop (erf)  }
0x2a7: {  	[tilespmem:s22+$0x90] =	vst v9;
	v10 =	vperm.xlane v9, v1;
	v11 =	vperm.xlane v9, v2  }
0x2a8: {  	v12 =	vperm.xlane v9, v3;
	v9 =	vperm.xlane v9, v4  }
0x2a9: {  	v7 =	vmul.f32 v7, v10;
	v6 =	vmul.f32 v6, v11  }
0x2aa: {  	v5 =	vmul.f32 v5, v9;
	v8 =	vmul.f32 v8, v12  }
0x2ab: {  	[tilespmem:s22+$0x50] =	vst v7  }
0x2ac: {  	[tilespmem:s22+$0x70] =	vst v8  }
0x2ad: {  	[tilespmem:s22+$0x60] =	vst v6  }
0x2ae: {  	[tilespmem:s22+$0x80] =	vst v5;
	v5 =	vld [tilespmem:s22+$0xE0]  }
0x2af: {  	v6 =	vld [tilespmem:s1+$0x20];
	_ =	sdelay $0x4  }
0x2b0: {  	v5 =	vadd.f32 v6, v5;
	_ =	sdelay $0x1  }
0x2b1: {  	v6 =	vmul.f32 $2.000000030e-01, v5  }
0x2b2: {  	vm0 =	vgt.f32 v5, $0.0e+00  }
0x2b3: {  	v5 =	vsel vm0, v5, v6  }
0x2b4: {  	v5 =	vmul.f32 $1.442695020e+00, v5;
	_ =	sdelay $0x1  }
0x2b5: {  	(erf) = vpow2.f32 v5;
	_ =	sdelay $0x3  }
.Ltmp7:
0x2b6: {  	(pc) =	sbr.rel @p0 .LBB2_8-.Ltmp7, $4  }
0x2b7: {  	v5 =	vld [tilespmem:s22+$0xC0]  }
0x2b8: {  	v6 =	vld [tilespmem:s22+$0xB0]  }
0x2b9: {  	v8 =	vld [tilespmem:s22+$0xA0]  }
0x2ba: {  	v7 =	vld [tilespmem:s22+$0xD0]  }
0x2bb: {  	v9 =	vpop (erf)  }
0x2bc: {  	v10 =	vperm.xlane v9, v1  }
0x2bd: {  	v11 =	vperm.xlane v9, v3  }
0x2be: {  	v12 =	vperm.xlane v9, v2;
	v8 =	vmul.f32 v8, v10  }
0x2bf: {  	[tilespmem:s18+$0xE0] =	vst v9;
	v9 =	vperm.xlane v9, v4;
	v5 =	vmul.f32 v5, v11  }
0x2c0: {  	v6 =	vmul.f32 v6, v12;
	[tilespmem:s18+$0xA0] =	vst v8  }
0x2c1: {  	v7 =	vmul.f32 v7, v9;
	[tilespmem:s18+$0xC0] =	vst v5  }
0x2c2: {  	[tilespmem:s18+$0xB0] =	vst v6  }
0x2c3: {  	v5 =	vld [tilespmem:s18+$0x130];
	[tilespmem:s18+$0xD0] =	vst v7  }
0x2c4: {  	v6 =	vld [tilespmem:s6+$0x30];
	_ =	sdelay $0x4  }
0x2c5: {  	v5 =	vadd.f32 v6, v5;
	_ =	sdelay $0x1  }
0x2c6: {  	v6 =	vmul.f32 $2.000000030e-01, v5  }
0x2c7: {  	vm0 =	vgt.f32 v5, $0.0e+00  }
0x2c8: {  	v5 =	vsel vm0, v5, v6  }
0x2c9: {  	v5 =	vmul.f32 $1.442695020e+00, v5;
	_ =	sdelay $0x1  }
0x2ca: {  	(erf) = vpow2.f32 v5;
	_ =	sdelay $0x6  }
0x2cb: {  	v5 =	vld [tilespmem:s18+$0xF0]  }
0x2cc: {  	v6 =	vld [tilespmem:s18+$0x110]  }
0x2cd: {  	v7 =	vld [tilespmem:s18+$0x120];
	v59 =	vpop (erf)  }
0x2ce: {  	v60 =	vld [tilespmem:s18+$0x100];
	v61 =	vperm.xlane v59, v1  }
0x2cf: {  	v62 =	vperm.xlane v59, v3  }
0x2d0: {  	v63 =	vperm.xlane v59, v4;
	v5 =	vmul.f32 v5, v61  }
0x2d1: {  	[tilespmem:s18+$0x130] =	vst v59;
	v8 =	vperm.xlane v59, v2;
	v6 =	vmul.f32 v6, v62  }
0x2d2: {  	s0 =	smul.u32 $0x140, s0;
	v7 =	vmul.f32 v7, v63;
	[tilespmem:s18+$0xF0] =	vst v5  }
0x2d3: {  	v5 =	vmul.f32 v60, v8;
	[tilespmem:s18+$0x110] =	vst v6  }
0x2d4: {  	s0 =	sshra.s32 s0, $0x2;
	[tilespmem:s18+$0x120] =	vst v7  }
.Ltmp8:
0x2d5: {  	s0 =	sadd.s32 $0x2710, s0;
	[tilespmem:s18+$0x100] =	vst v5;
	(pc) =	sbr.rel .LBB2_10-.Ltmp8, $4  }
0x2d6: {  	[spmem:s2] =	stream.indirect.scatter.add.f32 [tilespmem:s29], [sflag:$0x5], $0x50, s0, s20, $0xb8;
	[tilespmem:$0x17020] =	vst v63  }
0x2d7: {  	_ =	swait.ge [sflag:s17], $0x1900  }
0x2d8: {  	[sflag:s17] =	ssyncset.done $0x0  }
0x2d9: {  	[sflag:s17] =	ssyncadd.s32 $0xFFFFE700  }
.LBB2_12:
0x2da: {  	_ =	sfence.sel $0x180000  }
0x2db: {  	[bflag:$0x0] =	sbarrier.arrive $0xFFFF  }
0x2dc: {  	_ =	strace $0x90000047  }
0x2dd: {  	s0 =	stileid.u32;
	[bflag:$0x2] =	sbarrier.arrive $0xFFFF  }
0x2de: {  	p0 =	sne.s32 s0, $0x0;
	s0 =	rddreg [dreg:$0x2]  }
0x2df: {  	s0 =	sadd.s32 @!p0 $0x100000, s0  }
0x2e0: {  	[sflag:s0] =	ssyncadd.tile.s32 @!p0 $0x1;
	_ =	shalt  }
.Lfunc_end2:
_tile_overlayer_lowered:
.L_overlay_start_2:
0x2e1: {  	(tag) =	ssettag $0x2  }
0x2e2: {  	s0 =	rddreg [dreg:$0x0];
	s2 =	stileid.u32  }
0x2e3: {  	s1 =	rddreg [dreg:$0x1];
	p0 =	sne.s32 s2, $0x0  }
0x2e4: {  	s3 =	rddreg [dreg:$0x2];
	[bflag:$0x3] =	sbarrier.arrive $0xFFFF;
	s2 =	simm.s32 @!p0 $0x1C05  }
0x2e5: {  	[timem:s3], [sflag:s2] =	dma.local @!p0 [hbm:s0], s1  }
0x2e6: {  	s0 =	simm.s32 @!p0 $0x5  }
0x2e7: {  	_ =	swait.ge @!p0 [sflag:s0], s1  }
0x2e8: {  	s1 =	ssub.s32 @!p0 $0x0, s1;
	[sflag:s0] =	ssyncset.done @!p0 $0x0  }
0x2e9: {  	[sflag:s0] =	ssyncadd.s32 @!p0 s1  }
0x2ea: {  	[bflag:$0x3] =	sbarrier.arrive $0xFFFF  }
0x2eb: {  	_ =	shalt  }

</sc_bundles>
